<compile_context>
chip_gen: v7x
topology: tpu7x:2x2x1
jax: 0.10.2.dev20260603
libtpu: 0.0.44.dev20260713+nightly
codegen_flags: <defaults>
</compile_context>

<pallas_src>
import functools

import jax
import jax.numpy as jnp
from jax import lax
from jax.experimental import pallas as pl
from jax.experimental.pallas import tpu as pltpu
from jax.experimental.pallas import tpu_sc as plsc

_N = 10000
_E = 320000
_G = 128
_TILES = 16
_K = 125
_CH = _E // _TILES // _K
_GC = 32
_NG = _CH // _GC
_RPT = 624
_RREM = _N - _TILES * _RPT



def _sc_agg_body(tab, ei, zeros, out, src_v, dst_v, rows_a, rows_b,
                 agg_sh, sem_a, sem_b, sem_i, sem_sa, sem_sb):
    c = lax.axis_index("c")
    s = lax.axis_index("s")
    r0 = s * _RPT
    tab_c = tab.at[pl.ds(c * _N, _N)]
    pltpu.sync_copy(zeros.at[pl.ds(r0, _RPT)], agg_sh.at[pl.ds(r0, _RPT)])

    @pl.when(s == 0)
    def _():
        pltpu.sync_copy(zeros.at[pl.ds(_TILES * _RPT, _RREM)],
                        agg_sh.at[pl.ds(_TILES * _RPT, _RREM)])

    pltpu.sync_copy(ei.at[0, s, pl.ds(0, _GC)], src_v.at[0])
    pltpu.sync_copy(ei.at[1, s, pl.ds(0, _GC)], dst_v.at[0])
    plsc.subcore_barrier()
    pltpu.async_copy(ei.at[0, s, pl.ds(_GC, _GC)], src_v.at[1], sem_i)
    pltpu.async_copy(ei.at[1, s, pl.ds(_GC, _GC)], dst_v.at[1], sem_i)
    pltpu.async_copy(tab_c.at[src_v.at[0, 0]], rows_a, sem_a)
    pltpu.async_copy(tab_c.at[src_v.at[0, 1]], rows_b, sem_b)

    @pl.loop(0, _CH // 2)
    def _pair(p):
        ch0 = 2 * p
        ch1 = ch0 + 1
        ch2 = ch0 + 2
        ch3 = ch0 + 3
        s0 = (ch0 // _GC) % 2
        s2 = (ch2 // _GC) % 2

        pltpu.make_async_copy(tab_c.at[src_v.at[s0, ch0 % _GC]],
                              rows_a, sem_a).wait()
        pltpu.async_copy(rows_a, agg_sh.at[dst_v.at[s0, ch0 % _GC]],
                         sem_sa, add=True)

        @pl.when(jnp.logical_and(ch2 % _GC == 0, ch2 < _CH))
        def _():
            pltpu.make_async_copy(ei.at[0, s, pl.ds(0, _GC)],
                                  src_v.at[0], sem_i).wait()
            pltpu.make_async_copy(ei.at[1, s, pl.ds(0, _GC)],
                                  dst_v.at[0], sem_i).wait()

        @pl.when(ch2 < _CH)
        def _():
            pltpu.make_async_copy(rows_a,
                                  agg_sh.at[dst_v.at[s0, ch0 % _GC]],
                                  sem_sa).wait()
            pltpu.async_copy(tab_c.at[src_v.at[s2, ch2 % _GC]], rows_a, sem_a)

        pltpu.make_async_copy(tab_c.at[src_v.at[s0, ch1 % _GC]],
                              rows_b, sem_b).wait()
        pltpu.async_copy(rows_b, agg_sh.at[dst_v.at[s0, ch1 % _GC]],
                         sem_sb, add=True)

        @pl.when(ch3 < _CH)
        def _():
            pltpu.make_async_copy(rows_b,
                                  agg_sh.at[dst_v.at[s0, ch1 % _GC]],
                                  sem_sb).wait()
            pltpu.async_copy(tab_c.at[src_v.at[s2, ch3 % _GC]], rows_b, sem_b)

        @pl.when(jnp.logical_and(ch2 % _GC == 0, ch2 + _GC < _CH))
        def _():
            g3 = ch2 // _GC + 1
            pltpu.async_copy(ei.at[0, s, pl.ds(g3 * _GC, _GC)],
                             src_v.at[g3 % 2], sem_i)
            pltpu.async_copy(ei.at[1, s, pl.ds(g3 * _GC, _GC)],
                             dst_v.at[g3 % 2], sem_i)

    pltpu.make_async_copy(
        rows_a, agg_sh.at[dst_v.at[((_CH - 2) // _GC) % 2, (_CH - 2) % _GC]],
        sem_sa).wait()
    pltpu.make_async_copy(
        rows_b, agg_sh.at[dst_v.at[((_CH - 1) // _GC) % 2, (_CH - 1) % _GC]],
        sem_sb).wait()
    plsc.subcore_barrier()

    pltpu.sync_copy(agg_sh.at[pl.ds(r0, _RPT)], out.at[c, pl.ds(r0, _RPT)])

    @pl.when(s == 0)
    def _():
        pltpu.sync_copy(agg_sh.at[pl.ds(_TILES * _RPT, _RREM)],
                        out.at[c, pl.ds(_TILES * _RPT, _RREM)])


@functools.lru_cache(maxsize=None)
def _sc_agg_call():
    mesh = plsc.VectorSubcoreMesh(core_axis_name="c", subcore_axis_name="s")
    return pl.kernel(
        _sc_agg_body,
        out_type=jax.ShapeDtypeStruct((2, _N, 128), jnp.float32),
        mesh=mesh,
        scratch_types=[
            pltpu.VMEM((2, _GC, _K), jnp.int32),
            pltpu.VMEM((2, _GC, _K), jnp.int32),
            pltpu.VMEM((_K, 128), jnp.float32),
            pltpu.VMEM((_K, 128), jnp.float32),
            pltpu.VMEM_SHARED((_N, 128), jnp.float32),
            pltpu.SemaphoreType.DMA,
            pltpu.SemaphoreType.DMA,
            pltpu.SemaphoreType.DMA,
            pltpu.SemaphoreType.DMA,
            pltpu.SemaphoreType.DMA,
        ],
    )



_BR = 1000


def _mlp_blk(u, w1, b1, w2, b2):
    t = jnp.maximum(
        jnp.dot(u, w1[...], preferred_element_type=jnp.float32) + b1[...], 0.0)
    return jnp.dot(t, w2[...], preferred_element_type=jnp.float32) + b2[...]


def _l1_body(x_ref, a_ref, w1, b1, w2, b2, out2):
    o = jnp.maximum(
        _mlp_blk(x_ref[...] + a_ref[0], w1, b1, w2, b2), 0.0)
    out2[0] = o[:, :128]
    out2[1] = o[:, 128:]


def _layer1_one(x, a1, enc, p):
    row = pl.BlockSpec((_BR, 128), lambda i: (i, 0))
    wspec = lambda shp: pl.BlockSpec(shp, lambda i: (0, 0))
    return pl.pallas_call(
        _l1_body,
        grid=(_N // _BR,),
        in_specs=[row,
                  pl.BlockSpec((1, _BR, 128), lambda i, e=enc: (e, i, 0)),
                  wspec((128, 256)), wspec((1, 256)),
                  wspec((256, 256)), wspec((1, 256))],
        out_specs=pl.BlockSpec((2, _BR, 128), lambda i: (0, i, 0)),
        out_shape=jax.ShapeDtypeStruct((2, _N, 128), jnp.float32),
    )(x, a1, p[0], p[1].reshape(1, -1), p[2], p[3].reshape(1, -1))



def _tail_body(batch_ref, h1_ref, a_ref,
               lw1, lb1, lw2, lb2, w1, b1, w2, b2, n_ref, g_ref):
    i = pl.program_id(0)
    u = jnp.concatenate(
        [h1_ref[0] + a_ref[0], h1_ref[1] + a_ref[1]], axis=1)
    h2 = jnp.maximum(_mlp_blk(u, lw1, lb1, lw2, lb2), 0.0)
    nc = jnp.concatenate([h1_ref[0], h1_ref[1], h2], axis=1)
    n_ref[...] = _mlp_blk(nc, w1, b1, w2, b2)

    bm = batch_ref[0]
    gi = lax.broadcasted_iota(jnp.int32, (_G, 1), 0)
    onehot = (gi == bm).astype(jnp.float32)

    @pl.when(i == 0)
    def _():
        g_ref[...] = jnp.zeros_like(g_ref)

    g_ref[...] += jnp.dot(onehot, nc, preferred_element_type=jnp.float32)


def _tail_one(batch3, h1, a2, pl2, p):
    pair = pl.BlockSpec((2, _BR, 128), lambda i: (0, i, 0))
    wspec = lambda shp: pl.BlockSpec(shp, lambda i: (0, 0))
    big = pl.BlockSpec((_BR, 512), lambda i: (i, 0))
    acc = pl.BlockSpec((_G, 512), lambda i: (0, 0))
    return pl.pallas_call(
        _tail_body,
        grid=(_N // _BR,),
        in_specs=[pl.BlockSpec((1, 1, _BR), lambda i: (i, 0, 0)),
                  pair, pair,
                  wspec((256, 256)), wspec((1, 256)),
                  wspec((256, 256)), wspec((1, 256)),
                  wspec((512, 512)), wspec((1, 512)),
                  wspec((512, 512)), wspec((1, 512))],
        out_specs=[big, acc],
        out_shape=[jax.ShapeDtypeStruct((_N, 512), jnp.float32),
                   jax.ShapeDtypeStruct((_G, 512), jnp.float32)],
    )(batch3, h1, a2,
      pl2[0], pl2[1].reshape(1, -1), pl2[2], pl2[3].reshape(1, -1),
      p[0], p[1].reshape(1, -1), p[2], p[3].reshape(1, -1))



def _gheads_body(gf_ref, gs_ref, bw1, bb1, bw2, bb2,
                 fw1, fb1, fw2, fb2, sw1, sb1, sw2, sb2,
                 b_ref, ogf_ref, ogs_ref):
    gcat = jnp.concatenate([gf_ref[...], gs_ref[...]], axis=1)
    b_ref[...] = _mlp_blk(gcat, bw1, bb1, bw2, bb2)
    ogf_ref[...] = _mlp_blk(gf_ref[...], fw1, fb1, fw2, fb2)
    ogs_ref[...] = _mlp_blk(gs_ref[...], sw1, sb1, sw2, sb2)


def _gheads(gf, gs, pb, pf, ps):
    wspec = lambda shp: pl.BlockSpec(shp, lambda i: (0, 0))
    g = pl.BlockSpec((_G, 512), lambda i: (0, 0))
    return pl.pallas_call(
        _gheads_body,
        grid=(1,),
        in_specs=[g, g,
                  wspec((1024, 512)), wspec((1, 512)),
                  wspec((512, 512)), wspec((1, 512)),
                  wspec((512, 512)), wspec((1, 512)),
                  wspec((512, 512)), wspec((1, 512)),
                  wspec((512, 512)), wspec((1, 512)),
                  wspec((512, 512)), wspec((1, 512))],
        out_specs=[g, g, g],
        out_shape=[jax.ShapeDtypeStruct((_G, 512), jnp.float32)] * 3,
    )(gf, gs,
      pb[0], pb[1].reshape(1, -1), pb[2], pb[3].reshape(1, -1),
      pf[0], pf[1].reshape(1, -1), pf[2], pf[3].reshape(1, -1),
      ps[0], ps[1].reshape(1, -1), ps[2], ps[3].reshape(1, -1))



def kernel(x, x_s, params, edge_index, batch):
    ei = edge_index.astype(jnp.int32).reshape(2, _TILES, _CH, _K)
    zeros = jnp.zeros((_N, 128), jnp.float32)
    batch3 = batch.astype(jnp.int32).reshape(_N // 1000, 1, 1000)
    agg = _sc_agg_call()

    a1 = agg(jnp.concatenate([x, x_s], axis=0), ei, zeros)
    h1f = _layer1_one(x, a1, 0, params["ef"][0])
    a2f = agg(h1f.reshape(2 * _N, 128), ei, zeros)
    h1s = _layer1_one(x_s, a1, 1, params["es"][0])
    a2s = agg(h1s.reshape(2 * _N, 128), ei, zeros)
    n_f, g_f_raw = _tail_one(batch3, h1f, a2f, params["ef"][1], params["pfn"])
    n_s, g_s_raw = _tail_one(batch3, h1s, a2s, params["es"][1], params["psn"])
    b, g_f, g_s = _gheads(g_f_raw, g_s_raw,
                          params["pb"], params["pfg"], params["psg"])
    return (b, g_f, g_s, n_f, n_s)

# --- scband reference (transcript-rebuilt; emitter-appended) ---
"""Pipeline reference for scband-good-d-30013231464610 (READ-ONLY COPY).

The authoritative reference and input builder live on the scoring server;
editing this copy changes nothing except your own understanding.
"""

import jax, jax.numpy as jnp
import numpy as np

N = 10000
E = 320000
IN = 128
HID = 256
L = 2
G = 128
EMB = HID * L


def _glorot(key, shape):
    s = (6.0 / (shape[0] + shape[1])) ** 0.5
    return jax.random.uniform(key, shape, minval=-s, maxval=s, dtype=jnp.float32)


def _mlp_params(key, din, dmid, dout):
    k1, k2 = jax.random.split(key)
    return (_glorot(k1, (din, dmid)), jnp.zeros((dmid,), jnp.float32),
            _glorot(k2, (dmid, dout)), jnp.zeros((dout,), jnp.float32))


def setup_inputs(seed: int = 0):
    key = jax.random.key(seed)
    ks = jax.random.split(key, 16)
    x = jax.random.normal(ks[0], (N, IN), dtype=jnp.float32)
    x_s = jax.random.normal(ks[1], (N, IN), dtype=jnp.float32)
    edge_index = jax.random.randint(ks[2], (2, E), 0, N, dtype=jnp.int64)
    batch = jnp.sort(jax.random.randint(ks[3], (N,), 0, G, dtype=jnp.int64))
    params = {
        "ef": [_mlp_params(ks[4], IN, HID, HID), _mlp_params(ks[5], HID, HID, HID)],
        "es": [_mlp_params(ks[6], IN, HID, HID), _mlp_params(ks[7], HID, HID, HID)],
        "pfg": _mlp_params(ks[8], EMB, EMB, EMB),
        "psg": _mlp_params(ks[9], EMB, EMB, EMB),
        "pfn": _mlp_params(ks[10], EMB, EMB, EMB),
        "psn": _mlp_params(ks[11], EMB, EMB, EMB),
        "pb": _mlp_params(ks[12], 2 * EMB, EMB, EMB),
    }
    return {"x": x, "x_s": x_s, "params": params, "edge_index": edge_index, "batch": batch}


def _mlp(h, p):
    w1, b1, w2, b2 = p
    return jnp.maximum(h @ w1 + b1, 0.0) @ w2 + b2


def _gin_encoder(x, edge_index, batch, layers):
    src = edge_index[0]
    dst = edge_index[1]
    xs = []
    h = x
    for p in layers:
        # GINConv with eps=0: nn(x + sum_{j in N(i)} x_j), then outer ReLU from Encoder_GIN
        agg = jnp.zeros_like(h).at[dst].add(h[src])
        h = jax.nn.relu(_mlp(h + agg, p))
        xs.append(h)
    pools = [jax.ops.segment_sum(t, batch, num_segments=G) for t in xs]
    return jnp.concatenate(pools, axis=1), jnp.concatenate(xs, axis=1)


def reference(x, x_s, params, edge_index, batch):
    g_f, n_f = _gin_encoder(x, edge_index, batch, params["ef"])
    g_s, n_s = _gin_encoder(x_s, edge_index, batch, params["es"])
    b = _mlp(jnp.concatenate([g_f, g_s], axis=1), params["pb"])
    g_f = _mlp(g_f, params["pfg"])
    g_s = _mlp(g_s, params["psg"])
    n_f = _mlp(n_f, params["pfn"])
    n_s = _mlp(n_s, params["psn"])
    return (b, g_f, g_s, n_f, n_s)

if __name__ == "__main__":
    import jax
    _d = setup_inputs()
    print(jax.jit(kernel)(*tuple(_d.values())))

</pallas_src>

<mosaic_0001>
#map = affine_map<(d0, d1) -> (0, 0)>
#map1 = affine_map<(d0, d1) -> (0, 0, 0, 0)>
#map2 = affine_map<(d0, d1) -> (0, 0, 0)>
module attributes {stable_mosaic.version = 14 : i64} {
  func.func @_sc_agg_body(%arg0: i32, %arg1: i32, %arg2: memref<20000x128xf32, #tpu.memory_space<hbm>>, %arg3: memref<2x16x160x125xi32, #tpu.memory_space<hbm>>, %arg4: memref<10000x128xf32, #tpu.memory_space<hbm>>, %arg5: memref<2x10000x128xf32, #tpu.memory_space<hbm>>, %arg6: memref<2x32x125xi32, #tpu.memory_space<vmem>>, %arg7: memref<2x32x125xi32, #tpu.memory_space<vmem>>, %arg8: memref<125x128xf32, #tpu.memory_space<vmem>>, %arg9: memref<125x128xf32, #tpu.memory_space<vmem>>, %arg10: memref<10000x128xf32, #tpu.memory_space<vmem_shared>>, %arg11: memref<!tpu.dma_semaphore, #tpu.memory_space<semaphore_mem>>, %arg12: memref<!tpu.dma_semaphore, #tpu.memory_space<semaphore_mem>>, %arg13: memref<!tpu.dma_semaphore, #tpu.memory_space<semaphore_mem>>, %arg14: memref<!tpu.dma_semaphore, #tpu.memory_space<semaphore_mem>>, %arg15: memref<!tpu.dma_semaphore, #tpu.memory_space<semaphore_mem>>) attributes {dimension_semantics = [#tpu.dimension_semantics<core_parallel>, #tpu.dimension_semantics<subcore_parallel>], iteration_bounds = array<i64: 2, 16>, scalar_prefetch = 0 : i64, scratch_operands = 10 : i64, tpu.core_type = #tpu.core_type<sc_vector_subcore>, window_params = [{transform_indices = #map}, {transform_indices = #map1}, {transform_indices = #map}, {transform_indices = #map2}]} {
    %mul3A = arith.constant 624 : i32
    %mul3A_0 = arith.muli %arg1, %mul3A : i32
    %mul3A_1 = arith.constant 10000 : i32
    %mul3A_2 = arith.muli %arg0, %mul3A_1 : i32
    "tpu.region"() ({
      %run_scoped3A_88 = tpu.sem_alloc : memref<!tpu.dma_semaphore, #tpu.memory_space<semaphore_mem>>
      %dma_start3A_89 = arith.constant 0 : i32
      %dma_start3A_90 = tpu.memref_slice %arg10[%mul3A_0, %dma_start3A_89] : memref<10000x128xf32, #tpu.memory_space<vmem_shared>> -> memref<624x128xf32, #tpu.memory_space<vmem_shared>>
      %dma_start3A_91 = arith.constant 0 : i32
      %dma_start3A_92 = tpu.memref_slice %arg4[%mul3A_0, %dma_start3A_91] : memref<10000x128xf32, #tpu.memory_space<hbm>> -> memref<624x128xf32, #tpu.memory_space<hbm>>
      tpu.enqueue_dma source(%dma_start3A_92 : memref<624x128xf32, #tpu.memory_space<hbm>>) target(%dma_start3A_90 : memref<624x128xf32, #tpu.memory_space<vmem_shared>>) target_semaphore(%run_scoped3A_88 : memref<!tpu.dma_semaphore, #tpu.memory_space<semaphore_mem>>)
      %dma_wait3A_93 = arith.constant 0 : i32
      %dma_wait3A_94 = tpu.memref_slice %arg10[%mul3A_0, %dma_wait3A_93] : memref<10000x128xf32, #tpu.memory_space<vmem_shared>> -> memref<624x128xf32, #tpu.memory_space<vmem_shared>>
      %dma_wait3A_95 = arith.constant 0 : i32
      %dma_wait3A_96 = tpu.memref_slice %arg4[%mul3A_0, %dma_wait3A_95] : memref<10000x128xf32, #tpu.memory_space<hbm>> -> memref<624x128xf32, #tpu.memory_space<hbm>>
      tpu.wait_dma2 semaphore(%run_scoped3A_88 : memref<!tpu.dma_semaphore, #tpu.memory_space<semaphore_mem>>) src(%dma_wait3A_96 : memref<624x128xf32, #tpu.memory_space<hbm>>) dst(%dma_wait3A_94 : memref<624x128xf32, #tpu.memory_space<vmem_shared>>)
      tpu.yield
    }) : () -> ()
    %eq3A = arith.constant 0 : i32
    %eq3A_3 = arith.cmpi eq, %arg1, %eq3A : i32
    %convert_element_type3A = arith.extui %eq3A_3 : i1 to i32
    %cond3A = arith.constant 0 : i32
    %cond3A_4 = arith.cmpi ne, %convert_element_type3A, %cond3A : i32
    scf.if %cond3A_4 {
      "tpu.region"() ({
        %run_scoped3A_88 = tpu.sem_alloc : memref<!tpu.dma_semaphore, #tpu.memory_space<semaphore_mem>>
        %dma_start3A_89 = arith.constant 9984 : i32
        %dma_start3A_90 = arith.constant 0 : i32
        %dma_start3A_91 = tpu.memref_slice %arg10[%dma_start3A_89, %dma_start3A_90] : memref<10000x128xf32, #tpu.memory_space<vmem_shared>> -> memref<16x128xf32, #tpu.memory_space<vmem_shared>>
        %dma_start3A_92 = arith.constant 9984 : i32
        %dma_start3A_93 = arith.constant 0 : i32
        %dma_start3A_94 = tpu.memref_slice %arg4[%dma_start3A_92, %dma_start3A_93] : memref<10000x128xf32, #tpu.memory_space<hbm>> -> memref<16x128xf32, #tpu.memory_space<hbm>>
        tpu.enqueue_dma source(%dma_start3A_94 : memref<16x128xf32, #tpu.memory_space<hbm>>) target(%dma_start3A_91 : memref<16x128xf32, #tpu.memory_space<vmem_shared>>) target_semaphore(%run_scoped3A_88 : memref<!tpu.dma_semaphore, #tpu.memory_space<semaphore_mem>>)
        %dma_wait3A_95 = arith.constant 9984 : i32
        %dma_wait3A_96 = arith.constant 0 : i32
        %dma_wait3A_97 = tpu.memref_slice %arg10[%dma_wait3A_95, %dma_wait3A_96] : memref<10000x128xf32, #tpu.memory_space<vmem_shared>> -> memref<16x128xf32, #tpu.memory_space<vmem_shared>>
        %dma_wait3A_98 = arith.constant 9984 : i32
        %dma_wait3A_99 = arith.constant 0 : i32
        %dma_wait3A_100 = tpu.memref_slice %arg4[%dma_wait3A_98, %dma_wait3A_99] : memref<10000x128xf32, #tpu.memory_space<hbm>> -> memref<16x128xf32, #tpu.memory_space<hbm>>
        tpu.wait_dma2 semaphore(%run_scoped3A_88 : memref<!tpu.dma_semaphore, #tpu.memory_space<semaphore_mem>>) src(%dma_wait3A_100 : memref<16x128xf32, #tpu.memory_space<hbm>>) dst(%dma_wait3A_97 : memref<16x128xf32, #tpu.memory_space<vmem_shared>>)
        tpu.yield
      }) : () -> ()
    } else {
    }
    %run_scoped3A = arith.constant 0 : i32
    %run_scoped3A_5 = arith.constant 0 : i32
    "tpu.region"() ({
      %run_scoped3A_88 = tpu.sem_alloc : memref<!tpu.dma_semaphore, #tpu.memory_space<semaphore_mem>>
      %dma_start3A_89 = arith.constant 0 : i32
      %dma_start3A_90 = arith.constant 0 : i32
      %dma_start3A_91 = tpu.memref_slice %arg6[%run_scoped3A_5, %dma_start3A_89, %dma_start3A_90] : memref<2x32x125xi32, #tpu.memory_space<vmem>> -> memref<1x32x125xi32, #tpu.memory_space<vmem>>
      %dma_start3A_92 = tpu.memref_squeeze %dma_start3A_91 : memref<1x32x125xi32, #tpu.memory_space<vmem>> -> memref<32x125xi32, #tpu.memory_space<vmem>>
      %dma_start3A_93 = arith.constant 0 : i32
      %dma_start3A_94 = arith.constant 0 : i32
      %dma_start3A_95 = tpu.memref_slice %arg3[%run_scoped3A, %arg1, %dma_start3A_93, %dma_start3A_94] : memref<2x16x160x125xi32, #tpu.memory_space<hbm>> -> memref<1x1x32x125xi32, #tpu.memory_space<hbm>>
      %dma_start3A_96 = tpu.memref_squeeze %dma_start3A_95 : memref<1x1x32x125xi32, #tpu.memory_space<hbm>> -> memref<32x125xi32, #tpu.memory_space<hbm>>
      %dma_start3A_97 = arith.constant 0 : i32
      %dma_start3A_98 = arith.constant 0 : i32
      %dma_start3A_99 = tpu.memref_slice %arg6[%run_scoped3A_5, %dma_start3A_97, %dma_start3A_98] : memref<2x32x125xi32, #tpu.memory_space<vmem>> -> memref<1x32x125xi32, #tpu.memory_space<vmem>>
      %dma_start3A_100 = tpu.memref_squeeze %dma_start3A_99 : memref<1x32x125xi32, #tpu.memory_space<vmem>> -> memref<32x125xi32, #tpu.memory_space<vmem>>
      %dma_start3A_101 = arith.constant 0 : i32
      %dma_start3A_102 = arith.constant 0 : i32
      %dma_start3A_103 = tpu.memref_slice %arg3[%run_scoped3A, %arg1, %dma_start3A_101, %dma_start3A_102] : memref<2x16x160x125xi32, #tpu.memory_space<hbm>> -> memref<1x1x32x125xi32, #tpu.memory_space<hbm>>
      %dma_start3A_104 = tpu.memref_squeeze %dma_start3A_103 : memref<1x1x32x125xi32, #tpu.memory_space<hbm>> -> memref<32x125xi32, #tpu.memory_space<hbm>>
      tpu.enqueue_dma source(%dma_start3A_104 : memref<32x125xi32, #tpu.memory_space<hbm>>) target(%dma_start3A_100 : memref<32x125xi32, #tpu.memory_space<vmem>>) target_semaphore(%run_scoped3A_88 : memref<!tpu.dma_semaphore, #tpu.memory_space<semaphore_mem>>)
      %dma_wait3A_105 = arith.constant 0 : i32
      %dma_wait3A_106 = arith.constant 0 : i32
      %dma_wait3A_107 = tpu.memref_slice %arg6[%run_scoped3A_5, %dma_wait3A_105, %dma_wait3A_106] : memref<2x32x125xi32, #tpu.memory_space<vmem>> -> memref<1x32x125xi32, #tpu.memory_space<vmem>>
      %dma_wait3A_108 = tpu.memref_squeeze %dma_wait3A_107 : memref<1x32x125xi32, #tpu.memory_space<vmem>> -> memref<32x125xi32, #tpu.memory_space<vmem>>
      %dma_wait3A_109 = arith.constant 0 : i32
      %dma_wait3A_110 = arith.constant 0 : i32
      %dma_wait3A_111 = tpu.memref_slice %arg3[%run_scoped3A, %arg1, %dma_wait3A_109, %dma_wait3A_110] : memref<2x16x160x125xi32, #tpu.memory_space<hbm>> -> memref<1x1x32x125xi32, #tpu.memory_space<hbm>>
      %dma_wait3A_112 = tpu.memref_squeeze %dma_wait3A_111 : memref<1x1x32x125xi32, #tpu.memory_space<hbm>> -> memref<32x125xi32, #tpu.memory_space<hbm>>
      %dma_wait3A_113 = arith.constant 0 : i32
      %dma_wait3A_114 = arith.constant 0 : i32
      %dma_wait3A_115 = tpu.memref_slice %arg6[%run_scoped3A_5, %dma_wait3A_113, %dma_wait3A_114] : memref<2x32x125xi32, #tpu.memory_space<vmem>> -> memref<1x32x125xi32, #tpu.memory_space<vmem>>
      %dma_wait3A_116 = tpu.memref_squeeze %dma_wait3A_115 : memref<1x32x125xi32, #tpu.memory_space<vmem>> -> memref<32x125xi32, #tpu.memory_space<vmem>>
      %dma_wait3A_117 = arith.constant 0 : i32
      %dma_wait3A_118 = arith.constant 0 : i32
      %dma_wait3A_119 = tpu.memref_slice %arg3[%run_scoped3A, %arg1, %dma_wait3A_117, %dma_wait3A_118] : memref<2x16x160x125xi32, #tpu.memory_space<hbm>> -> memref<1x1x32x125xi32, #tpu.memory_space<hbm>>
      %dma_wait3A_120 = tpu.memref_squeeze %dma_wait3A_119 : memref<1x1x32x125xi32, #tpu.memory_space<hbm>> -> memref<32x125xi32, #tpu.memory_space<hbm>>
      tpu.wait_dma2 semaphore(%run_scoped3A_88 : memref<!tpu.dma_semaphore, #tpu.memory_space<semaphore_mem>>) src(%dma_wait3A_120 : memref<32x125xi32, #tpu.memory_space<hbm>>) dst(%dma_wait3A_116 : memref<32x125xi32, #tpu.memory_space<vmem>>)
      tpu.yield
    }) : () -> ()
    %run_scoped3A_6 = arith.constant 1 : i32
    %run_scoped3A_7 = arith.constant 0 : i32
    "tpu.region"() ({
      %run_scoped3A_88 = tpu.sem_alloc : memref<!tpu.dma_semaphore, #tpu.memory_space<semaphore_mem>>
      %dma_start3A_89 = arith.constant 0 : i32
      %dma_start3A_90 = arith.constant 0 : i32
      %dma_start3A_91 = tpu.memref_slice %arg7[%run_scoped3A_7, %dma_start3A_89, %dma_start3A_90] : memref<2x32x125xi32, #tpu.memory_space<vmem>> -> memref<1x32x125xi32, #tpu.memory_space<vmem>>
      %dma_start3A_92 = tpu.memref_squeeze %dma_start3A_91 : memref<1x32x125xi32, #tpu.memory_space<vmem>> -> memref<32x125xi32, #tpu.memory_space<vmem>>
      %dma_start3A_93 = arith.constant 0 : i32
      %dma_start3A_94 = arith.constant 0 : i32
      %dma_start3A_95 = tpu.memref_slice %arg3[%run_scoped3A_6, %arg1, %dma_start3A_93, %dma_start3A_94] : memref<2x16x160x125xi32, #tpu.memory_space<hbm>> -> memref<1x1x32x125xi32, #tpu.memory_space<hbm>>
      %dma_start3A_96 = tpu.memref_squeeze %dma_start3A_95 : memref<1x1x32x125xi32, #tpu.memory_space<hbm>> -> memref<32x125xi32, #tpu.memory_space<hbm>>
      %dma_start3A_97 = arith.constant 0 : i32
      %dma_start3A_98 = arith.constant 0 : i32
      %dma_start3A_99 = tpu.memref_slice %arg7[%run_scoped3A_7, %dma_start3A_97, %dma_start3A_98] : memref<2x32x125xi32, #tpu.memory_space<vmem>> -> memref<1x32x125xi32, #tpu.memory_space<vmem>>
      %dma_start3A_100 = tpu.memref_squeeze %dma_start3A_99 : memref<1x32x125xi32, #tpu.memory_space<vmem>> -> memref<32x125xi32, #tpu.memory_space<vmem>>
      %dma_start3A_101 = arith.constant 0 : i32
      %dma_start3A_102 = arith.constant 0 : i32
      %dma_start3A_103 = tpu.memref_slice %arg3[%run_scoped3A_6, %arg1, %dma_start3A_101, %dma_start3A_102] : memref<2x16x160x125xi32, #tpu.memory_space<hbm>> -> memref<1x1x32x125xi32, #tpu.memory_space<hbm>>
      %dma_start3A_104 = tpu.memref_squeeze %dma_start3A_103 : memref<1x1x32x125xi32, #tpu.memory_space<hbm>> -> memref<32x125xi32, #tpu.memory_space<hbm>>
      tpu.enqueue_dma source(%dma_start3A_104 : memref<32x125xi32, #tpu.memory_space<hbm>>) target(%dma_start3A_100 : memref<32x125xi32, #tpu.memory_space<vmem>>) target_semaphore(%run_scoped3A_88 : memref<!tpu.dma_semaphore, #tpu.memory_space<semaphore_mem>>)
      %dma_wait3A_105 = arith.constant 0 : i32
      %dma_wait3A_106 = arith.constant 0 : i32
      %dma_wait3A_107 = tpu.memref_slice %arg7[%run_scoped3A_7, %dma_wait3A_105, %dma_wait3A_106] : memref<2x32x125xi32, #tpu.memory_space<vmem>> -> memref<1x32x125xi32, #tpu.memory_space<vmem>>
      %dma_wait3A_108 = tpu.memref_squeeze %dma_wait3A_107 : memref<1x32x125xi32, #tpu.memory_space<vmem>> -> memref<32x125xi32, #tpu.memory_space<vmem>>
      %dma_wait3A_109 = arith.constant 0 : i32
      %dma_wait3A_110 = arith.constant 0 : i32
      %dma_wait3A_111 = tpu.memref_slice %arg3[%run_scoped3A_6, %arg1, %dma_wait3A_109, %dma_wait3A_110] : memref<2x16x160x125xi32, #tpu.memory_space<hbm>> -> memref<1x1x32x125xi32, #tpu.memory_space<hbm>>
      %dma_wait3A_112 = tpu.memref_squeeze %dma_wait3A_111 : memref<1x1x32x125xi32, #tpu.memory_space<hbm>> -> memref<32x125xi32, #tpu.memory_space<hbm>>
      %dma_wait3A_113 = arith.constant 0 : i32
      %dma_wait3A_114 = arith.constant 0 : i32
      %dma_wait3A_115 = tpu.memref_slice %arg7[%run_scoped3A_7, %dma_wait3A_113, %dma_wait3A_114] : memref<2x32x125xi32, #tpu.memory_space<vmem>> -> memref<1x32x125xi32, #tpu.memory_space<vmem>>
      %dma_wait3A_116 = tpu.memref_squeeze %dma_wait3A_115 : memref<1x32x125xi32, #tpu.memory_space<vmem>> -> memref<32x125xi32, #tpu.memory_space<vmem>>
      %dma_wait3A_117 = arith.constant 0 : i32
      %dma_wait3A_118 = arith.constant 0 : i32
      %dma_wait3A_119 = tpu.memref_slice %arg3[%run_scoped3A_6, %arg1, %dma_wait3A_117, %dma_wait3A_118] : memref<2x16x160x125xi32, #tpu.memory_space<hbm>> -> memref<1x1x32x125xi32, #tpu.memory_space<hbm>>
      %dma_wait3A_120 = tpu.memref_squeeze %dma_wait3A_119 : memref<1x1x32x125xi32, #tpu.memory_space<hbm>> -> memref<32x125xi32, #tpu.memory_space<hbm>>
      tpu.wait_dma2 semaphore(%run_scoped3A_88 : memref<!tpu.dma_semaphore, #tpu.memory_space<semaphore_mem>>) src(%dma_wait3A_120 : memref<32x125xi32, #tpu.memory_space<hbm>>) dst(%dma_wait3A_116 : memref<32x125xi32, #tpu.memory_space<vmem>>)
      tpu.yield
    }) : () -> ()
    %barrier3A = arith.constant 0 : index
    tpu.barrier barrier_id(%barrier3A)
    %dma_start3A = arith.constant 0 : i32
    %dma_start3A_8 = arith.constant 1 : i32
    %dma_start3A_9 = arith.constant 0 : i32
    %dma_start3A_10 = arith.constant 0 : i32
    %dma_start3A_11 = tpu.memref_slice %arg6[%dma_start3A_8, %dma_start3A_9, %dma_start3A_10] : memref<2x32x125xi32, #tpu.memory_space<vmem>> -> memref<1x32x125xi32, #tpu.memory_space<vmem>>
    %dma_start3A_12 = tpu.memref_squeeze %dma_start3A_11 : memref<1x32x125xi32, #tpu.memory_space<vmem>> -> memref<32x125xi32, #tpu.memory_space<vmem>>
    %dma_start3A_13 = arith.constant 32 : i32
    %dma_start3A_14 = arith.constant 0 : i32
    %dma_start3A_15 = tpu.memref_slice %arg3[%dma_start3A, %arg1, %dma_start3A_13, %dma_start3A_14] : memref<2x16x160x125xi32, #tpu.memory_space<hbm>> -> memref<1x1x32x125xi32, #tpu.memory_space<hbm>>
    %dma_start3A_16 = tpu.memref_squeeze %dma_start3A_15 : memref<1x1x32x125xi32, #tpu.memory_space<hbm>> -> memref<32x125xi32, #tpu.memory_space<hbm>>
    %dma_start3A_17 = arith.constant 0 : i32
    %dma_start3A_18 = arith.constant 0 : i32
    %dma_start3A_19 = tpu.memref_slice %arg6[%dma_start3A_8, %dma_start3A_17, %dma_start3A_18] : memref<2x32x125xi32, #tpu.memory_space<vmem>> -> memref<1x32x125xi32, #tpu.memory_space<vmem>>
    %dma_start3A_20 = tpu.memref_squeeze %dma_start3A_19 : memref<1x32x125xi32, #tpu.memory_space<vmem>> -> memref<32x125xi32, #tpu.memory_space<vmem>>
    %dma_start3A_21 = arith.constant 32 : i32
    %dma_start3A_22 = arith.constant 0 : i32
    %dma_start3A_23 = tpu.memref_slice %arg3[%dma_start3A, %arg1, %dma_start3A_21, %dma_start3A_22] : memref<2x16x160x125xi32, #tpu.memory_space<hbm>> -> memref<1x1x32x125xi32, #tpu.memory_space<hbm>>
    %dma_start3A_24 = tpu.memref_squeeze %dma_start3A_23 : memref<1x1x32x125xi32, #tpu.memory_space<hbm>> -> memref<32x125xi32, #tpu.memory_space<hbm>>
    tpu.enqueue_dma source(%dma_start3A_24 : memref<32x125xi32, #tpu.memory_space<hbm>>) target(%dma_start3A_20 : memref<32x125xi32, #tpu.memory_space<vmem>>) target_semaphore(%arg13 : memref<!tpu.dma_semaphore, #tpu.memory_space<semaphore_mem>>)
    %dma_start3A_25 = arith.constant 1 : i32
    %dma_start3A_26 = arith.constant 1 : i32
    %dma_start3A_27 = arith.constant 0 : i32
    %dma_start3A_28 = arith.constant 0 : i32
    %dma_start3A_29 = tpu.memref_slice %arg7[%dma_start3A_26, %dma_start3A_27, %dma_start3A_28] : memref<2x32x125xi32, #tpu.memory_space<vmem>> -> memref<1x32x125xi32, #tpu.memory_space<vmem>>
    %dma_start3A_30 = tpu.memref_squeeze %dma_start3A_29 : memref<1x32x125xi32, #tpu.memory_space<vmem>> -> memref<32x125xi32, #tpu.memory_space<vmem>>
    %dma_start3A_31 = arith.constant 32 : i32
    %dma_start3A_32 = arith.constant 0 : i32
    %dma_start3A_33 = tpu.memref_slice %arg3[%dma_start3A_25, %arg1, %dma_start3A_31, %dma_start3A_32] : memref<2x16x160x125xi32, #tpu.memory_space<hbm>> -> memref<1x1x32x125xi32, #tpu.memory_space<hbm>>
    %dma_start3A_34 = tpu.memref_squeeze %dma_start3A_33 : memref<1x1x32x125xi32, #tpu.memory_space<hbm>> -> memref<32x125xi32, #tpu.memory_space<hbm>>
    %dma_start3A_35 = arith.constant 0 : i32
    %dma_start3A_36 = arith.constant 0 : i32
    %dma_start3A_37 = tpu.memref_slice %arg7[%dma_start3A_26, %dma_start3A_35, %dma_start3A_36] : memref<2x32x125xi32, #tpu.memory_space<vmem>> -> memref<1x32x125xi32, #tpu.memory_space<vmem>>
    %dma_start3A_38 = tpu.memref_squeeze %dma_start3A_37 : memref<1x32x125xi32, #tpu.memory_space<vmem>> -> memref<32x125xi32, #tpu.memory_space<vmem>>
    %dma_start3A_39 = arith.constant 32 : i32
    %dma_start3A_40 = arith.constant 0 : i32
    %dma_start3A_41 = tpu.memref_slice %arg3[%dma_start3A_25, %arg1, %dma_start3A_39, %dma_start3A_40] : memref<2x16x160x125xi32, #tpu.memory_space<hbm>> -> memref<1x1x32x125xi32, #tpu.memory_space<hbm>>
    %dma_start3A_42 = tpu.memref_squeeze %dma_start3A_41 : memref<1x1x32x125xi32, #tpu.memory_space<hbm>> -> memref<32x125xi32, #tpu.memory_space<hbm>>
    tpu.enqueue_dma source(%dma_start3A_42 : memref<32x125xi32, #tpu.memory_space<hbm>>) target(%dma_start3A_38 : memref<32x125xi32, #tpu.memory_space<vmem>>) target_semaphore(%arg13 : memref<!tpu.dma_semaphore, #tpu.memory_space<semaphore_mem>>)
    %dma_start3A_43 = arith.constant 0 : i32
    %dma_start3A_44 = arith.constant 0 : i32
    %dma_start3A_45 = arith.constant 0 : i32
    %dma_start3A_46 = tpu.memref_slice %arg6[%dma_start3A_43, %dma_start3A_44, %dma_start3A_45] : memref<2x32x125xi32, #tpu.memory_space<vmem>> -> memref<1x1x125xi32, #tpu.memory_space<vmem>>
    %dma_start3A_47 = tpu.memref_squeeze %dma_start3A_46 : memref<1x1x125xi32, #tpu.memory_space<vmem>> -> memref<125xi32, #tpu.memory_space<vmem>>
    %dma_start3A_48 = arith.constant 0 : i32
    %dma_start3A_49 = tpu.memref_slice %arg2[%mul3A_2, %dma_start3A_48] : memref<20000x128xf32, #tpu.memory_space<hbm>> -> memref<10000x128xf32, #tpu.memory_space<hbm>>
    %dma_start3A_50 = arith.constant 0 : i32
    %dma_start3A_51 = arith.constant 0 : i32
    %dma_start3A_52 = tpu.memref_slice %dma_start3A_49[%dma_start3A_50, %dma_start3A_51] : memref<10000x128xf32, #tpu.memory_space<hbm>> -> memref<10000x128xf32, #tpu.memory_space<hbm>>
    tpu.enqueue_indirect_dma source(%dma_start3A_52 : memref<10000x128xf32, #tpu.memory_space<hbm>>) target(%arg8 : memref<125x128xf32, #tpu.memory_space<vmem>>) offsets(%dma_start3A_47 : memref<125xi32, #tpu.memory_space<vmem>>) semaphore(%arg11 : memref<!tpu.dma_semaphore, #tpu.memory_space<semaphore_mem>>)
    %dma_start3A_53 = arith.constant 0 : i32
    %dma_start3A_54 = arith.constant 1 : i32
    %dma_start3A_55 = arith.constant 0 : i32
    %dma_start3A_56 = tpu.memref_slice %arg6[%dma_start3A_53, %dma_start3A_54, %dma_start3A_55] : memref<2x32x125xi32, #tpu.memory_space<vmem>> -> memref<1x1x125xi32, #tpu.memory_space<vmem>>
    %dma_start3A_57 = tpu.memref_squeeze %dma_start3A_56 : memref<1x1x125xi32, #tpu.memory_space<vmem>> -> memref<125xi32, #tpu.memory_space<vmem>>
    %dma_start3A_58 = arith.constant 0 : i32
    %dma_start3A_59 = tpu.memref_slice %arg2[%mul3A_2, %dma_start3A_58] : memref<20000x128xf32, #tpu.memory_space<hbm>> -> memref<10000x128xf32, #tpu.memory_space<hbm>>
    %dma_start3A_60 = arith.constant 0 : i32
    %dma_start3A_61 = arith.constant 0 : i32
    %dma_start3A_62 = tpu.memref_slice %dma_start3A_59[%dma_start3A_60, %dma_start3A_61] : memref<10000x128xf32, #tpu.memory_space<hbm>> -> memref<10000x128xf32, #tpu.memory_space<hbm>>
    tpu.enqueue_indirect_dma source(%dma_start3A_62 : memref<10000x128xf32, #tpu.memory_space<hbm>>) target(%arg9 : memref<125x128xf32, #tpu.memory_space<vmem>>) offsets(%dma_start3A_57 : memref<125xi32, #tpu.memory_space<vmem>>) semaphore(%arg12 : memref<!tpu.dma_semaphore, #tpu.memory_space<semaphore_mem>>)
    %scan3A = arith.constant 0 : i32
    %scan3A_63 = arith.constant 80 : i32
    %scan3A_64 = arith.addi %scan3A, %scan3A_63 : i32
    %scan3A_65 = arith.constant 1 : i32
    scf.for %scan3A_88 = %scan3A to %scan3A_64 step %scan3A_65  : i32 {
      %mul3A_89 = arith.constant 1 : i32
      %mul3A_90 = arith.muli %scan3A_88, %mul3A_89 : i32
      %add3A = arith.constant 0 : i32
      %add3A_91 = arith.addi %add3A, %mul3A_90 : i32
      %mul3A_92 = arith.constant 2 : i32
      %mul3A_93 = arith.muli %mul3A_92, %add3A_91 : i32
      %add3A_94 = arith.constant 1 : i32
      %add3A_95 = arith.addi %mul3A_93, %add3A_94 : i32
      %add3A_96 = arith.constant 2 : i32
      %add3A_97 = arith.addi %mul3A_93, %add3A_96 : i32
      %add3A_98 = arith.constant 3 : i32
      %add3A_99 = arith.addi %mul3A_93, %add3A_98 : i32
      %jit3A = arith.constant 32 : i32
      %div3A = arith.divsi %mul3A_93, %jit3A : i32
      %sign3A = arith.constant 0 : i32
      %sign3A_100 = arith.cmpi sgt, %mul3A_93, %sign3A : i32
      %sign3A_101 = arith.extui %sign3A_100 : i1 to i32
      %sign3A_102 = arith.constant 0 : i32
      %sign3A_103 = arith.cmpi slt, %mul3A_93, %sign3A_102 : i32
      %sign3A_104 = arith.extui %sign3A_103 : i1 to i32
      %sign3A_105 = arith.subi %sign3A_101, %sign3A_104 : i32
      %sign3A_106 = arith.constant 0 : i32
      %sign3A_107 = arith.cmpi sgt, %jit3A, %sign3A_106 : i32
      %sign3A_108 = arith.extui %sign3A_107 : i1 to i32
      %sign3A_109 = arith.constant 0 : i32
      %sign3A_110 = arith.cmpi slt, %jit3A, %sign3A_109 : i32
      %sign3A_111 = arith.extui %sign3A_110 : i1 to i32
      %sign3A_112 = arith.subi %sign3A_108, %sign3A_111 : i32
      %ne3A = arith.cmpi ne, %sign3A_105, %sign3A_112 : i32
      %rem3A = arith.remsi %mul3A_93, %jit3A : i32
      %ne3A_113 = arith.constant 0 : i32
      %ne3A_114 = arith.cmpi ne, %rem3A, %ne3A_113 : i32
      %and3A = arith.andi %ne3A, %ne3A_114 : i1
      %sub3A = arith.constant 1 : i32
      %sub3A_115 = arith.subi %div3A, %sub3A : i32
      %select_n3A = arith.select %and3A, %sub3A_115, %div3A : i32
      %jit3A_116 = arith.constant 2 : i32
      %eq3A_117 = arith.constant 0 : i32
      %eq3A_118 = arith.cmpi eq, %jit3A_116, %eq3A_117 : i32
      %jit3A_119 = arith.constant 1 : i32
      %select_n3A_120 = arith.select %eq3A_118, %jit3A_119, %jit3A_116 : i32
      %rem3A_121 = arith.remsi %select_n3A, %select_n3A_120 : i32
      %ne3A_122 = arith.constant 0 : i32
      %ne3A_123 = arith.cmpi ne, %rem3A_121, %ne3A_122 : i32
      %lt3A = arith.constant 0 : i32
      %lt3A_124 = arith.cmpi slt, %rem3A_121, %lt3A : i32
      %lt3A_125 = arith.constant 0 : i32
      %lt3A_126 = arith.cmpi slt, %select_n3A_120, %lt3A_125 : i32
      %ne3A_127 = arith.xori %lt3A_124, %lt3A_126 : i1
      %and3A_128 = arith.andi %ne3A_127, %ne3A_123 : i1
      %add3A_129 = arith.addi %rem3A_121, %select_n3A_120 : i32
      %select_n3A_130 = arith.select %and3A_128, %add3A_129, %rem3A_121 : i32
      %jit3A_131 = arith.constant 32 : i32
      %div3A_132 = arith.divsi %add3A_97, %jit3A_131 : i32
      %sign3A_133 = arith.constant 0 : i32
      %sign3A_134 = arith.cmpi sgt, %add3A_97, %sign3A_133 : i32
      %sign3A_135 = arith.extui %sign3A_134 : i1 to i32
      %sign3A_136 = arith.constant 0 : i32
      %sign3A_137 = arith.cmpi slt, %add3A_97, %sign3A_136 : i32
      %sign3A_138 = arith.extui %sign3A_137 : i1 to i32
      %sign3A_139 = arith.subi %sign3A_135, %sign3A_138 : i32
      %sign3A_140 = arith.constant 0 : i32
      %sign3A_141 = arith.cmpi sgt, %jit3A_131, %sign3A_140 : i32
      %sign3A_142 = arith.extui %sign3A_141 : i1 to i32
      %sign3A_143 = arith.constant 0 : i32
      %sign3A_144 = arith.cmpi slt, %jit3A_131, %sign3A_143 : i32
      %sign3A_145 = arith.extui %sign3A_144 : i1 to i32
      %sign3A_146 = arith.subi %sign3A_142, %sign3A_145 : i32
      %ne3A_147 = arith.cmpi ne, %sign3A_139, %sign3A_146 : i32
      %rem3A_148 = arith.remsi %add3A_97, %jit3A_131 : i32
      %ne3A_149 = arith.constant 0 : i32
      %ne3A_150 = arith.cmpi ne, %rem3A_148, %ne3A_149 : i32
      %and3A_151 = arith.andi %ne3A_147, %ne3A_150 : i1
      %sub3A_152 = arith.constant 1 : i32
      %sub3A_153 = arith.subi %div3A_132, %sub3A_152 : i32
      %select_n3A_154 = arith.select %and3A_151, %sub3A_153, %div3A_132 : i32
      %jit3A_155 = arith.constant 2 : i32
      %eq3A_156 = arith.constant 0 : i32
      %eq3A_157 = arith.cmpi eq, %jit3A_155, %eq3A_156 : i32
      %jit3A_158 = arith.constant 1 : i32
      %select_n3A_159 = arith.select %eq3A_157, %jit3A_158, %jit3A_155 : i32
      %rem3A_160 = arith.remsi %select_n3A_154, %select_n3A_159 : i32
      %ne3A_161 = arith.constant 0 : i32
      %ne3A_162 = arith.cmpi ne, %rem3A_160, %ne3A_161 : i32
      %lt3A_163 = arith.constant 0 : i32
      %lt3A_164 = arith.cmpi slt, %rem3A_160, %lt3A_163 : i32
      %lt3A_165 = arith.constant 0 : i32
      %lt3A_166 = arith.cmpi slt, %select_n3A_159, %lt3A_165 : i32
      %ne3A_167 = arith.xori %lt3A_164, %lt3A_166 : i1
      %and3A_168 = arith.andi %ne3A_167, %ne3A_162 : i1
      %add3A_169 = arith.addi %rem3A_160, %select_n3A_159 : i32
      %select_n3A_170 = arith.select %and3A_168, %add3A_169, %rem3A_160 : i32
      %jit3A_171 = arith.constant 32 : i32
      %eq3A_172 = arith.constant 0 : i32
      %eq3A_173 = arith.cmpi eq, %jit3A_171, %eq3A_172 : i32
      %jit3A_174 = arith.constant 1 : i32
      %select_n3A_175 = arith.select %eq3A_173, %jit3A_174, %jit3A_171 : i32
      %rem3A_176 = arith.remsi %mul3A_93, %select_n3A_175 : i32
      %ne3A_177 = arith.constant 0 : i32
      %ne3A_178 = arith.cmpi ne, %rem3A_176, %ne3A_177 : i32
      %lt3A_179 = arith.constant 0 : i32
      %lt3A_180 = arith.cmpi slt, %rem3A_176, %lt3A_179 : i32
      %lt3A_181 = arith.constant 0 : i32
      %lt3A_182 = arith.cmpi slt, %select_n3A_175, %lt3A_181 : i32
      %ne3A_183 = arith.xori %lt3A_180, %lt3A_182 : i1
      %and3A_184 = arith.andi %ne3A_183, %ne3A_178 : i1
      %add3A_185 = arith.addi %rem3A_176, %select_n3A_175 : i32
      %select_n3A_186 = arith.select %and3A_184, %add3A_185, %rem3A_176 : i32
      %dma_wait3A_187 = arith.constant 0 : i32
      %dma_wait3A_188 = tpu.memref_slice %arg6[%select_n3A_130, %select_n3A_186, %dma_wait3A_187] : memref<2x32x125xi32, #tpu.memory_space<vmem>> -> memref<1x1x125xi32, #tpu.memory_space<vmem>>
      %dma_wait3A_189 = tpu.memref_squeeze %dma_wait3A_188 : memref<1x1x125xi32, #tpu.memory_space<vmem>> -> memref<125xi32, #tpu.memory_space<vmem>>
      %dma_wait3A_190 = arith.constant 0 : i32
      %dma_wait3A_191 = tpu.memref_slice %arg2[%mul3A_2, %dma_wait3A_190] : memref<20000x128xf32, #tpu.memory_space<hbm>> -> memref<10000x128xf32, #tpu.memory_space<hbm>>
      %dma_wait3A_192 = arith.constant 0 : i32
      %dma_wait3A_193 = arith.constant 0 : i32
      %dma_wait3A_194 = tpu.memref_slice %dma_wait3A_191[%dma_wait3A_192, %dma_wait3A_193] : memref<10000x128xf32, #tpu.memory_space<hbm>> -> memref<10000x128xf32, #tpu.memory_space<hbm>>
      tpu.wait_indirect_dma semaphore(%arg11 : memref<!tpu.dma_semaphore, #tpu.memory_space<semaphore_mem>>) src(%dma_wait3A_194 : memref<10000x128xf32, #tpu.memory_space<hbm>>) dst(%arg8 : memref<125x128xf32, #tpu.memory_space<vmem>>)
      %jit3A_195 = arith.constant 32 : i32
      %eq3A_196 = arith.constant 0 : i32
      %eq3A_197 = arith.cmpi eq, %jit3A_195, %eq3A_196 : i32
      %jit3A_198 = arith.constant 1 : i32
      %select_n3A_199 = arith.select %eq3A_197, %jit3A_198, %jit3A_195 : i32
      %rem3A_200 = arith.remsi %mul3A_93, %select_n3A_199 : i32
      %ne3A_201 = arith.constant 0 : i32
      %ne3A_202 = arith.cmpi ne, %rem3A_200, %ne3A_201 : i32
      %lt3A_203 = arith.constant 0 : i32
      %lt3A_204 = arith.cmpi slt, %rem3A_200, %lt3A_203 : i32
      %lt3A_205 = arith.constant 0 : i32
      %lt3A_206 = arith.cmpi slt, %select_n3A_199, %lt3A_205 : i32
      %ne3A_207 = arith.xori %lt3A_204, %lt3A_206 : i1
      %and3A_208 = arith.andi %ne3A_207, %ne3A_202 : i1
      %add3A_209 = arith.addi %rem3A_200, %select_n3A_199 : i32
      %select_n3A_210 = arith.select %and3A_208, %add3A_209, %rem3A_200 : i32
      %dma_start3A_211 = arith.constant 0 : i32
      %dma_start3A_212 = tpu.memref_slice %arg7[%select_n3A_130, %select_n3A_210, %dma_start3A_211] : memref<2x32x125xi32, #tpu.memory_space<vmem>> -> memref<1x1x125xi32, #tpu.memory_space<vmem>>
      %dma_start3A_213 = tpu.memref_squeeze %dma_start3A_212 : memref<1x1x125xi32, #tpu.memory_space<vmem>> -> memref<125xi32, #tpu.memory_space<vmem>>
      %dma_start3A_214 = arith.constant 0 : i32
      %dma_start3A_215 = arith.constant 0 : i32
      %dma_start3A_216 = tpu.memref_slice %arg10[%dma_start3A_214, %dma_start3A_215] : memref<10000x128xf32, #tpu.memory_space<vmem_shared>> -> memref<10000x128xf32, #tpu.memory_space<vmem_shared>>
      tpu.enqueue_indirect_dma source(%arg8 : memref<125x128xf32, #tpu.memory_space<vmem>>) target(%dma_start3A_216 : memref<10000x128xf32, #tpu.memory_space<vmem_shared>>) offsets(%dma_start3A_213 : memref<125xi32, #tpu.memory_space<vmem>>) semaphore(%arg14 : memref<!tpu.dma_semaphore, #tpu.memory_space<semaphore_mem>>) {add = true}
      %jit3A_217 = arith.constant 32 : i32
      %eq3A_218 = arith.constant 0 : i32
      %eq3A_219 = arith.cmpi eq, %jit3A_217, %eq3A_218 : i32
      %jit3A_220 = arith.constant 1 : i32
      %select_n3A_221 = arith.select %eq3A_219, %jit3A_220, %jit3A_217 : i32
      %rem3A_222 = arith.remsi %add3A_97, %select_n3A_221 : i32
      %ne3A_223 = arith.constant 0 : i32
      %ne3A_224 = arith.cmpi ne, %rem3A_222, %ne3A_223 : i32
      %lt3A_225 = arith.constant 0 : i32
      %lt3A_226 = arith.cmpi slt, %rem3A_222, %lt3A_225 : i32
      %lt3A_227 = arith.constant 0 : i32
      %lt3A_228 = arith.cmpi slt, %select_n3A_221, %lt3A_227 : i32
      %ne3A_229 = arith.xori %lt3A_226, %lt3A_228 : i1
      %and3A_230 = arith.andi %ne3A_229, %ne3A_224 : i1
      %add3A_231 = arith.addi %rem3A_222, %select_n3A_221 : i32
      %select_n3A_232 = arith.select %and3A_230, %add3A_231, %rem3A_222 : i32
      %eq3A_233 = arith.constant 0 : i32
      %eq3A_234 = arith.cmpi eq, %select_n3A_232, %eq3A_233 : i32
      %lt3A_235 = arith.constant 160 : i32
      %lt3A_236 = arith.cmpi slt, %add3A_97, %lt3A_235 : i32
      %and3A_237 = arith.andi %eq3A_234, %lt3A_236 : i1
      %convert_element_type3A_238 = arith.extui %and3A_237 : i1 to i32
      %cond3A_239 = arith.constant 0 : i32
      %cond3A_240 = arith.cmpi ne, %convert_element_type3A_238, %cond3A_239 : i32
      scf.if %cond3A_240 {
        %dma_wait3A_323 = arith.constant 0 : i32
        %dma_wait3A_324 = arith.constant 0 : i32
        %dma_wait3A_325 = arith.constant 0 : i32
        %dma_wait3A_326 = arith.constant 0 : i32
        %dma_wait3A_327 = tpu.memref_slice %arg6[%dma_wait3A_324, %dma_wait3A_325, %dma_wait3A_326] : memref<2x32x125xi32, #tpu.memory_space<vmem>> -> memref<1x32x125xi32, #tpu.memory_space<vmem>>
        %dma_wait3A_328 = tpu.memref_squeeze %dma_wait3A_327 : memref<1x32x125xi32, #tpu.memory_space<vmem>> -> memref<32x125xi32, #tpu.memory_space<vmem>>
        %dma_wait3A_329 = arith.constant 0 : i32
        %dma_wait3A_330 = arith.constant 0 : i32
        %dma_wait3A_331 = tpu.memref_slice %arg3[%dma_wait3A_323, %arg1, %dma_wait3A_329, %dma_wait3A_330] : memref<2x16x160x125xi32, #tpu.memory_space<hbm>> -> memref<1x1x32x125xi32, #tpu.memory_space<hbm>>
        %dma_wait3A_332 = tpu.memref_squeeze %dma_wait3A_331 : memref<1x1x32x125xi32, #tpu.memory_space<hbm>> -> memref<32x125xi32, #tpu.memory_space<hbm>>
        %dma_wait3A_333 = arith.constant 0 : i32
        %dma_wait3A_334 = arith.constant 0 : i32
        %dma_wait3A_335 = tpu.memref_slice %arg6[%dma_wait3A_324, %dma_wait3A_333, %dma_wait3A_334] : memref<2x32x125xi32, #tpu.memory_space<vmem>> -> memref<1x32x125xi32, #tpu.memory_space<vmem>>
        %dma_wait3A_336 = tpu.memref_squeeze %dma_wait3A_335 : memref<1x32x125xi32, #tpu.memory_space<vmem>> -> memref<32x125xi32, #tpu.memory_space<vmem>>
        %dma_wait3A_337 = arith.constant 0 : i32
        %dma_wait3A_338 = arith.constant 0 : i32
        %dma_wait3A_339 = tpu.memref_slice %arg3[%dma_wait3A_323, %arg1, %dma_wait3A_337, %dma_wait3A_338] : memref<2x16x160x125xi32, #tpu.memory_space<hbm>> -> memref<1x1x32x125xi32, #tpu.memory_space<hbm>>
        %dma_wait3A_340 = tpu.memref_squeeze %dma_wait3A_339 : memref<1x1x32x125xi32, #tpu.memory_space<hbm>> -> memref<32x125xi32, #tpu.memory_space<hbm>>
        tpu.wait_dma2 semaphore(%arg13 : memref<!tpu.dma_semaphore, #tpu.memory_space<semaphore_mem>>) src(%dma_wait3A_340 : memref<32x125xi32, #tpu.memory_space<hbm>>) dst(%dma_wait3A_336 : memref<32x125xi32, #tpu.memory_space<vmem>>)
        %dma_wait3A_341 = arith.constant 1 : i32
        %dma_wait3A_342 = arith.constant 0 : i32
        %dma_wait3A_343 = arith.constant 0 : i32
        %dma_wait3A_344 = arith.constant 0 : i32
        %dma_wait3A_345 = tpu.memref_slice %arg7[%dma_wait3A_342, %dma_wait3A_343, %dma_wait3A_344] : memref<2x32x125xi32, #tpu.memory_space<vmem>> -> memref<1x32x125xi32, #tpu.memory_space<vmem>>
        %dma_wait3A_346 = tpu.memref_squeeze %dma_wait3A_345 : memref<1x32x125xi32, #tpu.memory_space<vmem>> -> memref<32x125xi32, #tpu.memory_space<vmem>>
        %dma_wait3A_347 = arith.constant 0 : i32
        %dma_wait3A_348 = arith.constant 0 : i32
        %dma_wait3A_349 = tpu.memref_slice %arg3[%dma_wait3A_341, %arg1, %dma_wait3A_347, %dma_wait3A_348] : memref<2x16x160x125xi32, #tpu.memory_space<hbm>> -> memref<1x1x32x125xi32, #tpu.memory_space<hbm>>
        %dma_wait3A_350 = tpu.memref_squeeze %dma_wait3A_349 : memref<1x1x32x125xi32, #tpu.memory_space<hbm>> -> memref<32x125xi32, #tpu.memory_space<hbm>>
        %dma_wait3A_351 = arith.constant 0 : i32
        %dma_wait3A_352 = arith.constant 0 : i32
        %dma_wait3A_353 = tpu.memref_slice %arg7[%dma_wait3A_342, %dma_wait3A_351, %dma_wait3A_352] : memref<2x32x125xi32, #tpu.memory_space<vmem>> -> memref<1x32x125xi32, #tpu.memory_space<vmem>>
        %dma_wait3A_354 = tpu.memref_squeeze %dma_wait3A_353 : memref<1x32x125xi32, #tpu.memory_space<vmem>> -> memref<32x125xi32, #tpu.memory_space<vmem>>
        %dma_wait3A_355 = arith.constant 0 : i32
        %dma_wait3A_356 = arith.constant 0 : i32
        %dma_wait3A_357 = tpu.memref_slice %arg3[%dma_wait3A_341, %arg1, %dma_wait3A_355, %dma_wait3A_356] : memref<2x16x160x125xi32, #tpu.memory_space<hbm>> -> memref<1x1x32x125xi32, #tpu.memory_space<hbm>>
        %dma_wait3A_358 = tpu.memref_squeeze %dma_wait3A_357 : memref<1x1x32x125xi32, #tpu.memory_space<hbm>> -> memref<32x125xi32, #tpu.memory_space<hbm>>
        tpu.wait_dma2 semaphore(%arg13 : memref<!tpu.dma_semaphore, #tpu.memory_space<semaphore_mem>>) src(%dma_wait3A_358 : memref<32x125xi32, #tpu.memory_space<hbm>>) dst(%dma_wait3A_354 : memref<32x125xi32, #tpu.memory_space<vmem>>)
      } else {
      }
      %lt3A_241 = arith.constant 160 : i32
      %lt3A_242 = arith.cmpi slt, %add3A_97, %lt3A_241 : i32
      %convert_element_type3A_243 = arith.extui %lt3A_242 : i1 to i32
      %cond3A_244 = arith.constant 0 : i32
      %cond3A_245 = arith.cmpi ne, %convert_element_type3A_243, %cond3A_244 : i32
      scf.if %cond3A_245 {
        %jit3A_323 = arith.constant 32 : i32
        %eq3A_324 = arith.constant 0 : i32
        %eq3A_325 = arith.cmpi eq, %jit3A_323, %eq3A_324 : i32
        %jit3A_326 = arith.constant 1 : i32
        %select_n3A_327 = arith.select %eq3A_325, %jit3A_326, %jit3A_323 : i32
        %rem3A_328 = arith.remsi %mul3A_93, %select_n3A_327 : i32
        %ne3A_329 = arith.constant 0 : i32
        %ne3A_330 = arith.cmpi ne, %rem3A_328, %ne3A_329 : i32
        %lt3A_331 = arith.constant 0 : i32
        %lt3A_332 = arith.cmpi slt, %rem3A_328, %lt3A_331 : i32
        %lt3A_333 = arith.constant 0 : i32
        %lt3A_334 = arith.cmpi slt, %select_n3A_327, %lt3A_333 : i32
        %ne3A_335 = arith.xori %lt3A_332, %lt3A_334 : i1
        %and3A_336 = arith.andi %ne3A_335, %ne3A_330 : i1
        %add3A_337 = arith.addi %rem3A_328, %select_n3A_327 : i32
        %select_n3A_338 = arith.select %and3A_336, %add3A_337, %rem3A_328 : i32
        %dma_wait3A_339 = arith.constant 0 : i32
        %dma_wait3A_340 = tpu.memref_slice %arg7[%select_n3A_130, %select_n3A_338, %dma_wait3A_339] : memref<2x32x125xi32, #tpu.memory_space<vmem>> -> memref<1x1x125xi32, #tpu.memory_space<vmem>>
        %dma_wait3A_341 = tpu.memref_squeeze %dma_wait3A_340 : memref<1x1x125xi32, #tpu.memory_space<vmem>> -> memref<125xi32, #tpu.memory_space<vmem>>
        %dma_wait3A_342 = arith.constant 0 : i32
        %dma_wait3A_343 = arith.constant 0 : i32
        %dma_wait3A_344 = tpu.memref_slice %arg10[%dma_wait3A_342, %dma_wait3A_343] : memref<10000x128xf32, #tpu.memory_space<vmem_shared>> -> memref<10000x128xf32, #tpu.memory_space<vmem_shared>>
        tpu.wait_indirect_dma semaphore(%arg14 : memref<!tpu.dma_semaphore, #tpu.memory_space<semaphore_mem>>) src(%arg8 : memref<125x128xf32, #tpu.memory_space<vmem>>) dst(%dma_wait3A_344 : memref<10000x128xf32, #tpu.memory_space<vmem_shared>>)
        %jit3A_345 = arith.constant 32 : i32
        %eq3A_346 = arith.constant 0 : i32
        %eq3A_347 = arith.cmpi eq, %jit3A_345, %eq3A_346 : i32
        %jit3A_348 = arith.constant 1 : i32
        %select_n3A_349 = arith.select %eq3A_347, %jit3A_348, %jit3A_345 : i32
        %rem3A_350 = arith.remsi %add3A_97, %select_n3A_349 : i32
        %ne3A_351 = arith.constant 0 : i32
        %ne3A_352 = arith.cmpi ne, %rem3A_350, %ne3A_351 : i32
        %lt3A_353 = arith.constant 0 : i32
        %lt3A_354 = arith.cmpi slt, %rem3A_350, %lt3A_353 : i32
        %lt3A_355 = arith.constant 0 : i32
        %lt3A_356 = arith.cmpi slt, %select_n3A_349, %lt3A_355 : i32
        %ne3A_357 = arith.xori %lt3A_354, %lt3A_356 : i1
        %and3A_358 = arith.andi %ne3A_357, %ne3A_352 : i1
        %add3A_359 = arith.addi %rem3A_350, %select_n3A_349 : i32
        %select_n3A_360 = arith.select %and3A_358, %add3A_359, %rem3A_350 : i32
        %dma_start3A_361 = arith.constant 0 : i32
        %dma_start3A_362 = tpu.memref_slice %arg6[%select_n3A_170, %select_n3A_360, %dma_start3A_361] : memref<2x32x125xi32, #tpu.memory_space<vmem>> -> memref<1x1x125xi32, #tpu.memory_space<vmem>>
        %dma_start3A_363 = tpu.memref_squeeze %dma_start3A_362 : memref<1x1x125xi32, #tpu.memory_space<vmem>> -> memref<125xi32, #tpu.memory_space<vmem>>
        %dma_start3A_364 = arith.constant 0 : i32
        %dma_start3A_365 = tpu.memref_slice %arg2[%mul3A_2, %dma_start3A_364] : memref<20000x128xf32, #tpu.memory_space<hbm>> -> memref<10000x128xf32, #tpu.memory_space<hbm>>
        %dma_start3A_366 = arith.constant 0 : i32
        %dma_start3A_367 = arith.constant 0 : i32
        %dma_start3A_368 = tpu.memref_slice %dma_start3A_365[%dma_start3A_366, %dma_start3A_367] : memref<10000x128xf32, #tpu.memory_space<hbm>> -> memref<10000x128xf32, #tpu.memory_space<hbm>>
        tpu.enqueue_indirect_dma source(%dma_start3A_368 : memref<10000x128xf32, #tpu.memory_space<hbm>>) target(%arg8 : memref<125x128xf32, #tpu.memory_space<vmem>>) offsets(%dma_start3A_363 : memref<125xi32, #tpu.memory_space<vmem>>) semaphore(%arg11 : memref<!tpu.dma_semaphore, #tpu.memory_space<semaphore_mem>>)
      } else {
      }
      %jit3A_246 = arith.constant 32 : i32
      %eq3A_247 = arith.constant 0 : i32
      %eq3A_248 = arith.cmpi eq, %jit3A_246, %eq3A_247 : i32
      %jit3A_249 = arith.constant 1 : i32
      %select_n3A_250 = arith.select %eq3A_248, %jit3A_249, %jit3A_246 : i32
      %rem3A_251 = arith.remsi %add3A_95, %select_n3A_250 : i32
      %ne3A_252 = arith.constant 0 : i32
      %ne3A_253 = arith.cmpi ne, %rem3A_251, %ne3A_252 : i32
      %lt3A_254 = arith.constant 0 : i32
      %lt3A_255 = arith.cmpi slt, %rem3A_251, %lt3A_254 : i32
      %lt3A_256 = arith.constant 0 : i32
      %lt3A_257 = arith.cmpi slt, %select_n3A_250, %lt3A_256 : i32
      %ne3A_258 = arith.xori %lt3A_255, %lt3A_257 : i1
      %and3A_259 = arith.andi %ne3A_258, %ne3A_253 : i1
      %add3A_260 = arith.addi %rem3A_251, %select_n3A_250 : i32
      %select_n3A_261 = arith.select %and3A_259, %add3A_260, %rem3A_251 : i32
      %dma_wait3A_262 = arith.constant 0 : i32
      %dma_wait3A_263 = tpu.memref_slice %arg6[%select_n3A_130, %select_n3A_261, %dma_wait3A_262] : memref<2x32x125xi32, #tpu.memory_space<vmem>> -> memref<1x1x125xi32, #tpu.memory_space<vmem>>
      %dma_wait3A_264 = tpu.memref_squeeze %dma_wait3A_263 : memref<1x1x125xi32, #tpu.memory_space<vmem>> -> memref<125xi32, #tpu.memory_space<vmem>>
      %dma_wait3A_265 = arith.constant 0 : i32
      %dma_wait3A_266 = tpu.memref_slice %arg2[%mul3A_2, %dma_wait3A_265] : memref<20000x128xf32, #tpu.memory_space<hbm>> -> memref<10000x128xf32, #tpu.memory_space<hbm>>
      %dma_wait3A_267 = arith.constant 0 : i32
      %dma_wait3A_268 = arith.constant 0 : i32
      %dma_wait3A_269 = tpu.memref_slice %dma_wait3A_266[%dma_wait3A_267, %dma_wait3A_268] : memref<10000x128xf32, #tpu.memory_space<hbm>> -> memref<10000x128xf32, #tpu.memory_space<hbm>>
      tpu.wait_indirect_dma semaphore(%arg12 : memref<!tpu.dma_semaphore, #tpu.memory_space<semaphore_mem>>) src(%dma_wait3A_269 : memref<10000x128xf32, #tpu.memory_space<hbm>>) dst(%arg9 : memref<125x128xf32, #tpu.memory_space<vmem>>)
      %jit3A_270 = arith.constant 32 : i32
      %eq3A_271 = arith.constant 0 : i32
      %eq3A_272 = arith.cmpi eq, %jit3A_270, %eq3A_271 : i32
      %jit3A_273 = arith.constant 1 : i32
      %select_n3A_274 = arith.select %eq3A_272, %jit3A_273, %jit3A_270 : i32
      %rem3A_275 = arith.remsi %add3A_95, %select_n3A_274 : i32
      %ne3A_276 = arith.constant 0 : i32
      %ne3A_277 = arith.cmpi ne, %rem3A_275, %ne3A_276 : i32
      %lt3A_278 = arith.constant 0 : i32
      %lt3A_279 = arith.cmpi slt, %rem3A_275, %lt3A_278 : i32
      %lt3A_280 = arith.constant 0 : i32
      %lt3A_281 = arith.cmpi slt, %select_n3A_274, %lt3A_280 : i32
      %ne3A_282 = arith.xori %lt3A_279, %lt3A_281 : i1
      %and3A_283 = arith.andi %ne3A_282, %ne3A_277 : i1
      %add3A_284 = arith.addi %rem3A_275, %select_n3A_274 : i32
      %select_n3A_285 = arith.select %and3A_283, %add3A_284, %rem3A_275 : i32
      %dma_start3A_286 = arith.constant 0 : i32
      %dma_start3A_287 = tpu.memref_slice %arg7[%select_n3A_130, %select_n3A_285, %dma_start3A_286] : memref<2x32x125xi32, #tpu.memory_space<vmem>> -> memref<1x1x125xi32, #tpu.memory_space<vmem>>
      %dma_start3A_288 = tpu.memref_squeeze %dma_start3A_287 : memref<1x1x125xi32, #tpu.memory_space<vmem>> -> memref<125xi32, #tpu.memory_space<vmem>>
      %dma_start3A_289 = arith.constant 0 : i32
      %dma_start3A_290 = arith.constant 0 : i32
      %dma_start3A_291 = tpu.memref_slice %arg10[%dma_start3A_289, %dma_start3A_290] : memref<10000x128xf32, #tpu.memory_space<vmem_shared>> -> memref<10000x128xf32, #tpu.memory_space<vmem_shared>>
      tpu.enqueue_indirect_dma source(%arg9 : memref<125x128xf32, #tpu.memory_space<vmem>>) target(%dma_start3A_291 : memref<10000x128xf32, #tpu.memory_space<vmem_shared>>) offsets(%dma_start3A_288 : memref<125xi32, #tpu.memory_space<vmem>>) semaphore(%arg15 : memref<!tpu.dma_semaphore, #tpu.memory_space<semaphore_mem>>) {add = true}
      %lt3A_292 = arith.constant 160 : i32
      %lt3A_293 = arith.cmpi slt, %add3A_99, %lt3A_292 : i32
      %convert_element_type3A_294 = arith.extui %lt3A_293 : i1 to i32
      %cond3A_295 = arith.constant 0 : i32
      %cond3A_296 = arith.cmpi ne, %convert_element_type3A_294, %cond3A_295 : i32
      scf.if %cond3A_296 {
        %jit3A_323 = arith.constant 32 : i32
        %eq3A_324 = arith.constant 0 : i32
        %eq3A_325 = arith.cmpi eq, %jit3A_323, %eq3A_324 : i32
        %jit3A_326 = arith.constant 1 : i32
        %select_n3A_327 = arith.select %eq3A_325, %jit3A_326, %jit3A_323 : i32
        %rem3A_328 = arith.remsi %add3A_95, %select_n3A_327 : i32
        %ne3A_329 = arith.constant 0 : i32
        %ne3A_330 = arith.cmpi ne, %rem3A_328, %ne3A_329 : i32
        %lt3A_331 = arith.constant 0 : i32
        %lt3A_332 = arith.cmpi slt, %rem3A_328, %lt3A_331 : i32
        %lt3A_333 = arith.constant 0 : i32
        %lt3A_334 = arith.cmpi slt, %select_n3A_327, %lt3A_333 : i32
        %ne3A_335 = arith.xori %lt3A_332, %lt3A_334 : i1
        %and3A_336 = arith.andi %ne3A_335, %ne3A_330 : i1
        %add3A_337 = arith.addi %rem3A_328, %select_n3A_327 : i32
        %select_n3A_338 = arith.select %and3A_336, %add3A_337, %rem3A_328 : i32
        %dma_wait3A_339 = arith.constant 0 : i32
        %dma_wait3A_340 = tpu.memref_slice %arg7[%select_n3A_130, %select_n3A_338, %dma_wait3A_339] : memref<2x32x125xi32, #tpu.memory_space<vmem>> -> memref<1x1x125xi32, #tpu.memory_space<vmem>>
        %dma_wait3A_341 = tpu.memref_squeeze %dma_wait3A_340 : memref<1x1x125xi32, #tpu.memory_space<vmem>> -> memref<125xi32, #tpu.memory_space<vmem>>
        %dma_wait3A_342 = arith.constant 0 : i32
        %dma_wait3A_343 = arith.constant 0 : i32
        %dma_wait3A_344 = tpu.memref_slice %arg10[%dma_wait3A_342, %dma_wait3A_343] : memref<10000x128xf32, #tpu.memory_space<vmem_shared>> -> memref<10000x128xf32, #tpu.memory_space<vmem_shared>>
        tpu.wait_indirect_dma semaphore(%arg15 : memref<!tpu.dma_semaphore, #tpu.memory_space<semaphore_mem>>) src(%arg9 : memref<125x128xf32, #tpu.memory_space<vmem>>) dst(%dma_wait3A_344 : memref<10000x128xf32, #tpu.memory_space<vmem_shared>>)
        %jit3A_345 = arith.constant 32 : i32
        %eq3A_346 = arith.constant 0 : i32
        %eq3A_347 = arith.cmpi eq, %jit3A_345, %eq3A_346 : i32
        %jit3A_348 = arith.constant 1 : i32
        %select_n3A_349 = arith.select %eq3A_347, %jit3A_348, %jit3A_345 : i32
        %rem3A_350 = arith.remsi %add3A_99, %select_n3A_349 : i32
        %ne3A_351 = arith.constant 0 : i32
        %ne3A_352 = arith.cmpi ne, %rem3A_350, %ne3A_351 : i32
        %lt3A_353 = arith.constant 0 : i32
        %lt3A_354 = arith.cmpi slt, %rem3A_350, %lt3A_353 : i32
        %lt3A_355 = arith.constant 0 : i32
        %lt3A_356 = arith.cmpi slt, %select_n3A_349, %lt3A_355 : i32
        %ne3A_357 = arith.xori %lt3A_354, %lt3A_356 : i1
        %and3A_358 = arith.andi %ne3A_357, %ne3A_352 : i1
        %add3A_359 = arith.addi %rem3A_350, %select_n3A_349 : i32
        %select_n3A_360 = arith.select %and3A_358, %add3A_359, %rem3A_350 : i32
        %dma_start3A_361 = arith.constant 0 : i32
        %dma_start3A_362 = tpu.memref_slice %arg6[%select_n3A_170, %select_n3A_360, %dma_start3A_361] : memref<2x32x125xi32, #tpu.memory_space<vmem>> -> memref<1x1x125xi32, #tpu.memory_space<vmem>>
        %dma_start3A_363 = tpu.memref_squeeze %dma_start3A_362 : memref<1x1x125xi32, #tpu.memory_space<vmem>> -> memref<125xi32, #tpu.memory_space<vmem>>
        %dma_start3A_364 = arith.constant 0 : i32
        %dma_start3A_365 = tpu.memref_slice %arg2[%mul3A_2, %dma_start3A_364] : memref<20000x128xf32, #tpu.memory_space<hbm>> -> memref<10000x128xf32, #tpu.memory_space<hbm>>
        %dma_start3A_366 = arith.constant 0 : i32
        %dma_start3A_367 = arith.constant 0 : i32
        %dma_start3A_368 = tpu.memref_slice %dma_start3A_365[%dma_start3A_366, %dma_start3A_367] : memref<10000x128xf32, #tpu.memory_space<hbm>> -> memref<10000x128xf32, #tpu.memory_space<hbm>>
        tpu.enqueue_indirect_dma source(%dma_start3A_368 : memref<10000x128xf32, #tpu.memory_space<hbm>>) target(%arg9 : memref<125x128xf32, #tpu.memory_space<vmem>>) offsets(%dma_start3A_363 : memref<125xi32, #tpu.memory_space<vmem>>) semaphore(%arg12 : memref<!tpu.dma_semaphore, #tpu.memory_space<semaphore_mem>>)
      } else {
      }
      %jit3A_297 = arith.constant 32 : i32
      %eq3A_298 = arith.constant 0 : i32
      %eq3A_299 = arith.cmpi eq, %jit3A_297, %eq3A_298 : i32
      %jit3A_300 = arith.constant 1 : i32
      %select_n3A_301 = arith.select %eq3A_299, %jit3A_300, %jit3A_297 : i32
      %rem3A_302 = arith.remsi %add3A_97, %select_n3A_301 : i32
      %ne3A_303 = arith.constant 0 : i32
      %ne3A_304 = arith.cmpi ne, %rem3A_302, %ne3A_303 : i32
      %lt3A_305 = arith.constant 0 : i32
      %lt3A_306 = arith.cmpi slt, %rem3A_302, %lt3A_305 : i32
      %lt3A_307 = arith.constant 0 : i32
      %lt3A_308 = arith.cmpi slt, %select_n3A_301, %lt3A_307 : i32
      %ne3A_309 = arith.xori %lt3A_306, %lt3A_308 : i1
      %and3A_310 = arith.andi %ne3A_309, %ne3A_304 : i1
      %add3A_311 = arith.addi %rem3A_302, %select_n3A_301 : i32
      %select_n3A_312 = arith.select %and3A_310, %add3A_311, %rem3A_302 : i32
      %eq3A_313 = arith.constant 0 : i32
      %eq3A_314 = arith.cmpi eq, %select_n3A_312, %eq3A_313 : i32
      %add3A_315 = arith.constant 32 : i32
      %add3A_316 = arith.addi %add3A_97, %add3A_315 : i32
      %lt3A_317 = arith.constant 160 : i32
      %lt3A_318 = arith.cmpi slt, %add3A_316, %lt3A_317 : i32
      %and3A_319 = arith.andi %eq3A_314, %lt3A_318 : i1
      %convert_element_type3A_320 = arith.extui %and3A_319 : i1 to i32
      %cond3A_321 = arith.constant 0 : i32
      %cond3A_322 = arith.cmpi ne, %convert_element_type3A_320, %cond3A_321 : i32
      scf.if %cond3A_322 {
        %jit3A_323 = arith.constant 32 : i32
        %div3A_324 = arith.divsi %add3A_97, %jit3A_323 : i32
        %sign3A_325 = arith.constant 0 : i32
        %sign3A_326 = arith.cmpi sgt, %add3A_97, %sign3A_325 : i32
        %sign3A_327 = arith.extui %sign3A_326 : i1 to i32
        %sign3A_328 = arith.constant 0 : i32
        %sign3A_329 = arith.cmpi slt, %add3A_97, %sign3A_328 : i32
        %sign3A_330 = arith.extui %sign3A_329 : i1 to i32
        %sign3A_331 = arith.subi %sign3A_327, %sign3A_330 : i32
        %sign3A_332 = arith.constant 0 : i32
        %sign3A_333 = arith.cmpi sgt, %jit3A_323, %sign3A_332 : i32
        %sign3A_334 = arith.extui %sign3A_333 : i1 to i32
        %sign3A_335 = arith.constant 0 : i32
        %sign3A_336 = arith.cmpi slt, %jit3A_323, %sign3A_335 : i32
        %sign3A_337 = arith.extui %sign3A_336 : i1 to i32
        %sign3A_338 = arith.subi %sign3A_334, %sign3A_337 : i32
        %ne3A_339 = arith.cmpi ne, %sign3A_331, %sign3A_338 : i32
        %rem3A_340 = arith.remsi %add3A_97, %jit3A_323 : i32
        %ne3A_341 = arith.constant 0 : i32
        %ne3A_342 = arith.cmpi ne, %rem3A_340, %ne3A_341 : i32
        %and3A_343 = arith.andi %ne3A_339, %ne3A_342 : i1
        %sub3A_344 = arith.constant 1 : i32
        %sub3A_345 = arith.subi %div3A_324, %sub3A_344 : i32
        %select_n3A_346 = arith.select %and3A_343, %sub3A_345, %div3A_324 : i32
        %add3A_347 = arith.constant 1 : i32
        %add3A_348 = arith.addi %select_n3A_346, %add3A_347 : i32
        %mul3A_349 = arith.constant 32 : i32
        %mul3A_350 = arith.muli %add3A_348, %mul3A_349 : i32
        %jit3A_351 = arith.constant 2 : i32
        %eq3A_352 = arith.constant 0 : i32
        %eq3A_353 = arith.cmpi eq, %jit3A_351, %eq3A_352 : i32
        %jit3A_354 = arith.constant 1 : i32
        %select_n3A_355 = arith.select %eq3A_353, %jit3A_354, %jit3A_351 : i32
        %rem3A_356 = arith.remsi %add3A_348, %select_n3A_355 : i32
        %ne3A_357 = arith.constant 0 : i32
        %ne3A_358 = arith.cmpi ne, %rem3A_356, %ne3A_357 : i32
        %lt3A_359 = arith.constant 0 : i32
        %lt3A_360 = arith.cmpi slt, %rem3A_356, %lt3A_359 : i32
        %lt3A_361 = arith.constant 0 : i32
        %lt3A_362 = arith.cmpi slt, %select_n3A_355, %lt3A_361 : i32
        %ne3A_363 = arith.xori %lt3A_360, %lt3A_362 : i1
        %and3A_364 = arith.andi %ne3A_363, %ne3A_358 : i1
        %add3A_365 = arith.addi %rem3A_356, %select_n3A_355 : i32
        %select_n3A_366 = arith.select %and3A_364, %add3A_365, %rem3A_356 : i32
        %dma_start3A_367 = arith.constant 0 : i32
        %dma_start3A_368 = arith.constant 0 : i32
        %dma_start3A_369 = arith.constant 0 : i32
        %dma_start3A_370 = tpu.memref_slice %arg6[%select_n3A_366, %dma_start3A_368, %dma_start3A_369] : memref<2x32x125xi32, #tpu.memory_space<vmem>> -> memref<1x32x125xi32, #tpu.memory_space<vmem>>
        %dma_start3A_371 = tpu.memref_squeeze %dma_start3A_370 : memref<1x32x125xi32, #tpu.memory_space<vmem>> -> memref<32x125xi32, #tpu.memory_space<vmem>>
        %dma_start3A_372 = arith.constant 0 : i32
        %dma_start3A_373 = tpu.memref_slice %arg3[%dma_start3A_367, %arg1, %mul3A_350, %dma_start3A_372] : memref<2x16x160x125xi32, #tpu.memory_space<hbm>> -> memref<1x1x32x125xi32, #tpu.memory_space<hbm>>
        %dma_start3A_374 = tpu.memref_squeeze %dma_start3A_373 : memref<1x1x32x125xi32, #tpu.memory_space<hbm>> -> memref<32x125xi32, #tpu.memory_space<hbm>>
        %dma_start3A_375 = arith.constant 0 : i32
        %dma_start3A_376 = arith.constant 0 : i32
        %dma_start3A_377 = tpu.memref_slice %arg6[%select_n3A_366, %dma_start3A_375, %dma_start3A_376] : memref<2x32x125xi32, #tpu.memory_space<vmem>> -> memref<1x32x125xi32, #tpu.memory_space<vmem>>
        %dma_start3A_378 = tpu.memref_squeeze %dma_start3A_377 : memref<1x32x125xi32, #tpu.memory_space<vmem>> -> memref<32x125xi32, #tpu.memory_space<vmem>>
        %dma_start3A_379 = arith.constant 0 : i32
        %dma_start3A_380 = tpu.memref_slice %arg3[%dma_start3A_367, %arg1, %mul3A_350, %dma_start3A_379] : memref<2x16x160x125xi32, #tpu.memory_space<hbm>> -> memref<1x1x32x125xi32, #tpu.memory_space<hbm>>
        %dma_start3A_381 = tpu.memref_squeeze %dma_start3A_380 : memref<1x1x32x125xi32, #tpu.memory_space<hbm>> -> memref<32x125xi32, #tpu.memory_space<hbm>>
        tpu.enqueue_dma source(%dma_start3A_381 : memref<32x125xi32, #tpu.memory_space<hbm>>) target(%dma_start3A_378 : memref<32x125xi32, #tpu.memory_space<vmem>>) target_semaphore(%arg13 : memref<!tpu.dma_semaphore, #tpu.memory_space<semaphore_mem>>)
        %mul3A_382 = arith.constant 32 : i32
        %mul3A_383 = arith.muli %add3A_348, %mul3A_382 : i32
        %jit3A_384 = arith.constant 2 : i32
        %eq3A_385 = arith.constant 0 : i32
        %eq3A_386 = arith.cmpi eq, %jit3A_384, %eq3A_385 : i32
        %jit3A_387 = arith.constant 1 : i32
        %select_n3A_388 = arith.select %eq3A_386, %jit3A_387, %jit3A_384 : i32
        %rem3A_389 = arith.remsi %add3A_348, %select_n3A_388 : i32
        %ne3A_390 = arith.constant 0 : i32
        %ne3A_391 = arith.cmpi ne, %rem3A_389, %ne3A_390 : i32
        %lt3A_392 = arith.constant 0 : i32
        %lt3A_393 = arith.cmpi slt, %rem3A_389, %lt3A_392 : i32
        %lt3A_394 = arith.constant 0 : i32
        %lt3A_395 = arith.cmpi slt, %select_n3A_388, %lt3A_394 : i32
        %ne3A_396 = arith.xori %lt3A_393, %lt3A_395 : i1
        %and3A_397 = arith.andi %ne3A_396, %ne3A_391 : i1
        %add3A_398 = arith.addi %rem3A_389, %select_n3A_388 : i32
        %select_n3A_399 = arith.select %and3A_397, %add3A_398, %rem3A_389 : i32
        %dma_start3A_400 = arith.constant 1 : i32
        %dma_start3A_401 = arith.constant 0 : i32
        %dma_start3A_402 = arith.constant 0 : i32
        %dma_start3A_403 = tpu.memref_slice %arg7[%select_n3A_399, %dma_start3A_401, %dma_start3A_402] : memref<2x32x125xi32, #tpu.memory_space<vmem>> -> memref<1x32x125xi32, #tpu.memory_space<vmem>>
        %dma_start3A_404 = tpu.memref_squeeze %dma_start3A_403 : memref<1x32x125xi32, #tpu.memory_space<vmem>> -> memref<32x125xi32, #tpu.memory_space<vmem>>
        %dma_start3A_405 = arith.constant 0 : i32
        %dma_start3A_406 = tpu.memref_slice %arg3[%dma_start3A_400, %arg1, %mul3A_383, %dma_start3A_405] : memref<2x16x160x125xi32, #tpu.memory_space<hbm>> -> memref<1x1x32x125xi32, #tpu.memory_space<hbm>>
        %dma_start3A_407 = tpu.memref_squeeze %dma_start3A_406 : memref<1x1x32x125xi32, #tpu.memory_space<hbm>> -> memref<32x125xi32, #tpu.memory_space<hbm>>
        %dma_start3A_408 = arith.constant 0 : i32
        %dma_start3A_409 = arith.constant 0 : i32
        %dma_start3A_410 = tpu.memref_slice %arg7[%select_n3A_399, %dma_start3A_408, %dma_start3A_409] : memref<2x32x125xi32, #tpu.memory_space<vmem>> -> memref<1x32x125xi32, #tpu.memory_space<vmem>>
        %dma_start3A_411 = tpu.memref_squeeze %dma_start3A_410 : memref<1x32x125xi32, #tpu.memory_space<vmem>> -> memref<32x125xi32, #tpu.memory_space<vmem>>
        %dma_start3A_412 = arith.constant 0 : i32
        %dma_start3A_413 = tpu.memref_slice %arg3[%dma_start3A_400, %arg1, %mul3A_383, %dma_start3A_412] : memref<2x16x160x125xi32, #tpu.memory_space<hbm>> -> memref<1x1x32x125xi32, #tpu.memory_space<hbm>>
        %dma_start3A_414 = tpu.memref_squeeze %dma_start3A_413 : memref<1x1x32x125xi32, #tpu.memory_space<hbm>> -> memref<32x125xi32, #tpu.memory_space<hbm>>
        tpu.enqueue_dma source(%dma_start3A_414 : memref<32x125xi32, #tpu.memory_space<hbm>>) target(%dma_start3A_411 : memref<32x125xi32, #tpu.memory_space<vmem>>) target_semaphore(%arg13 : memref<!tpu.dma_semaphore, #tpu.memory_space<semaphore_mem>>)
      } else {
      }
    }
    %scan3A_66 = arith.constant 80 : i32
    %dma_wait3A = arith.constant 0 : i32
    %dma_wait3A_67 = arith.constant 30 : i32
    %dma_wait3A_68 = arith.constant 0 : i32
    %dma_wait3A_69 = tpu.memref_slice %arg7[%dma_wait3A, %dma_wait3A_67, %dma_wait3A_68] : memref<2x32x125xi32, #tpu.memory_space<vmem>> -> memref<1x1x125xi32, #tpu.memory_space<vmem>>
    %dma_wait3A_70 = tpu.memref_squeeze %dma_wait3A_69 : memref<1x1x125xi32, #tpu.memory_space<vmem>> -> memref<125xi32, #tpu.memory_space<vmem>>
    %dma_wait3A_71 = arith.constant 0 : i32
    %dma_wait3A_72 = arith.constant 0 : i32
    %dma_wait3A_73 = tpu.memref_slice %arg10[%dma_wait3A_71, %dma_wait3A_72] : memref<10000x128xf32, #tpu.memory_space<vmem_shared>> -> memref<10000x128xf32, #tpu.memory_space<vmem_shared>>
    tpu.wait_indirect_dma semaphore(%arg14 : memref<!tpu.dma_semaphore, #tpu.memory_space<semaphore_mem>>) src(%arg8 : memref<125x128xf32, #tpu.memory_space<vmem>>) dst(%dma_wait3A_73 : memref<10000x128xf32, #tpu.memory_space<vmem_shared>>)
    %dma_wait3A_74 = arith.constant 0 : i32
    %dma_wait3A_75 = arith.constant 31 : i32
    %dma_wait3A_76 = arith.constant 0 : i32
    %dma_wait3A_77 = tpu.memref_slice %arg7[%dma_wait3A_74, %dma_wait3A_75, %dma_wait3A_76] : memref<2x32x125xi32, #tpu.memory_space<vmem>> -> memref<1x1x125xi32, #tpu.memory_space<vmem>>
    %dma_wait3A_78 = tpu.memref_squeeze %dma_wait3A_77 : memref<1x1x125xi32, #tpu.memory_space<vmem>> -> memref<125xi32, #tpu.memory_space<vmem>>
    %dma_wait3A_79 = arith.constant 0 : i32
    %dma_wait3A_80 = arith.constant 0 : i32
    %dma_wait3A_81 = tpu.memref_slice %arg10[%dma_wait3A_79, %dma_wait3A_80] : memref<10000x128xf32, #tpu.memory_space<vmem_shared>> -> memref<10000x128xf32, #tpu.memory_space<vmem_shared>>
    tpu.wait_indirect_dma semaphore(%arg15 : memref<!tpu.dma_semaphore, #tpu.memory_space<semaphore_mem>>) src(%arg9 : memref<125x128xf32, #tpu.memory_space<vmem>>) dst(%dma_wait3A_81 : memref<10000x128xf32, #tpu.memory_space<vmem_shared>>)
    %barrier3A_82 = arith.constant 0 : index
    tpu.barrier barrier_id(%barrier3A_82)
    "tpu.region"() ({
      %run_scoped3A_88 = tpu.sem_alloc : memref<!tpu.dma_semaphore, #tpu.memory_space<semaphore_mem>>
      %dma_start3A_89 = arith.constant 0 : i32
      %dma_start3A_90 = tpu.memref_slice %arg5[%arg0, %mul3A_0, %dma_start3A_89] : memref<2x10000x128xf32, #tpu.memory_space<hbm>> -> memref<1x624x128xf32, #tpu.memory_space<hbm>>
      %dma_start3A_91 = tpu.memref_squeeze %dma_start3A_90 : memref<1x624x128xf32, #tpu.memory_space<hbm>> -> memref<624x128xf32, #tpu.memory_space<hbm>>
      %dma_start3A_92 = arith.constant 0 : i32
      %dma_start3A_93 = tpu.memref_slice %arg10[%mul3A_0, %dma_start3A_92] : memref<10000x128xf32, #tpu.memory_space<vmem_shared>> -> memref<624x128xf32, #tpu.memory_space<vmem_shared>>
      tpu.enqueue_dma source(%dma_start3A_93 : memref<624x128xf32, #tpu.memory_space<vmem_shared>>) target(%dma_start3A_91 : memref<624x128xf32, #tpu.memory_space<hbm>>) target_semaphore(%run_scoped3A_88 : memref<!tpu.dma_semaphore, #tpu.memory_space<semaphore_mem>>)
      %dma_wait3A_94 = arith.constant 0 : i32
      %dma_wait3A_95 = tpu.memref_slice %arg5[%arg0, %mul3A_0, %dma_wait3A_94] : memref<2x10000x128xf32, #tpu.memory_space<hbm>> -> memref<1x624x128xf32, #tpu.memory_space<hbm>>
      %dma_wait3A_96 = tpu.memref_squeeze %dma_wait3A_95 : memref<1x624x128xf32, #tpu.memory_space<hbm>> -> memref<624x128xf32, #tpu.memory_space<hbm>>
      %dma_wait3A_97 = arith.constant 0 : i32
      %dma_wait3A_98 = tpu.memref_slice %arg10[%mul3A_0, %dma_wait3A_97] : memref<10000x128xf32, #tpu.memory_space<vmem_shared>> -> memref<624x128xf32, #tpu.memory_space<vmem_shared>>
      tpu.wait_dma2 semaphore(%run_scoped3A_88 : memref<!tpu.dma_semaphore, #tpu.memory_space<semaphore_mem>>) src(%dma_wait3A_98 : memref<624x128xf32, #tpu.memory_space<vmem_shared>>) dst(%dma_wait3A_96 : memref<624x128xf32, #tpu.memory_space<hbm>>)
      tpu.yield
    }) : () -> ()
    %eq3A_83 = arith.constant 0 : i32
    %eq3A_84 = arith.cmpi eq, %arg1, %eq3A_83 : i32
    %convert_element_type3A_85 = arith.extui %eq3A_84 : i1 to i32
    %cond3A_86 = arith.constant 0 : i32
    %cond3A_87 = arith.cmpi ne, %convert_element_type3A_85, %cond3A_86 : i32
    scf.if %cond3A_87 {
      "tpu.region"() ({
        %run_scoped3A_88 = tpu.sem_alloc : memref<!tpu.dma_semaphore, #tpu.memory_space<semaphore_mem>>
        %dma_start3A_89 = arith.constant 9984 : i32
        %dma_start3A_90 = arith.constant 0 : i32
        %dma_start3A_91 = tpu.memref_slice %arg5[%arg0, %dma_start3A_89, %dma_start3A_90] : memref<2x10000x128xf32, #tpu.memory_space<hbm>> -> memref<1x16x128xf32, #tpu.memory_space<hbm>>
        %dma_start3A_92 = tpu.memref_squeeze %dma_start3A_91 : memref<1x16x128xf32, #tpu.memory_space<hbm>> -> memref<16x128xf32, #tpu.memory_space<hbm>>
        %dma_start3A_93 = arith.constant 9984 : i32
        %dma_start3A_94 = arith.constant 0 : i32
        %dma_start3A_95 = tpu.memref_slice %arg10[%dma_start3A_93, %dma_start3A_94] : memref<10000x128xf32, #tpu.memory_space<vmem_shared>> -> memref<16x128xf32, #tpu.memory_space<vmem_shared>>
        tpu.enqueue_dma source(%dma_start3A_95 : memref<16x128xf32, #tpu.memory_space<vmem_shared>>) target(%dma_start3A_92 : memref<16x128xf32, #tpu.memory_space<hbm>>) target_semaphore(%run_scoped3A_88 : memref<!tpu.dma_semaphore, #tpu.memory_space<semaphore_mem>>)
        %dma_wait3A_96 = arith.constant 9984 : i32
        %dma_wait3A_97 = arith.constant 0 : i32
        %dma_wait3A_98 = tpu.memref_slice %arg5[%arg0, %dma_wait3A_96, %dma_wait3A_97] : memref<2x10000x128xf32, #tpu.memory_space<hbm>> -> memref<1x16x128xf32, #tpu.memory_space<hbm>>
        %dma_wait3A_99 = tpu.memref_squeeze %dma_wait3A_98 : memref<1x16x128xf32, #tpu.memory_space<hbm>> -> memref<16x128xf32, #tpu.memory_space<hbm>>
        %dma_wait3A_100 = arith.constant 9984 : i32
        %dma_wait3A_101 = arith.constant 0 : i32
        %dma_wait3A_102 = tpu.memref_slice %arg10[%dma_wait3A_100, %dma_wait3A_101] : memref<10000x128xf32, #tpu.memory_space<vmem_shared>> -> memref<16x128xf32, #tpu.memory_space<vmem_shared>>
        tpu.wait_dma2 semaphore(%run_scoped3A_88 : memref<!tpu.dma_semaphore, #tpu.memory_space<semaphore_mem>>) src(%dma_wait3A_102 : memref<16x128xf32, #tpu.memory_space<vmem_shared>>) dst(%dma_wait3A_99 : memref<16x128xf32, #tpu.memory_space<hbm>>)
        tpu.yield
      }) : () -> ()
    } else {
    }
    return
  }
}

#map = affine_map<(d0, d1) -> (0, 0)>
#map1 = affine_map<(d0, d1) -> (0, 0, 0, 0)>
#map2 = affine_map<(d0, d1) -> (0, 0, 0)>
module attributes {stable_mosaic.version = 14 : i64} {
  func.func @_sc_agg_body(%arg0: i32, %arg1: i32, %arg2: memref<20000x128xf32, #tpu.memory_space<hbm>>, %arg3: memref<2x16x160x125xi32, #tpu.memory_space<hbm>>, %arg4: memref<10000x128xf32, #tpu.memory_space<hbm>>, %arg5: memref<2x10000x128xf32, #tpu.memory_space<hbm>>, %arg6: memref<2x32x125xi32, #tpu.memory_space<vmem>>, %arg7: memref<2x32x125xi32, #tpu.memory_space<vmem>>, %arg8: memref<125x128xf32, #tpu.memory_space<vmem>>, %arg9: memref<125x128xf32, #tpu.memory_space<vmem>>, %arg10: memref<10000x128xf32, #tpu.memory_space<vmem_shared>>, %arg11: memref<!tpu.dma_semaphore, #tpu.memory_space<semaphore_mem>>, %arg12: memref<!tpu.dma_semaphore, #tpu.memory_space<semaphore_mem>>, %arg13: memref<!tpu.dma_semaphore, #tpu.memory_space<semaphore_mem>>, %arg14: memref<!tpu.dma_semaphore, #tpu.memory_space<semaphore_mem>>, %arg15: memref<!tpu.dma_semaphore, #tpu.memory_space<semaphore_mem>>) attributes {dimension_semantics = [#tpu.dimension_semantics<core_parallel>, #tpu.dimension_semantics<subcore_parallel>], iteration_bounds = array<i64: 2, 16>, scalar_prefetch = 0 : i64, scratch_operands = 10 : i64, tpu.core_type = #tpu.core_type<sc_vector_subcore>, window_params = [{transform_indices = #map}, {transform_indices = #map1}, {transform_indices = #map}, {transform_indices = #map2}]} {
    %mul3A = arith.constant 624 : i32
    %mul3A_0 = arith.muli %arg1, %mul3A : i32
    %mul3A_1 = arith.constant 10000 : i32
    %mul3A_2 = arith.muli %arg0, %mul3A_1 : i32
    "tpu.region"() ({
      %run_scoped3A_88 = tpu.sem_alloc : memref<!tpu.dma_semaphore, #tpu.memory_space<semaphore_mem>>
      %dma_start3A_89 = arith.constant 0 : i32
      %dma_start3A_90 = tpu.memref_slice %arg10[%mul3A_0, %dma_start3A_89] : memref<10000x128xf32, #tpu.memory_space<vmem_shared>> -> memref<624x128xf32, #tpu.memory_space<vmem_shared>>
      %dma_start3A_91 = arith.constant 0 : i32
      %dma_start3A_92 = tpu.memref_slice %arg4[%mul3A_0, %dma_start3A_91] : memref<10000x128xf32, #tpu.memory_space<hbm>> -> memref<624x128xf32, #tpu.memory_space<hbm>>
      tpu.enqueue_dma source(%dma_start3A_92 : memref<624x128xf32, #tpu.memory_space<hbm>>) target(%dma_start3A_90 : memref<624x128xf32, #tpu.memory_space<vmem_shared>>) target_semaphore(%run_scoped3A_88 : memref<!tpu.dma_semaphore, #tpu.memory_space<semaphore_mem>>)
      %dma_wait3A_93 = arith.constant 0 : i32
      %dma_wait3A_94 = tpu.memref_slice %arg10[%mul3A_0, %dma_wait3A_93] : memref<10000x128xf32, #tpu.memory_space<vmem_shared>> -> memref<624x128xf32, #tpu.memory_space<vmem_shared>>
      %dma_wait3A_95 = arith.constant 0 : i32
      %dma_wait3A_96 = tpu.memref_slice %arg4[%mul3A_0, %dma_wait3A_95] : memref<10000x128xf32, #tpu.memory_space<hbm>> -> memref<624x128xf32, #tpu.memory_space<hbm>>
      tpu.wait_dma2 semaphore(%run_scoped3A_88 : memref<!tpu.dma_semaphore, #tpu.memory_space<semaphore_mem>>) src(%dma_wait3A_96 : memref<624x128xf32, #tpu.memory_space<hbm>>) dst(%dma_wait3A_94 : memref<624x128xf32, #tpu.memory_space<vmem_shared>>)
      tpu.yield
    }) : () -> ()
    %eq3A = arith.constant 0 : i32
    %eq3A_3 = arith.cmpi eq, %arg1, %eq3A : i32
    %convert_element_type3A = arith.extui %eq3A_3 : i1 to i32
    %cond3A = arith.constant 0 : i32
    %cond3A_4 = arith.cmpi ne, %convert_element_type3A, %cond3A : i32
    scf.if %cond3A_4 {
      "tpu.region"() ({
        %run_scoped3A_88 = tpu.sem_alloc : memref<!tpu.dma_semaphore, #tpu.memory_space<semaphore_mem>>
        %dma_start3A_89 = arith.constant 9984 : i32
        %dma_start3A_90 = arith.constant 0 : i32
        %dma_start3A_91 = tpu.memref_slice %arg10[%dma_start3A_89, %dma_start3A_90] : memref<10000x128xf32, #tpu.memory_space<vmem_shared>> -> memref<16x128xf32, #tpu.memory_space<vmem_shared>>
        %dma_start3A_92 = arith.constant 9984 : i32
        %dma_start3A_93 = arith.constant 0 : i32
        %dma_start3A_94 = tpu.memref_slice %arg4[%dma_start3A_92, %dma_start3A_93] : memref<10000x128xf32, #tpu.memory_space<hbm>> -> memref<16x128xf32, #tpu.memory_space<hbm>>
        tpu.enqueue_dma source(%dma_start3A_94 : memref<16x128xf32, #tpu.memory_space<hbm>>) target(%dma_start3A_91 : memref<16x128xf32, #tpu.memory_space<vmem_shared>>) target_semaphore(%run_scoped3A_88 : memref<!tpu.dma_semaphore, #tpu.memory_space<semaphore_mem>>)
        %dma_wait3A_95 = arith.constant 9984 : i32
        %dma_wait3A_96 = arith.constant 0 : i32
        %dma_wait3A_97 = tpu.memref_slice %arg10[%dma_wait3A_95, %dma_wait3A_96] : memref<10000x128xf32, #tpu.memory_space<vmem_shared>> -> memref<16x128xf32, #tpu.memory_space<vmem_shared>>
        %dma_wait3A_98 = arith.constant 9984 : i32
        %dma_wait3A_99 = arith.constant 0 : i32
        %dma_wait3A_100 = tpu.memref_slice %arg4[%dma_wait3A_98, %dma_wait3A_99] : memref<10000x128xf32, #tpu.memory_space<hbm>> -> memref<16x128xf32, #tpu.memory_space<hbm>>
        tpu.wait_dma2 semaphore(%run_scoped3A_88 : memref<!tpu.dma_semaphore, #tpu.memory_space<semaphore_mem>>) src(%dma_wait3A_100 : memref<16x128xf32, #tpu.memory_space<hbm>>) dst(%dma_wait3A_97 : memref<16x128xf32, #tpu.memory_space<vmem_shared>>)
        tpu.yield
      }) : () -> ()
    } else {
    }
    %run_scoped3A = arith.constant 0 : i32
    %run_scoped3A_5 = arith.constant 0 : i32
    "tpu.region"() ({
      %run_scoped3A_88 = tpu.sem_alloc : memref<!tpu.dma_semaphore, #tpu.memory_space<semaphore_mem>>
      %dma_start3A_89 = arith.constant 0 : i32
      %dma_start3A_90 = arith.constant 0 : i32
      %dma_start3A_91 = tpu.memref_slice %arg6[%run_scoped3A_5, %dma_start3A_89, %dma_start3A_90] : memref<2x32x125xi32, #tpu.memory_space<vmem>> -> memref<1x32x125xi32, #tpu.memory_space<vmem>>
      %dma_start3A_92 = tpu.memref_squeeze %dma_start3A_91 : memref<1x32x125xi32, #tpu.memory_space<vmem>> -> memref<32x125xi32, #tpu.memory_space<vmem>>
      %dma_start3A_93 = arith.constant 0 : i32
      %dma_start3A_94 = arith.constant 0 : i32
      %dma_start3A_95 = tpu.memref_slice %arg3[%run_scoped3A, %arg1, %dma_start3A_93, %dma_start3A_94] : memref<2x16x160x125xi32, #tpu.memory_space<hbm>> -> memref<1x1x32x125xi32, #tpu.memory_space<hbm>>
      %dma_start3A_96 = tpu.memref_squeeze %dma_start3A_95 : memref<1x1x32x125xi32, #tpu.memory_space<hbm>> -> memref<32x125xi32, #tpu.memory_space<hbm>>
      %dma_start3A_97 = arith.constant 0 : i32
      %dma_start3A_98 = arith.constant 0 : i32
      %dma_start3A_99 = tpu.memref_slice %arg6[%run_scoped3A_5, %dma_start3A_97, %dma_start3A_98] : memref<2x32x125xi32, #tpu.memory_space<vmem>> -> memref<1x32x125xi32, #tpu.memory_space<vmem>>
      %dma_start3A_100 = tpu.memref_squeeze %dma_start3A_99 : memref<1x32x125xi32, #tpu.memory_space<vmem>> -> memref<32x125xi32, #tpu.memory_space<vmem>>
      %dma_start3A_101 = arith.constant 0 : i32
      %dma_start3A_102 = arith.constant 0 : i32
      %dma_start3A_103 = tpu.memref_slice %arg3[%run_scoped3A, %arg1, %dma_start3A_101, %dma_start3A_102] : memref<2x16x160x125xi32, #tpu.memory_space<hbm>> -> memref<1x1x32x125xi32, #tpu.memory_space<hbm>>
      %dma_start3A_104 = tpu.memref_squeeze %dma_start3A_103 : memref<1x1x32x125xi32, #tpu.memory_space<hbm>> -> memref<32x125xi32, #tpu.memory_space<hbm>>
      tpu.enqueue_dma source(%dma_start3A_104 : memref<32x125xi32, #tpu.memory_space<hbm>>) target(%dma_start3A_100 : memref<32x125xi32, #tpu.memory_space<vmem>>) target_semaphore(%run_scoped3A_88 : memref<!tpu.dma_semaphore, #tpu.memory_space<semaphore_mem>>)
      %dma_wait3A_105 = arith.constant 0 : i32
      %dma_wait3A_106 = arith.constant 0 : i32
      %dma_wait3A_107 = tpu.memref_slice %arg6[%run_scoped3A_5, %dma_wait3A_105, %dma_wait3A_106] : memref<2x32x125xi32, #tpu.memory_space<vmem>> -> memref<1x32x125xi32, #tpu.memory_space<vmem>>
      %dma_wait3A_108 = tpu.memref_squeeze %dma_wait3A_107 : memref<1x32x125xi32, #tpu.memory_space<vmem>> -> memref<32x125xi32, #tpu.memory_space<vmem>>
      %dma_wait3A_109 = arith.constant 0 : i32
      %dma_wait3A_110 = arith.constant 0 : i32
      %dma_wait3A_111 = tpu.memref_slice %arg3[%run_scoped3A, %arg1, %dma_wait3A_109, %dma_wait3A_110] : memref<2x16x160x125xi32, #tpu.memory_space<hbm>> -> memref<1x1x32x125xi32, #tpu.memory_space<hbm>>
      %dma_wait3A_112 = tpu.memref_squeeze %dma_wait3A_111 : memref<1x1x32x125xi32, #tpu.memory_space<hbm>> -> memref<32x125xi32, #tpu.memory_space<hbm>>
      %dma_wait3A_113 = arith.constant 0 : i32
      %dma_wait3A_114 = arith.constant 0 : i32
      %dma_wait3A_115 = tpu.memref_slice %arg6[%run_scoped3A_5, %dma_wait3A_113, %dma_wait3A_114] : memref<2x32x125xi32, #tpu.memory_space<vmem>> -> memref<1x32x125xi32, #tpu.memory_space<vmem>>
      %dma_wait3A_116 = tpu.memref_squeeze %dma_wait3A_115 : memref<1x32x125xi32, #tpu.memory_space<vmem>> -> memref<32x125xi32, #tpu.memory_space<vmem>>
      %dma_wait3A_117 = arith.constant 0 : i32
      %dma_wait3A_118 = arith.constant 0 : i32
      %dma_wait3A_119 = tpu.memref_slice %arg3[%run_scoped3A, %arg1, %dma_wait3A_117, %dma_wait3A_118] : memref<2x16x160x125xi32, #tpu.memory_space<hbm>> -> memref<1x1x32x125xi32, #tpu.memory_space<hbm>>
      %dma_wait3A_120 = tpu.memref_squeeze %dma_wait3A_119 : memref<1x1x32x125xi32, #tpu.memory_space<hbm>> -> memref<32x125xi32, #tpu.memory_space<hbm>>
      tpu.wait_dma2 semaphore(%run_scoped3A_88 : memref<!tpu.dma_semaphore, #tpu.memory_space<semaphore_mem>>) src(%dma_wait3A_120 : memref<32x125xi32, #tpu.memory_space<hbm>>) dst(%dma_wait3A_116 : memref<32x125xi32, #tpu.memory_space<vmem>>)
      tpu.yield
    }) : () -> ()
    %run_scoped3A_6 = arith.constant 1 : i32
    %run_scoped3A_7 = arith.constant 0 : i32
    "tpu.region"() ({
      %run_scoped3A_88 = tpu.sem_alloc : memref<!tpu.dma_semaphore, #tpu.memory_space<semaphore_mem>>
      %dma_start3A_89 = arith.constant 0 : i32
      %dma_start3A_90 = arith.constant 0 : i32
      %dma_start3A_91 = tpu.memref_slice %arg7[%run_scoped3A_7, %dma_start3A_89, %dma_start3A_90] : memref<2x32x125xi32, #tpu.memory_space<vmem>> -> memref<1x32x125xi32, #tpu.memory_space<vmem>>
      %dma_start3A_92 = tpu.memref_squeeze %dma_start3A_91 : memref<1x32x125xi32, #tpu.memory_space<vmem>> -> memref<32x125xi32, #tpu.memory_space<vmem>>
      %dma_start3A_93 = arith.constant 0 : i32
      %dma_start3A_94 = arith.constant 0 : i32
      %dma_start3A_95 = tpu.memref_slice %arg3[%run_scoped3A_6, %arg1, %dma_start3A_93, %dma_start3A_94] : memref<2x16x160x125xi32, #tpu.memory_space<hbm>> -> memref<1x1x32x125xi32, #tpu.memory_space<hbm>>
      %dma_start3A_96 = tpu.memref_squeeze %dma_start3A_95 : memref<1x1x32x125xi32, #tpu.memory_space<hbm>> -> memref<32x125xi32, #tpu.memory_space<hbm>>
      %dma_start3A_97 = arith.constant 0 : i32
      %dma_start3A_98 = arith.constant 0 : i32
      %dma_start3A_99 = tpu.memref_slice %arg7[%run_scoped3A_7, %dma_start3A_97, %dma_start3A_98] : memref<2x32x125xi32, #tpu.memory_space<vmem>> -> memref<1x32x125xi32, #tpu.memory_space<vmem>>
      %dma_start3A_100 = tpu.memref_squeeze %dma_start3A_99 : memref<1x32x125xi32, #tpu.memory_space<vmem>> -> memref<32x125xi32, #tpu.memory_space<vmem>>
      %dma_start3A_101 = arith.constant 0 : i32
      %dma_start3A_102 = arith.constant 0 : i32
      %dma_start3A_103 = tpu.memref_slice %arg3[%run_scoped3A_6, %arg1, %dma_start3A_101, %dma_start3A_102] : memref<2x16x160x125xi32, #tpu.memory_space<hbm>> -> memref<1x1x32x125xi32, #tpu.memory_space<hbm>>
      %dma_start3A_104 = tpu.memref_squeeze %dma_start3A_103 : memref<1x1x32x125xi32, #tpu.memory_space<hbm>> -> memref<32x125xi32, #tpu.memory_space<hbm>>
      tpu.enqueue_dma source(%dma_start3A_104 : memref<32x125xi32, #tpu.memory_space<hbm>>) target(%dma_start3A_100 : memref<32x125xi32, #tpu.memory_space<vmem>>) target_semaphore(%run_scoped3A_88 : memref<!tpu.dma_semaphore, #tpu.memory_space<semaphore_mem>>)
      %dma_wait3A_105 = arith.constant 0 : i32
      %dma_wait3A_106 = arith.constant 0 : i32
      %dma_wait3A_107 = tpu.memref_slice %arg7[%run_scoped3A_7, %dma_wait3A_105, %dma_wait3A_106] : memref<2x32x125xi32, #tpu.memory_space<vmem>> -> memref<1x32x125xi32, #tpu.memory_space<vmem>>
      %dma_wait3A_108 = tpu.memref_squeeze %dma_wait3A_107 : memref<1x32x125xi32, #tpu.memory_space<vmem>> -> memref<32x125xi32, #tpu.memory_space<vmem>>
      %dma_wait3A_109 = arith.constant 0 : i32
      %dma_wait3A_110 = arith.constant 0 : i32
      %dma_wait3A_111 = tpu.memref_slice %arg3[%run_scoped3A_6, %arg1, %dma_wait3A_109, %dma_wait3A_110] : memref<2x16x160x125xi32, #tpu.memory_space<hbm>> -> memref<1x1x32x125xi32, #tpu.memory_space<hbm>>
      %dma_wait3A_112 = tpu.memref_squeeze %dma_wait3A_111 : memref<1x1x32x125xi32, #tpu.memory_space<hbm>> -> memref<32x125xi32, #tpu.memory_space<hbm>>
      %dma_wait3A_113 = arith.constant 0 : i32
      %dma_wait3A_114 = arith.constant 0 : i32
      %dma_wait3A_115 = tpu.memref_slice %arg7[%run_scoped3A_7, %dma_wait3A_113, %dma_wait3A_114] : memref<2x32x125xi32, #tpu.memory_space<vmem>> -> memref<1x32x125xi32, #tpu.memory_space<vmem>>
      %dma_wait3A_116 = tpu.memref_squeeze %dma_wait3A_115 : memref<1x32x125xi32, #tpu.memory_space<vmem>> -> memref<32x125xi32, #tpu.memory_space<vmem>>
      %dma_wait3A_117 = arith.constant 0 : i32
      %dma_wait3A_118 = arith.constant 0 : i32
      %dma_wait3A_119 = tpu.memref_slice %arg3[%run_scoped3A_6, %arg1, %dma_wait3A_117, %dma_wait3A_118] : memref<2x16x160x125xi32, #tpu.memory_space<hbm>> -> memref<1x1x32x125xi32, #tpu.memory_space<hbm>>
      %dma_wait3A_120 = tpu.memref_squeeze %dma_wait3A_119 : memref<1x1x32x125xi32, #tpu.memory_space<hbm>> -> memref<32x125xi32, #tpu.memory_space<hbm>>
      tpu.wait_dma2 semaphore(%run_scoped3A_88 : memref<!tpu.dma_semaphore, #tpu.memory_space<semaphore_mem>>) src(%dma_wait3A_120 : memref<32x125xi32, #tpu.memory_space<hbm>>) dst(%dma_wait3A_116 : memref<32x125xi32, #tpu.memory_space<vmem>>)
      tpu.yield
    }) : () -> ()
    %barrier3A = arith.constant 0 : index
    tpu.barrier barrier_id(%barrier3A)
    %dma_start3A = arith.constant 0 : i32
    %dma_start3A_8 = arith.constant 1 : i32
    %dma_start3A_9 = arith.constant 0 : i32
    %dma_start3A_10 = arith.constant 0 : i32
    %dma_start3A_11 = tpu.memref_slice %arg6[%dma_start3A_8, %dma_start3A_9, %dma_start3A_10] : memref<2x32x125xi32, #tpu.memory_space<vmem>> -> memref<1x32x125xi32, #tpu.memory_space<vmem>>
    %dma_start3A_12 = tpu.memref_squeeze %dma_start3A_11 : memref<1x32x125xi32, #tpu.memory_space<vmem>> -> memref<32x125xi32, #tpu.memory_space<vmem>>
    %dma_start3A_13 = arith.constant 32 : i32
    %dma_start3A_14 = arith.constant 0 : i32
    %dma_start3A_15 = tpu.memref_slice %arg3[%dma_start3A, %arg1, %dma_start3A_13, %dma_start3A_14] : memref<2x16x160x125xi32, #tpu.memory_space<hbm>> -> memref<1x1x32x125xi32, #tpu.memory_space<hbm>>
    %dma_start3A_16 = tpu.memref_squeeze %dma_start3A_15 : memref<1x1x32x125xi32, #tpu.memory_space<hbm>> -> memref<32x125xi32, #tpu.memory_space<hbm>>
    %dma_start3A_17 = arith.constant 0 : i32
    %dma_start3A_18 = arith.constant 0 : i32
    %dma_start3A_19 = tpu.memref_slice %arg6[%dma_start3A_8, %dma_start3A_17, %dma_start3A_18] : memref<2x32x125xi32, #tpu.memory_space<vmem>> -> memref<1x32x125xi32, #tpu.memory_space<vmem>>
    %dma_start3A_20 = tpu.memref_squeeze %dma_start3A_19 : memref<1x32x125xi32, #tpu.memory_space<vmem>> -> memref<32x125xi32, #tpu.memory_space<vmem>>
    %dma_start3A_21 = arith.constant 32 : i32
    %dma_start3A_22 = arith.constant 0 : i32
    %dma_start3A_23 = tpu.memref_slice %arg3[%dma_start3A, %arg1, %dma_start3A_21, %dma_start3A_22] : memref<2x16x160x125xi32, #tpu.memory_space<hbm>> -> memref<1x1x32x125xi32, #tpu.memory_space<hbm>>
    %dma_start3A_24 = tpu.memref_squeeze %dma_start3A_23 : memref<1x1x32x125xi32, #tpu.memory_space<hbm>> -> memref<32x125xi32, #tpu.memory_space<hbm>>
    tpu.enqueue_dma source(%dma_start3A_24 : memref<32x125xi32, #tpu.memory_space<hbm>>) target(%dma_start3A_20 : memref<32x125xi32, #tpu.memory_space<vmem>>) target_semaphore(%arg13 : memref<!tpu.dma_semaphore, #tpu.memory_space<semaphore_mem>>)
    %dma_start3A_25 = arith.constant 1 : i32
    %dma_start3A_26 = arith.constant 1 : i32
    %dma_start3A_27 = arith.constant 0 : i32
    %dma_start3A_28 = arith.constant 0 : i32
    %dma_start3A_29 = tpu.memref_slice %arg7[%dma_start3A_26, %dma_start3A_27, %dma_start3A_28] : memref<2x32x125xi32, #tpu.memory_space<vmem>> -> memref<1x32x125xi32, #tpu.memory_space<vmem>>
    %dma_start3A_30 = tpu.memref_squeeze %dma_start3A_29 : memref<1x32x125xi32, #tpu.memory_space<vmem>> -> memref<32x125xi32, #tpu.memory_space<vmem>>
    %dma_start3A_31 = arith.constant 32 : i32
    %dma_start3A_32 = arith.constant 0 : i32
    %dma_start3A_33 = tpu.memref_slice %arg3[%dma_start3A_25, %arg1, %dma_start3A_31, %dma_start3A_32] : memref<2x16x160x125xi32, #tpu.memory_space<hbm>> -> memref<1x1x32x125xi32, #tpu.memory_space<hbm>>
    %dma_start3A_34 = tpu.memref_squeeze %dma_start3A_33 : memref<1x1x32x125xi32, #tpu.memory_space<hbm>> -> memref<32x125xi32, #tpu.memory_space<hbm>>
    %dma_start3A_35 = arith.constant 0 : i32
    %dma_start3A_36 = arith.constant 0 : i32
    %dma_start3A_37 = tpu.memref_slice %arg7[%dma_start3A_26, %dma_start3A_35, %dma_start3A_36] : memref<2x32x125xi32, #tpu.memory_space<vmem>> -> memref<1x32x125xi32, #tpu.memory_space<vmem>>
    %dma_start3A_38 = tpu.memref_squeeze %dma_start3A_37 : memref<1x32x125xi32, #tpu.memory_space<vmem>> -> memref<32x125xi32, #tpu.memory_space<vmem>>
    %dma_start3A_39 = arith.constant 32 : i32
    %dma_start3A_40 = arith.constant 0 : i32
    %dma_start3A_41 = tpu.memref_slice %arg3[%dma_start3A_25, %arg1, %dma_start3A_39, %dma_start3A_40] : memref<2x16x160x125xi32, #tpu.memory_space<hbm>> -> memref<1x1x32x125xi32, #tpu.memory_space<hbm>>
    %dma_start3A_42 = tpu.memref_squeeze %dma_start3A_41 : memref<1x1x32x125xi32, #tpu.memory_space<hbm>> -> memref<32x125xi32, #tpu.memory_space<hbm>>
    tpu.enqueue_dma source(%dma_start3A_42 : memref<32x125xi32, #tpu.memory_space<hbm>>) target(%dma_start3A_38 : memref<32x125xi32, #tpu.memory_space<vmem>>) target_semaphore(%arg13 : memref<!tpu.dma_semaphore, #tpu.memory_space<semaphore_mem>>)
    %dma_start3A_43 = arith.constant 0 : i32
    %dma_start3A_44 = arith.constant 0 : i32
    %dma_start3A_45 = arith.constant 0 : i32
    %dma_start3A_46 = tpu.memref_slice %arg6[%dma_start3A_43, %dma_start3A_44, %dma_start3A_45] : memref<2x32x125xi32, #tpu.memory_space<vmem>> -> memref<1x1x125xi32, #tpu.memory_space<vmem>>
    %dma_start3A_47 = tpu.memref_squeeze %dma_start3A_46 : memref<1x1x125xi32, #tpu.memory_space<vmem>> -> memref<125xi32, #tpu.memory_space<vmem>>
    %dma_start3A_48 = arith.constant 0 : i32
    %dma_start3A_49 = tpu.memref_slice %arg2[%mul3A_2, %dma_start3A_48] : memref<20000x128xf32, #tpu.memory_space<hbm>> -> memref<10000x128xf32, #tpu.memory_space<hbm>>
    %dma_start3A_50 = arith.constant 0 : i32
    %dma_start3A_51 = arith.constant 0 : i32
    %dma_start3A_52 = tpu.memref_slice %dma_start3A_49[%dma_start3A_50, %dma_start3A_51] : memref<10000x128xf32, #tpu.memory_space<hbm>> -> memref<10000x128xf32, #tpu.memory_space<hbm>>
    tpu.enqueue_indirect_dma source(%dma_start3A_52 : memref<10000x128xf32, #tpu.memory_space<hbm>>) target(%arg8 : memref<125x128xf32, #tpu.memory_space<vmem>>) offsets(%dma_start3A_47 : memref<125xi32, #tpu.memory_space<vmem>>) semaphore(%arg11 : memref<!tpu.dma_semaphore, #tpu.memory_space<semaphore_mem>>)
    %dma_start3A_53 = arith.constant 0 : i32
    %dma_start3A_54 = arith.constant 1 : i32
    %dma_start3A_55 = arith.constant 0 : i32
    %dma_start3A_56 = tpu.memref_slice %arg6[%dma_start3A_53, %dma_start3A_54, %dma_start3A_55] : memref<2x32x125xi32, #tpu.memory_space<vmem>> -> memref<1x1x125xi32, #tpu.memory_space<vmem>>
    %dma_start3A_57 = tpu.memref_squeeze %dma_start3A_56 : memref<1x1x125xi32, #tpu.memory_space<vmem>> -> memref<125xi32, #tpu.memory_space<vmem>>
    %dma_start3A_58 = arith.constant 0 : i32
    %dma_start3A_59 = tpu.memref_slice %arg2[%mul3A_2, %dma_start3A_58] : memref<20000x128xf32, #tpu.memory_space<hbm>> -> memref<10000x128xf32, #tpu.memory_space<hbm>>
    %dma_start3A_60 = arith.constant 0 : i32
    %dma_start3A_61 = arith.constant 0 : i32
    %dma_start3A_62 = tpu.memref_slice %dma_start3A_59[%dma_start3A_60, %dma_start3A_61] : memref<10000x128xf32, #tpu.memory_space<hbm>> -> memref<10000x128xf32, #tpu.memory_space<hbm>>
    tpu.enqueue_indirect_dma source(%dma_start3A_62 : memref<10000x128xf32, #tpu.memory_space<hbm>>) target(%arg9 : memref<125x128xf32, #tpu.memory_space<vmem>>) offsets(%dma_start3A_57 : memref<125xi32, #tpu.memory_space<vmem>>) semaphore(%arg12 : memref<!tpu.dma_semaphore, #tpu.memory_space<semaphore_mem>>)
    %scan3A = arith.constant 0 : i32
    %scan3A_63 = arith.constant 80 : i32
    %scan3A_64 = arith.addi %scan3A, %scan3A_63 : i32
    %scan3A_65 = arith.constant 1 : i32
    scf.for %scan3A_88 = %scan3A to %scan3A_64 step %scan3A_65  : i32 {
      %mul3A_89 = arith.constant 1 : i32
      %mul3A_90 = arith.muli %scan3A_88, %mul3A_89 : i32
      %add3A = arith.constant 0 : i32
      %add3A_91 = arith.addi %add3A, %mul3A_90 : i32
      %mul3A_92 = arith.constant 2 : i32
      %mul3A_93 = arith.muli %mul3A_92, %add3A_91 : i32
      %add3A_94 = arith.constant 1 : i32
      %add3A_95 = arith.addi %mul3A_93, %add3A_94 : i32
      %add3A_96 = arith.constant 2 : i32
      %add3A_97 = arith.addi %mul3A_93, %add3A_96 : i32
      %add3A_98 = arith.constant 3 : i32
      %add3A_99 = arith.addi %mul3A_93, %add3A_98 : i32
      %jit3A = arith.constant 32 : i32
      %div3A = arith.divsi %mul3A_93, %jit3A : i32
      %sign3A = arith.constant 0 : i32
      %sign3A_100 = arith.cmpi sgt, %mul3A_93, %sign3A : i32
      %sign3A_101 = arith.extui %sign3A_100 : i1 to i32
      %sign3A_102 = arith.constant 0 : i32
      %sign3A_103 = arith.cmpi slt, %mul3A_93, %sign3A_102 : i32
      %sign3A_104 = arith.extui %sign3A_103 : i1 to i32
      %sign3A_105 = arith.subi %sign3A_101, %sign3A_104 : i32
      %sign3A_106 = arith.constant 0 : i32
      %sign3A_107 = arith.cmpi sgt, %jit3A, %sign3A_106 : i32
      %sign3A_108 = arith.extui %sign3A_107 : i1 to i32
      %sign3A_109 = arith.constant 0 : i32
      %sign3A_110 = arith.cmpi slt, %jit3A, %sign3A_109 : i32
      %sign3A_111 = arith.extui %sign3A_110 : i1 to i32
      %sign3A_112 = arith.subi %sign3A_108, %sign3A_111 : i32
      %ne3A = arith.cmpi ne, %sign3A_105, %sign3A_112 : i32
      %rem3A = arith.remsi %mul3A_93, %jit3A : i32
      %ne3A_113 = arith.constant 0 : i32
      %ne3A_114 = arith.cmpi ne, %rem3A, %ne3A_113 : i32
      %and3A = arith.andi %ne3A, %ne3A_114 : i1
      %sub3A = arith.constant 1 : i32
      %sub3A_115 = arith.subi %div3A, %sub3A : i32
      %select_n3A = arith.select %and3A, %sub3A_115, %div3A : i32
      %jit3A_116 = arith.constant 2 : i32
      %eq3A_117 = arith.constant 0 : i32
      %eq3A_118 = arith.cmpi eq, %jit3A_116, %eq3A_117 : i32
      %jit3A_119 = arith.constant 1 : i32
      %select_n3A_120 = arith.select %eq3A_118, %jit3A_119, %jit3A_116 : i32
      %rem3A_121 = arith.remsi %select_n3A, %select_n3A_120 : i32
      %ne3A_122 = arith.constant 0 : i32
      %ne3A_123 = arith.cmpi ne, %rem3A_121, %ne3A_122 : i32
      %lt3A = arith.constant 0 : i32
      %lt3A_124 = arith.cmpi slt, %rem3A_121, %lt3A : i32
      %lt3A_125 = arith.constant 0 : i32
      %lt3A_126 = arith.cmpi slt, %select_n3A_120, %lt3A_125 : i32
      %ne3A_127 = arith.xori %lt3A_124, %lt3A_126 : i1
      %and3A_128 = arith.andi %ne3A_127, %ne3A_123 : i1
      %add3A_129 = arith.addi %rem3A_121, %select_n3A_120 : i32
      %select_n3A_130 = arith.select %and3A_128, %add3A_129, %rem3A_121 : i32
      %jit3A_131 = arith.constant 32 : i32
      %div3A_132 = arith.divsi %add3A_97, %jit3A_131 : i32
      %sign3A_133 = arith.constant 0 : i32
      %sign3A_134 = arith.cmpi sgt, %add3A_97, %sign3A_133 : i32
      %sign3A_135 = arith.extui %sign3A_134 : i1 to i32
      %sign3A_136 = arith.constant 0 : i32
      %sign3A_137 = arith.cmpi slt, %add3A_97, %sign3A_136 : i32
      %sign3A_138 = arith.extui %sign3A_137 : i1 to i32
      %sign3A_139 = arith.subi %sign3A_135, %sign3A_138 : i32
      %sign3A_140 = arith.constant 0 : i32
      %sign3A_141 = arith.cmpi sgt, %jit3A_131, %sign3A_140 : i32
      %sign3A_142 = arith.extui %sign3A_141 : i1 to i32
      %sign3A_143 = arith.constant 0 : i32
      %sign3A_144 = arith.cmpi slt, %jit3A_131, %sign3A_143 : i32
      %sign3A_145 = arith.extui %sign3A_144 : i1 to i32
      %sign3A_146 = arith.subi %sign3A_142, %sign3A_145 : i32
      %ne3A_147 = arith.cmpi ne, %sign3A_139, %sign3A_146 : i32
      %rem3A_148 = arith.remsi %add3A_97, %jit3A_131 : i32
      %ne3A_149 = arith.constant 0 : i32
      %ne3A_150 = arith.cmpi ne, %rem3A_148, %ne3A_149 : i32
      %and3A_151 = arith.andi %ne3A_147, %ne3A_150 : i1
      %sub3A_152 = arith.constant 1 : i32
      %sub3A_153 = arith.subi %div3A_132, %sub3A_152 : i32
      %select_n3A_154 = arith.select %and3A_151, %sub3A_153, %div3A_132 : i32
      %jit3A_155 = arith.constant 2 : i32
      %eq3A_156 = arith.constant 0 : i32
      %eq3A_157 = arith.cmpi eq, %jit3A_155, %eq3A_156 : i32
      %jit3A_158 = arith.constant 1 : i32
      %select_n3A_159 = arith.select %eq3A_157, %jit3A_158, %jit3A_155 : i32
      %rem3A_160 = arith.remsi %select_n3A_154, %select_n3A_159 : i32
      %ne3A_161 = arith.constant 0 : i32
      %ne3A_162 = arith.cmpi ne, %rem3A_160, %ne3A_161 : i32
      %lt3A_163 = arith.constant 0 : i32
      %lt3A_164 = arith.cmpi slt, %rem3A_160, %lt3A_163 : i32
      %lt3A_165 = arith.constant 0 : i32
      %lt3A_166 = arith.cmpi slt, %select_n3A_159, %lt3A_165 : i32
      %ne3A_167 = arith.xori %lt3A_164, %lt3A_166 : i1
      %and3A_168 = arith.andi %ne3A_167, %ne3A_162 : i1
      %add3A_169 = arith.addi %rem3A_160, %select_n3A_159 : i32
      %select_n3A_170 = arith.select %and3A_168, %add3A_169, %rem3A_160 : i32
      %jit3A_171 = arith.constant 32 : i32
      %eq3A_172 = arith.constant 0 : i32
      %eq3A_173 = arith.cmpi eq, %jit3A_171, %eq3A_172 : i32
      %jit3A_174 = arith.constant 1 : i32
      %select_n3A_175 = arith.select %eq3A_173, %jit3A_174, %jit3A_171 : i32
      %rem3A_176 = arith.remsi %mul3A_93, %select_n3A_175 : i32
      %ne3A_177 = arith.constant 0 : i32
      %ne3A_178 = arith.cmpi ne, %rem3A_176, %ne3A_177 : i32
      %lt3A_179 = arith.constant 0 : i32
      %lt3A_180 = arith.cmpi slt, %rem3A_176, %lt3A_179 : i32
      %lt3A_181 = arith.constant 0 : i32
      %lt3A_182 = arith.cmpi slt, %select_n3A_175, %lt3A_181 : i32
      %ne3A_183 = arith.xori %lt3A_180, %lt3A_182 : i1
      %and3A_184 = arith.andi %ne3A_183, %ne3A_178 : i1
      %add3A_185 = arith.addi %rem3A_176, %select_n3A_175 : i32
      %select_n3A_186 = arith.select %and3A_184, %add3A_185, %rem3A_176 : i32
      %dma_wait3A_187 = arith.constant 0 : i32
      %dma_wait3A_188 = tpu.memref_slice %arg6[%select_n3A_130, %select_n3A_186, %dma_wait3A_187] : memref<2x32x125xi32, #tpu.memory_space<vmem>> -> memref<1x1x125xi32, #tpu.memory_space<vmem>>
      %dma_wait3A_189 = tpu.memref_squeeze %dma_wait3A_188 : memref<1x1x125xi32, #tpu.memory_space<vmem>> -> memref<125xi32, #tpu.memory_space<vmem>>
      %dma_wait3A_190 = arith.constant 0 : i32
      %dma_wait3A_191 = tpu.memref_slice %arg2[%mul3A_2, %dma_wait3A_190] : memref<20000x128xf32, #tpu.memory_space<hbm>> -> memref<10000x128xf32, #tpu.memory_space<hbm>>
      %dma_wait3A_192 = arith.constant 0 : i32
      %dma_wait3A_193 = arith.constant 0 : i32
      %dma_wait3A_194 = tpu.memref_slice %dma_wait3A_191[%dma_wait3A_192, %dma_wait3A_193] : memref<10000x128xf32, #tpu.memory_space<hbm>> -> memref<10000x128xf32, #tpu.memory_space<hbm>>
      tpu.wait_indirect_dma semaphore(%arg11 : memref<!tpu.dma_semaphore, #tpu.memory_space<semaphore_mem>>) src(%dma_wait3A_194 : memref<10000x128xf32, #tpu.memory_space<hbm>>) dst(%arg8 : memref<125x128xf32, #tpu.memory_space<vmem>>)
      %jit3A_195 = arith.constant 32 : i32
      %eq3A_196 = arith.constant 0 : i32
      %eq3A_197 = arith.cmpi eq, %jit3A_195, %eq3A_196 : i32
      %jit3A_198 = arith.constant 1 : i32
      %select_n3A_199 = arith.select %eq3A_197, %jit3A_198, %jit3A_195 : i32
      %rem3A_200 = arith.remsi %mul3A_93, %select_n3A_199 : i32
      %ne3A_201 = arith.constant 0 : i32
      %ne3A_202 = arith.cmpi ne, %rem3A_200, %ne3A_201 : i32
      %lt3A_203 = arith.constant 0 : i32
      %lt3A_204 = arith.cmpi slt, %rem3A_200, %lt3A_203 : i32
      %lt3A_205 = arith.constant 0 : i32
      %lt3A_206 = arith.cmpi slt, %select_n3A_199, %lt3A_205 : i32
      %ne3A_207 = arith.xori %lt3A_204, %lt3A_206 : i1
      %and3A_208 = arith.andi %ne3A_207, %ne3A_202 : i1
      %add3A_209 = arith.addi %rem3A_200, %select_n3A_199 : i32
      %select_n3A_210 = arith.select %and3A_208, %add3A_209, %rem3A_200 : i32
      %dma_start3A_211 = arith.constant 0 : i32
      %dma_start3A_212 = tpu.memref_slice %arg7[%select_n3A_130, %select_n3A_210, %dma_start3A_211] : memref<2x32x125xi32, #tpu.memory_space<vmem>> -> memref<1x1x125xi32, #tpu.memory_space<vmem>>
      %dma_start3A_213 = tpu.memref_squeeze %dma_start3A_212 : memref<1x1x125xi32, #tpu.memory_space<vmem>> -> memref<125xi32, #tpu.memory_space<vmem>>
      %dma_start3A_214 = arith.constant 0 : i32
      %dma_start3A_215 = arith.constant 0 : i32
      %dma_start3A_216 = tpu.memref_slice %arg10[%dma_start3A_214, %dma_start3A_215] : memref<10000x128xf32, #tpu.memory_space<vmem_shared>> -> memref<10000x128xf32, #tpu.memory_space<vmem_shared>>
      tpu.enqueue_indirect_dma source(%arg8 : memref<125x128xf32, #tpu.memory_space<vmem>>) target(%dma_start3A_216 : memref<10000x128xf32, #tpu.memory_space<vmem_shared>>) offsets(%dma_start3A_213 : memref<125xi32, #tpu.memory_space<vmem>>) semaphore(%arg14 : memref<!tpu.dma_semaphore, #tpu.memory_space<semaphore_mem>>) {add = true}
      %jit3A_217 = arith.constant 32 : i32
      %eq3A_218 = arith.constant 0 : i32
      %eq3A_219 = arith.cmpi eq, %jit3A_217, %eq3A_218 : i32
      %jit3A_220 = arith.constant 1 : i32
      %select_n3A_221 = arith.select %eq3A_219, %jit3A_220, %jit3A_217 : i32
      %rem3A_222 = arith.remsi %add3A_97, %select_n3A_221 : i32
      %ne3A_223 = arith.constant 0 : i32
      %ne3A_224 = arith.cmpi ne, %rem3A_222, %ne3A_223 : i32
      %lt3A_225 = arith.constant 0 : i32
      %lt3A_226 = arith.cmpi slt, %rem3A_222, %lt3A_225 : i32
      %lt3A_227 = arith.constant 0 : i32
      %lt3A_228 = arith.cmpi slt, %select_n3A_221, %lt3A_227 : i32
      %ne3A_229 = arith.xori %lt3A_226, %lt3A_228 : i1
      %and3A_230 = arith.andi %ne3A_229, %ne3A_224 : i1
      %add3A_231 = arith.addi %rem3A_222, %select_n3A_221 : i32
      %select_n3A_232 = arith.select %and3A_230, %add3A_231, %rem3A_222 : i32
      %eq3A_233 = arith.constant 0 : i32
      %eq3A_234 = arith.cmpi eq, %select_n3A_232, %eq3A_233 : i32
      %lt3A_235 = arith.constant 160 : i32
      %lt3A_236 = arith.cmpi slt, %add3A_97, %lt3A_235 : i32
      %and3A_237 = arith.andi %eq3A_234, %lt3A_236 : i1
      %convert_element_type3A_238 = arith.extui %and3A_237 : i1 to i32
      %cond3A_239 = arith.constant 0 : i32
      %cond3A_240 = arith.cmpi ne, %convert_element_type3A_238, %cond3A_239 : i32
      scf.if %cond3A_240 {
        %dma_wait3A_323 = arith.constant 0 : i32
        %dma_wait3A_324 = arith.constant 0 : i32
        %dma_wait3A_325 = arith.constant 0 : i32
        %dma_wait3A_326 = arith.constant 0 : i32
        %dma_wait3A_327 = tpu.memref_slice %arg6[%dma_wait3A_324, %dma_wait3A_325, %dma_wait3A_326] : memref<2x32x125xi32, #tpu.memory_space<vmem>> -> memref<1x32x125xi32, #tpu.memory_space<vmem>>
        %dma_wait3A_328 = tpu.memref_squeeze %dma_wait3A_327 : memref<1x32x125xi32, #tpu.memory_space<vmem>> -> memref<32x125xi32, #tpu.memory_space<vmem>>
        %dma_wait3A_329 = arith.constant 0 : i32
        %dma_wait3A_330 = arith.constant 0 : i32
        %dma_wait3A_331 = tpu.memref_slice %arg3[%dma_wait3A_323, %arg1, %dma_wait3A_329, %dma_wait3A_330] : memref<2x16x160x125xi32, #tpu.memory_space<hbm>> -> memref<1x1x32x125xi32, #tpu.memory_space<hbm>>
        %dma_wait3A_332 = tpu.memref_squeeze %dma_wait3A_331 : memref<1x1x32x125xi32, #tpu.memory_space<hbm>> -> memref<32x125xi32, #tpu.memory_space<hbm>>
        %dma_wait3A_333 = arith.constant 0 : i32
        %dma_wait3A_334 = arith.constant 0 : i32
        %dma_wait3A_335 = tpu.memref_slice %arg6[%dma_wait3A_324, %dma_wait3A_333, %dma_wait3A_334] : memref<2x32x125xi32, #tpu.memory_space<vmem>> -> memref<1x32x125xi32, #tpu.memory_space<vmem>>
        %dma_wait3A_336 = tpu.memref_squeeze %dma_wait3A_335 : memref<1x32x125xi32, #tpu.memory_space<vmem>> -> memref<32x125xi32, #tpu.memory_space<vmem>>
        %dma_wait3A_337 = arith.constant 0 : i32
        %dma_wait3A_338 = arith.constant 0 : i32
        %dma_wait3A_339 = tpu.memref_slice %arg3[%dma_wait3A_323, %arg1, %dma_wait3A_337, %dma_wait3A_338] : memref<2x16x160x125xi32, #tpu.memory_space<hbm>> -> memref<1x1x32x125xi32, #tpu.memory_space<hbm>>
        %dma_wait3A_340 = tpu.memref_squeeze %dma_wait3A_339 : memref<1x1x32x125xi32, #tpu.memory_space<hbm>> -> memref<32x125xi32, #tpu.memory_space<hbm>>
        tpu.wait_dma2 semaphore(%arg13 : memref<!tpu.dma_semaphore, #tpu.memory_space<semaphore_mem>>) src(%dma_wait3A_340 : memref<32x125xi32, #tpu.memory_space<hbm>>) dst(%dma_wait3A_336 : memref<32x125xi32, #tpu.memory_space<vmem>>)
        %dma_wait3A_341 = arith.constant 1 : i32
        %dma_wait3A_342 = arith.constant 0 : i32
        %dma_wait3A_343 = arith.constant 0 : i32
        %dma_wait3A_344 = arith.constant 0 : i32
        %dma_wait3A_345 = tpu.memref_slice %arg7[%dma_wait3A_342, %dma_wait3A_343, %dma_wait3A_344] : memref<2x32x125xi32, #tpu.memory_space<vmem>> -> memref<1x32x125xi32, #tpu.memory_space<vmem>>
        %dma_wait3A_346 = tpu.memref_squeeze %dma_wait3A_345 : memref<1x32x125xi32, #tpu.memory_space<vmem>> -> memref<32x125xi32, #tpu.memory_space<vmem>>
        %dma_wait3A_347 = arith.constant 0 : i32
        %dma_wait3A_348 = arith.constant 0 : i32
        %dma_wait3A_349 = tpu.memref_slice %arg3[%dma_wait3A_341, %arg1, %dma_wait3A_347, %dma_wait3A_348] : memref<2x16x160x125xi32, #tpu.memory_space<hbm>> -> memref<1x1x32x125xi32, #tpu.memory_space<hbm>>
        %dma_wait3A_350 = tpu.memref_squeeze %dma_wait3A_349 : memref<1x1x32x125xi32, #tpu.memory_space<hbm>> -> memref<32x125xi32, #tpu.memory_space<hbm>>
        %dma_wait3A_351 = arith.constant 0 : i32
        %dma_wait3A_352 = arith.constant 0 : i32
        %dma_wait3A_353 = tpu.memref_slice %arg7[%dma_wait3A_342, %dma_wait3A_351, %dma_wait3A_352] : memref<2x32x125xi32, #tpu.memory_space<vmem>> -> memref<1x32x125xi32, #tpu.memory_space<vmem>>
        %dma_wait3A_354 = tpu.memref_squeeze %dma_wait3A_353 : memref<1x32x125xi32, #tpu.memory_space<vmem>> -> memref<32x125xi32, #tpu.memory_space<vmem>>
        %dma_wait3A_355 = arith.constant 0 : i32
        %dma_wait3A_356 = arith.constant 0 : i32
        %dma_wait3A_357 = tpu.memref_slice %arg3[%dma_wait3A_341, %arg1, %dma_wait3A_355, %dma_wait3A_356] : memref<2x16x160x125xi32, #tpu.memory_space<hbm>> -> memref<1x1x32x125xi32, #tpu.memory_space<hbm>>
        %dma_wait3A_358 = tpu.memref_squeeze %dma_wait3A_357 : memref<1x1x32x125xi32, #tpu.memory_space<hbm>> -> memref<32x125xi32, #tpu.memory_space<hbm>>
        tpu.wait_dma2 semaphore(%arg13 : memref<!tpu.dma_semaphore, #tpu.memory_space<semaphore_mem>>) src(%dma_wait3A_358 : memref<32x125xi32, #tpu.memory_space<hbm>>) dst(%dma_wait3A_354 : memref<32x125xi32, #tpu.memory_space<vmem>>)
      } else {
      }
      %lt3A_241 = arith.constant 160 : i32
      %lt3A_242 = arith.cmpi slt, %add3A_97, %lt3A_241 : i32
      %convert_element_type3A_243 = arith.extui %lt3A_242 : i1 to i32
      %cond3A_244 = arith.constant 0 : i32
      %cond3A_245 = arith.cmpi ne, %convert_element_type3A_243, %cond3A_244 : i32
      scf.if %cond3A_245 {
        %jit3A_323 = arith.constant 32 : i32
        %eq3A_324 = arith.constant 0 : i32
        %eq3A_325 = arith.cmpi eq, %jit3A_323, %eq3A_324 : i32
        %jit3A_326 = arith.constant 1 : i32
        %select_n3A_327 = arith.select %eq3A_325, %jit3A_326, %jit3A_323 : i32
        %rem3A_328 = arith.remsi %mul3A_93, %select_n3A_327 : i32
        %ne3A_329 = arith.constant 0 : i32
        %ne3A_330 = arith.cmpi ne, %rem3A_328, %ne3A_329 : i32
        %lt3A_331 = arith.constant 0 : i32
        %lt3A_332 = arith.cmpi slt, %rem3A_328, %lt3A_331 : i32
        %lt3A_333 = arith.constant 0 : i32
        %lt3A_334 = arith.cmpi slt, %select_n3A_327, %lt3A_333 : i32
        %ne3A_335 = arith.xori %lt3A_332, %lt3A_334 : i1
        %and3A_336 = arith.andi %ne3A_335, %ne3A_330 : i1
        %add3A_337 = arith.addi %rem3A_328, %select_n3A_327 : i32
        %select_n3A_338 = arith.select %and3A_336, %add3A_337, %rem3A_328 : i32
        %dma_wait3A_339 = arith.constant 0 : i32
        %dma_wait3A_340 = tpu.memref_slice %arg7[%select_n3A_130, %select_n3A_338, %dma_wait3A_339] : memref<2x32x125xi32, #tpu.memory_space<vmem>> -> memref<1x1x125xi32, #tpu.memory_space<vmem>>
        %dma_wait3A_341 = tpu.memref_squeeze %dma_wait3A_340 : memref<1x1x125xi32, #tpu.memory_space<vmem>> -> memref<125xi32, #tpu.memory_space<vmem>>
        %dma_wait3A_342 = arith.constant 0 : i32
        %dma_wait3A_343 = arith.constant 0 : i32
        %dma_wait3A_344 = tpu.memref_slice %arg10[%dma_wait3A_342, %dma_wait3A_343] : memref<10000x128xf32, #tpu.memory_space<vmem_shared>> -> memref<10000x128xf32, #tpu.memory_space<vmem_shared>>
        tpu.wait_indirect_dma semaphore(%arg14 : memref<!tpu.dma_semaphore, #tpu.memory_space<semaphore_mem>>) src(%arg8 : memref<125x128xf32, #tpu.memory_space<vmem>>) dst(%dma_wait3A_344 : memref<10000x128xf32, #tpu.memory_space<vmem_shared>>)
        %jit3A_345 = arith.constant 32 : i32
        %eq3A_346 = arith.constant 0 : i32
        %eq3A_347 = arith.cmpi eq, %jit3A_345, %eq3A_346 : i32
        %jit3A_348 = arith.constant 1 : i32
        %select_n3A_349 = arith.select %eq3A_347, %jit3A_348, %jit3A_345 : i32
        %rem3A_350 = arith.remsi %add3A_97, %select_n3A_349 : i32
        %ne3A_351 = arith.constant 0 : i32
        %ne3A_352 = arith.cmpi ne, %rem3A_350, %ne3A_351 : i32
        %lt3A_353 = arith.constant 0 : i32
        %lt3A_354 = arith.cmpi slt, %rem3A_350, %lt3A_353 : i32
        %lt3A_355 = arith.constant 0 : i32
        %lt3A_356 = arith.cmpi slt, %select_n3A_349, %lt3A_355 : i32
        %ne3A_357 = arith.xori %lt3A_354, %lt3A_356 : i1
        %and3A_358 = arith.andi %ne3A_357, %ne3A_352 : i1
        %add3A_359 = arith.addi %rem3A_350, %select_n3A_349 : i32
        %select_n3A_360 = arith.select %and3A_358, %add3A_359, %rem3A_350 : i32
        %dma_start3A_361 = arith.constant 0 : i32
        %dma_start3A_362 = tpu.memref_slice %arg6[%select_n3A_170, %select_n3A_360, %dma_start3A_361] : memref<2x32x125xi32, #tpu.memory_space<vmem>> -> memref<1x1x125xi32, #tpu.memory_space<vmem>>
        %dma_start3A_363 = tpu.memref_squeeze %dma_start3A_362 : memref<1x1x125xi32, #tpu.memory_space<vmem>> -> memref<125xi32, #tpu.memory_space<vmem>>
        %dma_start3A_364 = arith.constant 0 : i32
        %dma_start3A_365 = tpu.memref_slice %arg2[%mul3A_2, %dma_start3A_364] : memref<20000x128xf32, #tpu.memory_space<hbm>> -> memref<10000x128xf32, #tpu.memory_space<hbm>>
        %dma_start3A_366 = arith.constant 0 : i32
        %dma_start3A_367 = arith.constant 0 : i32
        %dma_start3A_368 = tpu.memref_slice %dma_start3A_365[%dma_start3A_366, %dma_start3A_367] : memref<10000x128xf32, #tpu.memory_space<hbm>> -> memref<10000x128xf32, #tpu.memory_space<hbm>>
        tpu.enqueue_indirect_dma source(%dma_start3A_368 : memref<10000x128xf32, #tpu.memory_space<hbm>>) target(%arg8 : memref<125x128xf32, #tpu.memory_space<vmem>>) offsets(%dma_start3A_363 : memref<125xi32, #tpu.memory_space<vmem>>) semaphore(%arg11 : memref<!tpu.dma_semaphore, #tpu.memory_space<semaphore_mem>>)
      } else {
      }
      %jit3A_246 = arith.constant 32 : i32
      %eq3A_247 = arith.constant 0 : i32
      %eq3A_248 = arith.cmpi eq, %jit3A_246, %eq3A_247 : i32
      %jit3A_249 = arith.constant 1 : i32
      %select_n3A_250 = arith.select %eq3A_248, %jit3A_249, %jit3A_246 : i32
      %rem3A_251 = arith.remsi %add3A_95, %select_n3A_250 : i32
      %ne3A_252 = arith.constant 0 : i32
      %ne3A_253 = arith.cmpi ne, %rem3A_251, %ne3A_252 : i32
      %lt3A_254 = arith.constant 0 : i32
      %lt3A_255 = arith.cmpi slt, %rem3A_251, %lt3A_254 : i32
      %lt3A_256 = arith.constant 0 : i32
      %lt3A_257 = arith.cmpi slt, %select_n3A_250, %lt3A_256 : i32
      %ne3A_258 = arith.xori %lt3A_255, %lt3A_257 : i1
      %and3A_259 = arith.andi %ne3A_258, %ne3A_253 : i1
      %add3A_260 = arith.addi %rem3A_251, %select_n3A_250 : i32
      %select_n3A_261 = arith.select %and3A_259, %add3A_260, %rem3A_251 : i32
      %dma_wait3A_262 = arith.constant 0 : i32
      %dma_wait3A_263 = tpu.memref_slice %arg6[%select_n3A_130, %select_n3A_261, %dma_wait3A_262] : memref<2x32x125xi32, #tpu.memory_space<vmem>> -> memref<1x1x125xi32, #tpu.memory_space<vmem>>
      %dma_wait3A_264 = tpu.memref_squeeze %dma_wait3A_263 : memref<1x1x125xi32, #tpu.memory_space<vmem>> -> memref<125xi32, #tpu.memory_space<vmem>>
      %dma_wait3A_265 = arith.constant 0 : i32
      %dma_wait3A_266 = tpu.memref_slice %arg2[%mul3A_2, %dma_wait3A_265] : memref<20000x128xf32, #tpu.memory_space<hbm>> -> memref<10000x128xf32, #tpu.memory_space<hbm>>
      %dma_wait3A_267 = arith.constant 0 : i32
      %dma_wait3A_268 = arith.constant 0 : i32
      %dma_wait3A_269 = tpu.memref_slice %dma_wait3A_266[%dma_wait3A_267, %dma_wait3A_268] : memref<10000x128xf32, #tpu.memory_space<hbm>> -> memref<10000x128xf32, #tpu.memory_space<hbm>>
      tpu.wait_indirect_dma semaphore(%arg12 : memref<!tpu.dma_semaphore, #tpu.memory_space<semaphore_mem>>) src(%dma_wait3A_269 : memref<10000x128xf32, #tpu.memory_space<hbm>>) dst(%arg9 : memref<125x128xf32, #tpu.memory_space<vmem>>)
      %jit3A_270 = arith.constant 32 : i32
      %eq3A_271 = arith.constant 0 : i32
      %eq3A_272 = arith.cmpi eq, %jit3A_270, %eq3A_271 : i32
      %jit3A_273 = arith.constant 1 : i32
      %select_n3A_274 = arith.select %eq3A_272, %jit3A_273, %jit3A_270 : i32
      %rem3A_275 = arith.remsi %add3A_95, %select_n3A_274 : i32
      %ne3A_276 = arith.constant 0 : i32
      %ne3A_277 = arith.cmpi ne, %rem3A_275, %ne3A_276 : i32
      %lt3A_278 = arith.constant 0 : i32
      %lt3A_279 = arith.cmpi slt, %rem3A_275, %lt3A_278 : i32
      %lt3A_280 = arith.constant 0 : i32
      %lt3A_281 = arith.cmpi slt, %select_n3A_274, %lt3A_280 : i32
      %ne3A_282 = arith.xori %lt3A_279, %lt3A_281 : i1
      %and3A_283 = arith.andi %ne3A_282, %ne3A_277 : i1
      %add3A_284 = arith.addi %rem3A_275, %select_n3A_274 : i32
      %select_n3A_285 = arith.select %and3A_283, %add3A_284, %rem3A_275 : i32
      %dma_start3A_286 = arith.constant 0 : i32
      %dma_start3A_287 = tpu.memref_slice %arg7[%select_n3A_130, %select_n3A_285, %dma_start3A_286] : memref<2x32x125xi32, #tpu.memory_space<vmem>> -> memref<1x1x125xi32, #tpu.memory_space<vmem>>
      %dma_start3A_288 = tpu.memref_squeeze %dma_start3A_287 : memref<1x1x125xi32, #tpu.memory_space<vmem>> -> memref<125xi32, #tpu.memory_space<vmem>>
      %dma_start3A_289 = arith.constant 0 : i32
      %dma_start3A_290 = arith.constant 0 : i32
      %dma_start3A_291 = tpu.memref_slice %arg10[%dma_start3A_289, %dma_start3A_290] : memref<10000x128xf32, #tpu.memory_space<vmem_shared>> -> memref<10000x128xf32, #tpu.memory_space<vmem_shared>>
      tpu.enqueue_indirect_dma source(%arg9 : memref<125x128xf32, #tpu.memory_space<vmem>>) target(%dma_start3A_291 : memref<10000x128xf32, #tpu.memory_space<vmem_shared>>) offsets(%dma_start3A_288 : memref<125xi32, #tpu.memory_space<vmem>>) semaphore(%arg15 : memref<!tpu.dma_semaphore, #tpu.memory_space<semaphore_mem>>) {add = true}
      %lt3A_292 = arith.constant 160 : i32
      %lt3A_293 = arith.cmpi slt, %add3A_99, %lt3A_292 : i32
      %convert_element_type3A_294 = arith.extui %lt3A_293 : i1 to i32
      %cond3A_295 = arith.constant 0 : i32
      %cond3A_296 = arith.cmpi ne, %convert_element_type3A_294, %cond3A_295 : i32
      scf.if %cond3A_296 {
        %jit3A_323 = arith.constant 32 : i32
        %eq3A_324 = arith.constant 0 : i32
        %eq3A_325 = arith.cmpi eq, %jit3A_323, %eq3A_324 : i32
        %jit3A_326 = arith.constant 1 : i32
        %select_n3A_327 = arith.select %eq3A_325, %jit3A_326, %jit3A_323 : i32
        %rem3A_328 = arith.remsi %add3A_95, %select_n3A_327 : i32
        %ne3A_329 = arith.constant 0 : i32
        %ne3A_330 = arith.cmpi ne, %rem3A_328, %ne3A_329 : i32
        %lt3A_331 = arith.constant 0 : i32
        %lt3A_332 = arith.cmpi slt, %rem3A_328, %lt3A_331 : i32
        %lt3A_333 = arith.constant 0 : i32
        %lt3A_334 = arith.cmpi slt, %select_n3A_327, %lt3A_333 : i32
        %ne3A_335 = arith.xori %lt3A_332, %lt3A_334 : i1
        %and3A_336 = arith.andi %ne3A_335, %ne3A_330 : i1
        %add3A_337 = arith.addi %rem3A_328, %select_n3A_327 : i32
        %select_n3A_338 = arith.select %and3A_336, %add3A_337, %rem3A_328 : i32
        %dma_wait3A_339 = arith.constant 0 : i32
        %dma_wait3A_340 = tpu.memref_slice %arg7[%select_n3A_130, %select_n3A_338, %dma_wait3A_339] : memref<2x32x125xi32, #tpu.memory_space<vmem>> -> memref<1x1x125xi32, #tpu.memory_space<vmem>>
        %dma_wait3A_341 = tpu.memref_squeeze %dma_wait3A_340 : memref<1x1x125xi32, #tpu.memory_space<vmem>> -> memref<125xi32, #tpu.memory_space<vmem>>
        %dma_wait3A_342 = arith.constant 0 : i32
        %dma_wait3A_343 = arith.constant 0 : i32
        %dma_wait3A_344 = tpu.memref_slice %arg10[%dma_wait3A_342, %dma_wait3A_343] : memref<10000x128xf32, #tpu.memory_space<vmem_shared>> -> memref<10000x128xf32, #tpu.memory_space<vmem_shared>>
        tpu.wait_indirect_dma semaphore(%arg15 : memref<!tpu.dma_semaphore, #tpu.memory_space<semaphore_mem>>) src(%arg9 : memref<125x128xf32, #tpu.memory_space<vmem>>) dst(%dma_wait3A_344 : memref<10000x128xf32, #tpu.memory_space<vmem_shared>>)
        %jit3A_345 = arith.constant 32 : i32
        %eq3A_346 = arith.constant 0 : i32
        %eq3A_347 = arith.cmpi eq, %jit3A_345, %eq3A_346 : i32
        %jit3A_348 = arith.constant 1 : i32
        %select_n3A_349 = arith.select %eq3A_347, %jit3A_348, %jit3A_345 : i32
        %rem3A_350 = arith.remsi %add3A_99, %select_n3A_349 : i32
        %ne3A_351 = arith.constant 0 : i32
        %ne3A_352 = arith.cmpi ne, %rem3A_350, %ne3A_351 : i32
        %lt3A_353 = arith.constant 0 : i32
        %lt3A_354 = arith.cmpi slt, %rem3A_350, %lt3A_353 : i32
        %lt3A_355 = arith.constant 0 : i32
        %lt3A_356 = arith.cmpi slt, %select_n3A_349, %lt3A_355 : i32
        %ne3A_357 = arith.xori %lt3A_354, %lt3A_356 : i1
        %and3A_358 = arith.andi %ne3A_357, %ne3A_352 : i1
        %add3A_359 = arith.addi %rem3A_350, %select_n3A_349 : i32
        %select_n3A_360 = arith.select %and3A_358, %add3A_359, %rem3A_350 : i32
        %dma_start3A_361 = arith.constant 0 : i32
        %dma_start3A_362 = tpu.memref_slice %arg6[%select_n3A_170, %select_n3A_360, %dma_start3A_361] : memref<2x32x125xi32, #tpu.memory_space<vmem>> -> memref<1x1x125xi32, #tpu.memory_space<vmem>>
        %dma_start3A_363 = tpu.memref_squeeze %dma_start3A_362 : memref<1x1x125xi32, #tpu.memory_space<vmem>> -> memref<125xi32, #tpu.memory_space<vmem>>
        %dma_start3A_364 = arith.constant 0 : i32
        %dma_start3A_365 = tpu.memref_slice %arg2[%mul3A_2, %dma_start3A_364] : memref<20000x128xf32, #tpu.memory_space<hbm>> -> memref<10000x128xf32, #tpu.memory_space<hbm>>
        %dma_start3A_366 = arith.constant 0 : i32
        %dma_start3A_367 = arith.constant 0 : i32
        %dma_start3A_368 = tpu.memref_slice %dma_start3A_365[%dma_start3A_366, %dma_start3A_367] : memref<10000x128xf32, #tpu.memory_space<hbm>> -> memref<10000x128xf32, #tpu.memory_space<hbm>>
        tpu.enqueue_indirect_dma source(%dma_start3A_368 : memref<10000x128xf32, #tpu.memory_space<hbm>>) target(%arg9 : memref<125x128xf32, #tpu.memory_space<vmem>>) offsets(%dma_start3A_363 : memref<125xi32, #tpu.memory_space<vmem>>) semaphore(%arg12 : memref<!tpu.dma_semaphore, #tpu.memory_space<semaphore_mem>>)
      } else {
      }
      %jit3A_297 = arith.constant 32 : i32
      %eq3A_298 = arith.constant 0 : i32
      %eq3A_299 = arith.cmpi eq, %jit3A_297, %eq3A_298 : i32
      %jit3A_300 = arith.constant 1 : i32
      %select_n3A_301 = arith.select %eq3A_299, %jit3A_300, %jit3A_297 : i32
      %rem3A_302 = arith.remsi %add3A_97, %select_n3A_301 : i32
      %ne3A_303 = arith.constant 0 : i32
      %ne3A_304 = arith.cmpi ne, %rem3A_302, %ne3A_303 : i32
      %lt3A_305 = arith.constant 0 : i32
      %lt3A_306 = arith.cmpi slt, %rem3A_302, %lt3A_305 : i32
      %lt3A_307 = arith.constant 0 : i32
      %lt3A_308 = arith.cmpi slt, %select_n3A_301, %lt3A_307 : i32
      %ne3A_309 = arith.xori %lt3A_306, %lt3A_308 : i1
      %and3A_310 = arith.andi %ne3A_309, %ne3A_304 : i1
      %add3A_311 = arith.addi %rem3A_302, %select_n3A_301 : i32
      %select_n3A_312 = arith.select %and3A_310, %add3A_311, %rem3A_302 : i32
      %eq3A_313 = arith.constant 0 : i32
      %eq3A_314 = arith.cmpi eq, %select_n3A_312, %eq3A_313 : i32
      %add3A_315 = arith.constant 32 : i32
      %add3A_316 = arith.addi %add3A_97, %add3A_315 : i32
      %lt3A_317 = arith.constant 160 : i32
      %lt3A_318 = arith.cmpi slt, %add3A_316, %lt3A_317 : i32
      %and3A_319 = arith.andi %eq3A_314, %lt3A_318 : i1
      %convert_element_type3A_320 = arith.extui %and3A_319 : i1 to i32
      %cond3A_321 = arith.constant 0 : i32
      %cond3A_322 = arith.cmpi ne, %convert_element_type3A_320, %cond3A_321 : i32
      scf.if %cond3A_322 {
        %jit3A_323 = arith.constant 32 : i32
        %div3A_324 = arith.divsi %add3A_97, %jit3A_323 : i32
        %sign3A_325 = arith.constant 0 : i32
        %sign3A_326 = arith.cmpi sgt, %add3A_97, %sign3A_325 : i32
        %sign3A_327 = arith.extui %sign3A_326 : i1 to i32
        %sign3A_328 = arith.constant 0 : i32
        %sign3A_329 = arith.cmpi slt, %add3A_97, %sign3A_328 : i32
        %sign3A_330 = arith.extui %sign3A_329 : i1 to i32
        %sign3A_331 = arith.subi %sign3A_327, %sign3A_330 : i32
        %sign3A_332 = arith.constant 0 : i32
        %sign3A_333 = arith.cmpi sgt, %jit3A_323, %sign3A_332 : i32
        %sign3A_334 = arith.extui %sign3A_333 : i1 to i32
        %sign3A_335 = arith.constant 0 : i32
        %sign3A_336 = arith.cmpi slt, %jit3A_323, %sign3A_335 : i32
        %sign3A_337 = arith.extui %sign3A_336 : i1 to i32
        %sign3A_338 = arith.subi %sign3A_334, %sign3A_337 : i32
        %ne3A_339 = arith.cmpi ne, %sign3A_331, %sign3A_338 : i32
        %rem3A_340 = arith.remsi %add3A_97, %jit3A_323 : i32
        %ne3A_341 = arith.constant 0 : i32
        %ne3A_342 = arith.cmpi ne, %rem3A_340, %ne3A_341 : i32
        %and3A_343 = arith.andi %ne3A_339, %ne3A_342 : i1
        %sub3A_344 = arith.constant 1 : i32
        %sub3A_345 = arith.subi %div3A_324, %sub3A_344 : i32
        %select_n3A_346 = arith.select %and3A_343, %sub3A_345, %div3A_324 : i32
        %add3A_347 = arith.constant 1 : i32
        %add3A_348 = arith.addi %select_n3A_346, %add3A_347 : i32
        %mul3A_349 = arith.constant 32 : i32
        %mul3A_350 = arith.muli %add3A_348, %mul3A_349 : i32
        %jit3A_351 = arith.constant 2 : i32
        %eq3A_352 = arith.constant 0 : i32
        %eq3A_353 = arith.cmpi eq, %jit3A_351, %eq3A_352 : i32
        %jit3A_354 = arith.constant 1 : i32
        %select_n3A_355 = arith.select %eq3A_353, %jit3A_354, %jit3A_351 : i32
        %rem3A_356 = arith.remsi %add3A_348, %select_n3A_355 : i32
        %ne3A_357 = arith.constant 0 : i32
        %ne3A_358 = arith.cmpi ne, %rem3A_356, %ne3A_357 : i32
        %lt3A_359 = arith.constant 0 : i32
        %lt3A_360 = arith.cmpi slt, %rem3A_356, %lt3A_359 : i32
        %lt3A_361 = arith.constant 0 : i32
        %lt3A_362 = arith.cmpi slt, %select_n3A_355, %lt3A_361 : i32
        %ne3A_363 = arith.xori %lt3A_360, %lt3A_362 : i1
        %and3A_364 = arith.andi %ne3A_363, %ne3A_358 : i1
        %add3A_365 = arith.addi %rem3A_356, %select_n3A_355 : i32
        %select_n3A_366 = arith.select %and3A_364, %add3A_365, %rem3A_356 : i32
        %dma_start3A_367 = arith.constant 0 : i32
        %dma_start3A_368 = arith.constant 0 : i32
        %dma_start3A_369 = arith.constant 0 : i32
        %dma_start3A_370 = tpu.memref_slice %arg6[%select_n3A_366, %dma_start3A_368, %dma_start3A_369] : memref<2x32x125xi32, #tpu.memory_space<vmem>> -> memref<1x32x125xi32, #tpu.memory_space<vmem>>
        %dma_start3A_371 = tpu.memref_squeeze %dma_start3A_370 : memref<1x32x125xi32, #tpu.memory_space<vmem>> -> memref<32x125xi32, #tpu.memory_space<vmem>>
        %dma_start3A_372 = arith.constant 0 : i32
        %dma_start3A_373 = tpu.memref_slice %arg3[%dma_start3A_367, %arg1, %mul3A_350, %dma_start3A_372] : memref<2x16x160x125xi32, #tpu.memory_space<hbm>> -> memref<1x1x32x125xi32, #tpu.memory_space<hbm>>
        %dma_start3A_374 = tpu.memref_squeeze %dma_start3A_373 : memref<1x1x32x125xi32, #tpu.memory_space<hbm>> -> memref<32x125xi32, #tpu.memory_space<hbm>>
        %dma_start3A_375 = arith.constant 0 : i32
        %dma_start3A_376 = arith.constant 0 : i32
        %dma_start3A_377 = tpu.memref_slice %arg6[%select_n3A_366, %dma_start3A_375, %dma_start3A_376] : memref<2x32x125xi32, #tpu.memory_space<vmem>> -> memref<1x32x125xi32, #tpu.memory_space<vmem>>
        %dma_start3A_378 = tpu.memref_squeeze %dma_start3A_377 : memref<1x32x125xi32, #tpu.memory_space<vmem>> -> memref<32x125xi32, #tpu.memory_space<vmem>>
        %dma_start3A_379 = arith.constant 0 : i32
        %dma_start3A_380 = tpu.memref_slice %arg3[%dma_start3A_367, %arg1, %mul3A_350, %dma_start3A_379] : memref<2x16x160x125xi32, #tpu.memory_space<hbm>> -> memref<1x1x32x125xi32, #tpu.memory_space<hbm>>
        %dma_start3A_381 = tpu.memref_squeeze %dma_start3A_380 : memref<1x1x32x125xi32, #tpu.memory_space<hbm>> -> memref<32x125xi32, #tpu.memory_space<hbm>>
        tpu.enqueue_dma source(%dma_start3A_381 : memref<32x125xi32, #tpu.memory_space<hbm>>) target(%dma_start3A_378 : memref<32x125xi32, #tpu.memory_space<vmem>>) target_semaphore(%arg13 : memref<!tpu.dma_semaphore, #tpu.memory_space<semaphore_mem>>)
        %mul3A_382 = arith.constant 32 : i32
        %mul3A_383 = arith.muli %add3A_348, %mul3A_382 : i32
        %jit3A_384 = arith.constant 2 : i32
        %eq3A_385 = arith.constant 0 : i32
        %eq3A_386 = arith.cmpi eq, %jit3A_384, %eq3A_385 : i32
        %jit3A_387 = arith.constant 1 : i32
        %select_n3A_388 = arith.select %eq3A_386, %jit3A_387, %jit3A_384 : i32
        %rem3A_389 = arith.remsi %add3A_348, %select_n3A_388 : i32
        %ne3A_390 = arith.constant 0 : i32
        %ne3A_391 = arith.cmpi ne, %rem3A_389, %ne3A_390 : i32
        %lt3A_392 = arith.constant 0 : i32
        %lt3A_393 = arith.cmpi slt, %rem3A_389, %lt3A_392 : i32
        %lt3A_394 = arith.constant 0 : i32
        %lt3A_395 = arith.cmpi slt, %select_n3A_388, %lt3A_394 : i32
        %ne3A_396 = arith.xori %lt3A_393, %lt3A_395 : i1
        %and3A_397 = arith.andi %ne3A_396, %ne3A_391 : i1
        %add3A_398 = arith.addi %rem3A_389, %select_n3A_388 : i32
        %select_n3A_399 = arith.select %and3A_397, %add3A_398, %rem3A_389 : i32
        %dma_start3A_400 = arith.constant 1 : i32
        %dma_start3A_401 = arith.constant 0 : i32
        %dma_start3A_402 = arith.constant 0 : i32
        %dma_start3A_403 = tpu.memref_slice %arg7[%select_n3A_399, %dma_start3A_401, %dma_start3A_402] : memref<2x32x125xi32, #tpu.memory_space<vmem>> -> memref<1x32x125xi32, #tpu.memory_space<vmem>>
        %dma_start3A_404 = tpu.memref_squeeze %dma_start3A_403 : memref<1x32x125xi32, #tpu.memory_space<vmem>> -> memref<32x125xi32, #tpu.memory_space<vmem>>
        %dma_start3A_405 = arith.constant 0 : i32
        %dma_start3A_406 = tpu.memref_slice %arg3[%dma_start3A_400, %arg1, %mul3A_383, %dma_start3A_405] : memref<2x16x160x125xi32, #tpu.memory_space<hbm>> -> memref<1x1x32x125xi32, #tpu.memory_space<hbm>>
        %dma_start3A_407 = tpu.memref_squeeze %dma_start3A_406 : memref<1x1x32x125xi32, #tpu.memory_space<hbm>> -> memref<32x125xi32, #tpu.memory_space<hbm>>
        %dma_start3A_408 = arith.constant 0 : i32
        %dma_start3A_409 = arith.constant 0 : i32
        %dma_start3A_410 = tpu.memref_slice %arg7[%select_n3A_399, %dma_start3A_408, %dma_start3A_409] : memref<2x32x125xi32, #tpu.memory_space<vmem>> -> memref<1x32x125xi32, #tpu.memory_space<vmem>>
        %dma_start3A_411 = tpu.memref_squeeze %dma_start3A_410 : memref<1x32x125xi32, #tpu.memory_space<vmem>> -> memref<32x125xi32, #tpu.memory_space<vmem>>
        %dma_start3A_412 = arith.constant 0 : i32
        %dma_start3A_413 = tpu.memref_slice %arg3[%dma_start3A_400, %arg1, %mul3A_383, %dma_start3A_412] : memref<2x16x160x125xi32, #tpu.memory_space<hbm>> -> memref<1x1x32x125xi32, #tpu.memory_space<hbm>>
        %dma_start3A_414 = tpu.memref_squeeze %dma_start3A_413 : memref<1x1x32x125xi32, #tpu.memory_space<hbm>> -> memref<32x125xi32, #tpu.memory_space<hbm>>
        tpu.enqueue_dma source(%dma_start3A_414 : memref<32x125xi32, #tpu.memory_space<hbm>>) target(%dma_start3A_411 : memref<32x125xi32, #tpu.memory_space<vmem>>) target_semaphore(%arg13 : memref<!tpu.dma_semaphore, #tpu.memory_space<semaphore_mem>>)
      } else {
      }
    }
    %scan3A_66 = arith.constant 80 : i32
    %dma_wait3A = arith.constant 0 : i32
    %dma_wait3A_67 = arith.constant 30 : i32
    %dma_wait3A_68 = arith.constant 0 : i32
    %dma_wait3A_69 = tpu.memref_slice %arg7[%dma_wait3A, %dma_wait3A_67, %dma_wait3A_68] : memref<2x32x125xi32, #tpu.memory_space<vmem>> -> memref<1x1x125xi32, #tpu.memory_space<vmem>>
    %dma_wait3A_70 = tpu.memref_squeeze %dma_wait3A_69 : memref<1x1x125xi32, #tpu.memory_space<vmem>> -> memref<125xi32, #tpu.memory_space<vmem>>
    %dma_wait3A_71 = arith.constant 0 : i32
    %dma_wait3A_72 = arith.constant 0 : i32
    %dma_wait3A_73 = tpu.memref_slice %arg10[%dma_wait3A_71, %dma_wait3A_72] : memref<10000x128xf32, #tpu.memory_space<vmem_shared>> -> memref<10000x128xf32, #tpu.memory_space<vmem_shared>>
    tpu.wait_indirect_dma semaphore(%arg14 : memref<!tpu.dma_semaphore, #tpu.memory_space<semaphore_mem>>) src(%arg8 : memref<125x128xf32, #tpu.memory_space<vmem>>) dst(%dma_wait3A_73 : memref<10000x128xf32, #tpu.memory_space<vmem_shared>>)
    %dma_wait3A_74 = arith.constant 0 : i32
    %dma_wait3A_75 = arith.constant 31 : i32
    %dma_wait3A_76 = arith.constant 0 : i32
    %dma_wait3A_77 = tpu.memref_slice %arg7[%dma_wait3A_74, %dma_wait3A_75, %dma_wait3A_76] : memref<2x32x125xi32, #tpu.memory_space<vmem>> -> memref<1x1x125xi32, #tpu.memory_space<vmem>>
    %dma_wait3A_78 = tpu.memref_squeeze %dma_wait3A_77 : memref<1x1x125xi32, #tpu.memory_space<vmem>> -> memref<125xi32, #tpu.memory_space<vmem>>
    %dma_wait3A_79 = arith.constant 0 : i32
    %dma_wait3A_80 = arith.constant 0 : i32
    %dma_wait3A_81 = tpu.memref_slice %arg10[%dma_wait3A_79, %dma_wait3A_80] : memref<10000x128xf32, #tpu.memory_space<vmem_shared>> -> memref<10000x128xf32, #tpu.memory_space<vmem_shared>>
    tpu.wait_indirect_dma semaphore(%arg15 : memref<!tpu.dma_semaphore, #tpu.memory_space<semaphore_mem>>) src(%arg9 : memref<125x128xf32, #tpu.memory_space<vmem>>) dst(%dma_wait3A_81 : memref<10000x128xf32, #tpu.memory_space<vmem_shared>>)
    %barrier3A_82 = arith.constant 0 : index
    tpu.barrier barrier_id(%barrier3A_82)
    "tpu.region"() ({
      %run_scoped3A_88 = tpu.sem_alloc : memref<!tpu.dma_semaphore, #tpu.memory_space<semaphore_mem>>
      %dma_start3A_89 = arith.constant 0 : i32
      %dma_start3A_90 = tpu.memref_slice %arg5[%arg0, %mul3A_0, %dma_start3A_89] : memref<2x10000x128xf32, #tpu.memory_space<hbm>> -> memref<1x624x128xf32, #tpu.memory_space<hbm>>
      %dma_start3A_91 = tpu.memref_squeeze %dma_start3A_90 : memref<1x624x128xf32, #tpu.memory_space<hbm>> -> memref<624x128xf32, #tpu.memory_space<hbm>>
      %dma_start3A_92 = arith.constant 0 : i32
      %dma_start3A_93 = tpu.memref_slice %arg10[%mul3A_0, %dma_start3A_92] : memref<10000x128xf32, #tpu.memory_space<vmem_shared>> -> memref<624x128xf32, #tpu.memory_space<vmem_shared>>
      tpu.enqueue_dma source(%dma_start3A_93 : memref<624x128xf32, #tpu.memory_space<vmem_shared>>) target(%dma_start3A_91 : memref<624x128xf32, #tpu.memory_space<hbm>>) target_semaphore(%run_scoped3A_88 : memref<!tpu.dma_semaphore, #tpu.memory_space<semaphore_mem>>)
      %dma_wait3A_94 = arith.constant 0 : i32
      %dma_wait3A_95 = tpu.memref_slice %arg5[%arg0, %mul3A_0, %dma_wait3A_94] : memref<2x10000x128xf32, #tpu.memory_space<hbm>> -> memref<1x624x128xf32, #tpu.memory_space<hbm>>
      %dma_wait3A_96 = tpu.memref_squeeze %dma_wait3A_95 : memref<1x624x128xf32, #tpu.memory_space<hbm>> -> memref<624x128xf32, #tpu.memory_space<hbm>>
      %dma_wait3A_97 = arith.constant 0 : i32
      %dma_wait3A_98 = tpu.memref_slice %arg10[%mul3A_0, %dma_wait3A_97] : memref<10000x128xf32, #tpu.memory_space<vmem_shared>> -> memref<624x128xf32, #tpu.memory_space<vmem_shared>>
      tpu.wait_dma2 semaphore(%run_scoped3A_88 : memref<!tpu.dma_semaphore, #tpu.memory_space<semaphore_mem>>) src(%dma_wait3A_98 : memref<624x128xf32, #tpu.memory_space<vmem_shared>>) dst(%dma_wait3A_96 : memref<624x128xf32, #tpu.memory_space<hbm>>)
      tpu.yield
    }) : () -> ()
    %eq3A_83 = arith.constant 0 : i32
    %eq3A_84 = arith.cmpi eq, %arg1, %eq3A_83 : i32
    %convert_element_type3A_85 = arith.extui %eq3A_84 : i1 to i32
    %cond3A_86 = arith.constant 0 : i32
    %cond3A_87 = arith.cmpi ne, %convert_element_type3A_85, %cond3A_86 : i32
    scf.if %cond3A_87 {
      "tpu.region"() ({
        %run_scoped3A_88 = tpu.sem_alloc : memref<!tpu.dma_semaphore, #tpu.memory_space<semaphore_mem>>
        %dma_start3A_89 = arith.constant 9984 : i32
        %dma_start3A_90 = arith.constant 0 : i32
        %dma_start3A_91 = tpu.memref_slice %arg5[%arg0, %dma_start3A_89, %dma_start3A_90] : memref<2x10000x128xf32, #tpu.memory_space<hbm>> -> memref<1x16x128xf32, #tpu.memory_space<hbm>>
        %dma_start3A_92 = tpu.memref_squeeze %dma_start3A_91 : memref<1x16x128xf32, #tpu.memory_space<hbm>> -> memref<16x128xf32, #tpu.memory_space<hbm>>
        %dma_start3A_93 = arith.constant 9984 : i32
        %dma_start3A_94 = arith.constant 0 : i32
        %dma_start3A_95 = tpu.memref_slice %arg10[%dma_start3A_93, %dma_start3A_94] : memref<10000x128xf32, #tpu.memory_space<vmem_shared>> -> memref<16x128xf32, #tpu.memory_space<vmem_shared>>
        tpu.enqueue_dma source(%dma_start3A_95 : memref<16x128xf32, #tpu.memory_space<vmem_shared>>) target(%dma_start3A_92 : memref<16x128xf32, #tpu.memory_space<hbm>>) target_semaphore(%run_scoped3A_88 : memref<!tpu.dma_semaphore, #tpu.memory_space<semaphore_mem>>)
        %dma_wait3A_96 = arith.constant 9984 : i32
        %dma_wait3A_97 = arith.constant 0 : i32
        %dma_wait3A_98 = tpu.memref_slice %arg5[%arg0, %dma_wait3A_96, %dma_wait3A_97] : memref<2x10000x128xf32, #tpu.memory_space<hbm>> -> memref<1x16x128xf32, #tpu.memory_space<hbm>>
        %dma_wait3A_99 = tpu.memref_squeeze %dma_wait3A_98 : memref<1x16x128xf32, #tpu.memory_space<hbm>> -> memref<16x128xf32, #tpu.memory_space<hbm>>
        %dma_wait3A_100 = arith.constant 9984 : i32
        %dma_wait3A_101 = arith.constant 0 : i32
        %dma_wait3A_102 = tpu.memref_slice %arg10[%dma_wait3A_100, %dma_wait3A_101] : memref<10000x128xf32, #tpu.memory_space<vmem_shared>> -> memref<16x128xf32, #tpu.memory_space<vmem_shared>>
        tpu.wait_dma2 semaphore(%run_scoped3A_88 : memref<!tpu.dma_semaphore, #tpu.memory_space<semaphore_mem>>) src(%dma_wait3A_102 : memref<16x128xf32, #tpu.memory_space<vmem_shared>>) dst(%dma_wait3A_99 : memref<16x128xf32, #tpu.memory_space<hbm>>)
        tpu.yield
      }) : () -> ()
    } else {
    }
    return
  }
}

#map = affine_map<(d0, d1) -> (0, 0)>
#map1 = affine_map<(d0, d1) -> (0, 0, 0, 0)>
#map2 = affine_map<(d0, d1) -> (0, 0, 0)>
module attributes {stable_mosaic.version = 14 : i64} {
  func.func @_sc_agg_body(%arg0: i32, %arg1: i32, %arg2: memref<20000x128xf32, #tpu.memory_space<hbm>>, %arg3: memref<2x16x160x125xi32, #tpu.memory_space<hbm>>, %arg4: memref<10000x128xf32, #tpu.memory_space<hbm>>, %arg5: memref<2x10000x128xf32, #tpu.memory_space<hbm>>, %arg6: memref<2x32x125xi32, #tpu.memory_space<vmem>>, %arg7: memref<2x32x125xi32, #tpu.memory_space<vmem>>, %arg8: memref<125x128xf32, #tpu.memory_space<vmem>>, %arg9: memref<125x128xf32, #tpu.memory_space<vmem>>, %arg10: memref<10000x128xf32, #tpu.memory_space<vmem_shared>>, %arg11: memref<!tpu.dma_semaphore, #tpu.memory_space<semaphore_mem>>, %arg12: memref<!tpu.dma_semaphore, #tpu.memory_space<semaphore_mem>>, %arg13: memref<!tpu.dma_semaphore, #tpu.memory_space<semaphore_mem>>, %arg14: memref<!tpu.dma_semaphore, #tpu.memory_space<semaphore_mem>>, %arg15: memref<!tpu.dma_semaphore, #tpu.memory_space<semaphore_mem>>) attributes {dimension_semantics = [#tpu.dimension_semantics<core_parallel>, #tpu.dimension_semantics<subcore_parallel>], iteration_bounds = array<i64: 2, 16>, scalar_prefetch = 0 : i64, scratch_operands = 10 : i64, tpu.core_type = #tpu.core_type<sc_vector_subcore>, window_params = [{transform_indices = #map}, {transform_indices = #map1}, {transform_indices = #map}, {transform_indices = #map2}]} {
    %mul3A = arith.constant 624 : i32
    %mul3A_0 = arith.muli %arg1, %mul3A : i32
    %mul3A_1 = arith.constant 10000 : i32
    %mul3A_2 = arith.muli %arg0, %mul3A_1 : i32
    "tpu.region"() ({
      %run_scoped3A_88 = tpu.sem_alloc : memref<!tpu.dma_semaphore, #tpu.memory_space<semaphore_mem>>
      %dma_start3A_89 = arith.constant 0 : i32
      %dma_start3A_90 = tpu.memref_slice %arg10[%mul3A_0, %dma_start3A_89] : memref<10000x128xf32, #tpu.memory_space<vmem_shared>> -> memref<624x128xf32, #tpu.memory_space<vmem_shared>>
      %dma_start3A_91 = arith.constant 0 : i32
      %dma_start3A_92 = tpu.memref_slice %arg4[%mul3A_0, %dma_start3A_91] : memref<10000x128xf32, #tpu.memory_space<hbm>> -> memref<624x128xf32, #tpu.memory_space<hbm>>
      tpu.enqueue_dma source(%dma_start3A_92 : memref<624x128xf32, #tpu.memory_space<hbm>>) target(%dma_start3A_90 : memref<624x128xf32, #tpu.memory_space<vmem_shared>>) target_semaphore(%run_scoped3A_88 : memref<!tpu.dma_semaphore, #tpu.memory_space<semaphore_mem>>)
      %dma_wait3A_93 = arith.constant 0 : i32
      %dma_wait3A_94 = tpu.memref_slice %arg10[%mul3A_0, %dma_wait3A_93] : memref<10000x128xf32, #tpu.memory_space<vmem_shared>> -> memref<624x128xf32, #tpu.memory_space<vmem_shared>>
      %dma_wait3A_95 = arith.constant 0 : i32
      %dma_wait3A_96 = tpu.memref_slice %arg4[%mul3A_0, %dma_wait3A_95] : memref<10000x128xf32, #tpu.memory_space<hbm>> -> memref<624x128xf32, #tpu.memory_space<hbm>>
      tpu.wait_dma2 semaphore(%run_scoped3A_88 : memref<!tpu.dma_semaphore, #tpu.memory_space<semaphore_mem>>) src(%dma_wait3A_96 : memref<624x128xf32, #tpu.memory_space<hbm>>) dst(%dma_wait3A_94 : memref<624x128xf32, #tpu.memory_space<vmem_shared>>)
      tpu.yield
    }) : () -> ()
    %eq3A = arith.constant 0 : i32
    %eq3A_3 = arith.cmpi eq, %arg1, %eq3A : i32
    %convert_element_type3A = arith.extui %eq3A_3 : i1 to i32
    %cond3A = arith.constant 0 : i32
    %cond3A_4 = arith.cmpi ne, %convert_element_type3A, %cond3A : i32
    scf.if %cond3A_4 {
      "tpu.region"() ({
        %run_scoped3A_88 = tpu.sem_alloc : memref<!tpu.dma_semaphore, #tpu.memory_space<semaphore_mem>>
        %dma_start3A_89 = arith.constant 9984 : i32
        %dma_start3A_90 = arith.constant 0 : i32
        %dma_start3A_91 = tpu.memref_slice %arg10[%dma_start3A_89, %dma_start3A_90] : memref<10000x128xf32, #tpu.memory_space<vmem_shared>> -> memref<16x128xf32, #tpu.memory_space<vmem_shared>>
        %dma_start3A_92 = arith.constant 9984 : i32
        %dma_start3A_93 = arith.constant 0 : i32
        %dma_start3A_94 = tpu.memref_slice %arg4[%dma_start3A_92, %dma_start3A_93] : memref<10000x128xf32, #tpu.memory_space<hbm>> -> memref<16x128xf32, #tpu.memory_space<hbm>>
        tpu.enqueue_dma source(%dma_start3A_94 : memref<16x128xf32, #tpu.memory_space<hbm>>) target(%dma_start3A_91 : memref<16x128xf32, #tpu.memory_space<vmem_shared>>) target_semaphore(%run_scoped3A_88 : memref<!tpu.dma_semaphore, #tpu.memory_space<semaphore_mem>>)
        %dma_wait3A_95 = arith.constant 9984 : i32
        %dma_wait3A_96 = arith.constant 0 : i32
        %dma_wait3A_97 = tpu.memref_slice %arg10[%dma_wait3A_95, %dma_wait3A_96] : memref<10000x128xf32, #tpu.memory_space<vmem_shared>> -> memref<16x128xf32, #tpu.memory_space<vmem_shared>>
        %dma_wait3A_98 = arith.constant 9984 : i32
        %dma_wait3A_99 = arith.constant 0 : i32
        %dma_wait3A_100 = tpu.memref_slice %arg4[%dma_wait3A_98, %dma_wait3A_99] : memref<10000x128xf32, #tpu.memory_space<hbm>> -> memref<16x128xf32, #tpu.memory_space<hbm>>
        tpu.wait_dma2 semaphore(%run_scoped3A_88 : memref<!tpu.dma_semaphore, #tpu.memory_space<semaphore_mem>>) src(%dma_wait3A_100 : memref<16x128xf32, #tpu.memory_space<hbm>>) dst(%dma_wait3A_97 : memref<16x128xf32, #tpu.memory_space<vmem_shared>>)
        tpu.yield
      }) : () -> ()
    } else {
    }
    %run_scoped3A = arith.constant 0 : i32
    %run_scoped3A_5 = arith.constant 0 : i32
    "tpu.region"() ({
      %run_scoped3A_88 = tpu.sem_alloc : memref<!tpu.dma_semaphore, #tpu.memory_space<semaphore_mem>>
      %dma_start3A_89 = arith.constant 0 : i32
      %dma_start3A_90 = arith.constant 0 : i32
      %dma_start3A_91 = tpu.memref_slice %arg6[%run_scoped3A_5, %dma_start3A_89, %dma_start3A_90] : memref<2x32x125xi32, #tpu.memory_space<vmem>> -> memref<1x32x125xi32, #tpu.memory_space<vmem>>
      %dma_start3A_92 = tpu.memref_squeeze %dma_start3A_91 : memref<1x32x125xi32, #tpu.memory_space<vmem>> -> memref<32x125xi32, #tpu.memory_space<vmem>>
      %dma_start3A_93 = arith.constant 0 : i32
      %dma_start3A_94 = arith.constant 0 : i32
      %dma_start3A_95 = tpu.memref_slice %arg3[%run_scoped3A, %arg1, %dma_start3A_93, %dma_start3A_94] : memref<2x16x160x125xi32, #tpu.memory_space<hbm>> -> memref<1x1x32x125xi32, #tpu.memory_space<hbm>>
      %dma_start3A_96 = tpu.memref_squeeze %dma_start3A_95 : memref<1x1x32x125xi32, #tpu.memory_space<hbm>> -> memref<32x125xi32, #tpu.memory_space<hbm>>
      %dma_start3A_97 = arith.constant 0 : i32
      %dma_start3A_98 = arith.constant 0 : i32
      %dma_start3A_99 = tpu.memref_slice %arg6[%run_scoped3A_5, %dma_start3A_97, %dma_start3A_98] : memref<2x32x125xi32, #tpu.memory_space<vmem>> -> memref<1x32x125xi32, #tpu.memory_space<vmem>>
      %dma_start3A_100 = tpu.memref_squeeze %dma_start3A_99 : memref<1x32x125xi32, #tpu.memory_space<vmem>> -> memref<32x125xi32, #tpu.memory_space<vmem>>
      %dma_start3A_101 = arith.constant 0 : i32
      %dma_start3A_102 = arith.constant 0 : i32
      %dma_start3A_103 = tpu.memref_slice %arg3[%run_scoped3A, %arg1, %dma_start3A_101, %dma_start3A_102] : memref<2x16x160x125xi32, #tpu.memory_space<hbm>> -> memref<1x1x32x125xi32, #tpu.memory_space<hbm>>
      %dma_start3A_104 = tpu.memref_squeeze %dma_start3A_103 : memref<1x1x32x125xi32, #tpu.memory_space<hbm>> -> memref<32x125xi32, #tpu.memory_space<hbm>>
      tpu.enqueue_dma source(%dma_start3A_104 : memref<32x125xi32, #tpu.memory_space<hbm>>) target(%dma_start3A_100 : memref<32x125xi32, #tpu.memory_space<vmem>>) target_semaphore(%run_scoped3A_88 : memref<!tpu.dma_semaphore, #tpu.memory_space<semaphore_mem>>)
      %dma_wait3A_105 = arith.constant 0 : i32
      %dma_wait3A_106 = arith.constant 0 : i32
      %dma_wait3A_107 = tpu.memref_slice %arg6[%run_scoped3A_5, %dma_wait3A_105, %dma_wait3A_106] : memref<2x32x125xi32, #tpu.memory_space<vmem>> -> memref<1x32x125xi32, #tpu.memory_space<vmem>>
      %dma_wait3A_108 = tpu.memref_squeeze %dma_wait3A_107 : memref<1x32x125xi32, #tpu.memory_space<vmem>> -> memref<32x125xi32, #tpu.memory_space<vmem>>
      %dma_wait3A_109 = arith.constant 0 : i32
      %dma_wait3A_110 = arith.constant 0 : i32
      %dma_wait3A_111 = tpu.memref_slice %arg3[%run_scoped3A, %arg1, %dma_wait3A_109, %dma_wait3A_110] : memref<2x16x160x125xi32, #tpu.memory_space<hbm>> -> memref<1x1x32x125xi32, #tpu.memory_space<hbm>>
      %dma_wait3A_112 = tpu.memref_squeeze %dma_wait3A_111 : memref<1x1x32x125xi32, #tpu.memory_space<hbm>> -> memref<32x125xi32, #tpu.memory_space<hbm>>
      %dma_wait3A_113 = arith.constant 0 : i32
      %dma_wait3A_114 = arith.constant 0 : i32
      %dma_wait3A_115 = tpu.memref_slice %arg6[%run_scoped3A_5, %dma_wait3A_113, %dma_wait3A_114] : memref<2x32x125xi32, #tpu.memory_space<vmem>> -> memref<1x32x125xi32, #tpu.memory_space<vmem>>
      %dma_wait3A_116 = tpu.memref_squeeze %dma_wait3A_115 : memref<1x32x125xi32, #tpu.memory_space<vmem>> -> memref<32x125xi32, #tpu.memory_space<vmem>>
      %dma_wait3A_117 = arith.constant 0 : i32
      %dma_wait3A_118 = arith.constant 0 : i32
      %dma_wait3A_119 = tpu.memref_slice %arg3[%run_scoped3A, %arg1, %dma_wait3A_117, %dma_wait3A_118] : memref<2x16x160x125xi32, #tpu.memory_space<hbm>> -> memref<1x1x32x125xi32, #tpu.memory_space<hbm>>
      %dma_wait3A_120 = tpu.memref_squeeze %dma_wait3A_119 : memref<1x1x32x125xi32, #tpu.memory_space<hbm>> -> memref<32x125xi32, #tpu.memory_space<hbm>>
      tpu.wait_dma2 semaphore(%run_scoped3A_88 : memref<!tpu.dma_semaphore, #tpu.memory_space<semaphore_mem>>) src(%dma_wait3A_120 : memref<32x125xi32, #tpu.memory_space<hbm>>) dst(%dma_wait3A_116 : memref<32x125xi32, #tpu.memory_space<vmem>>)
      tpu.yield
    }) : () -> ()
    %run_scoped3A_6 = arith.constant 1 : i32
    %run_scoped3A_7 = arith.constant 0 : i32
    "tpu.region"() ({
      %run_scoped3A_88 = tpu.sem_alloc : memref<!tpu.dma_semaphore, #tpu.memory_space<semaphore_mem>>
      %dma_start3A_89 = arith.constant 0 : i32
      %dma_start3A_90 = arith.constant 0 : i32
      %dma_start3A_91 = tpu.memref_slice %arg7[%run_scoped3A_7, %dma_start3A_89, %dma_start3A_90] : memref<2x32x125xi32, #tpu.memory_space<vmem>> -> memref<1x32x125xi32, #tpu.memory_space<vmem>>
      %dma_start3A_92 = tpu.memref_squeeze %dma_start3A_91 : memref<1x32x125xi32, #tpu.memory_space<vmem>> -> memref<32x125xi32, #tpu.memory_space<vmem>>
      %dma_start3A_93 = arith.constant 0 : i32
      %dma_start3A_94 = arith.constant 0 : i32
      %dma_start3A_95 = tpu.memref_slice %arg3[%run_scoped3A_6, %arg1, %dma_start3A_93, %dma_start3A_94] : memref<2x16x160x125xi32, #tpu.memory_space<hbm>> -> memref<1x1x32x125xi32, #tpu.memory_space<hbm>>
      %dma_start3A_96 = tpu.memref_squeeze %dma_start3A_95 : memref<1x1x32x125xi32, #tpu.memory_space<hbm>> -> memref<32x125xi32, #tpu.memory_space<hbm>>
      %dma_start3A_97 = arith.constant 0 : i32
      %dma_start3A_98 = arith.constant 0 : i32
      %dma_start3A_99 = tpu.memref_slice %arg7[%run_scoped3A_7, %dma_start3A_97, %dma_start3A_98] : memref<2x32x125xi32, #tpu.memory_space<vmem>> -> memref<1x32x125xi32, #tpu.memory_space<vmem>>
      %dma_start3A_100 = tpu.memref_squeeze %dma_start3A_99 : memref<1x32x125xi32, #tpu.memory_space<vmem>> -> memref<32x125xi32, #tpu.memory_space<vmem>>
      %dma_start3A_101 = arith.constant 0 : i32
      %dma_start3A_102 = arith.constant 0 : i32
      %dma_start3A_103 = tpu.memref_slice %arg3[%run_scoped3A_6, %arg1, %dma_start3A_101, %dma_start3A_102] : memref<2x16x160x125xi32, #tpu.memory_space<hbm>> -> memref<1x1x32x125xi32, #tpu.memory_space<hbm>>
      %dma_start3A_104 = tpu.memref_squeeze %dma_start3A_103 : memref<1x1x32x125xi32, #tpu.memory_space<hbm>> -> memref<32x125xi32, #tpu.memory_space<hbm>>
      tpu.enqueue_dma source(%dma_start3A_104 : memref<32x125xi32, #tpu.memory_space<hbm>>) target(%dma_start3A_100 : memref<32x125xi32, #tpu.memory_space<vmem>>) target_semaphore(%run_scoped3A_88 : memref<!tpu.dma_semaphore, #tpu.memory_space<semaphore_mem>>)
      %dma_wait3A_105 = arith.constant 0 : i32
      %dma_wait3A_106 = arith.constant 0 : i32
      %dma_wait3A_107 = tpu.memref_slice %arg7[%run_scoped3A_7, %dma_wait3A_105, %dma_wait3A_106] : memref<2x32x125xi32, #tpu.memory_space<vmem>> -> memref<1x32x125xi32, #tpu.memory_space<vmem>>
      %dma_wait3A_108 = tpu.memref_squeeze %dma_wait3A_107 : memref<1x32x125xi32, #tpu.memory_space<vmem>> -> memref<32x125xi32, #tpu.memory_space<vmem>>
      %dma_wait3A_109 = arith.constant 0 : i32
      %dma_wait3A_110 = arith.constant 0 : i32
      %dma_wait3A_111 = tpu.memref_slice %arg3[%run_scoped3A_6, %arg1, %dma_wait3A_109, %dma_wait3A_110] : memref<2x16x160x125xi32, #tpu.memory_space<hbm>> -> memref<1x1x32x125xi32, #tpu.memory_space<hbm>>
      %dma_wait3A_112 = tpu.memref_squeeze %dma_wait3A_111 : memref<1x1x32x125xi32, #tpu.memory_space<hbm>> -> memref<32x125xi32, #tpu.memory_space<hbm>>
      %dma_wait3A_113 = arith.constant 0 : i32
      %dma_wait3A_114 = arith.constant 0 : i32
      %dma_wait3A_115 = tpu.memref_slice %arg7[%run_scoped3A_7, %dma_wait3A_113, %dma_wait3A_114] : memref<2x32x125xi32, #tpu.memory_space<vmem>> -> memref<1x32x125xi32, #tpu.memory_space<vmem>>
      %dma_wait3A_116 = tpu.memref_squeeze %dma_wait3A_115 : memref<1x32x125xi32, #tpu.memory_space<vmem>> -> memref<32x125xi32, #tpu.memory_space<vmem>>
      %dma_wait3A_117 = arith.constant 0 : i32
      %dma_wait3A_118 = arith.constant 0 : i32
      %dma_wait3A_119 = tpu.memref_slice %arg3[%run_scoped3A_6, %arg1, %dma_wait3A_117, %dma_wait3A_118] : memref<2x16x160x125xi32, #tpu.memory_space<hbm>> -> memref<1x1x32x125xi32, #tpu.memory_space<hbm>>
      %dma_wait3A_120 = tpu.memref_squeeze %dma_wait3A_119 : memref<1x1x32x125xi32, #tpu.memory_space<hbm>> -> memref<32x125xi32, #tpu.memory_space<hbm>>
      tpu.wait_dma2 semaphore(%run_scoped3A_88 : memref<!tpu.dma_semaphore, #tpu.memory_space<semaphore_mem>>) src(%dma_wait3A_120 : memref<32x125xi32, #tpu.memory_space<hbm>>) dst(%dma_wait3A_116 : memref<32x125xi32, #tpu.memory_space<vmem>>)
      tpu.yield
    }) : () -> ()
    %barrier3A = arith.constant 0 : index
    tpu.barrier barrier_id(%barrier3A)
    %dma_start3A = arith.constant 0 : i32
    %dma_start3A_8 = arith.constant 1 : i32
    %dma_start3A_9 = arith.constant 0 : i32
    %dma_start3A_10 = arith.constant 0 : i32
    %dma_start3A_11 = tpu.memref_slice %arg6[%dma_start3A_8, %dma_start3A_9, %dma_start3A_10] : memref<2x32x125xi32, #tpu.memory_space<vmem>> -> memref<1x32x125xi32, #tpu.memory_space<vmem>>
    %dma_start3A_12 = tpu.memref_squeeze %dma_start3A_11 : memref<1x32x125xi32, #tpu.memory_space<vmem>> -> memref<32x125xi32, #tpu.memory_space<vmem>>
    %dma_start3A_13 = arith.constant 32 : i32
    %dma_start3A_14 = arith.constant 0 : i32
    %dma_start3A_15 = tpu.memref_slice %arg3[%dma_start3A, %arg1, %dma_start3A_13, %dma_start3A_14] : memref<2x16x160x125xi32, #tpu.memory_space<hbm>> -> memref<1x1x32x125xi32, #tpu.memory_space<hbm>>
    %dma_start3A_16 = tpu.memref_squeeze %dma_start3A_15 : memref<1x1x32x125xi32, #tpu.memory_space<hbm>> -> memref<32x125xi32, #tpu.memory_space<hbm>>
    %dma_start3A_17 = arith.constant 0 : i32
    %dma_start3A_18 = arith.constant 0 : i32
    %dma_start3A_19 = tpu.memref_slice %arg6[%dma_start3A_8, %dma_start3A_17, %dma_start3A_18] : memref<2x32x125xi32, #tpu.memory_space<vmem>> -> memref<1x32x125xi32, #tpu.memory_space<vmem>>
    %dma_start3A_20 = tpu.memref_squeeze %dma_start3A_19 : memref<1x32x125xi32, #tpu.memory_space<vmem>> -> memref<32x125xi32, #tpu.memory_space<vmem>>
    %dma_start3A_21 = arith.constant 32 : i32
    %dma_start3A_22 = arith.constant 0 : i32
    %dma_start3A_23 = tpu.memref_slice %arg3[%dma_start3A, %arg1, %dma_start3A_21, %dma_start3A_22] : memref<2x16x160x125xi32, #tpu.memory_space<hbm>> -> memref<1x1x32x125xi32, #tpu.memory_space<hbm>>
    %dma_start3A_24 = tpu.memref_squeeze %dma_start3A_23 : memref<1x1x32x125xi32, #tpu.memory_space<hbm>> -> memref<32x125xi32, #tpu.memory_space<hbm>>
    tpu.enqueue_dma source(%dma_start3A_24 : memref<32x125xi32, #tpu.memory_space<hbm>>) target(%dma_start3A_20 : memref<32x125xi32, #tpu.memory_space<vmem>>) target_semaphore(%arg13 : memref<!tpu.dma_semaphore, #tpu.memory_space<semaphore_mem>>)
    %dma_start3A_25 = arith.constant 1 : i32
    %dma_start3A_26 = arith.constant 1 : i32
    %dma_start3A_27 = arith.constant 0 : i32
    %dma_start3A_28 = arith.constant 0 : i32
    %dma_start3A_29 = tpu.memref_slice %arg7[%dma_start3A_26, %dma_start3A_27, %dma_start3A_28] : memref<2x32x125xi32, #tpu.memory_space<vmem>> -> memref<1x32x125xi32, #tpu.memory_space<vmem>>
    %dma_start3A_30 = tpu.memref_squeeze %dma_start3A_29 : memref<1x32x125xi32, #tpu.memory_space<vmem>> -> memref<32x125xi32, #tpu.memory_space<vmem>>
    %dma_start3A_31 = arith.constant 32 : i32
    %dma_start3A_32 = arith.constant 0 : i32
    %dma_start3A_33 = tpu.memref_slice %arg3[%dma_start3A_25, %arg1, %dma_start3A_31, %dma_start3A_32] : memref<2x16x160x125xi32, #tpu.memory_space<hbm>> -> memref<1x1x32x125xi32, #tpu.memory_space<hbm>>
    %dma_start3A_34 = tpu.memref_squeeze %dma_start3A_33 : memref<1x1x32x125xi32, #tpu.memory_space<hbm>> -> memref<32x125xi32, #tpu.memory_space<hbm>>
    %dma_start3A_35 = arith.constant 0 : i32
    %dma_start3A_36 = arith.constant 0 : i32
    %dma_start3A_37 = tpu.memref_slice %arg7[%dma_start3A_26, %dma_start3A_35, %dma_start3A_36] : memref<2x32x125xi32, #tpu.memory_space<vmem>> -> memref<1x32x125xi32, #tpu.memory_space<vmem>>
    %dma_start3A_38 = tpu.memref_squeeze %dma_start3A_37 : memref<1x32x125xi32, #tpu.memory_space<vmem>> -> memref<32x125xi32, #tpu.memory_space<vmem>>
    %dma_start3A_39 = arith.constant 32 : i32
    %dma_start3A_40 = arith.constant 0 : i32
    %dma_start3A_41 = tpu.memref_slice %arg3[%dma_start3A_25, %arg1, %dma_start3A_39, %dma_start3A_40] : memref<2x16x160x125xi32, #tpu.memory_space<hbm>> -> memref<1x1x32x125xi32, #tpu.memory_space<hbm>>
    %dma_start3A_42 = tpu.memref_squeeze %dma_start3A_41 : memref<1x1x32x125xi32, #tpu.memory_space<hbm>> -> memref<32x125xi32, #tpu.memory_space<hbm>>
    tpu.enqueue_dma source(%dma_start3A_42 : memref<32x125xi32, #tpu.memory_space<hbm>>) target(%dma_start3A_38 : memref<32x125xi32, #tpu.memory_space<vmem>>) target_semaphore(%arg13 : memref<!tpu.dma_semaphore, #tpu.memory_space<semaphore_mem>>)
    %dma_start3A_43 = arith.constant 0 : i32
    %dma_start3A_44 = arith.constant 0 : i32
    %dma_start3A_45 = arith.constant 0 : i32
    %dma_start3A_46 = tpu.memref_slice %arg6[%dma_start3A_43, %dma_start3A_44, %dma_start3A_45] : memref<2x32x125xi32, #tpu.memory_space<vmem>> -> memref<1x1x125xi32, #tpu.memory_space<vmem>>
    %dma_start3A_47 = tpu.memref_squeeze %dma_start3A_46 : memref<1x1x125xi32, #tpu.memory_space<vmem>> -> memref<125xi32, #tpu.memory_space<vmem>>
    %dma_start3A_48 = arith.constant 0 : i32
    %dma_start3A_49 = tpu.memref_slice %arg2[%mul3A_2, %dma_start3A_48] : memref<20000x128xf32, #tpu.memory_space<hbm>> -> memref<10000x128xf32, #tpu.memory_space<hbm>>
    %dma_start3A_50 = arith.constant 0 : i32
    %dma_start3A_51 = arith.constant 0 : i32
    %dma_start3A_52 = tpu.memref_slice %dma_start3A_49[%dma_start3A_50, %dma_start3A_51] : memref<10000x128xf32, #tpu.memory_space<hbm>> -> memref<10000x128xf32, #tpu.memory_space<hbm>>
    tpu.enqueue_indirect_dma source(%dma_start3A_52 : memref<10000x128xf32, #tpu.memory_space<hbm>>) target(%arg8 : memref<125x128xf32, #tpu.memory_space<vmem>>) offsets(%dma_start3A_47 : memref<125xi32, #tpu.memory_space<vmem>>) semaphore(%arg11 : memref<!tpu.dma_semaphore, #tpu.memory_space<semaphore_mem>>)
    %dma_start3A_53 = arith.constant 0 : i32
    %dma_start3A_54 = arith.constant 1 : i32
    %dma_start3A_55 = arith.constant 0 : i32
    %dma_start3A_56 = tpu.memref_slice %arg6[%dma_start3A_53, %dma_start3A_54, %dma_start3A_55] : memref<2x32x125xi32, #tpu.memory_space<vmem>> -> memref<1x1x125xi32, #tpu.memory_space<vmem>>
    %dma_start3A_57 = tpu.memref_squeeze %dma_start3A_56 : memref<1x1x125xi32, #tpu.memory_space<vmem>> -> memref<125xi32, #tpu.memory_space<vmem>>
    %dma_start3A_58 = arith.constant 0 : i32
    %dma_start3A_59 = tpu.memref_slice %arg2[%mul3A_2, %dma_start3A_58] : memref<20000x128xf32, #tpu.memory_space<hbm>> -> memref<10000x128xf32, #tpu.memory_space<hbm>>
    %dma_start3A_60 = arith.constant 0 : i32
    %dma_start3A_61 = arith.constant 0 : i32
    %dma_start3A_62 = tpu.memref_slice %dma_start3A_59[%dma_start3A_60, %dma_start3A_61] : memref<10000x128xf32, #tpu.memory_space<hbm>> -> memref<10000x128xf32, #tpu.memory_space<hbm>>
    tpu.enqueue_indirect_dma source(%dma_start3A_62 : memref<10000x128xf32, #tpu.memory_space<hbm>>) target(%arg9 : memref<125x128xf32, #tpu.memory_space<vmem>>) offsets(%dma_start3A_57 : memref<125xi32, #tpu.memory_space<vmem>>) semaphore(%arg12 : memref<!tpu.dma_semaphore, #tpu.memory_space<semaphore_mem>>)
    %scan3A = arith.constant 0 : i32
    %scan3A_63 = arith.constant 80 : i32
    %scan3A_64 = arith.addi %scan3A, %scan3A_63 : i32
    %scan3A_65 = arith.constant 1 : i32
    scf.for %scan3A_88 = %scan3A to %scan3A_64 step %scan3A_65  : i32 {
      %mul3A_89 = arith.constant 1 : i32
      %mul3A_90 = arith.muli %scan3A_88, %mul3A_89 : i32
      %add3A = arith.constant 0 : i32
      %add3A_91 = arith.addi %add3A, %mul3A_90 : i32
      %mul3A_92 = arith.constant 2 : i32
      %mul3A_93 = arith.muli %mul3A_92, %add3A_91 : i32
      %add3A_94 = arith.constant 1 : i32
      %add3A_95 = arith.addi %mul3A_93, %add3A_94 : i32
      %add3A_96 = arith.constant 2 : i32
      %add3A_97 = arith.addi %mul3A_93, %add3A_96 : i32
      %add3A_98 = arith.constant 3 : i32
      %add3A_99 = arith.addi %mul3A_93, %add3A_98 : i32
      %jit3A = arith.constant 32 : i32
      %div3A = arith.divsi %mul3A_93, %jit3A : i32
      %sign3A = arith.constant 0 : i32
      %sign3A_100 = arith.cmpi sgt, %mul3A_93, %sign3A : i32
      %sign3A_101 = arith.extui %sign3A_100 : i1 to i32
      %sign3A_102 = arith.constant 0 : i32
      %sign3A_103 = arith.cmpi slt, %mul3A_93, %sign3A_102 : i32
      %sign3A_104 = arith.extui %sign3A_103 : i1 to i32
      %sign3A_105 = arith.subi %sign3A_101, %sign3A_104 : i32
      %sign3A_106 = arith.constant 0 : i32
      %sign3A_107 = arith.cmpi sgt, %jit3A, %sign3A_106 : i32
      %sign3A_108 = arith.extui %sign3A_107 : i1 to i32
      %sign3A_109 = arith.constant 0 : i32
      %sign3A_110 = arith.cmpi slt, %jit3A, %sign3A_109 : i32
      %sign3A_111 = arith.extui %sign3A_110 : i1 to i32
      %sign3A_112 = arith.subi %sign3A_108, %sign3A_111 : i32
      %ne3A = arith.cmpi ne, %sign3A_105, %sign3A_112 : i32
      %rem3A = arith.remsi %mul3A_93, %jit3A : i32
      %ne3A_113 = arith.constant 0 : i32
      %ne3A_114 = arith.cmpi ne, %rem3A, %ne3A_113 : i32
      %and3A = arith.andi %ne3A, %ne3A_114 : i1
      %sub3A = arith.constant 1 : i32
      %sub3A_115 = arith.subi %div3A, %sub3A : i32
      %select_n3A = arith.select %and3A, %sub3A_115, %div3A : i32
      %jit3A_116 = arith.constant 2 : i32
      %eq3A_117 = arith.constant 0 : i32
      %eq3A_118 = arith.cmpi eq, %jit3A_116, %eq3A_117 : i32
      %jit3A_119 = arith.constant 1 : i32
      %select_n3A_120 = arith.select %eq3A_118, %jit3A_119, %jit3A_116 : i32
      %rem3A_121 = arith.remsi %select_n3A, %select_n3A_120 : i32
      %ne3A_122 = arith.constant 0 : i32
      %ne3A_123 = arith.cmpi ne, %rem3A_121, %ne3A_122 : i32
      %lt3A = arith.constant 0 : i32
      %lt3A_124 = arith.cmpi slt, %rem3A_121, %lt3A : i32
      %lt3A_125 = arith.constant 0 : i32
      %lt3A_126 = arith.cmpi slt, %select_n3A_120, %lt3A_125 : i32
      %ne3A_127 = arith.xori %lt3A_124, %lt3A_126 : i1
      %and3A_128 = arith.andi %ne3A_127, %ne3A_123 : i1
      %add3A_129 = arith.addi %rem3A_121, %select_n3A_120 : i32
      %select_n3A_130 = arith.select %and3A_128, %add3A_129, %rem3A_121 : i32
      %jit3A_131 = arith.constant 32 : i32
      %div3A_132 = arith.divsi %add3A_97, %jit3A_131 : i32
      %sign3A_133 = arith.constant 0 : i32
      %sign3A_134 = arith.cmpi sgt, %add3A_97, %sign3A_133 : i32
      %sign3A_135 = arith.extui %sign3A_134 : i1 to i32
      %sign3A_136 = arith.constant 0 : i32
      %sign3A_137 = arith.cmpi slt, %add3A_97, %sign3A_136 : i32
      %sign3A_138 = arith.extui %sign3A_137 : i1 to i32
      %sign3A_139 = arith.subi %sign3A_135, %sign3A_138 : i32
      %sign3A_140 = arith.constant 0 : i32
      %sign3A_141 = arith.cmpi sgt, %jit3A_131, %sign3A_140 : i32
      %sign3A_142 = arith.extui %sign3A_141 : i1 to i32
      %sign3A_143 = arith.constant 0 : i32
      %sign3A_144 = arith.cmpi slt, %jit3A_131, %sign3A_143 : i32
      %sign3A_145 = arith.extui %sign3A_144 : i1 to i32
      %sign3A_146 = arith.subi %sign3A_142, %sign3A_145 : i32
      %ne3A_147 = arith.cmpi ne, %sign3A_139, %sign3A_146 : i32
      %rem3A_148 = arith.remsi %add3A_97, %jit3A_131 : i32
      %ne3A_149 = arith.constant 0 : i32
      %ne3A_150 = arith.cmpi ne, %rem3A_148, %ne3A_149 : i32
      %and3A_151 = arith.andi %ne3A_147, %ne3A_150 : i1
      %sub3A_152 = arith.constant 1 : i32
      %sub3A_153 = arith.subi %div3A_132, %sub3A_152 : i32
      %select_n3A_154 = arith.select %and3A_151, %sub3A_153, %div3A_132 : i32
      %jit3A_155 = arith.constant 2 : i32
      %eq3A_156 = arith.constant 0 : i32
      %eq3A_157 = arith.cmpi eq, %jit3A_155, %eq3A_156 : i32
      %jit3A_158 = arith.constant 1 : i32
      %select_n3A_159 = arith.select %eq3A_157, %jit3A_158, %jit3A_155 : i32
      %rem3A_160 = arith.remsi %select_n3A_154, %select_n3A_159 : i32
      %ne3A_161 = arith.constant 0 : i32
      %ne3A_162 = arith.cmpi ne, %rem3A_160, %ne3A_161 : i32
      %lt3A_163 = arith.constant 0 : i32
      %lt3A_164 = arith.cmpi slt, %rem3A_160, %lt3A_163 : i32
      %lt3A_165 = arith.constant 0 : i32
      %lt3A_166 = arith.cmpi slt, %select_n3A_159, %lt3A_165 : i32
      %ne3A_167 = arith.xori %lt3A_164, %lt3A_166 : i1
      %and3A_168 = arith.andi %ne3A_167, %ne3A_162 : i1
      %add3A_169 = arith.addi %rem3A_160, %select_n3A_159 : i32
      %select_n3A_170 = arith.select %and3A_168, %add3A_169, %rem3A_160 : i32
      %jit3A_171 = arith.constant 32 : i32
      %eq3A_172 = arith.constant 0 : i32
      %eq3A_173 = arith.cmpi eq, %jit3A_171, %eq3A_172 : i32
      %jit3A_174 = arith.constant 1 : i32
      %select_n3A_175 = arith.select %eq3A_173, %jit3A_174, %jit3A_171 : i32
      %rem3A_176 = arith.remsi %mul3A_93, %select_n3A_175 : i32
      %ne3A_177 = arith.constant 0 : i32
      %ne3A_178 = arith.cmpi ne, %rem3A_176, %ne3A_177 : i32
      %lt3A_179 = arith.constant 0 : i32
      %lt3A_180 = arith.cmpi slt, %rem3A_176, %lt3A_179 : i32
      %lt3A_181 = arith.constant 0 : i32
      %lt3A_182 = arith.cmpi slt, %select_n3A_175, %lt3A_181 : i32
      %ne3A_183 = arith.xori %lt3A_180, %lt3A_182 : i1
      %and3A_184 = arith.andi %ne3A_183, %ne3A_178 : i1
      %add3A_185 = arith.addi %rem3A_176, %select_n3A_175 : i32
      %select_n3A_186 = arith.select %and3A_184, %add3A_185, %rem3A_176 : i32
      %dma_wait3A_187 = arith.constant 0 : i32
      %dma_wait3A_188 = tpu.memref_slice %arg6[%select_n3A_130, %select_n3A_186, %dma_wait3A_187] : memref<2x32x125xi32, #tpu.memory_space<vmem>> -> memref<1x1x125xi32, #tpu.memory_space<vmem>>
      %dma_wait3A_189 = tpu.memref_squeeze %dma_wait3A_188 : memref<1x1x125xi32, #tpu.memory_space<vmem>> -> memref<125xi32, #tpu.memory_space<vmem>>
      %dma_wait3A_190 = arith.constant 0 : i32
      %dma_wait3A_191 = tpu.memref_slice %arg2[%mul3A_2, %dma_wait3A_190] : memref<20000x128xf32, #tpu.memory_space<hbm>> -> memref<10000x128xf32, #tpu.memory_space<hbm>>
      %dma_wait3A_192 = arith.constant 0 : i32
      %dma_wait3A_193 = arith.constant 0 : i32
      %dma_wait3A_194 = tpu.memref_slice %dma_wait3A_191[%dma_wait3A_192, %dma_wait3A_193] : memref<10000x128xf32, #tpu.memory_space<hbm>> -> memref<10000x128xf32, #tpu.memory_space<hbm>>
      tpu.wait_indirect_dma semaphore(%arg11 : memref<!tpu.dma_semaphore, #tpu.memory_space<semaphore_mem>>) src(%dma_wait3A_194 : memref<10000x128xf32, #tpu.memory_space<hbm>>) dst(%arg8 : memref<125x128xf32, #tpu.memory_space<vmem>>)
      %jit3A_195 = arith.constant 32 : i32
      %eq3A_196 = arith.constant 0 : i32
      %eq3A_197 = arith.cmpi eq, %jit3A_195, %eq3A_196 : i32
      %jit3A_198 = arith.constant 1 : i32
      %select_n3A_199 = arith.select %eq3A_197, %jit3A_198, %jit3A_195 : i32
      %rem3A_200 = arith.remsi %mul3A_93, %select_n3A_199 : i32
      %ne3A_201 = arith.constant 0 : i32
      %ne3A_202 = arith.cmpi ne, %rem3A_200, %ne3A_201 : i32
      %lt3A_203 = arith.constant 0 : i32
      %lt3A_204 = arith.cmpi slt, %rem3A_200, %lt3A_203 : i32
      %lt3A_205 = arith.constant 0 : i32
      %lt3A_206 = arith.cmpi slt, %select_n3A_199, %lt3A_205 : i32
      %ne3A_207 = arith.xori %lt3A_204, %lt3A_206 : i1
      %and3A_208 = arith.andi %ne3A_207, %ne3A_202 : i1
      %add3A_209 = arith.addi %rem3A_200, %select_n3A_199 : i32
      %select_n3A_210 = arith.select %and3A_208, %add3A_209, %rem3A_200 : i32
      %dma_start3A_211 = arith.constant 0 : i32
      %dma_start3A_212 = tpu.memref_slice %arg7[%select_n3A_130, %select_n3A_210, %dma_start3A_211] : memref<2x32x125xi32, #tpu.memory_space<vmem>> -> memref<1x1x125xi32, #tpu.memory_space<vmem>>
      %dma_start3A_213 = tpu.memref_squeeze %dma_start3A_212 : memref<1x1x125xi32, #tpu.memory_space<vmem>> -> memref<125xi32, #tpu.memory_space<vmem>>
      %dma_start3A_214 = arith.constant 0 : i32
      %dma_start3A_215 = arith.constant 0 : i32
      %dma_start3A_216 = tpu.memref_slice %arg10[%dma_start3A_214, %dma_start3A_215] : memref<10000x128xf32, #tpu.memory_space<vmem_shared>> -> memref<10000x128xf32, #tpu.memory_space<vmem_shared>>
      tpu.enqueue_indirect_dma source(%arg8 : memref<125x128xf32, #tpu.memory_space<vmem>>) target(%dma_start3A_216 : memref<10000x128xf32, #tpu.memory_space<vmem_shared>>) offsets(%dma_start3A_213 : memref<125xi32, #tpu.memory_space<vmem>>) semaphore(%arg14 : memref<!tpu.dma_semaphore, #tpu.memory_space<semaphore_mem>>) {add = true}
      %jit3A_217 = arith.constant 32 : i32
      %eq3A_218 = arith.constant 0 : i32
      %eq3A_219 = arith.cmpi eq, %jit3A_217, %eq3A_218 : i32
      %jit3A_220 = arith.constant 1 : i32
      %select_n3A_221 = arith.select %eq3A_219, %jit3A_220, %jit3A_217 : i32
      %rem3A_222 = arith.remsi %add3A_97, %select_n3A_221 : i32
      %ne3A_223 = arith.constant 0 : i32
      %ne3A_224 = arith.cmpi ne, %rem3A_222, %ne3A_223 : i32
      %lt3A_225 = arith.constant 0 : i32
      %lt3A_226 = arith.cmpi slt, %rem3A_222, %lt3A_225 : i32
      %lt3A_227 = arith.constant 0 : i32
      %lt3A_228 = arith.cmpi slt, %select_n3A_221, %lt3A_227 : i32
      %ne3A_229 = arith.xori %lt3A_226, %lt3A_228 : i1
      %and3A_230 = arith.andi %ne3A_229, %ne3A_224 : i1
      %add3A_231 = arith.addi %rem3A_222, %select_n3A_221 : i32
      %select_n3A_232 = arith.select %and3A_230, %add3A_231, %rem3A_222 : i32
      %eq3A_233 = arith.constant 0 : i32
      %eq3A_234 = arith.cmpi eq, %select_n3A_232, %eq3A_233 : i32
      %lt3A_235 = arith.constant 160 : i32
      %lt3A_236 = arith.cmpi slt, %add3A_97, %lt3A_235 : i32
      %and3A_237 = arith.andi %eq3A_234, %lt3A_236 : i1
      %convert_element_type3A_238 = arith.extui %and3A_237 : i1 to i32
      %cond3A_239 = arith.constant 0 : i32
      %cond3A_240 = arith.cmpi ne, %convert_element_type3A_238, %cond3A_239 : i32
      scf.if %cond3A_240 {
        %dma_wait3A_323 = arith.constant 0 : i32
        %dma_wait3A_324 = arith.constant 0 : i32
        %dma_wait3A_325 = arith.constant 0 : i32
        %dma_wait3A_326 = arith.constant 0 : i32
        %dma_wait3A_327 = tpu.memref_slice %arg6[%dma_wait3A_324, %dma_wait3A_325, %dma_wait3A_326] : memref<2x32x125xi32, #tpu.memory_space<vmem>> -> memref<1x32x125xi32, #tpu.memory_space<vmem>>
        %dma_wait3A_328 = tpu.memref_squeeze %dma_wait3A_327 : memref<1x32x125xi32, #tpu.memory_space<vmem>> -> memref<32x125xi32, #tpu.memory_space<vmem>>
        %dma_wait3A_329 = arith.constant 0 : i32
        %dma_wait3A_330 = arith.constant 0 : i32
        %dma_wait3A_331 = tpu.memref_slice %arg3[%dma_wait3A_323, %arg1, %dma_wait3A_329, %dma_wait3A_330] : memref<2x16x160x125xi32, #tpu.memory_space<hbm>> -> memref<1x1x32x125xi32, #tpu.memory_space<hbm>>
        %dma_wait3A_332 = tpu.memref_squeeze %dma_wait3A_331 : memref<1x1x32x125xi32, #tpu.memory_space<hbm>> -> memref<32x125xi32, #tpu.memory_space<hbm>>
        %dma_wait3A_333 = arith.constant 0 : i32
        %dma_wait3A_334 = arith.constant 0 : i32
        %dma_wait3A_335 = tpu.memref_slice %arg6[%dma_wait3A_324, %dma_wait3A_333, %dma_wait3A_334] : memref<2x32x125xi32, #tpu.memory_space<vmem>> -> memref<1x32x125xi32, #tpu.memory_space<vmem>>
        %dma_wait3A_336 = tpu.memref_squeeze %dma_wait3A_335 : memref<1x32x125xi32, #tpu.memory_space<vmem>> -> memref<32x125xi32, #tpu.memory_space<vmem>>
        %dma_wait3A_337 = arith.constant 0 : i32
        %dma_wait3A_338 = arith.constant 0 : i32
        %dma_wait3A_339 = tpu.memref_slice %arg3[%dma_wait3A_323, %arg1, %dma_wait3A_337, %dma_wait3A_338] : memref<2x16x160x125xi32, #tpu.memory_space<hbm>> -> memref<1x1x32x125xi32, #tpu.memory_space<hbm>>
        %dma_wait3A_340 = tpu.memref_squeeze %dma_wait3A_339 : memref<1x1x32x125xi32, #tpu.memory_space<hbm>> -> memref<32x125xi32, #tpu.memory_space<hbm>>
        tpu.wait_dma2 semaphore(%arg13 : memref<!tpu.dma_semaphore, #tpu.memory_space<semaphore_mem>>) src(%dma_wait3A_340 : memref<32x125xi32, #tpu.memory_space<hbm>>) dst(%dma_wait3A_336 : memref<32x125xi32, #tpu.memory_space<vmem>>)
        %dma_wait3A_341 = arith.constant 1 : i32
        %dma_wait3A_342 = arith.constant 0 : i32
        %dma_wait3A_343 = arith.constant 0 : i32
        %dma_wait3A_344 = arith.constant 0 : i32
        %dma_wait3A_345 = tpu.memref_slice %arg7[%dma_wait3A_342, %dma_wait3A_343, %dma_wait3A_344] : memref<2x32x125xi32, #tpu.memory_space<vmem>> -> memref<1x32x125xi32, #tpu.memory_space<vmem>>
        %dma_wait3A_346 = tpu.memref_squeeze %dma_wait3A_345 : memref<1x32x125xi32, #tpu.memory_space<vmem>> -> memref<32x125xi32, #tpu.memory_space<vmem>>
        %dma_wait3A_347 = arith.constant 0 : i32
        %dma_wait3A_348 = arith.constant 0 : i32
        %dma_wait3A_349 = tpu.memref_slice %arg3[%dma_wait3A_341, %arg1, %dma_wait3A_347, %dma_wait3A_348] : memref<2x16x160x125xi32, #tpu.memory_space<hbm>> -> memref<1x1x32x125xi32, #tpu.memory_space<hbm>>
        %dma_wait3A_350 = tpu.memref_squeeze %dma_wait3A_349 : memref<1x1x32x125xi32, #tpu.memory_space<hbm>> -> memref<32x125xi32, #tpu.memory_space<hbm>>
        %dma_wait3A_351 = arith.constant 0 : i32
        %dma_wait3A_352 = arith.constant 0 : i32
        %dma_wait3A_353 = tpu.memref_slice %arg7[%dma_wait3A_342, %dma_wait3A_351, %dma_wait3A_352] : memref<2x32x125xi32, #tpu.memory_space<vmem>> -> memref<1x32x125xi32, #tpu.memory_space<vmem>>
        %dma_wait3A_354 = tpu.memref_squeeze %dma_wait3A_353 : memref<1x32x125xi32, #tpu.memory_space<vmem>> -> memref<32x125xi32, #tpu.memory_space<vmem>>
        %dma_wait3A_355 = arith.constant 0 : i32
        %dma_wait3A_356 = arith.constant 0 : i32
        %dma_wait3A_357 = tpu.memref_slice %arg3[%dma_wait3A_341, %arg1, %dma_wait3A_355, %dma_wait3A_356] : memref<2x16x160x125xi32, #tpu.memory_space<hbm>> -> memref<1x1x32x125xi32, #tpu.memory_space<hbm>>
        %dma_wait3A_358 = tpu.memref_squeeze %dma_wait3A_357 : memref<1x1x32x125xi32, #tpu.memory_space<hbm>> -> memref<32x125xi32, #tpu.memory_space<hbm>>
        tpu.wait_dma2 semaphore(%arg13 : memref<!tpu.dma_semaphore, #tpu.memory_space<semaphore_mem>>) src(%dma_wait3A_358 : memref<32x125xi32, #tpu.memory_space<hbm>>) dst(%dma_wait3A_354 : memref<32x125xi32, #tpu.memory_space<vmem>>)
      } else {
      }
      %lt3A_241 = arith.constant 160 : i32
      %lt3A_242 = arith.cmpi slt, %add3A_97, %lt3A_241 : i32
      %convert_element_type3A_243 = arith.extui %lt3A_242 : i1 to i32
      %cond3A_244 = arith.constant 0 : i32
      %cond3A_245 = arith.cmpi ne, %convert_element_type3A_243, %cond3A_244 : i32
      scf.if %cond3A_245 {
        %jit3A_323 = arith.constant 32 : i32
        %eq3A_324 = arith.constant 0 : i32
        %eq3A_325 = arith.cmpi eq, %jit3A_323, %eq3A_324 : i32
        %jit3A_326 = arith.constant 1 : i32
        %select_n3A_327 = arith.select %eq3A_325, %jit3A_326, %jit3A_323 : i32
        %rem3A_328 = arith.remsi %mul3A_93, %select_n3A_327 : i32
        %ne3A_329 = arith.constant 0 : i32
        %ne3A_330 = arith.cmpi ne, %rem3A_328, %ne3A_329 : i32
        %lt3A_331 = arith.constant 0 : i32
        %lt3A_332 = arith.cmpi slt, %rem3A_328, %lt3A_331 : i32
        %lt3A_333 = arith.constant 0 : i32
        %lt3A_334 = arith.cmpi slt, %select_n3A_327, %lt3A_333 : i32
        %ne3A_335 = arith.xori %lt3A_332, %lt3A_334 : i1
        %and3A_336 = arith.andi %ne3A_335, %ne3A_330 : i1
        %add3A_337 = arith.addi %rem3A_328, %select_n3A_327 : i32
        %select_n3A_338 = arith.select %and3A_336, %add3A_337, %rem3A_328 : i32
        %dma_wait3A_339 = arith.constant 0 : i32
        %dma_wait3A_340 = tpu.memref_slice %arg7[%select_n3A_130, %select_n3A_338, %dma_wait3A_339] : memref<2x32x125xi32, #tpu.memory_space<vmem>> -> memref<1x1x125xi32, #tpu.memory_space<vmem>>
        %dma_wait3A_341 = tpu.memref_squeeze %dma_wait3A_340 : memref<1x1x125xi32, #tpu.memory_space<vmem>> -> memref<125xi32, #tpu.memory_space<vmem>>
        %dma_wait3A_342 = arith.constant 0 : i32
        %dma_wait3A_343 = arith.constant 0 : i32
        %dma_wait3A_344 = tpu.memref_slice %arg10[%dma_wait3A_342, %dma_wait3A_343] : memref<10000x128xf32, #tpu.memory_space<vmem_shared>> -> memref<10000x128xf32, #tpu.memory_space<vmem_shared>>
        tpu.wait_indirect_dma semaphore(%arg14 : memref<!tpu.dma_semaphore, #tpu.memory_space<semaphore_mem>>) src(%arg8 : memref<125x128xf32, #tpu.memory_space<vmem>>) dst(%dma_wait3A_344 : memref<10000x128xf32, #tpu.memory_space<vmem_shared>>)
        %jit3A_345 = arith.constant 32 : i32
        %eq3A_346 = arith.constant 0 : i32
        %eq3A_347 = arith.cmpi eq, %jit3A_345, %eq3A_346 : i32
        %jit3A_348 = arith.constant 1 : i32
        %select_n3A_349 = arith.select %eq3A_347, %jit3A_348, %jit3A_345 : i32
        %rem3A_350 = arith.remsi %add3A_97, %select_n3A_349 : i32
        %ne3A_351 = arith.constant 0 : i32
        %ne3A_352 = arith.cmpi ne, %rem3A_350, %ne3A_351 : i32
        %lt3A_353 = arith.constant 0 : i32
        %lt3A_354 = arith.cmpi slt, %rem3A_350, %lt3A_353 : i32
        %lt3A_355 = arith.constant 0 : i32
        %lt3A_356 = arith.cmpi slt, %select_n3A_349, %lt3A_355 : i32
        %ne3A_357 = arith.xori %lt3A_354, %lt3A_356 : i1
        %and3A_358 = arith.andi %ne3A_357, %ne3A_352 : i1
        %add3A_359 = arith.addi %rem3A_350, %select_n3A_349 : i32
        %select_n3A_360 = arith.select %and3A_358, %add3A_359, %rem3A_350 : i32
        %dma_start3A_361 = arith.constant 0 : i32
        %dma_start3A_362 = tpu.memref_slice %arg6[%select_n3A_170, %select_n3A_360, %dma_start3A_361] : memref<2x32x125xi32, #tpu.memory_space<vmem>> -> memref<1x1x125xi32, #tpu.memory_space<vmem>>
        %dma_start3A_363 = tpu.memref_squeeze %dma_start3A_362 : memref<1x1x125xi32, #tpu.memory_space<vmem>> -> memref<125xi32, #tpu.memory_space<vmem>>
        %dma_start3A_364 = arith.constant 0 : i32
        %dma_start3A_365 = tpu.memref_slice %arg2[%mul3A_2, %dma_start3A_364] : memref<20000x128xf32, #tpu.memory_space<hbm>> -> memref<10000x128xf32, #tpu.memory_space<hbm>>
        %dma_start3A_366 = arith.constant 0 : i32
        %dma_start3A_367 = arith.constant 0 : i32
        %dma_start3A_368 = tpu.memref_slice %dma_start3A_365[%dma_start3A_366, %dma_start3A_367] : memref<10000x128xf32, #tpu.memory_space<hbm>> -> memref<10000x128xf32, #tpu.memory_space<hbm>>
        tpu.enqueue_indirect_dma source(%dma_start3A_368 : memref<10000x128xf32, #tpu.memory_space<hbm>>) target(%arg8 : memref<125x128xf32, #tpu.memory_space<vmem>>) offsets(%dma_start3A_363 : memref<125xi32, #tpu.memory_space<vmem>>) semaphore(%arg11 : memref<!tpu.dma_semaphore, #tpu.memory_space<semaphore_mem>>)
      } else {
      }
      %jit3A_246 = arith.constant 32 : i32
      %eq3A_247 = arith.constant 0 : i32
      %eq3A_248 = arith.cmpi eq, %jit3A_246, %eq3A_247 : i32
      %jit3A_249 = arith.constant 1 : i32
      %select_n3A_250 = arith.select %eq3A_248, %jit3A_249, %jit3A_246 : i32
      %rem3A_251 = arith.remsi %add3A_95, %select_n3A_250 : i32
      %ne3A_252 = arith.constant 0 : i32
      %ne3A_253 = arith.cmpi ne, %rem3A_251, %ne3A_252 : i32
      %lt3A_254 = arith.constant 0 : i32
      %lt3A_255 = arith.cmpi slt, %rem3A_251, %lt3A_254 : i32
      %lt3A_256 = arith.constant 0 : i32
      %lt3A_257 = arith.cmpi slt, %select_n3A_250, %lt3A_256 : i32
      %ne3A_258 = arith.xori %lt3A_255, %lt3A_257 : i1
      %and3A_259 = arith.andi %ne3A_258, %ne3A_253 : i1
      %add3A_260 = arith.addi %rem3A_251, %select_n3A_250 : i32
      %select_n3A_261 = arith.select %and3A_259, %add3A_260, %rem3A_251 : i32
      %dma_wait3A_262 = arith.constant 0 : i32
      %dma_wait3A_263 = tpu.memref_slice %arg6[%select_n3A_130, %select_n3A_261, %dma_wait3A_262] : memref<2x32x125xi32, #tpu.memory_space<vmem>> -> memref<1x1x125xi32, #tpu.memory_space<vmem>>
      %dma_wait3A_264 = tpu.memref_squeeze %dma_wait3A_263 : memref<1x1x125xi32, #tpu.memory_space<vmem>> -> memref<125xi32, #tpu.memory_space<vmem>>
      %dma_wait3A_265 = arith.constant 0 : i32
      %dma_wait3A_266 = tpu.memref_slice %arg2[%mul3A_2, %dma_wait3A_265] : memref<20000x128xf32, #tpu.memory_space<hbm>> -> memref<10000x128xf32, #tpu.memory_space<hbm>>
      %dma_wait3A_267 = arith.constant 0 : i32
      %dma_wait3A_268 = arith.constant 0 : i32
      %dma_wait3A_269 = tpu.memref_slice %dma_wait3A_266[%dma_wait3A_267, %dma_wait3A_268] : memref<10000x128xf32, #tpu.memory_space<hbm>> -> memref<10000x128xf32, #tpu.memory_space<hbm>>
      tpu.wait_indirect_dma semaphore(%arg12 : memref<!tpu.dma_semaphore, #tpu.memory_space<semaphore_mem>>) src(%dma_wait3A_269 : memref<10000x128xf32, #tpu.memory_space<hbm>>) dst(%arg9 : memref<125x128xf32, #tpu.memory_space<vmem>>)
      %jit3A_270 = arith.constant 32 : i32
      %eq3A_271 = arith.constant 0 : i32
      %eq3A_272 = arith.cmpi eq, %jit3A_270, %eq3A_271 : i32
      %jit3A_273 = arith.constant 1 : i32
      %select_n3A_274 = arith.select %eq3A_272, %jit3A_273, %jit3A_270 : i32
      %rem3A_275 = arith.remsi %add3A_95, %select_n3A_274 : i32
      %ne3A_276 = arith.constant 0 : i32
      %ne3A_277 = arith.cmpi ne, %rem3A_275, %ne3A_276 : i32
      %lt3A_278 = arith.constant 0 : i32
      %lt3A_279 = arith.cmpi slt, %rem3A_275, %lt3A_278 : i32
      %lt3A_280 = arith.constant 0 : i32
      %lt3A_281 = arith.cmpi slt, %select_n3A_274, %lt3A_280 : i32
      %ne3A_282 = arith.xori %lt3A_279, %lt3A_281 : i1
      %and3A_283 = arith.andi %ne3A_282, %ne3A_277 : i1
      %add3A_284 = arith.addi %rem3A_275, %select_n3A_274 : i32
      %select_n3A_285 = arith.select %and3A_283, %add3A_284, %rem3A_275 : i32
      %dma_start3A_286 = arith.constant 0 : i32
      %dma_start3A_287 = tpu.memref_slice %arg7[%select_n3A_130, %select_n3A_285, %dma_start3A_286] : memref<2x32x125xi32, #tpu.memory_space<vmem>> -> memref<1x1x125xi32, #tpu.memory_space<vmem>>
      %dma_start3A_288 = tpu.memref_squeeze %dma_start3A_287 : memref<1x1x125xi32, #tpu.memory_space<vmem>> -> memref<125xi32, #tpu.memory_space<vmem>>
      %dma_start3A_289 = arith.constant 0 : i32
      %dma_start3A_290 = arith.constant 0 : i32
      %dma_start3A_291 = tpu.memref_slice %arg10[%dma_start3A_289, %dma_start3A_290] : memref<10000x128xf32, #tpu.memory_space<vmem_shared>> -> memref<10000x128xf32, #tpu.memory_space<vmem_shared>>
      tpu.enqueue_indirect_dma source(%arg9 : memref<125x128xf32, #tpu.memory_space<vmem>>) target(%dma_start3A_291 : memref<10000x128xf32, #tpu.memory_space<vmem_shared>>) offsets(%dma_start3A_288 : memref<125xi32, #tpu.memory_space<vmem>>) semaphore(%arg15 : memref<!tpu.dma_semaphore, #tpu.memory_space<semaphore_mem>>) {add = true}
      %lt3A_292 = arith.constant 160 : i32
      %lt3A_293 = arith.cmpi slt, %add3A_99, %lt3A_292 : i32
      %convert_element_type3A_294 = arith.extui %lt3A_293 : i1 to i32
      %cond3A_295 = arith.constant 0 : i32
      %cond3A_296 = arith.cmpi ne, %convert_element_type3A_294, %cond3A_295 : i32
      scf.if %cond3A_296 {
        %jit3A_323 = arith.constant 32 : i32
        %eq3A_324 = arith.constant 0 : i32
        %eq3A_325 = arith.cmpi eq, %jit3A_323, %eq3A_324 : i32
        %jit3A_326 = arith.constant 1 : i32
        %select_n3A_327 = arith.select %eq3A_325, %jit3A_326, %jit3A_323 : i32
        %rem3A_328 = arith.remsi %add3A_95, %select_n3A_327 : i32
        %ne3A_329 = arith.constant 0 : i32
        %ne3A_330 = arith.cmpi ne, %rem3A_328, %ne3A_329 : i32
        %lt3A_331 = arith.constant 0 : i32
        %lt3A_332 = arith.cmpi slt, %rem3A_328, %lt3A_331 : i32
        %lt3A_333 = arith.constant 0 : i32
        %lt3A_334 = arith.cmpi slt, %select_n3A_327, %lt3A_333 : i32
        %ne3A_335 = arith.xori %lt3A_332, %lt3A_334 : i1
        %and3A_336 = arith.andi %ne3A_335, %ne3A_330 : i1
        %add3A_337 = arith.addi %rem3A_328, %select_n3A_327 : i32
        %select_n3A_338 = arith.select %and3A_336, %add3A_337, %rem3A_328 : i32
        %dma_wait3A_339 = arith.constant 0 : i32
        %dma_wait3A_340 = tpu.memref_slice %arg7[%select_n3A_130, %select_n3A_338, %dma_wait3A_339] : memref<2x32x125xi32, #tpu.memory_space<vmem>> -> memref<1x1x125xi32, #tpu.memory_space<vmem>>
        %dma_wait3A_341 = tpu.memref_squeeze %dma_wait3A_340 : memref<1x1x125xi32, #tpu.memory_space<vmem>> -> memref<125xi32, #tpu.memory_space<vmem>>
        %dma_wait3A_342 = arith.constant 0 : i32
        %dma_wait3A_343 = arith.constant 0 : i32
        %dma_wait3A_344 = tpu.memref_slice %arg10[%dma_wait3A_342, %dma_wait3A_343] : memref<10000x128xf32, #tpu.memory_space<vmem_shared>> -> memref<10000x128xf32, #tpu.memory_space<vmem_shared>>
        tpu.wait_indirect_dma semaphore(%arg15 : memref<!tpu.dma_semaphore, #tpu.memory_space<semaphore_mem>>) src(%arg9 : memref<125x128xf32, #tpu.memory_space<vmem>>) dst(%dma_wait3A_344 : memref<10000x128xf32, #tpu.memory_space<vmem_shared>>)
        %jit3A_345 = arith.constant 32 : i32
        %eq3A_346 = arith.constant 0 : i32
        %eq3A_347 = arith.cmpi eq, %jit3A_345, %eq3A_346 : i32
        %jit3A_348 = arith.constant 1 : i32
        %select_n3A_349 = arith.select %eq3A_347, %jit3A_348, %jit3A_345 : i32
        %rem3A_350 = arith.remsi %add3A_99, %select_n3A_349 : i32
        %ne3A_351 = arith.constant 0 : i32
        %ne3A_352 = arith.cmpi ne, %rem3A_350, %ne3A_351 : i32
        %lt3A_353 = arith.constant 0 : i32
        %lt3A_354 = arith.cmpi slt, %rem3A_350, %lt3A_353 : i32
        %lt3A_355 = arith.constant 0 : i32
        %lt3A_356 = arith.cmpi slt, %select_n3A_349, %lt3A_355 : i32
        %ne3A_357 = arith.xori %lt3A_354, %lt3A_356 : i1
        %and3A_358 = arith.andi %ne3A_357, %ne3A_352 : i1
        %add3A_359 = arith.addi %rem3A_350, %select_n3A_349 : i32
        %select_n3A_360 = arith.select %and3A_358, %add3A_359, %rem3A_350 : i32
        %dma_start3A_361 = arith.constant 0 : i32
        %dma_start3A_362 = tpu.memref_slice %arg6[%select_n3A_170, %select_n3A_360, %dma_start3A_361] : memref<2x32x125xi32, #tpu.memory_space<vmem>> -> memref<1x1x125xi32, #tpu.memory_space<vmem>>
        %dma_start3A_363 = tpu.memref_squeeze %dma_start3A_362 : memref<1x1x125xi32, #tpu.memory_space<vmem>> -> memref<125xi32, #tpu.memory_space<vmem>>
        %dma_start3A_364 = arith.constant 0 : i32
        %dma_start3A_365 = tpu.memref_slice %arg2[%mul3A_2, %dma_start3A_364] : memref<20000x128xf32, #tpu.memory_space<hbm>> -> memref<10000x128xf32, #tpu.memory_space<hbm>>
        %dma_start3A_366 = arith.constant 0 : i32
        %dma_start3A_367 = arith.constant 0 : i32
        %dma_start3A_368 = tpu.memref_slice %dma_start3A_365[%dma_start3A_366, %dma_start3A_367] : memref<10000x128xf32, #tpu.memory_space<hbm>> -> memref<10000x128xf32, #tpu.memory_space<hbm>>
        tpu.enqueue_indirect_dma source(%dma_start3A_368 : memref<10000x128xf32, #tpu.memory_space<hbm>>) target(%arg9 : memref<125x128xf32, #tpu.memory_space<vmem>>) offsets(%dma_start3A_363 : memref<125xi32, #tpu.memory_space<vmem>>) semaphore(%arg12 : memref<!tpu.dma_semaphore, #tpu.memory_space<semaphore_mem>>)
      } else {
      }
      %jit3A_297 = arith.constant 32 : i32
      %eq3A_298 = arith.constant 0 : i32
      %eq3A_299 = arith.cmpi eq, %jit3A_297, %eq3A_298 : i32
      %jit3A_300 = arith.constant 1 : i32
      %select_n3A_301 = arith.select %eq3A_299, %jit3A_300, %jit3A_297 : i32
      %rem3A_302 = arith.remsi %add3A_97, %select_n3A_301 : i32
      %ne3A_303 = arith.constant 0 : i32
      %ne3A_304 = arith.cmpi ne, %rem3A_302, %ne3A_303 : i32
      %lt3A_305 = arith.constant 0 : i32
      %lt3A_306 = arith.cmpi slt, %rem3A_302, %lt3A_305 : i32
      %lt3A_307 = arith.constant 0 : i32
      %lt3A_308 = arith.cmpi slt, %select_n3A_301, %lt3A_307 : i32
      %ne3A_309 = arith.xori %lt3A_306, %lt3A_308 : i1
      %and3A_310 = arith.andi %ne3A_309, %ne3A_304 : i1
      %add3A_311 = arith.addi %rem3A_302, %select_n3A_301 : i32
      %select_n3A_312 = arith.select %and3A_310, %add3A_311, %rem3A_302 : i32
      %eq3A_313 = arith.constant 0 : i32
      %eq3A_314 = arith.cmpi eq, %select_n3A_312, %eq3A_313 : i32
      %add3A_315 = arith.constant 32 : i32
      %add3A_316 = arith.addi %add3A_97, %add3A_315 : i32
      %lt3A_317 = arith.constant 160 : i32
      %lt3A_318 = arith.cmpi slt, %add3A_316, %lt3A_317 : i32
      %and3A_319 = arith.andi %eq3A_314, %lt3A_318 : i1
      %convert_element_type3A_320 = arith.extui %and3A_319 : i1 to i32
      %cond3A_321 = arith.constant 0 : i32
      %cond3A_322 = arith.cmpi ne, %convert_element_type3A_320, %cond3A_321 : i32
      scf.if %cond3A_322 {
        %jit3A_323 = arith.constant 32 : i32
        %div3A_324 = arith.divsi %add3A_97, %jit3A_323 : i32
        %sign3A_325 = arith.constant 0 : i32
        %sign3A_326 = arith.cmpi sgt, %add3A_97, %sign3A_325 : i32
        %sign3A_327 = arith.extui %sign3A_326 : i1 to i32
        %sign3A_328 = arith.constant 0 : i32
        %sign3A_329 = arith.cmpi slt, %add3A_97, %sign3A_328 : i32
        %sign3A_330 = arith.extui %sign3A_329 : i1 to i32
        %sign3A_331 = arith.subi %sign3A_327, %sign3A_330 : i32
        %sign3A_332 = arith.constant 0 : i32
        %sign3A_333 = arith.cmpi sgt, %jit3A_323, %sign3A_332 : i32
        %sign3A_334 = arith.extui %sign3A_333 : i1 to i32
        %sign3A_335 = arith.constant 0 : i32
        %sign3A_336 = arith.cmpi slt, %jit3A_323, %sign3A_335 : i32
        %sign3A_337 = arith.extui %sign3A_336 : i1 to i32
        %sign3A_338 = arith.subi %sign3A_334, %sign3A_337 : i32
        %ne3A_339 = arith.cmpi ne, %sign3A_331, %sign3A_338 : i32
        %rem3A_340 = arith.remsi %add3A_97, %jit3A_323 : i32
        %ne3A_341 = arith.constant 0 : i32
        %ne3A_342 = arith.cmpi ne, %rem3A_340, %ne3A_341 : i32
        %and3A_343 = arith.andi %ne3A_339, %ne3A_342 : i1
        %sub3A_344 = arith.constant 1 : i32
        %sub3A_345 = arith.subi %div3A_324, %sub3A_344 : i32
        %select_n3A_346 = arith.select %and3A_343, %sub3A_345, %div3A_324 : i32
        %add3A_347 = arith.constant 1 : i32
        %add3A_348 = arith.addi %select_n3A_346, %add3A_347 : i32
        %mul3A_349 = arith.constant 32 : i32
        %mul3A_350 = arith.muli %add3A_348, %mul3A_349 : i32
        %jit3A_351 = arith.constant 2 : i32
        %eq3A_352 = arith.constant 0 : i32
        %eq3A_353 = arith.cmpi eq, %jit3A_351, %eq3A_352 : i32
        %jit3A_354 = arith.constant 1 : i32
        %select_n3A_355 = arith.select %eq3A_353, %jit3A_354, %jit3A_351 : i32
        %rem3A_356 = arith.remsi %add3A_348, %select_n3A_355 : i32
        %ne3A_357 = arith.constant 0 : i32
        %ne3A_358 = arith.cmpi ne, %rem3A_356, %ne3A_357 : i32
        %lt3A_359 = arith.constant 0 : i32
        %lt3A_360 = arith.cmpi slt, %rem3A_356, %lt3A_359 : i32
        %lt3A_361 = arith.constant 0 : i32
        %lt3A_362 = arith.cmpi slt, %select_n3A_355, %lt3A_361 : i32
        %ne3A_363 = arith.xori %lt3A_360, %lt3A_362 : i1
        %and3A_364 = arith.andi %ne3A_363, %ne3A_358 : i1
        %add3A_365 = arith.addi %rem3A_356, %select_n3A_355 : i32
        %select_n3A_366 = arith.select %and3A_364, %add3A_365, %rem3A_356 : i32
        %dma_start3A_367 = arith.constant 0 : i32
        %dma_start3A_368 = arith.constant 0 : i32
        %dma_start3A_369 = arith.constant 0 : i32
        %dma_start3A_370 = tpu.memref_slice %arg6[%select_n3A_366, %dma_start3A_368, %dma_start3A_369] : memref<2x32x125xi32, #tpu.memory_space<vmem>> -> memref<1x32x125xi32, #tpu.memory_space<vmem>>
        %dma_start3A_371 = tpu.memref_squeeze %dma_start3A_370 : memref<1x32x125xi32, #tpu.memory_space<vmem>> -> memref<32x125xi32, #tpu.memory_space<vmem>>
        %dma_start3A_372 = arith.constant 0 : i32
        %dma_start3A_373 = tpu.memref_slice %arg3[%dma_start3A_367, %arg1, %mul3A_350, %dma_start3A_372] : memref<2x16x160x125xi32, #tpu.memory_space<hbm>> -> memref<1x1x32x125xi32, #tpu.memory_space<hbm>>
        %dma_start3A_374 = tpu.memref_squeeze %dma_start3A_373 : memref<1x1x32x125xi32, #tpu.memory_space<hbm>> -> memref<32x125xi32, #tpu.memory_space<hbm>>
        %dma_start3A_375 = arith.constant 0 : i32
        %dma_start3A_376 = arith.constant 0 : i32
        %dma_start3A_377 = tpu.memref_slice %arg6[%select_n3A_366, %dma_start3A_375, %dma_start3A_376] : memref<2x32x125xi32, #tpu.memory_space<vmem>> -> memref<1x32x125xi32, #tpu.memory_space<vmem>>
        %dma_start3A_378 = tpu.memref_squeeze %dma_start3A_377 : memref<1x32x125xi32, #tpu.memory_space<vmem>> -> memref<32x125xi32, #tpu.memory_space<vmem>>
        %dma_start3A_379 = arith.constant 0 : i32
        %dma_start3A_380 = tpu.memref_slice %arg3[%dma_start3A_367, %arg1, %mul3A_350, %dma_start3A_379] : memref<2x16x160x125xi32, #tpu.memory_space<hbm>> -> memref<1x1x32x125xi32, #tpu.memory_space<hbm>>
        %dma_start3A_381 = tpu.memref_squeeze %dma_start3A_380 : memref<1x1x32x125xi32, #tpu.memory_space<hbm>> -> memref<32x125xi32, #tpu.memory_space<hbm>>
        tpu.enqueue_dma source(%dma_start3A_381 : memref<32x125xi32, #tpu.memory_space<hbm>>) target(%dma_start3A_378 : memref<32x125xi32, #tpu.memory_space<vmem>>) target_semaphore(%arg13 : memref<!tpu.dma_semaphore, #tpu.memory_space<semaphore_mem>>)
        %mul3A_382 = arith.constant 32 : i32
        %mul3A_383 = arith.muli %add3A_348, %mul3A_382 : i32
        %jit3A_384 = arith.constant 2 : i32
        %eq3A_385 = arith.constant 0 : i32
        %eq3A_386 = arith.cmpi eq, %jit3A_384, %eq3A_385 : i32
        %jit3A_387 = arith.constant 1 : i32
        %select_n3A_388 = arith.select %eq3A_386, %jit3A_387, %jit3A_384 : i32
        %rem3A_389 = arith.remsi %add3A_348, %select_n3A_388 : i32
        %ne3A_390 = arith.constant 0 : i32
        %ne3A_391 = arith.cmpi ne, %rem3A_389, %ne3A_390 : i32
        %lt3A_392 = arith.constant 0 : i32
        %lt3A_393 = arith.cmpi slt, %rem3A_389, %lt3A_392 : i32
        %lt3A_394 = arith.constant 0 : i32
        %lt3A_395 = arith.cmpi slt, %select_n3A_388, %lt3A_394 : i32
        %ne3A_396 = arith.xori %lt3A_393, %lt3A_395 : i1
        %and3A_397 = arith.andi %ne3A_396, %ne3A_391 : i1
        %add3A_398 = arith.addi %rem3A_389, %select_n3A_388 : i32
        %select_n3A_399 = arith.select %and3A_397, %add3A_398, %rem3A_389 : i32
        %dma_start3A_400 = arith.constant 1 : i32
        %dma_start3A_401 = arith.constant 0 : i32
        %dma_start3A_402 = arith.constant 0 : i32
        %dma_start3A_403 = tpu.memref_slice %arg7[%select_n3A_399, %dma_start3A_401, %dma_start3A_402] : memref<2x32x125xi32, #tpu.memory_space<vmem>> -> memref<1x32x125xi32, #tpu.memory_space<vmem>>
        %dma_start3A_404 = tpu.memref_squeeze %dma_start3A_403 : memref<1x32x125xi32, #tpu.memory_space<vmem>> -> memref<32x125xi32, #tpu.memory_space<vmem>>
        %dma_start3A_405 = arith.constant 0 : i32
        %dma_start3A_406 = tpu.memref_slice %arg3[%dma_start3A_400, %arg1, %mul3A_383, %dma_start3A_405] : memref<2x16x160x125xi32, #tpu.memory_space<hbm>> -> memref<1x1x32x125xi32, #tpu.memory_space<hbm>>
        %dma_start3A_407 = tpu.memref_squeeze %dma_start3A_406 : memref<1x1x32x125xi32, #tpu.memory_space<hbm>> -> memref<32x125xi32, #tpu.memory_space<hbm>>
        %dma_start3A_408 = arith.constant 0 : i32
        %dma_start3A_409 = arith.constant 0 : i32
        %dma_start3A_410 = tpu.memref_slice %arg7[%select_n3A_399, %dma_start3A_408, %dma_start3A_409] : memref<2x32x125xi32, #tpu.memory_space<vmem>> -> memref<1x32x125xi32, #tpu.memory_space<vmem>>
        %dma_start3A_411 = tpu.memref_squeeze %dma_start3A_410 : memref<1x32x125xi32, #tpu.memory_space<vmem>> -> memref<32x125xi32, #tpu.memory_space<vmem>>
        %dma_start3A_412 = arith.constant 0 : i32
        %dma_start3A_413 = tpu.memref_slice %arg3[%dma_start3A_400, %arg1, %mul3A_383, %dma_start3A_412] : memref<2x16x160x125xi32, #tpu.memory_space<hbm>> -> memref<1x1x32x125xi32, #tpu.memory_space<hbm>>
        %dma_start3A_414 = tpu.memref_squeeze %dma_start3A_413 : memref<1x1x32x125xi32, #tpu.memory_space<hbm>> -> memref<32x125xi32, #tpu.memory_space<hbm>>
        tpu.enqueue_dma source(%dma_start3A_414 : memref<32x125xi32, #tpu.memory_space<hbm>>) target(%dma_start3A_411 : memref<32x125xi32, #tpu.memory_space<vmem>>) target_semaphore(%arg13 : memref<!tpu.dma_semaphore, #tpu.memory_space<semaphore_mem>>)
      } else {
      }
    }
    %scan3A_66 = arith.constant 80 : i32
    %dma_wait3A = arith.constant 0 : i32
    %dma_wait3A_67 = arith.constant 30 : i32
    %dma_wait3A_68 = arith.constant 0 : i32
    %dma_wait3A_69 = tpu.memref_slice %arg7[%dma_wait3A, %dma_wait3A_67, %dma_wait3A_68] : memref<2x32x125xi32, #tpu.memory_space<vmem>> -> memref<1x1x125xi32, #tpu.memory_space<vmem>>
    %dma_wait3A_70 = tpu.memref_squeeze %dma_wait3A_69 : memref<1x1x125xi32, #tpu.memory_space<vmem>> -> memref<125xi32, #tpu.memory_space<vmem>>
    %dma_wait3A_71 = arith.constant 0 : i32
    %dma_wait3A_72 = arith.constant 0 : i32
    %dma_wait3A_73 = tpu.memref_slice %arg10[%dma_wait3A_71, %dma_wait3A_72] : memref<10000x128xf32, #tpu.memory_space<vmem_shared>> -> memref<10000x128xf32, #tpu.memory_space<vmem_shared>>
    tpu.wait_indirect_dma semaphore(%arg14 : memref<!tpu.dma_semaphore, #tpu.memory_space<semaphore_mem>>) src(%arg8 : memref<125x128xf32, #tpu.memory_space<vmem>>) dst(%dma_wait3A_73 : memref<10000x128xf32, #tpu.memory_space<vmem_shared>>)
    %dma_wait3A_74 = arith.constant 0 : i32
    %dma_wait3A_75 = arith.constant 31 : i32
    %dma_wait3A_76 = arith.constant 0 : i32
    %dma_wait3A_77 = tpu.memref_slice %arg7[%dma_wait3A_74, %dma_wait3A_75, %dma_wait3A_76] : memref<2x32x125xi32, #tpu.memory_space<vmem>> -> memref<1x1x125xi32, #tpu.memory_space<vmem>>
    %dma_wait3A_78 = tpu.memref_squeeze %dma_wait3A_77 : memref<1x1x125xi32, #tpu.memory_space<vmem>> -> memref<125xi32, #tpu.memory_space<vmem>>
    %dma_wait3A_79 = arith.constant 0 : i32
    %dma_wait3A_80 = arith.constant 0 : i32
    %dma_wait3A_81 = tpu.memref_slice %arg10[%dma_wait3A_79, %dma_wait3A_80] : memref<10000x128xf32, #tpu.memory_space<vmem_shared>> -> memref<10000x128xf32, #tpu.memory_space<vmem_shared>>
    tpu.wait_indirect_dma semaphore(%arg15 : memref<!tpu.dma_semaphore, #tpu.memory_space<semaphore_mem>>) src(%arg9 : memref<125x128xf32, #tpu.memory_space<vmem>>) dst(%dma_wait3A_81 : memref<10000x128xf32, #tpu.memory_space<vmem_shared>>)
    %barrier3A_82 = arith.constant 0 : index
    tpu.barrier barrier_id(%barrier3A_82)
    "tpu.region"() ({
      %run_scoped3A_88 = tpu.sem_alloc : memref<!tpu.dma_semaphore, #tpu.memory_space<semaphore_mem>>
      %dma_start3A_89 = arith.constant 0 : i32
      %dma_start3A_90 = tpu.memref_slice %arg5[%arg0, %mul3A_0, %dma_start3A_89] : memref<2x10000x128xf32, #tpu.memory_space<hbm>> -> memref<1x624x128xf32, #tpu.memory_space<hbm>>
      %dma_start3A_91 = tpu.memref_squeeze %dma_start3A_90 : memref<1x624x128xf32, #tpu.memory_space<hbm>> -> memref<624x128xf32, #tpu.memory_space<hbm>>
      %dma_start3A_92 = arith.constant 0 : i32
      %dma_start3A_93 = tpu.memref_slice %arg10[%mul3A_0, %dma_start3A_92] : memref<10000x128xf32, #tpu.memory_space<vmem_shared>> -> memref<624x128xf32, #tpu.memory_space<vmem_shared>>
      tpu.enqueue_dma source(%dma_start3A_93 : memref<624x128xf32, #tpu.memory_space<vmem_shared>>) target(%dma_start3A_91 : memref<624x128xf32, #tpu.memory_space<hbm>>) target_semaphore(%run_scoped3A_88 : memref<!tpu.dma_semaphore, #tpu.memory_space<semaphore_mem>>)
      %dma_wait3A_94 = arith.constant 0 : i32
      %dma_wait3A_95 = tpu.memref_slice %arg5[%arg0, %mul3A_0, %dma_wait3A_94] : memref<2x10000x128xf32, #tpu.memory_space<hbm>> -> memref<1x624x128xf32, #tpu.memory_space<hbm>>
      %dma_wait3A_96 = tpu.memref_squeeze %dma_wait3A_95 : memref<1x624x128xf32, #tpu.memory_space<hbm>> -> memref<624x128xf32, #tpu.memory_space<hbm>>
      %dma_wait3A_97 = arith.constant 0 : i32
      %dma_wait3A_98 = tpu.memref_slice %arg10[%mul3A_0, %dma_wait3A_97] : memref<10000x128xf32, #tpu.memory_space<vmem_shared>> -> memref<624x128xf32, #tpu.memory_space<vmem_shared>>
      tpu.wait_dma2 semaphore(%run_scoped3A_88 : memref<!tpu.dma_semaphore, #tpu.memory_space<semaphore_mem>>) src(%dma_wait3A_98 : memref<624x128xf32, #tpu.memory_space<vmem_shared>>) dst(%dma_wait3A_96 : memref<624x128xf32, #tpu.memory_space<hbm>>)
      tpu.yield
    }) : () -> ()
    %eq3A_83 = arith.constant 0 : i32
    %eq3A_84 = arith.cmpi eq, %arg1, %eq3A_83 : i32
    %convert_element_type3A_85 = arith.extui %eq3A_84 : i1 to i32
    %cond3A_86 = arith.constant 0 : i32
    %cond3A_87 = arith.cmpi ne, %convert_element_type3A_85, %cond3A_86 : i32
    scf.if %cond3A_87 {
      "tpu.region"() ({
        %run_scoped3A_88 = tpu.sem_alloc : memref<!tpu.dma_semaphore, #tpu.memory_space<semaphore_mem>>
        %dma_start3A_89 = arith.constant 9984 : i32
        %dma_start3A_90 = arith.constant 0 : i32
        %dma_start3A_91 = tpu.memref_slice %arg5[%arg0, %dma_start3A_89, %dma_start3A_90] : memref<2x10000x128xf32, #tpu.memory_space<hbm>> -> memref<1x16x128xf32, #tpu.memory_space<hbm>>
        %dma_start3A_92 = tpu.memref_squeeze %dma_start3A_91 : memref<1x16x128xf32, #tpu.memory_space<hbm>> -> memref<16x128xf32, #tpu.memory_space<hbm>>
        %dma_start3A_93 = arith.constant 9984 : i32
        %dma_start3A_94 = arith.constant 0 : i32
        %dma_start3A_95 = tpu.memref_slice %arg10[%dma_start3A_93, %dma_start3A_94] : memref<10000x128xf32, #tpu.memory_space<vmem_shared>> -> memref<16x128xf32, #tpu.memory_space<vmem_shared>>
        tpu.enqueue_dma source(%dma_start3A_95 : memref<16x128xf32, #tpu.memory_space<vmem_shared>>) target(%dma_start3A_92 : memref<16x128xf32, #tpu.memory_space<hbm>>) target_semaphore(%run_scoped3A_88 : memref<!tpu.dma_semaphore, #tpu.memory_space<semaphore_mem>>)
        %dma_wait3A_96 = arith.constant 9984 : i32
        %dma_wait3A_97 = arith.constant 0 : i32
        %dma_wait3A_98 = tpu.memref_slice %arg5[%arg0, %dma_wait3A_96, %dma_wait3A_97] : memref<2x10000x128xf32, #tpu.memory_space<hbm>> -> memref<1x16x128xf32, #tpu.memory_space<hbm>>
        %dma_wait3A_99 = tpu.memref_squeeze %dma_wait3A_98 : memref<1x16x128xf32, #tpu.memory_space<hbm>> -> memref<16x128xf32, #tpu.memory_space<hbm>>
        %dma_wait3A_100 = arith.constant 9984 : i32
        %dma_wait3A_101 = arith.constant 0 : i32
        %dma_wait3A_102 = tpu.memref_slice %arg10[%dma_wait3A_100, %dma_wait3A_101] : memref<10000x128xf32, #tpu.memory_space<vmem_shared>> -> memref<16x128xf32, #tpu.memory_space<vmem_shared>>
        tpu.wait_dma2 semaphore(%run_scoped3A_88 : memref<!tpu.dma_semaphore, #tpu.memory_space<semaphore_mem>>) src(%dma_wait3A_102 : memref<16x128xf32, #tpu.memory_space<vmem_shared>>) dst(%dma_wait3A_99 : memref<16x128xf32, #tpu.memory_space<hbm>>)
        tpu.yield
      }) : () -> ()
    } else {
    }
    return
  }
}

module attributes {stable_mosaic.version = 14 : i64} {
  func.func @_l1_body(%arg0: i32, %arg1: memref<1000x128xf32, #tpu.memory_space<vmem>>, %arg2: memref<1x1000x128xf32, #tpu.memory_space<vmem>>, %arg3: memref<128x256xf32, #tpu.memory_space<vmem>>, %arg4: memref<1x256xf32, #tpu.memory_space<vmem>>, %arg5: memref<256x256xf32, #tpu.memory_space<vmem>>, %arg6: memref<1x256xf32, #tpu.memory_space<vmem>>, %arg7: memref<2x1000x128xf32, #tpu.memory_space<vmem>>) attributes {dimension_semantics = [#tpu.dimension_semantics<arbitrary>], iteration_bounds = array<i64: 10>, scalar_prefetch = 0 : i64, scratch_operands = 0 : i64, tpu.core_type = #tpu.core_type<tc>, window_params = [{transform_indices = @transform_0, window_bounds = array<i64: 1000, 128>}, {transform_indices = @transform_1, window_bounds = array<i64: 1, 1000, 128>}, {pipeline_mode = #tpu.pipeline_mode<synchronous>, transform_indices = @transform_2, window_bounds = array<i64: 128, 256>}, {pipeline_mode = #tpu.pipeline_mode<synchronous>, transform_indices = @transform_3, window_bounds = array<i64: 1, 256>}, {pipeline_mode = #tpu.pipeline_mode<synchronous>, transform_indices = @transform_4, window_bounds = array<i64: 256, 256>}, {pipeline_mode = #tpu.pipeline_mode<synchronous>, transform_indices = @transform_5, window_bounds = array<i64: 1, 256>}, {transform_indices = @transform_6, window_bounds = array<i64: 2, 1000, 128>}]} {
    %get3A = arith.constant 0 : index
    %get3A_0 = arith.constant 0 : index
    %get3A_1 = vector.load %arg1[%get3A, %get3A_0] : memref<1000x128xf32, #tpu.memory_space<vmem>>, vector<1000x128xf32>
    %get3A_2 = arith.constant 0 : index
    %get3A_3 = arith.constant 0 : index
    %get3A_4 = arith.constant 0 : index
    %get3A_5 = vector.load %arg2[%get3A_2, %get3A_3, %get3A_4] : memref<1x1000x128xf32, #tpu.memory_space<vmem>>, vector<1x1000x128xf32>
    %get3A_6 = vector.shape_cast %get3A_5 : vector<1x1000x128xf32> to vector<1000x128xf32>
    %add3A = arith.addf %get3A_1, %get3A_6 : vector<1000x128xf32>
    %get3A_7 = arith.constant 0 : index
    %get3A_8 = arith.constant 0 : index
    %get3A_9 = vector.load %arg3[%get3A_7, %get3A_8] : memref<128x256xf32, #tpu.memory_space<vmem>>, vector<128x256xf32>
    %dot_general3A = arith.constant dense<0.000000e+00> : vector<1000x256xf32>
    %dot_general3A_10 = tpu.matmul %add3A, %get3A_9, %dot_general3A {dimension_numbers = #tpu.dot_dimension_numbers<[1], [0], [0], [1], [0, 0, 1, 1], [], []>, transpose_lhs_hint = false} : vector<1000x128xf32>, vector<128x256xf32>, vector<1000x256xf32> -> vector<1000x256xf32>
    %get3A_11 = arith.constant 0 : index
    %get3A_12 = arith.constant 0 : index
    %get3A_13 = vector.load %arg4[%get3A_11, %get3A_12] : memref<1x256xf32, #tpu.memory_space<vmem>>, vector<1x256xf32>
    %add3A_14 = vector.broadcast %get3A_13 : vector<1x256xf32> to vector<1000x256xf32>
    %add3A_15 = arith.addf %dot_general3A_10, %add3A_14 : vector<1000x256xf32>
    %max3A = arith.constant 0.000000e+00 : f32
    %max3A_16 = vector.broadcast %max3A : f32 to vector<1000x256xf32>
    %max3A_17 = arith.maximumf %add3A_15, %max3A_16 : vector<1000x256xf32>
    %get3A_18 = arith.constant 0 : index
    %get3A_19 = arith.constant 0 : index
    %get3A_20 = vector.load %arg5[%get3A_18, %get3A_19] : memref<256x256xf32, #tpu.memory_space<vmem>>, vector<256x256xf32>
    %dot_general3A_21 = arith.constant dense<0.000000e+00> : vector<1000x256xf32>
    %dot_general3A_22 = tpu.matmul %max3A_17, %get3A_20, %dot_general3A_21 {dimension_numbers = #tpu.dot_dimension_numbers<[1], [0], [0], [1], [0, 0, 1, 1], [], []>, transpose_lhs_hint = false} : vector<1000x256xf32>, vector<256x256xf32>, vector<1000x256xf32> -> vector<1000x256xf32>
    %get3A_23 = arith.constant 0 : index
    %get3A_24 = arith.constant 0 : index
    %get3A_25 = vector.load %arg6[%get3A_23, %get3A_24] : memref<1x256xf32, #tpu.memory_space<vmem>>, vector<1x256xf32>
    %add3A_26 = vector.broadcast %get3A_25 : vector<1x256xf32> to vector<1000x256xf32>
    %add3A_27 = arith.addf %dot_general3A_22, %add3A_26 : vector<1000x256xf32>
    %max3A_28 = arith.constant 0.000000e+00 : f32
    %max3A_29 = vector.broadcast %max3A_28 : f32 to vector<1000x256xf32>
    %max3A_30 = arith.maximumf %add3A_27, %max3A_29 : vector<1000x256xf32>
    %slice3A = vector.extract_strided_slice %max3A_30 {offsets = [0, 0], sizes = [1000, 128], strides = [1, 1]} : vector<1000x256xf32> to vector<1000x128xf32>
    %swap3A = arith.constant 0 : index
    %swap3A_31 = arith.constant 0 : index
    %swap3A_32 = arith.constant 0 : index
    %swap3A_33 = vector.load %arg7[%swap3A, %swap3A_31, %swap3A_32] : memref<2x1000x128xf32, #tpu.memory_space<vmem>>, vector<1x1000x128xf32>
    %swap3A_34 = vector.shape_cast %swap3A_33 : vector<1x1000x128xf32> to vector<1000x128xf32>
    %swap3A_35 = vector.shape_cast %slice3A : vector<1000x128xf32> to vector<1x1000x128xf32>
    tpu.vector_store %arg7[%swap3A, %swap3A_31, %swap3A_32], %swap3A_35 {strides = array<i32>} : memref<2x1000x128xf32, #tpu.memory_space<vmem>>, vector<1x1000x128xf32>,
    %slice3A_36 = vector.extract_strided_slice %max3A_30 {offsets = [0, 128], sizes = [1000, 128], strides = [1, 1]} : vector<1000x256xf32> to vector<1000x128xf32>
    %swap3A_37 = arith.constant 1 : index
    %swap3A_38 = arith.constant 0 : index
    %swap3A_39 = arith.constant 0 : index
    %swap3A_40 = vector.load %arg7[%swap3A_37, %swap3A_38, %swap3A_39] : memref<2x1000x128xf32, #tpu.memory_space<vmem>>, vector<1x1000x128xf32>
    %swap3A_41 = vector.shape_cast %swap3A_40 : vector<1x1000x128xf32> to vector<1000x128xf32>
    %swap3A_42 = vector.shape_cast %slice3A_36 : vector<1000x128xf32> to vector<1x1000x128xf32>
    tpu.vector_store %arg7[%swap3A_37, %swap3A_38, %swap3A_39], %swap3A_42 {strides = array<i32>} : memref<2x1000x128xf32, #tpu.memory_space<vmem>>, vector<1x1000x128xf32>,
    return
  }
  func.func @transform_0(%arg0: i32) -> (i32, i32) {
    %c0_i32 = arith.constant 0 : i32
    %c0_i32_0 = arith.constant 0 : i32
    return %arg0, %c0_i32 : i32, i32
  }
  func.func @transform_1(%arg0: i32) -> (i32, i32, i32) {
    %c1_i32 = arith.constant 1 : i32
    %c0_i32 = arith.constant 0 : i32
    %c0_i32_0 = arith.constant 0 : i32
    return %c1_i32, %arg0, %c0_i32 : i32, i32, i32
  }
  func.func @transform_2(%arg0: i32) -> (i32, i32) {
    %c0_i32 = arith.constant 0 : i32
    %c0_i32_0 = arith.constant 0 : i32
    %c0_i32_1 = arith.constant 0 : i32
    return %c0_i32, %c0_i32_0 : i32, i32
  }
  func.func @transform_3(%arg0: i32) -> (i32, i32) {
    %c0_i32 = arith.constant 0 : i32
    %c0_i32_0 = arith.constant 0 : i32
    %c0_i32_1 = arith.constant 0 : i32
    return %c0_i32, %c0_i32_0 : i32, i32
  }
  func.func @transform_4(%arg0: i32) -> (i32, i32) {
    %c0_i32 = arith.constant 0 : i32
    %c0_i32_0 = arith.constant 0 : i32
    %c0_i32_1 = arith.constant 0 : i32
    return %c0_i32, %c0_i32_0 : i32, i32
  }
  func.func @transform_5(%arg0: i32) -> (i32, i32) {
    %c0_i32 = arith.constant 0 : i32
    %c0_i32_0 = arith.constant 0 : i32
    %c0_i32_1 = arith.constant 0 : i32
    return %c0_i32, %c0_i32_0 : i32, i32
  }
  func.func @transform_6(%arg0: i32) -> (i32, i32, i32) {
    %c0_i32 = arith.constant 0 : i32
    %c0_i32_0 = arith.constant 0 : i32
    %c0_i32_1 = arith.constant 0 : i32
    return %c0_i32, %arg0, %c0_i32_0 : i32, i32, i32
  }
}

module attributes {stable_mosaic.version = 14 : i64} {
  func.func @_l1_body(%arg0: i32, %arg1: memref<1000x128xf32, #tpu.memory_space<vmem>>, %arg2: memref<1x1000x128xf32, #tpu.memory_space<vmem>>, %arg3: memref<128x256xf32, #tpu.memory_space<vmem>>, %arg4: memref<1x256xf32, #tpu.memory_space<vmem>>, %arg5: memref<256x256xf32, #tpu.memory_space<vmem>>, %arg6: memref<1x256xf32, #tpu.memory_space<vmem>>, %arg7: memref<2x1000x128xf32, #tpu.memory_space<vmem>>) attributes {dimension_semantics = [#tpu.dimension_semantics<arbitrary>], iteration_bounds = array<i64: 10>, scalar_prefetch = 0 : i64, scratch_operands = 0 : i64, tpu.core_type = #tpu.core_type<tc>, window_params = [{transform_indices = @transform_0, window_bounds = array<i64: 1000, 128>}, {transform_indices = @transform_1, window_bounds = array<i64: 1, 1000, 128>}, {pipeline_mode = #tpu.pipeline_mode<synchronous>, transform_indices = @transform_2, window_bounds = array<i64: 128, 256>}, {pipeline_mode = #tpu.pipeline_mode<synchronous>, transform_indices = @transform_3, window_bounds = array<i64: 1, 256>}, {pipeline_mode = #tpu.pipeline_mode<synchronous>, transform_indices = @transform_4, window_bounds = array<i64: 256, 256>}, {pipeline_mode = #tpu.pipeline_mode<synchronous>, transform_indices = @transform_5, window_bounds = array<i64: 1, 256>}, {transform_indices = @transform_6, window_bounds = array<i64: 2, 1000, 128>}]} {
    %get3A = arith.constant 0 : index
    %get3A_0 = arith.constant 0 : index
    %get3A_1 = vector.load %arg1[%get3A, %get3A_0] : memref<1000x128xf32, #tpu.memory_space<vmem>>, vector<1000x128xf32>
    %get3A_2 = arith.constant 0 : index
    %get3A_3 = arith.constant 0 : index
    %get3A_4 = arith.constant 0 : index
    %get3A_5 = vector.load %arg2[%get3A_2, %get3A_3, %get3A_4] : memref<1x1000x128xf32, #tpu.memory_space<vmem>>, vector<1x1000x128xf32>
    %get3A_6 = vector.shape_cast %get3A_5 : vector<1x1000x128xf32> to vector<1000x128xf32>
    %add3A = arith.addf %get3A_1, %get3A_6 : vector<1000x128xf32>
    %get3A_7 = arith.constant 0 : index
    %get3A_8 = arith.constant 0 : index
    %get3A_9 = vector.load %arg3[%get3A_7, %get3A_8] : memref<128x256xf32, #tpu.memory_space<vmem>>, vector<128x256xf32>
    %dot_general3A = arith.constant dense<0.000000e+00> : vector<1000x256xf32>
    %dot_general3A_10 = tpu.matmul %add3A, %get3A_9, %dot_general3A {dimension_numbers = #tpu.dot_dimension_numbers<[1], [0], [0], [1], [0, 0, 1, 1], [], []>, transpose_lhs_hint = false} : vector<1000x128xf32>, vector<128x256xf32>, vector<1000x256xf32> -> vector<1000x256xf32>
    %get3A_11 = arith.constant 0 : index
    %get3A_12 = arith.constant 0 : index
    %get3A_13 = vector.load %arg4[%get3A_11, %get3A_12] : memref<1x256xf32, #tpu.memory_space<vmem>>, vector<1x256xf32>
    %add3A_14 = vector.broadcast %get3A_13 : vector<1x256xf32> to vector<1000x256xf32>
    %add3A_15 = arith.addf %dot_general3A_10, %add3A_14 : vector<1000x256xf32>
    %max3A = arith.constant 0.000000e+00 : f32
    %max3A_16 = vector.broadcast %max3A : f32 to vector<1000x256xf32>
    %max3A_17 = arith.maximumf %add3A_15, %max3A_16 : vector<1000x256xf32>
    %get3A_18 = arith.constant 0 : index
    %get3A_19 = arith.constant 0 : index
    %get3A_20 = vector.load %arg5[%get3A_18, %get3A_19] : memref<256x256xf32, #tpu.memory_space<vmem>>, vector<256x256xf32>
    %dot_general3A_21 = arith.constant dense<0.000000e+00> : vector<1000x256xf32>
    %dot_general3A_22 = tpu.matmul %max3A_17, %get3A_20, %dot_general3A_21 {dimension_numbers = #tpu.dot_dimension_numbers<[1], [0], [0], [1], [0, 0, 1, 1], [], []>, transpose_lhs_hint = false} : vector<1000x256xf32>, vector<256x256xf32>, vector<1000x256xf32> -> vector<1000x256xf32>
    %get3A_23 = arith.constant 0 : index
    %get3A_24 = arith.constant 0 : index
    %get3A_25 = vector.load %arg6[%get3A_23, %get3A_24] : memref<1x256xf32, #tpu.memory_space<vmem>>, vector<1x256xf32>
    %add3A_26 = vector.broadcast %get3A_25 : vector<1x256xf32> to vector<1000x256xf32>
    %add3A_27 = arith.addf %dot_general3A_22, %add3A_26 : vector<1000x256xf32>
    %max3A_28 = arith.constant 0.000000e+00 : f32
    %max3A_29 = vector.broadcast %max3A_28 : f32 to vector<1000x256xf32>
    %max3A_30 = arith.maximumf %add3A_27, %max3A_29 : vector<1000x256xf32>
    %slice3A = vector.extract_strided_slice %max3A_30 {offsets = [0, 0], sizes = [1000, 128], strides = [1, 1]} : vector<1000x256xf32> to vector<1000x128xf32>
    %swap3A = arith.constant 0 : index
    %swap3A_31 = arith.constant 0 : index
    %swap3A_32 = arith.constant 0 : index
    %swap3A_33 = vector.load %arg7[%swap3A, %swap3A_31, %swap3A_32] : memref<2x1000x128xf32, #tpu.memory_space<vmem>>, vector<1x1000x128xf32>
    %swap3A_34 = vector.shape_cast %swap3A_33 : vector<1x1000x128xf32> to vector<1000x128xf32>
    %swap3A_35 = vector.shape_cast %slice3A : vector<1000x128xf32> to vector<1x1000x128xf32>
    tpu.vector_store %arg7[%swap3A, %swap3A_31, %swap3A_32], %swap3A_35 {strides = array<i32>} : memref<2x1000x128xf32, #tpu.memory_space<vmem>>, vector<1x1000x128xf32>,
    %slice3A_36 = vector.extract_strided_slice %max3A_30 {offsets = [0, 128], sizes = [1000, 128], strides = [1, 1]} : vector<1000x256xf32> to vector<1000x128xf32>
    %swap3A_37 = arith.constant 1 : index
    %swap3A_38 = arith.constant 0 : index
    %swap3A_39 = arith.constant 0 : index
    %swap3A_40 = vector.load %arg7[%swap3A_37, %swap3A_38, %swap3A_39] : memref<2x1000x128xf32, #tpu.memory_space<vmem>>, vector<1x1000x128xf32>
    %swap3A_41 = vector.shape_cast %swap3A_40 : vector<1x1000x128xf32> to vector<1000x128xf32>
    %swap3A_42 = vector.shape_cast %slice3A_36 : vector<1000x128xf32> to vector<1x1000x128xf32>
    tpu.vector_store %arg7[%swap3A_37, %swap3A_38, %swap3A_39], %swap3A_42 {strides = array<i32>} : memref<2x1000x128xf32, #tpu.memory_space<vmem>>, vector<1x1000x128xf32>,
    return
  }
  func.func @transform_0(%arg0: i32) -> (i32, i32) {
    %c0_i32 = arith.constant 0 : i32
    %c0_i32_0 = arith.constant 0 : i32
    return %arg0, %c0_i32 : i32, i32
  }
  func.func @transform_1(%arg0: i32) -> (i32, i32, i32) {
    %c0_i32 = arith.constant 0 : i32
    %c0_i32_0 = arith.constant 0 : i32
    %c0_i32_1 = arith.constant 0 : i32
    return %c0_i32, %arg0, %c0_i32_0 : i32, i32, i32
  }
  func.func @transform_2(%arg0: i32) -> (i32, i32) {
    %c0_i32 = arith.constant 0 : i32
    %c0_i32_0 = arith.constant 0 : i32
    %c0_i32_1 = arith.constant 0 : i32
    return %c0_i32, %c0_i32_0 : i32, i32
  }
  func.func @transform_3(%arg0: i32) -> (i32, i32) {
    %c0_i32 = arith.constant 0 : i32
    %c0_i32_0 = arith.constant 0 : i32
    %c0_i32_1 = arith.constant 0 : i32
    return %c0_i32, %c0_i32_0 : i32, i32
  }
  func.func @transform_4(%arg0: i32) -> (i32, i32) {
    %c0_i32 = arith.constant 0 : i32
    %c0_i32_0 = arith.constant 0 : i32
    %c0_i32_1 = arith.constant 0 : i32
    return %c0_i32, %c0_i32_0 : i32, i32
  }
  func.func @transform_5(%arg0: i32) -> (i32, i32) {
    %c0_i32 = arith.constant 0 : i32
    %c0_i32_0 = arith.constant 0 : i32
    %c0_i32_1 = arith.constant 0 : i32
    return %c0_i32, %c0_i32_0 : i32, i32
  }
  func.func @transform_6(%arg0: i32) -> (i32, i32, i32) {
    %c0_i32 = arith.constant 0 : i32
    %c0_i32_0 = arith.constant 0 : i32
    %c0_i32_1 = arith.constant 0 : i32
    return %c0_i32, %arg0, %c0_i32_0 : i32, i32, i32
  }
}

module attributes {stable_mosaic.version = 14 : i64} {
  func.func @_gheads_body(%arg0: i32, %arg1: memref<128x512xf32, #tpu.memory_space<vmem>>, %arg2: memref<128x512xf32, #tpu.memory_space<vmem>>, %arg3: memref<1024x512xf32, #tpu.memory_space<vmem>>, %arg4: memref<1x512xf32, #tpu.memory_space<vmem>>, %arg5: memref<512x512xf32, #tpu.memory_space<vmem>>, %arg6: memref<1x512xf32, #tpu.memory_space<vmem>>, %arg7: memref<512x512xf32, #tpu.memory_space<vmem>>, %arg8: memref<1x512xf32, #tpu.memory_space<vmem>>, %arg9: memref<512x512xf32, #tpu.memory_space<vmem>>, %arg10: memref<1x512xf32, #tpu.memory_space<vmem>>, %arg11: memref<512x512xf32, #tpu.memory_space<vmem>>, %arg12: memref<1x512xf32, #tpu.memory_space<vmem>>, %arg13: memref<512x512xf32, #tpu.memory_space<vmem>>, %arg14: memref<1x512xf32, #tpu.memory_space<vmem>>, %arg15: memref<128x512xf32, #tpu.memory_space<vmem>>, %arg16: memref<128x512xf32, #tpu.memory_space<vmem>>, %arg17: memref<128x512xf32, #tpu.memory_space<vmem>>) attributes {dimension_semantics = [#tpu.dimension_semantics<arbitrary>], iteration_bounds = array<i64: 1>, scalar_prefetch = 0 : i64, scratch_operands = 0 : i64, tpu.core_type = #tpu.core_type<tc>, window_params = [{pipeline_mode = #tpu.pipeline_mode<synchronous>, transform_indices = @transform_0, window_bounds = array<i64: 128, 512>}, {pipeline_mode = #tpu.pipeline_mode<synchronous>, transform_indices = @transform_1, window_bounds = array<i64: 128, 512>}, {pipeline_mode = #tpu.pipeline_mode<synchronous>, transform_indices = @transform_2, window_bounds = array<i64: 1024, 512>}, {pipeline_mode = #tpu.pipeline_mode<synchronous>, transform_indices = @transform_3, window_bounds = array<i64: 1, 512>}, {pipeline_mode = #tpu.pipeline_mode<synchronous>, transform_indices = @transform_4, window_bounds = array<i64: 512, 512>}, {pipeline_mode = #tpu.pipeline_mode<synchronous>, transform_indices = @transform_5, window_bounds = array<i64: 1, 512>}, {pipeline_mode = #tpu.pipeline_mode<synchronous>, transform_indices = @transform_6, window_bounds = array<i64: 512, 512>}, {pipeline_mode = #tpu.pipeline_mode<synchronous>, transform_indices = @transform_7, window_bounds = array<i64: 1, 512>}, {pipeline_mode = #tpu.pipeline_mode<synchronous>, transform_indices = @transform_8, window_bounds = array<i64: 512, 512>}, {pipeline_mode = #tpu.pipeline_mode<synchronous>, transform_indices = @transform_9, window_bounds = array<i64: 1, 512>}, {pipeline_mode = #tpu.pipeline_mode<synchronous>, transform_indices = @transform_10, window_bounds = array<i64: 512, 512>}, {pipeline_mode = #tpu.pipeline_mode<synchronous>, transform_indices = @transform_11, window_bounds = array<i64: 1, 512>}, {pipeline_mode = #tpu.pipeline_mode<synchronous>, transform_indices = @transform_12, window_bounds = array<i64: 512, 512>}, {pipeline_mode = #tpu.pipeline_mode<synchronous>, transform_indices = @transform_13, window_bounds = array<i64: 1, 512>}, {pipeline_mode = #tpu.pipeline_mode<synchronous>, transform_indices = @transform_14, window_bounds = array<i64: 128, 512>}, {pipeline_mode = #tpu.pipeline_mode<synchronous>, transform_indices = @transform_15, window_bounds = array<i64: 128, 512>}, {pipeline_mode = #tpu.pipeline_mode<synchronous>, transform_indices = @transform_16, window_bounds = array<i64: 128, 512>}]} {
    %get3A = arith.constant 0 : index
    %get3A_0 = arith.constant 0 : index
    %get3A_1 = vector.load %arg1[%get3A, %get3A_0] : memref<128x512xf32, #tpu.memory_space<vmem>>, vector<128x512xf32>
    %get3A_2 = arith.constant 0 : index
    %get3A_3 = arith.constant 0 : index
    %get3A_4 = vector.load %arg2[%get3A_2, %get3A_3] : memref<128x512xf32, #tpu.memory_space<vmem>>, vector<128x512xf32>
    %concatenate3A = tpu.concatenate %get3A_1, %get3A_4 in 1 : vector<128x512xf32>, vector<128x512xf32> -> vector<128x1024xf32>
    %get3A_5 = arith.constant 0 : index
    %get3A_6 = arith.constant 0 : index
    %get3A_7 = vector.load %arg3[%get3A_5, %get3A_6] : memref<1024x512xf32, #tpu.memory_space<vmem>>, vector<1024x512xf32>
    %dot_general3A = arith.constant dense<0.000000e+00> : vector<128x512xf32>
    %dot_general3A_8 = tpu.matmul %concatenate3A, %get3A_7, %dot_general3A {dimension_numbers = #tpu.dot_dimension_numbers<[1], [0], [0], [1], [0, 0, 1, 1], [], []>, transpose_lhs_hint = false} : vector<128x1024xf32>, vector<1024x512xf32>, vector<128x512xf32> -> vector<128x512xf32>
    %get3A_9 = arith.constant 0 : index
    %get3A_10 = arith.constant 0 : index
    %get3A_11 = vector.load %arg4[%get3A_9, %get3A_10] : memref<1x512xf32, #tpu.memory_space<vmem>>, vector<1x512xf32>
    %add3A = vector.broadcast %get3A_11 : vector<1x512xf32> to vector<128x512xf32>
    %add3A_12 = arith.addf %dot_general3A_8, %add3A : vector<128x512xf32>
    %max3A = arith.constant 0.000000e+00 : f32
    %max3A_13 = vector.broadcast %max3A : f32 to vector<128x512xf32>
    %max3A_14 = arith.maximumf %add3A_12, %max3A_13 : vector<128x512xf32>
    %get3A_15 = arith.constant 0 : index
    %get3A_16 = arith.constant 0 : index
    %get3A_17 = vector.load %arg5[%get3A_15, %get3A_16] : memref<512x512xf32, #tpu.memory_space<vmem>>, vector<512x512xf32>
    %dot_general3A_18 = arith.constant dense<0.000000e+00> : vector<128x512xf32>
    %dot_general3A_19 = tpu.matmul %max3A_14, %get3A_17, %dot_general3A_18 {dimension_numbers = #tpu.dot_dimension_numbers<[1], [0], [0], [1], [0, 0, 1, 1], [], []>, transpose_lhs_hint = false} : vector<128x512xf32>, vector<512x512xf32>, vector<128x512xf32> -> vector<128x512xf32>
    %get3A_20 = arith.constant 0 : index
    %get3A_21 = arith.constant 0 : index
    %get3A_22 = vector.load %arg6[%get3A_20, %get3A_21] : memref<1x512xf32, #tpu.memory_space<vmem>>, vector<1x512xf32>
    %add3A_23 = vector.broadcast %get3A_22 : vector<1x512xf32> to vector<128x512xf32>
    %add3A_24 = arith.addf %dot_general3A_19, %add3A_23 : vector<128x512xf32>
    %swap3A = arith.constant 0 : index
    %swap3A_25 = arith.constant 0 : index
    %swap3A_26 = vector.load %arg15[%swap3A, %swap3A_25] : memref<128x512xf32, #tpu.memory_space<vmem>>, vector<128x512xf32>
    tpu.vector_store %arg15[%swap3A, %swap3A_25], %add3A_24 {strides = array<i32>} : memref<128x512xf32, #tpu.memory_space<vmem>>, vector<128x512xf32>,
    %get3A_27 = arith.constant 0 : index
    %get3A_28 = arith.constant 0 : index
    %get3A_29 = vector.load %arg1[%get3A_27, %get3A_28] : memref<128x512xf32, #tpu.memory_space<vmem>>, vector<128x512xf32>
    %get3A_30 = arith.constant 0 : index
    %get3A_31 = arith.constant 0 : index
    %get3A_32 = vector.load %arg7[%get3A_30, %get3A_31] : memref<512x512xf32, #tpu.memory_space<vmem>>, vector<512x512xf32>
    %dot_general3A_33 = arith.constant dense<0.000000e+00> : vector<128x512xf32>
    %dot_general3A_34 = tpu.matmul %get3A_29, %get3A_32, %dot_general3A_33 {dimension_numbers = #tpu.dot_dimension_numbers<[1], [0], [0], [1], [0, 0, 1, 1], [], []>, transpose_lhs_hint = false} : vector<128x512xf32>, vector<512x512xf32>, vector<128x512xf32> -> vector<128x512xf32>
    %get3A_35 = arith.constant 0 : index
    %get3A_36 = arith.constant 0 : index
    %get3A_37 = vector.load %arg8[%get3A_35, %get3A_36] : memref<1x512xf32, #tpu.memory_space<vmem>>, vector<1x512xf32>
    %add3A_38 = vector.broadcast %get3A_37 : vector<1x512xf32> to vector<128x512xf32>
    %add3A_39 = arith.addf %dot_general3A_34, %add3A_38 : vector<128x512xf32>
    %max3A_40 = arith.constant 0.000000e+00 : f32
    %max3A_41 = vector.broadcast %max3A_40 : f32 to vector<128x512xf32>
    %max3A_42 = arith.maximumf %add3A_39, %max3A_41 : vector<128x512xf32>
    %get3A_43 = arith.constant 0 : index
    %get3A_44 = arith.constant 0 : index
    %get3A_45 = vector.load %arg9[%get3A_43, %get3A_44] : memref<512x512xf32, #tpu.memory_space<vmem>>, vector<512x512xf32>
    %dot_general3A_46 = arith.constant dense<0.000000e+00> : vector<128x512xf32>
    %dot_general3A_47 = tpu.matmul %max3A_42, %get3A_45, %dot_general3A_46 {dimension_numbers = #tpu.dot_dimension_numbers<[1], [0], [0], [1], [0, 0, 1, 1], [], []>, transpose_lhs_hint = false} : vector<128x512xf32>, vector<512x512xf32>, vector<128x512xf32> -> vector<128x512xf32>
    %get3A_48 = arith.constant 0 : index
    %get3A_49 = arith.constant 0 : index
    %get3A_50 = vector.load %arg10[%get3A_48, %get3A_49] : memref<1x512xf32, #tpu.memory_space<vmem>>, vector<1x512xf32>
    %add3A_51 = vector.broadcast %get3A_50 : vector<1x512xf32> to vector<128x512xf32>
    %add3A_52 = arith.addf %dot_general3A_47, %add3A_51 : vector<128x512xf32>
    %swap3A_53 = arith.constant 0 : index
    %swap3A_54 = arith.constant 0 : index
    %swap3A_55 = vector.load %arg16[%swap3A_53, %swap3A_54] : memref<128x512xf32, #tpu.memory_space<vmem>>, vector<128x512xf32>
    tpu.vector_store %arg16[%swap3A_53, %swap3A_54], %add3A_52 {strides = array<i32>} : memref<128x512xf32, #tpu.memory_space<vmem>>, vector<128x512xf32>,
    %get3A_56 = arith.constant 0 : index
    %get3A_57 = arith.constant 0 : index
    %get3A_58 = vector.load %arg2[%get3A_56, %get3A_57] : memref<128x512xf32, #tpu.memory_space<vmem>>, vector<128x512xf32>
    %get3A_59 = arith.constant 0 : index
    %get3A_60 = arith.constant 0 : index
    %get3A_61 = vector.load %arg11[%get3A_59, %get3A_60] : memref<512x512xf32, #tpu.memory_space<vmem>>, vector<512x512xf32>
    %dot_general3A_62 = arith.constant dense<0.000000e+00> : vector<128x512xf32>
    %dot_general3A_63 = tpu.matmul %get3A_58, %get3A_61, %dot_general3A_62 {dimension_numbers = #tpu.dot_dimension_numbers<[1], [0], [0], [1], [0, 0, 1, 1], [], []>, transpose_lhs_hint = false} : vector<128x512xf32>, vector<512x512xf32>, vector<128x512xf32> -> vector<128x512xf32>
    %get3A_64 = arith.constant 0 : index
    %get3A_65 = arith.constant 0 : index
    %get3A_66 = vector.load %arg12[%get3A_64, %get3A_65] : memref<1x512xf32, #tpu.memory_space<vmem>>, vector<1x512xf32>
    %add3A_67 = vector.broadcast %get3A_66 : vector<1x512xf32> to vector<128x512xf32>
    %add3A_68 = arith.addf %dot_general3A_63, %add3A_67 : vector<128x512xf32>
    %max3A_69 = arith.constant 0.000000e+00 : f32
    %max3A_70 = vector.broadcast %max3A_69 : f32 to vector<128x512xf32>
    %max3A_71 = arith.maximumf %add3A_68, %max3A_70 : vector<128x512xf32>
    %get3A_72 = arith.constant 0 : index
    %get3A_73 = arith.constant 0 : index
    %get3A_74 = vector.load %arg13[%get3A_72, %get3A_73] : memref<512x512xf32, #tpu.memory_space<vmem>>, vector<512x512xf32>
    %dot_general3A_75 = arith.constant dense<0.000000e+00> : vector<128x512xf32>
    %dot_general3A_76 = tpu.matmul %max3A_71, %get3A_74, %dot_general3A_75 {dimension_numbers = #tpu.dot_dimension_numbers<[1], [0], [0], [1], [0, 0, 1, 1], [], []>, transpose_lhs_hint = false} : vector<128x512xf32>, vector<512x512xf32>, vector<128x512xf32> -> vector<128x512xf32>
    %get3A_77 = arith.constant 0 : index
    %get3A_78 = arith.constant 0 : index
    %get3A_79 = vector.load %arg14[%get3A_77, %get3A_78] : memref<1x512xf32, #tpu.memory_space<vmem>>, vector<1x512xf32>
    %add3A_80 = vector.broadcast %get3A_79 : vector<1x512xf32> to vector<128x512xf32>
    %add3A_81 = arith.addf %dot_general3A_76, %add3A_80 : vector<128x512xf32>
    %swap3A_82 = arith.constant 0 : index
    %swap3A_83 = arith.constant 0 : index
    %swap3A_84 = vector.load %arg17[%swap3A_82, %swap3A_83] : memref<128x512xf32, #tpu.memory_space<vmem>>, vector<128x512xf32>
    tpu.vector_store %arg17[%swap3A_82, %swap3A_83], %add3A_81 {strides = array<i32>} : memref<128x512xf32, #tpu.memory_space<vmem>>, vector<128x512xf32>,
    return
  }
  func.func @transform_0(%arg0: i32) -> (i32, i32) {
    %c0_i32 = arith.constant 0 : i32
    %c0_i32_0 = arith.constant 0 : i32
    %c0_i32_1 = arith.constant 0 : i32
    return %c0_i32, %c0_i32_0 : i32, i32
  }
  func.func @transform_1(%arg0: i32) -> (i32, i32) {
    %c0_i32 = arith.constant 0 : i32
    %c0_i32_0 = arith.constant 0 : i32
    %c0_i32_1 = arith.constant 0 : i32
    return %c0_i32, %c0_i32_0 : i32, i32
  }
  func.func @transform_2(%arg0: i32) -> (i32, i32) {
    %c0_i32 = arith.constant 0 : i32
    %c0_i32_0 = arith.constant 0 : i32
    %c0_i32_1 = arith.constant 0 : i32
    return %c0_i32, %c0_i32_0 : i32, i32
  }
  func.func @transform_3(%arg0: i32) -> (i32, i32) {
    %c0_i32 = arith.constant 0 : i32
    %c0_i32_0 = arith.constant 0 : i32
    %c0_i32_1 = arith.constant 0 : i32
    return %c0_i32, %c0_i32_0 : i32, i32
  }
  func.func @transform_4(%arg0: i32) -> (i32, i32) {
    %c0_i32 = arith.constant 0 : i32
    %c0_i32_0 = arith.constant 0 : i32
    %c0_i32_1 = arith.constant 0 : i32
    return %c0_i32, %c0_i32_0 : i32, i32
  }
  func.func @transform_5(%arg0: i32) -> (i32, i32) {
    %c0_i32 = arith.constant 0 : i32
    %c0_i32_0 = arith.constant 0 : i32
    %c0_i32_1 = arith.constant 0 : i32
    return %c0_i32, %c0_i32_0 : i32, i32
  }
  func.func @transform_6(%arg0: i32) -> (i32, i32) {
    %c0_i32 = arith.constant 0 : i32
    %c0_i32_0 = arith.constant 0 : i32
    %c0_i32_1 = arith.constant 0 : i32
    return %c0_i32, %c0_i32_0 : i32, i32
  }
  func.func @transform_7(%arg0: i32) -> (i32, i32) {
    %c0_i32 = arith.constant 0 : i32
    %c0_i32_0 = arith.constant 0 : i32
    %c0_i32_1 = arith.constant 0 : i32
    return %c0_i32, %c0_i32_0 : i32, i32
  }
  func.func @transform_8(%arg0: i32) -> (i32, i32) {
    %c0_i32 = arith.constant 0 : i32
    %c0_i32_0 = arith.constant 0 : i32
    %c0_i32_1 = arith.constant 0 : i32
    return %c0_i32, %c0_i32_0 : i32, i32
  }
  func.func @transform_9(%arg0: i32) -> (i32, i32) {
    %c0_i32 = arith.constant 0 : i32
    %c0_i32_0 = arith.constant 0 : i32
    %c0_i32_1 = arith.constant 0 : i32
    return %c0_i32, %c0_i32_0 : i32, i32
  }
  func.func @transform_10(%arg0: i32) -> (i32, i32) {
    %c0_i32 = arith.constant 0 : i32
    %c0_i32_0 = arith.constant 0 : i32
    %c0_i32_1 = arith.constant 0 : i32
    return %c0_i32, %c0_i32_0 : i32, i32
  }
  func.func @transform_11(%arg0: i32) -> (i32, i32) {
    %c0_i32 = arith.constant 0 : i32
    %c0_i32_0 = arith.constant 0 : i32
    %c0_i32_1 = arith.constant 0 : i32
    return %c0_i32, %c0_i32_0 : i32, i32
  }
  func.func @transform_12(%arg0: i32) -> (i32, i32) {
    %c0_i32 = arith.constant 0 : i32
    %c0_i32_0 = arith.constant 0 : i32
    %c0_i32_1 = arith.constant 0 : i32
    return %c0_i32, %c0_i32_0 : i32, i32
  }
  func.func @transform_13(%arg0: i32) -> (i32, i32) {
    %c0_i32 = arith.constant 0 : i32
    %c0_i32_0 = arith.constant 0 : i32
    %c0_i32_1 = arith.constant 0 : i32
    return %c0_i32, %c0_i32_0 : i32, i32
  }
  func.func @transform_14(%arg0: i32) -> (i32, i32) {
    %c0_i32 = arith.constant 0 : i32
    %c0_i32_0 = arith.constant 0 : i32
    %c0_i32_1 = arith.constant 0 : i32
    return %c0_i32, %c0_i32_0 : i32, i32
  }
  func.func @transform_15(%arg0: i32) -> (i32, i32) {
    %c0_i32 = arith.constant 0 : i32
    %c0_i32_0 = arith.constant 0 : i32
    %c0_i32_1 = arith.constant 0 : i32
    return %c0_i32, %c0_i32_0 : i32, i32
  }
  func.func @transform_16(%arg0: i32) -> (i32, i32) {
    %c0_i32 = arith.constant 0 : i32
    %c0_i32_0 = arith.constant 0 : i32
    %c0_i32_1 = arith.constant 0 : i32
    return %c0_i32, %c0_i32_0 : i32, i32
  }
}

module attributes {stable_mosaic.version = 14 : i64} {
  func.func @_tail_body(%arg0: i32, %arg1: memref<1x1x1000xi32, #tpu.memory_space<vmem>>, %arg2: memref<2x1000x128xf32, #tpu.memory_space<vmem>>, %arg3: memref<2x1000x128xf32, #tpu.memory_space<vmem>>, %arg4: memref<256x256xf32, #tpu.memory_space<vmem>>, %arg5: memref<1x256xf32, #tpu.memory_space<vmem>>, %arg6: memref<256x256xf32, #tpu.memory_space<vmem>>, %arg7: memref<1x256xf32, #tpu.memory_space<vmem>>, %arg8: memref<512x512xf32, #tpu.memory_space<vmem>>, %arg9: memref<1x512xf32, #tpu.memory_space<vmem>>, %arg10: memref<512x512xf32, #tpu.memory_space<vmem>>, %arg11: memref<1x512xf32, #tpu.memory_space<vmem>>, %arg12: memref<1000x512xf32, #tpu.memory_space<vmem>>, %arg13: memref<128x512xf32, #tpu.memory_space<vmem>>) attributes {dimension_semantics = [#tpu.dimension_semantics<arbitrary>], iteration_bounds = array<i64: 10>, scalar_prefetch = 0 : i64, scratch_operands = 0 : i64, tpu.core_type = #tpu.core_type<tc>, window_params = [{transform_indices = @transform_0, window_bounds = array<i64: 1, 1, 1000>}, {transform_indices = @transform_1, window_bounds = array<i64: 2, 1000, 128>}, {transform_indices = @transform_2, window_bounds = array<i64: 2, 1000, 128>}, {pipeline_mode = #tpu.pipeline_mode<synchronous>, transform_indices = @transform_3, window_bounds = array<i64: 256, 256>}, {pipeline_mode = #tpu.pipeline_mode<synchronous>, transform_indices = @transform_4, window_bounds = array<i64: 1, 256>}, {pipeline_mode = #tpu.pipeline_mode<synchronous>, transform_indices = @transform_5, window_bounds = array<i64: 256, 256>}, {pipeline_mode = #tpu.pipeline_mode<synchronous>, transform_indices = @transform_6, window_bounds = array<i64: 1, 256>}, {pipeline_mode = #tpu.pipeline_mode<synchronous>, transform_indices = @transform_7, window_bounds = array<i64: 512, 512>}, {pipeline_mode = #tpu.pipeline_mode<synchronous>, transform_indices = @transform_8, window_bounds = array<i64: 1, 512>}, {pipeline_mode = #tpu.pipeline_mode<synchronous>, transform_indices = @transform_9, window_bounds = array<i64: 512, 512>}, {pipeline_mode = #tpu.pipeline_mode<synchronous>, transform_indices = @transform_10, window_bounds = array<i64: 1, 512>}, {transform_indices = @transform_11, window_bounds = array<i64: 1000, 512>}, {pipeline_mode = #tpu.pipeline_mode<synchronous>, transform_indices = @transform_12, window_bounds = array<i64: 128, 512>}]} {
    %get3A = arith.constant 0 : index
    %get3A_0 = arith.constant 0 : index
    %get3A_1 = arith.constant 0 : index
    %get3A_2 = vector.load %arg2[%get3A, %get3A_0, %get3A_1] : memref<2x1000x128xf32, #tpu.memory_space<vmem>>, vector<1x1000x128xf32>
    %get3A_3 = vector.shape_cast %get3A_2 : vector<1x1000x128xf32> to vector<1000x128xf32>
    %get3A_4 = arith.constant 0 : index
    %get3A_5 = arith.constant 0 : index
    %get3A_6 = arith.constant 0 : index
    %get3A_7 = vector.load %arg3[%get3A_4, %get3A_5, %get3A_6] : memref<2x1000x128xf32, #tpu.memory_space<vmem>>, vector<1x1000x128xf32>
    %get3A_8 = vector.shape_cast %get3A_7 : vector<1x1000x128xf32> to vector<1000x128xf32>
    %add3A = arith.addf %get3A_3, %get3A_8 : vector<1000x128xf32>
    %get3A_9 = arith.constant 1 : index
    %get3A_10 = arith.constant 0 : index
    %get3A_11 = arith.constant 0 : index
    %get3A_12 = vector.load %arg2[%get3A_9, %get3A_10, %get3A_11] : memref<2x1000x128xf32, #tpu.memory_space<vmem>>, vector<1x1000x128xf32>
    %get3A_13 = vector.shape_cast %get3A_12 : vector<1x1000x128xf32> to vector<1000x128xf32>
    %get3A_14 = arith.constant 1 : index
    %get3A_15 = arith.constant 0 : index
    %get3A_16 = arith.constant 0 : index
    %get3A_17 = vector.load %arg3[%get3A_14, %get3A_15, %get3A_16] : memref<2x1000x128xf32, #tpu.memory_space<vmem>>, vector<1x1000x128xf32>
    %get3A_18 = vector.shape_cast %get3A_17 : vector<1x1000x128xf32> to vector<1000x128xf32>
    %add3A_19 = arith.addf %get3A_13, %get3A_18 : vector<1000x128xf32>
    %concatenate3A = tpu.concatenate %add3A, %add3A_19 in 1 : vector<1000x128xf32>, vector<1000x128xf32> -> vector<1000x256xf32>
    %get3A_20 = arith.constant 0 : index
    %get3A_21 = arith.constant 0 : index
    %get3A_22 = vector.load %arg4[%get3A_20, %get3A_21] : memref<256x256xf32, #tpu.memory_space<vmem>>, vector<256x256xf32>
    %dot_general3A = arith.constant dense<0.000000e+00> : vector<1000x256xf32>
    %dot_general3A_23 = tpu.matmul %concatenate3A, %get3A_22, %dot_general3A {dimension_numbers = #tpu.dot_dimension_numbers<[1], [0], [0], [1], [0, 0, 1, 1], [], []>, transpose_lhs_hint = false} : vector<1000x256xf32>, vector<256x256xf32>, vector<1000x256xf32> -> vector<1000x256xf32>
    %get3A_24 = arith.constant 0 : index
    %get3A_25 = arith.constant 0 : index
    %get3A_26 = vector.load %arg5[%get3A_24, %get3A_25] : memref<1x256xf32, #tpu.memory_space<vmem>>, vector<1x256xf32>
    %add3A_27 = vector.broadcast %get3A_26 : vector<1x256xf32> to vector<1000x256xf32>
    %add3A_28 = arith.addf %dot_general3A_23, %add3A_27 : vector<1000x256xf32>
    %max3A = arith.constant 0.000000e+00 : f32
    %max3A_29 = vector.broadcast %max3A : f32 to vector<1000x256xf32>
    %max3A_30 = arith.maximumf %add3A_28, %max3A_29 : vector<1000x256xf32>
    %get3A_31 = arith.constant 0 : index
    %get3A_32 = arith.constant 0 : index
    %get3A_33 = vector.load %arg6[%get3A_31, %get3A_32] : memref<256x256xf32, #tpu.memory_space<vmem>>, vector<256x256xf32>
    %dot_general3A_34 = arith.constant dense<0.000000e+00> : vector<1000x256xf32>
    %dot_general3A_35 = tpu.matmul %max3A_30, %get3A_33, %dot_general3A_34 {dimension_numbers = #tpu.dot_dimension_numbers<[1], [0], [0], [1], [0, 0, 1, 1], [], []>, transpose_lhs_hint = false} : vector<1000x256xf32>, vector<256x256xf32>, vector<1000x256xf32> -> vector<1000x256xf32>
    %get3A_36 = arith.constant 0 : index
    %get3A_37 = arith.constant 0 : index
    %get3A_38 = vector.load %arg7[%get3A_36, %get3A_37] : memref<1x256xf32, #tpu.memory_space<vmem>>, vector<1x256xf32>
    %add3A_39 = vector.broadcast %get3A_38 : vector<1x256xf32> to vector<1000x256xf32>
    %add3A_40 = arith.addf %dot_general3A_35, %add3A_39 : vector<1000x256xf32>
    %max3A_41 = arith.constant 0.000000e+00 : f32
    %max3A_42 = vector.broadcast %max3A_41 : f32 to vector<1000x256xf32>
    %max3A_43 = arith.maximumf %add3A_40, %max3A_42 : vector<1000x256xf32>
    %get3A_44 = arith.constant 0 : index
    %get3A_45 = arith.constant 0 : index
    %get3A_46 = arith.constant 0 : index
    %get3A_47 = vector.load %arg2[%get3A_44, %get3A_45, %get3A_46] : memref<2x1000x128xf32, #tpu.memory_space<vmem>>, vector<1x1000x128xf32>
    %get3A_48 = vector.shape_cast %get3A_47 : vector<1x1000x128xf32> to vector<1000x128xf32>
    %get3A_49 = arith.constant 1 : index
    %get3A_50 = arith.constant 0 : index
    %get3A_51 = arith.constant 0 : index
    %get3A_52 = vector.load %arg2[%get3A_49, %get3A_50, %get3A_51] : memref<2x1000x128xf32, #tpu.memory_space<vmem>>, vector<1x1000x128xf32>
    %get3A_53 = vector.shape_cast %get3A_52 : vector<1x1000x128xf32> to vector<1000x128xf32>
    %concatenate3A_54 = tpu.concatenate %get3A_48, %get3A_53, %max3A_43 in 1 : vector<1000x128xf32>, vector<1000x128xf32>, vector<1000x256xf32> -> vector<1000x512xf32>
    %get3A_55 = arith.constant 0 : index
    %get3A_56 = arith.constant 0 : index
    %get3A_57 = vector.load %arg8[%get3A_55, %get3A_56] : memref<512x512xf32, #tpu.memory_space<vmem>>, vector<512x512xf32>
    %dot_general3A_58 = arith.constant dense<0.000000e+00> : vector<1000x512xf32>
    %dot_general3A_59 = tpu.matmul %concatenate3A_54, %get3A_57, %dot_general3A_58 {dimension_numbers = #tpu.dot_dimension_numbers<[1], [0], [0], [1], [0, 0, 1, 1], [], []>, transpose_lhs_hint = false} : vector<1000x512xf32>, vector<512x512xf32>, vector<1000x512xf32> -> vector<1000x512xf32>
    %get3A_60 = arith.constant 0 : index
    %get3A_61 = arith.constant 0 : index
    %get3A_62 = vector.load %arg9[%get3A_60, %get3A_61] : memref<1x512xf32, #tpu.memory_space<vmem>>, vector<1x512xf32>
    %add3A_63 = vector.broadcast %get3A_62 : vector<1x512xf32> to vector<1000x512xf32>
    %add3A_64 = arith.addf %dot_general3A_59, %add3A_63 : vector<1000x512xf32>
    %max3A_65 = arith.constant 0.000000e+00 : f32
    %max3A_66 = vector.broadcast %max3A_65 : f32 to vector<1000x512xf32>
    %max3A_67 = arith.maximumf %add3A_64, %max3A_66 : vector<1000x512xf32>
    %get3A_68 = arith.constant 0 : index
    %get3A_69 = arith.constant 0 : index
    %get3A_70 = vector.load %arg10[%get3A_68, %get3A_69] : memref<512x512xf32, #tpu.memory_space<vmem>>, vector<512x512xf32>
    %dot_general3A_71 = arith.constant dense<0.000000e+00> : vector<1000x512xf32>
    %dot_general3A_72 = tpu.matmul %max3A_67, %get3A_70, %dot_general3A_71 {dimension_numbers = #tpu.dot_dimension_numbers<[1], [0], [0], [1], [0, 0, 1, 1], [], []>, transpose_lhs_hint = false} : vector<1000x512xf32>, vector<512x512xf32>, vector<1000x512xf32> -> vector<1000x512xf32>
    %get3A_73 = arith.constant 0 : index
    %get3A_74 = arith.constant 0 : index
    %get3A_75 = vector.load %arg11[%get3A_73, %get3A_74] : memref<1x512xf32, #tpu.memory_space<vmem>>, vector<1x512xf32>
    %add3A_76 = vector.broadcast %get3A_75 : vector<1x512xf32> to vector<1000x512xf32>
    %add3A_77 = arith.addf %dot_general3A_72, %add3A_76 : vector<1000x512xf32>
    %swap3A = arith.constant 0 : index
    %swap3A_78 = arith.constant 0 : index
    %swap3A_79 = vector.load %arg12[%swap3A, %swap3A_78] : memref<1000x512xf32, #tpu.memory_space<vmem>>, vector<1000x512xf32>
    tpu.vector_store %arg12[%swap3A, %swap3A_78], %add3A_77 {strides = array<i32>} : memref<1000x512xf32, #tpu.memory_space<vmem>>, vector<1000x512xf32>,
    %get3A_80 = arith.constant 0 : index
    %get3A_81 = arith.constant 0 : index
    %get3A_82 = arith.constant 0 : index
    %get3A_83 = vector.load %arg1[%get3A_80, %get3A_81, %get3A_82] : memref<1x1x1000xi32, #tpu.memory_space<vmem>>, vector<1x1x1000xi32>
    %get3A_84 = vector.shape_cast %get3A_83 : vector<1x1x1000xi32> to vector<1x1000xi32>
    %iota3A = tpu.iota {dimensions = array<i32: 0>} : vector<128x1xi32>
    %eq3A = vector.broadcast %iota3A : vector<128x1xi32> to vector<128x1000xi32>
    %eq3A_85 = vector.broadcast %get3A_84 : vector<1x1000xi32> to vector<128x1000xi32>
    %eq3A_86 = arith.cmpi eq, %eq3A, %eq3A_85 : vector<128x1000xi32>
    %convert_element_type3A = arith.extui %eq3A_86 : vector<128x1000xi1> to vector<128x1000xi32>
    %convert_element_type3A_87 = arith.sitofp %convert_element_type3A : vector<128x1000xi32> to vector<128x1000xf32>
    %eq3A_88 = arith.constant 0 : i32
    %eq3A_89 = arith.cmpi eq, %arg0, %eq3A_88 : i32
    %convert_element_type3A_90 = arith.extui %eq3A_89 : i1 to i32
    %cond3A = arith.constant 0 : i32
    %cond3A_91 = arith.cmpi ne, %convert_element_type3A_90, %cond3A : i32
    scf.if %cond3A_91 {
      %broadcast_in_dim3A = arith.constant 0.000000e+00 : f32
      %broadcast_in_dim3A_101 = vector.broadcast %broadcast_in_dim3A : f32 to vector<128x512xf32>
      %swap3A_102 = arith.constant 0 : index
      %swap3A_103 = arith.constant 0 : index
      %swap3A_104 = vector.load %arg13[%swap3A_102, %swap3A_103] : memref<128x512xf32, #tpu.memory_space<vmem>>, vector<128x512xf32>
      tpu.vector_store %arg13[%swap3A_102, %swap3A_103], %broadcast_in_dim3A_101 {strides = array<i32>} : memref<128x512xf32, #tpu.memory_space<vmem>>, vector<128x512xf32>,
    } else {
    }
    %get3A_92 = arith.constant 0 : index
    %get3A_93 = arith.constant 0 : index
    %get3A_94 = vector.load %arg13[%get3A_92, %get3A_93] : memref<128x512xf32, #tpu.memory_space<vmem>>, vector<128x512xf32>
    %dot_general3A_95 = arith.constant dense<0.000000e+00> : vector<128x512xf32>
    %dot_general3A_96 = tpu.matmul %convert_element_type3A_87, %concatenate3A_54, %dot_general3A_95 {dimension_numbers = #tpu.dot_dimension_numbers<[1], [0], [0], [1], [0, 0, 1, 1], [], []>, transpose_lhs_hint = false} : vector<128x1000xf32>, vector<1000x512xf32>, vector<128x512xf32> -> vector<128x512xf32>
    %add3A_97 = arith.addf %get3A_94, %dot_general3A_96 : vector<128x512xf32>
    %swap3A_98 = arith.constant 0 : index
    %swap3A_99 = arith.constant 0 : index
    %swap3A_100 = vector.load %arg13[%swap3A_98, %swap3A_99] : memref<128x512xf32, #tpu.memory_space<vmem>>, vector<128x512xf32>
    tpu.vector_store %arg13[%swap3A_98, %swap3A_99], %add3A_97 {strides = array<i32>} : memref<128x512xf32, #tpu.memory_space<vmem>>, vector<128x512xf32>,
    return
  }
  func.func @transform_0(%arg0: i32) -> (i32, i32, i32) {
    %c0_i32 = arith.constant 0 : i32
    %c0_i32_0 = arith.constant 0 : i32
    %c0_i32_1 = arith.constant 0 : i32
    return %arg0, %c0_i32, %c0_i32_0 : i32, i32, i32
  }
  func.func @transform_1(%arg0: i32) -> (i32, i32, i32) {
    %c0_i32 = arith.constant 0 : i32
    %c0_i32_0 = arith.constant 0 : i32
    %c0_i32_1 = arith.constant 0 : i32
    return %c0_i32, %arg0, %c0_i32_0 : i32, i32, i32
  }
  func.func @transform_2(%arg0: i32) -> (i32, i32, i32) {
    %c0_i32 = arith.constant 0 : i32
    %c0_i32_0 = arith.constant 0 : i32
    %c0_i32_1 = arith.constant 0 : i32
    return %c0_i32, %arg0, %c0_i32_0 : i32, i32, i32
  }
  func.func @transform_3(%arg0: i32) -> (i32, i32) {
    %c0_i32 = arith.constant 0 : i32
    %c0_i32_0 = arith.constant 0 : i32
    %c0_i32_1 = arith.constant 0 : i32
    return %c0_i32, %c0_i32_0 : i32, i32
  }
  func.func @transform_4(%arg0: i32) -> (i32, i32) {
    %c0_i32 = arith.constant 0 : i32
    %c0_i32_0 = arith.constant 0 : i32
    %c0_i32_1 = arith.constant 0 : i32
    return %c0_i32, %c0_i32_0 : i32, i32
  }
  func.func @transform_5(%arg0: i32) -> (i32, i32) {
    %c0_i32 = arith.constant 0 : i32
    %c0_i32_0 = arith.constant 0 : i32
    %c0_i32_1 = arith.constant 0 : i32
    return %c0_i32, %c0_i32_0 : i32, i32
  }
  func.func @transform_6(%arg0: i32) -> (i32, i32) {
    %c0_i32 = arith.constant 0 : i32
    %c0_i32_0 = arith.constant 0 : i32
    %c0_i32_1 = arith.constant 0 : i32
    return %c0_i32, %c0_i32_0 : i32, i32
  }
  func.func @transform_7(%arg0: i32) -> (i32, i32) {
    %c0_i32 = arith.constant 0 : i32
    %c0_i32_0 = arith.constant 0 : i32
    %c0_i32_1 = arith.constant 0 : i32
    return %c0_i32, %c0_i32_0 : i32, i32
  }
  func.func @transform_8(%arg0: i32) -> (i32, i32) {
    %c0_i32 = arith.constant 0 : i32
    %c0_i32_0 = arith.constant 0 : i32
    %c0_i32_1 = arith.constant 0 : i32
    return %c0_i32, %c0_i32_0 : i32, i32
  }
  func.func @transform_9(%arg0: i32) -> (i32, i32) {
    %c0_i32 = arith.constant 0 : i32
    %c0_i32_0 = arith.constant 0 : i32
    %c0_i32_1 = arith.constant 0 : i32
    return %c0_i32, %c0_i32_0 : i32, i32
  }
  func.func @transform_10(%arg0: i32) -> (i32, i32) {
    %c0_i32 = arith.constant 0 : i32
    %c0_i32_0 = arith.constant 0 : i32
    %c0_i32_1 = arith.constant 0 : i32
    return %c0_i32, %c0_i32_0 : i32, i32
  }
  func.func @transform_11(%arg0: i32) -> (i32, i32) {
    %c0_i32 = arith.constant 0 : i32
    %c0_i32_0 = arith.constant 0 : i32
    return %arg0, %c0_i32 : i32, i32
  }
  func.func @transform_12(%arg0: i32) -> (i32, i32) {
    %c0_i32 = arith.constant 0 : i32
    %c0_i32_0 = arith.constant 0 : i32
    %c0_i32_1 = arith.constant 0 : i32
    return %c0_i32, %c0_i32_0 : i32, i32
  }
}

</mosaic_0001>

<sc_bundles>
// kernel: kernel.10.cloned.1.call-start
scs
__scs_entry_jumppad:
0x0: {  	(pc) =	sbr.rel $0x88, $3  }
0x1: {  	(tag) =	ssettag $0x0;
	lr =	simm.s32 $0x1  }
0x2: {  	[smem:$0x3F79] =	sst lr;
	_ =	strace $0xD0000000  }
0x3: {  	_ = 	snop  }
0x4: {  	_ = 	snop  }
0x5: {  	_ = 	snop  }
0x6: {  	_ = 	snop  }
0x7: {  	_ = 	snop  }
__scs_overlays_trampoline_lowered:
0x8: {  	[smem:$0x3F88] =	sst s0  }
0x9: {  	[smem:$0x3F89] =	sst s1  }
0xa: {  	[smem:$0x3F8A] =	sst s2  }
0xb: {  	[smem:$0x3F8B] =	sst s3  }
0xc: {  	[smem:$0x3F8C] =	sst s4  }
0xd: {  	[smem:$0x3F8D] =	sst s5  }
0xe: {  	[smem:$0x3F8E] =	sst s6  }
0xf: {  	[smem:$0x3F8F] =	sst s7  }
0x10: {  	[smem:$0x3F90] =	sst s8  }
0x11: {  	[smem:$0x3F91] =	sst s9;
	s0 =	simm.s32 @!p0 $0x0  }
0x12: {  	s1 =	sld [smem:$0x3F77];
	s0 =	simm.s32 @p0 $0x1  }
0x13: {  	[smem:$0x3F92] =	sst s0;
	s0 =	simm.s32 @!p1 $0x0  }
0x14: {  	s2 =	sld [smem:$0x3F76];
	s0 =	simm.s32 @p1 $0x1  }
0x15: {  	[smem:$0x3F93] =	sst s0;
	s0 =	simm.s32 @!p2 $0x0  }
0x16: {  	s3 =	sld [smem:$0x3FDB];
	s0 =	simm.s32 @p2 $0x1  }
0x17: {  	s4 =	simm.s32 $0x1BF5;
	[smem:$0x3F95] =	sst s0  }
0x18: {  	s0 =	sld [smem:$0x3F78];
	_ =	swait.ge [sflag:s4], $0x0  }
0x19: {  	s7 =	sld [smem:$0x3F79]  }
0x1a: {  	s8 =	sadd.s32 $0xFFFFE003, lr  }
0x1b: {  	s9 =	sadd.s32 $0xFFFFFEF7, lr;
	s5 =	simm.s32 $0xFFFFFFFF;
	p2 =	slt.u32 s8, $0xFFFFF086  }
0x1c: {  	p1 =	slt.u32 s9, $0xF7A;
	s5 =	simm.s32 @!p2 $0x0  }
0x1d: {  	s5 =	simm.s32 @p1 $0x1;
	p0 =	seq.s32 s7, s2  }
0x1e: {  	s7 =	smul.u32 @!p0 $0xF7A, s2;
	p2 =	seq.s32 @!p0 s5, $0x0  }
0x1f: {  	s9 =	smul.u32 $0xF7A, s1;
	s8 =	simm.s32 @!p0 $0x1BF5;
	p2 =	por !p2, p0  }
0x20: {  	[sflag:s8] =	ssyncset.s32 @!p0 $0xFFFFF086;
	s6 =	sadd.s32 @!p0 s3, s7;
	s7 =	simm.s32 @!p0 $0x108  }
0x21: {  	s3 =	sadd.s32 s3, s9;
	s6 =	sadd.s32 @!p0 $0x88, s6;
	s7 =	simm.s32 @p2 $0x1082  }
0x22: {  	[simem:s7], [sflag:s8] =	dma.local @!p0 [hbm:s6], $0xF7A  }
0x23: {  	s9 =	sor.u32 $0xD0000000, s2;
	s6 =	simm.s32 $0x108;
	_ =	swait.ge @!p0 [sflag:s8], $0x0  }
0x24: {  	s3 =	sadd.s32 $0x88, s3;
	s6 =	simm.s32 @!p1 $0x1082;
	[sflag:s4] =	ssyncset.s32 $0xFFFFF086  }
0x25: {  	[simem:s6], [sflag:s4] =	dma.local [hbm:s3], $0xF7A  }
0x26: {  	[smem:$0x3F79] =	sst s1;
	(tag) =	ssettag s2;
	_ =	strace s9  }
0x27: {  	s1 =	sld [smem:$0x3F89]  }
0x28: {  	s2 =	sld [smem:$0x3F8A]  }
0x29: {  	s4 =	sld [smem:$0x3F8C]  }
0x2a: {  	p0 =	seq.s32 s5, $0x0;
	s5 =	sld [smem:$0x3F8D]  }
0x2b: {  	s6 =	sld [smem:$0x3F8E]  }
0x2c: {  	s7 =	sld [smem:$0x3F8F]  }
0x2d: {  	s3 =	simm.s32 $0x108;
	s8 =	sld [smem:$0x3F90]  }
0x2e: {  	s3 =	simm.s32 @!p0 $0x1082;
	s9 =	sld [smem:$0x3F91]  }
0x2f: {  	lr =	sadd.s32 s0, s3;
	s0 =	sld [smem:$0x3F88]  }
0x30: {  	s3 =	sld [smem:$0x3F8B]  }
0x31: {  	[smem:$0x3F94] =	sst s10  }
0x32: {  	s10 =	sld [smem:$0x3F92];
	_ =	sdelay $0x3  }
0x33: {  	p0 =	seq.s32 s10, $0x1;
	s10 =	sld [smem:$0x3F94];
	_ =	sdelay $0x3  }
0x34: {  	[smem:$0x3F94] =	sst s10  }
0x35: {  	s10 =	sld [smem:$0x3F93];
	_ =	sdelay $0x3  }
0x36: {  	p1 =	seq.s32 s10, $0x1;
	s10 =	sld [smem:$0x3F94];
	_ =	sdelay $0x3  }
0x37: {  	[smem:$0x3F94] =	sst s10  }
0x38: {  	s10 =	sld [smem:$0x3F95]  }
0x39: {  	_ = 	snop;
	(pc) =	sbr.ind lr, $3  }
0x3a: {  	_ = 	snop  }
0x3b: {  	_ = 	snop  }
0x3c: {  	p2 =	seq.s32 s10, $0x1;
	s10 =	sld [smem:$0x3F94]  }
0x3d: {  	_ =	shalt  }
0x3e: {  	_ =	shalt  }
0x3f: {  	_ =	shalt  }
0x40: {  	_ =	shalt  }
0x41: {  	_ =	shalt  }
0x42: {  	_ =	shalt  }
0x43: {  	_ =	shalt  }
0x44: {  	_ =	shalt  }
0x45: {  	_ =	shalt  }
0x46: {  	_ =	shalt  }
0x47: {  	_ =	shalt  }
0x48: {  	_ =	shalt  }
0x49: {  	_ =	shalt  }
0x4a: {  	_ =	shalt  }
0x4b: {  	_ =	shalt  }
0x4c: {  	_ =	shalt  }
0x4d: {  	_ =	shalt  }
0x4e: {  	_ =	shalt  }
0x4f: {  	_ =	shalt  }
0x50: {  	_ =	shalt  }
0x51: {  	_ =	shalt  }
0x52: {  	_ =	shalt  }
0x53: {  	_ =	shalt  }
0x54: {  	_ =	shalt  }
0x55: {  	_ =	shalt  }
0x56: {  	_ =	shalt  }
0x57: {  	_ =	shalt  }
0x58: {  	_ =	shalt  }
0x59: {  	_ =	shalt  }
0x5a: {  	_ =	shalt  }
0x5b: {  	_ =	shalt  }
0x5c: {  	_ =	shalt  }
0x5d: {  	_ =	shalt  }
0x5e: {  	_ =	shalt  }
0x5f: {  	_ =	shalt  }
0x60: {  	_ =	shalt  }
0x61: {  	_ =	shalt  }
0x62: {  	_ =	shalt  }
0x63: {  	_ =	shalt  }
0x64: {  	_ =	shalt  }
0x65: {  	_ =	shalt  }
0x66: {  	_ =	shalt  }
0x67: {  	_ =	shalt  }
0x68: {  	_ =	shalt  }
0x69: {  	_ =	shalt  }
0x6a: {  	_ =	shalt  }
0x6b: {  	_ =	shalt  }
0x6c: {  	_ =	shalt  }
0x6d: {  	_ =	shalt  }
0x6e: {  	_ =	shalt  }
0x6f: {  	_ =	shalt  }
0x70: {  	_ =	shalt  }
0x71: {  	_ =	shalt  }
0x72: {  	_ =	shalt  }
0x73: {  	_ =	shalt  }
0x74: {  	_ =	shalt  }
0x75: {  	_ =	shalt  }
0x76: {  	_ =	shalt  }
0x77: {  	_ =	shalt  }
0x78: {  	_ =	shalt  }
0x79: {  	_ =	shalt  }
0x7a: {  	_ =	shalt  }
0x7b: {  	_ =	shalt  }
0x7c: {  	_ =	shalt  }
0x7d: {  	_ =	shalt  }
0x7e: {  	_ =	shalt  }
0x7f: {  	_ =	shalt  }
0x80: {  	_ =	shalt  }
0x81: {  	_ =	shalt  }
0x82: {  	_ =	shalt  }
0x83: {  	_ =	shalt  }
0x84: {  	_ =	shalt  }
0x85: {  	_ =	shalt  }
0x86: {  	_ =	shalt  }
0x87: {  	_ =	shalt  }
.Lfunc_end0:
.L_simem_size_0:
called_computation_lowered:
.L_overlay_start_0:
0x88: {  	s2 =	sld [smem:$0x3FD9]  }
0x89: {  	s3 =	sld [smem:$0x3FFE];
	_ =	sdelay $0x1  }
0x8a: {  	s1 =	srdreg.scid  }
0x8b: {  	s0 =	sand.u32 $0x1, s1  }
0x8c: {  	s14 =	sshll.u32 s0, $0xA;
	s2 =	sadd.s32 s3, s2  }
0x8d: {  	s2 =	sadd.s32 s2, s14  }
0x8e: {  	[smem:$0x3FA0] =	sst s2  }
0x8f: {  	_ = 	snop  }
0x90: {  	s2 =	sld [smem:$0x3FD0];
	_ =	sdelay $0x2  }
0x91: {  	s15 =	simm.s32 $0xB;
	s4 =	simm.s32 $0x10  }
0x92: {  	[smem:s4], [sflag:s15] =	dma.local [hbm:s2], $0x1  }
0x93: {  	_ =	swait.eq [sflag:s15], $0x1  }
0x94: {  	[sflag:s15] =	ssyncset.done $0x0  }
0x95: {  	s16 =	sld [smem:$0x13];
	[sflag:s15] =	ssyncadd.s32 $0xFFFFFFFF  }
0x96: {  	s17 =	sld [smem:$0x14];
	(tm) =	ssettm $0x1  }
0x97: {  	s18 =	sld [smem:$0x3FFB];
	_ =	sdelay $0x3  }
0x98: {  	_ =	strace s18  }
0x99: {  	s4 =	sld [smem:$0x3FFC];
	_ =	sdelay $0x3  }
0x9a: {  	_ =	strace s4  }
0x9b: {  	s4 =	sld [smem:$0x3FFD];
	_ =	sdelay $0x3  }
0x9c: {  	_ =	strace s4  }
0x9d: {  	_ =	strace $0x8FFFFFFF  }
0x9e: {  	s19 =	sld [smem:$0x3FDB];
	_ =	sdelay $0x1  }
0x9f: {  	s5 =	simm.s32 $_scs_section_size  }
0xa0: {  	s6 =	simm.s32 $_size__tile_overlayer_lowered;
	s7 =	simm.s32 $_tile_overlayer_lowered  }
0xa1: {  	s22 =	simm.s32 $0x1BFF;
	s21 =	sshll.u32 s7, $0x1;
	s4 =	sadd.s32 s5, s19  }
0xa2: {  	s8 =	simm.s32 $0x0;
	s20 =	sshll.u32 s6, $0x1;
	s6 =	sadd.s32 s21, s4  }
0xa3: {  	[timem:s8], [sflag:s22] =	dma.local [hbm:s6], s20  }
0xa4: {  	_ =	swait.ge [sflag:s22], s20  }
0xa5: {  	s5 =	ssub.s32 $0x0, s20;
	[sflag:s22] =	ssyncset.done $0x0  }
0xa6: {  	[sflag:s22] =	ssyncadd.s32 s5;
	_ =	sdelay $0x1  }
0xa7: {  	s23 =	simm.s32 $0x1B8B  }
0xa8: {  	_ =	swait.ge [sflag:s23], $0x1  }
0xa9: {  	[sflag:s23] =	ssyncset.done $0x0  }
0xaa: {  	s25 =	simm.s32 $0x1B8E;
	s24 =	sld [smem:$0x3FFE];
	[sflag:s23] =	ssyncadd.s32 $0xFFFFFFFF  }
0xab: {  	s26 =	simm.s32 $execute0_lowered;
	[smem:$0x3FD2] =	sst s25  }
0xac: {  	s6 =	sshll.u32 s26, $0x1;
	_ =	strace $0x80000046;
	[dreg:$0x1] =	wrdreg $0xFFFFFFFF  }
0xad: {  	s28 =	simm.s32 $_size_execute0_lowered;
	s4 =	sadd.s32 s4, s6;
	[dreg:$0x0] =	wrdreg $0x0  }
0xae: {  	s6 =	sshll.u32 s28, $0x1;
	[dreg:$0x2] =	wrdreg s4  }
0xaf: {  	[dreg:$0x3] =	wrdreg s6  }
0xb0: {  	[dreg:$0x4] =	wrdreg $0xC0  }
0xb1: {  	_ =	task [dreg:s8], $0x5FFFF  }
0xb2: {  	[dreg:$0x1] =	wrdreg $0xFFFFFFFF  }
0xb3: {  	[dreg:$0x0] =	wrdreg $0x60  }
0xb4: {  	[dreg:$0x2] =	wrdreg s17  }
0xb5: {  	[dreg:$0x3] =	wrdreg s24  }
0xb6: {  	[dreg:$0x4] =	wrdreg s16  }
0xb7: {  	[dreg:$0x5] =	wrdreg $0xC0000  }
0xb8: {  	[dreg:$0x6] =	wrdreg $0x9  }
0xb9: {  	_ =	task.clear_ibuf [dreg:s8], $0x7FFFF;
	_ =	strace $0x90000046  }
0xba: {  	s29 =	simm.s32 $0x9;
	_ =	strace $0x80000048  }
0xbb: {  	_ =	swait.ge [sflag:s29], $0x1  }
0xbc: {  	[sflag:s29] =	ssyncadd.s32 $0xFFFFFFFF  }
0xbd: {  	_ =	strace $0x90000048  }
0xbe: {  	_ =	sfence  }
0xbf: {  	s30 =	sld [smem:$0x0];
	_ =	sdelay $0x2  }
0xc0: {  	s31 =	sshll.u32 s1, $0xD;
	s1 =	sshrl.u32 s1, $0x2  }
0xc1: {  	s3 =	sand.u32 $0x4000, s31;
	s1 =	sadd.s32 s1, s30  }
0xc2: {  	s0 =	sor.u32 s3, s0;
	s1 =	sshll.u32 s1, $0x11  }
0xc3: {  	s0 =	sor.u32 s1, s0  }
0xc4: {  	s0 =	sadd.s32 $0x8F2B, s0  }
0xc5: {  	[sflag:s0] =	ssyncadd.remote.s32 $0x1  }
0xc6: {  	_ =	sfence.sel $0xFFFF  }
0xc7: {  	[dreg:$0x0] =	wrdreg $0xFFFFFFFF;
	(pc) =	sbr.abs _section_cstart, $3  }
0xc8: {  	[dreg:$0x1] =	wrdreg $0xFFFFFFFF  }
0xc9: {  	_ =	task.clear_ibuf [dreg:s8], $0x2FFFF;
	_ =	strace $0x9FFFFFFF  }
0xca: {  	(tm) =	ssettm $0x7FFFFFFF  }
0xcb: {  	_ =	shalt  }
tec
execute0_lowered:
.L_overlay_start_1:
0x0: {  	(tag) =	ssettag $0x1  }
0x1: {  	s0 =	rddreg [dreg:$0x0]  }
0x2: {  	s5 =	rddreg [dreg:$0x1]  }
0x3: {  	s13 =	rddreg [dreg:$0x2]  }
0x4: {  	s1 =	rddreg [dreg:$0x3]  }
0x5: {  	s2 =	simm.s32 $0x0;
	s16 =	stileid.u32;
	s3 =	srdreg.scid  }
0x6: {  	s28 =	simm.s32 $0x4;
	s29 =	simm.s32 $0x2;
	s30 =	simm.s32 $0x5  }
0x7: {  	[smem:$0x7FF] =	sst s2;
	s12 =	smul.u32 $0x13800, s16;
	s11 =	sand.u32 $0x1, s3  }
0x8: {  	s7 =	smul.u32 $0x4E000, s16;
	s3 =	sadd.s32 $0x7400, s5;
	s21 =	sshll.u32 s16, $0x6  }
0x9: {  	p0 =	sne.s32 s16, $0x0;
	_ =	strace $0x80000047;
	s23 =	smul.u32 $0x138800, s11  }
0xa: {  	s6 =	ssub.s32 $0x2, s11;
	s14 =	smul.u32 $0x27100, s11;
	s4 =	sshrl.u32 s12, $0x3  }
0xb: {  	s18 =	sshrl.u32 s6, $0x1;
	s19 =	sshrl.u32 s7, $0x2;
	s8 =	sadd.s32 s4, s5  }
0xc: {  	s15 =	ssub.s32 s6, s18;
	s4 =	smul.u32 $0x5000, s16;
	s17 =	sadd.s32 s19, s1  }
0xd: {  	s6 =	sor.u32 $0x1C06, s21;
	s18 =	sadd.s32 $0x138000, s1;
	s5 =	sadd.s32 $0x42400, s5  }
0xe: {  	s19 =	sadd.s32 s12, s23;
	s12 =	sadd.s32 s0, s14;
	s20 =	sadd.s32 $0x1B400, s8  }
0xf: {  	[dreg:$0x6] =	wrdreg s5;
	s5 =	sshrl.u32 s23, $0x3;
	s31 =	sshrl.u32 s19, $0x3  }
0x10: {  	s15 =	smax.u32 s15, $0x1;
	s16 =	sshrl.u32 s17, $0x3;
	s17 =	simm.s32 $0x6  }
0x11: {  	s18 =	sshrl.u32 @!p0 s18, $0x3;
	s23 =	simm.s32 $0x4000;
	s22 =	sshrl.u32 s4, $0x3  }
0x12: {  	s19 =	simm.s32 $0x0;
	[dreg:$0x5] =	wrdreg s20;
	s8 =	sadd.s32 s3, s22  }
0x13: {  	s5 =	sadd.s32 s13, s5;
	s13 =	sadd.s32 s13, s31;
	s24 =	sadd.s32 $0xA000, s8  }
0x14: {  	s14 =	sadd.s32 $0x27000, s5;
	s25 =	sadd.s32 $0x200, s8;
	[dreg:$0x7] =	wrdreg s24  }
0x15: {  	s22 =	simm.s32 $0x7D;
	s26 =	sadd.s32 $0xA200, s8;
	[dreg:$0x8] =	wrdreg s25  }
0x16: {  	[dreg:$0x9] =	wrdreg s26;
	s25 =	simm.s32 $0x8000;
	s26 =	simm.s32 $0x1  }
.LBB2_1:
0x17: {  	s0 =	rddreg [dreg:$0x5]  }
0x18: {  	[spmem:s16], [sflag:s6] =	dma.local [hbm:s0], $0x2700  }
0x19: {  	_ =	swait.ge [sflag:s17], $0x2700  }
0x1a: {  	[sflag:s17] =	ssyncset.done $0x0  }
0x1b: {  	s0 =	rddreg [dreg:$0x6];
	[sflag:s17] =	ssyncadd.s32 $0xFFFFD900  }
0x1c: {  	[spmem:s18], [sflag:s6] =	dma.local @!p0 [hbm:s0], $0x100  }
0x1d: {  	s0 =	simm.s32 @!p0 $0x6  }
0x1e: {  	_ =	swait.ge @!p0 [sflag:s0], $0x100  }
0x1f: {  	[sflag:s0] =	ssyncset.done @!p0 $0x0  }
0x20: {  	[sflag:s0] =	ssyncadd.s32 @!p0 $0xFFFFFF00  }
0x21: {  	[tilespmem:s2], [sflag:$0x6] =	stream.linear.gather [hbm4b:s8+s2], $0x1000, $0x38;
	[tilespmem:$0x1F880] =	vst v63  }
0x22: {  	_ =	swait.ge [sflag:s17], $0x1000  }
0x23: {  	[sflag:s17] =	ssyncset.done $0x0  }
0x24: {  	s5 =	simm.s32 $0x2000;
	s20 =	rddreg [dreg:$0x7];
	[sflag:s17] =	ssyncadd.s32 $0xFFFFF000  }
0x25: {  	[tilespmem:s5], [sflag:$0x6] =	stream.linear.gather [hbm4b:s20+s2], $0x1000, $0x38;
	[tilespmem:$0x1F880] =	vst v63  }
0x26: {  	_ =	swait.ge [sflag:s17], $0x1000  }
0x27: {  	[sflag:s17] =	ssyncset.done $0x0  }
0x28: {  	[sflag:s17] =	ssyncadd.s32 $0xFFFFF000  }
0x29: {  	[bflag:$0x0] =	sbarrier.arrive $0xFFFF  }
0x2a: {  	s24 =	simm.s32 $0x1000;
	s21 =	rddreg [dreg:$0x8]  }
0x2b: {  	[tilespmem:s24], [sflag:$0x3] =	stream.linear.gather [hbm4b:s21+s2], $0x1000, $0x38;
	[tilespmem:$0x1F880] =	vst v63  }
0x2c: {  	s7 =	simm.s32 $0x3000;
	s5 =	rddreg [dreg:$0x9]  }
0x2d: {  	[tilespmem:s7], [sflag:$0x3] =	stream.linear.gather [hbm4b:s5+s2], $0x1000, $0x38;
	[tilespmem:$0x1F880] =	vst v63  }
0x2e: {  	_ = 	snop  }
0x2f: {  	[tilespmem:s23], [sflag:$0x1] =	stream.indirect.gather [hbm4b:s12+s22], $0x80, s2, s22, $0xb8;
	[tilespmem:$0x1F880] =	vst v63  }
0x30: {  	s9 =	simm.s32 $0x80  }
0x31: {  	[tilespmem:s25], [sflag:$0x2] =	stream.indirect.gather [hbm4b:s12+s22], $0x80, s9, s22, $0xb8;
	[tilespmem:$0x1F880] =	vst v63  }
0x32: {  	s0 =	sand.u32 $0x1E, s29;
	_ =	swait.ge [sflag:s26], $0x3E80  }
0x33: {  	s10 =	sand.u32 $0x1F00, s2;
	p1 =	sne.s32 s0, $0x0;
	[sflag:s26] =	ssyncset.done $0x0  }
0x34: {  	s20 =	simm.s32 @!p1 $0x3;
	s5 =	sor.u32 $0x2000, s10;
	[sflag:s26] =	ssyncadd.s32 $0xFFFFC180  }
0x35: {  	[spmem:s1] =	stream.indirect.scatter.add.f32 [tilespmem:s23], [sflag:$0x4], $0x80, s5, s22, $0xb8;
	[tilespmem:$0x1F880] =	vst v63  }
0x36: {  	_ =	swait.ge @!p1 [sflag:s20], $0x1000  }
0x37: {  	[sflag:s20] =	ssyncset.done @!p1 $0x0  }
0x38: {  	[sflag:s20] =	ssyncadd.s32 @!p1 $0xFFFFF000  }
0x39: {  	_ =	swait.ge @!p1 [sflag:s20], $0x1000  }
0x3a: {  	[sflag:s20] =	ssyncset.done @!p1 $0x0  }
0x3b: {  	[sflag:s20] =	ssyncadd.s32 @!p1 $0xFFFFF000  }
0x3c: {  	s11 =	simm.s32 $0x0;
	_ =	swait.ge [sflag:s28], $0x3E80  }
0x3d: {  	s21 =	sshll.u32 s0, $0x7;
	s20 =	sand.u32 $0x1000, s11;
	[sflag:s28] =	ssyncset.done $0x0  }
0x3e: {  	p1 =	por $0x0, $0x0;
	s21 =	sor.u32 s21, s20;
	[sflag:s28] =	ssyncadd.s32 $0xFFFFC180  }
0x3f: {  	[tilespmem:s23], [sflag:$0x1] =	stream.indirect.gather [hbm4b:s12+s22], $0x80, s21, s22, $0xb8;
	[tilespmem:$0x1F880] =	vst v63  }
0x40: {  	p2 =	sne.s32 @!p1 s0, $0x0;
	_ =	swait.ge [sflag:s29], $0x3E80  }
0x41: {  	s24 =	simm.s32 $0x180;
	p1 =	por p2, p1;
	[sflag:s29] =	ssyncset.done $0x0  }
0x42: {  	s0 =	simm.s32 @!p1 $0x1000;
	s21 =	sadd.s32 $0x80, s5;
	[sflag:s29] =	ssyncadd.s32 $0xFFFFC180  }
0x43: {  	[spmem:s1] =	stream.indirect.scatter.add.f32 [tilespmem:s25], [sflag:$0x5], $0x80, s21, s22, $0xb8;
	[tilespmem:$0x1F880] =	vst v63  }
0x44: {  	s5 =	sand.u32 $0xF80, s24;
	s0 =	sand.u32 @!p1 $0x1000, s0;
	_ =	swait.ge [sflag:s30], $0x3E80  }
0x45: {  	s24 =	simm.s32 $0x0;
	s21 =	sadd.s32 @!p1 $0x1000, s4;
	[sflag:s30] =	ssyncset.done $0x0  }
0x46: {  	s5 =	sor.u32 s5, s20;
	s21 =	sshrl.u32 @!p1 s21, $0x3;
	[sflag:s30] =	ssyncadd.s32 $0xFFFFC180  }
0x47: {  	[tilespmem:s25], [sflag:$0x2] =	stream.indirect.gather [hbm4b:s12+s22], $0x80, s5, s22, $0xb8;
	[tilespmem:$0x1F880] =	vst v63  }
0x48: {  	s20 =	simm.s32 $0x4;
	s21 =	sadd.s32 @!p1 s3, s21;
	s5 =	simm.s32 @!p1 $0x0  }
0x49: {  	[tilespmem:s0], [sflag:$0x3] =	stream.linear.gather @!p1 [hbm4b:s21+s5], $0x1000, $0x38;
	[tilespmem:$0x1F880] =	vst v63  }
0x4a: {  	s31 =	sor.u32 @!p1 $0x2000, s0;
	s0 =	sadd.s32 @!p1 $0xA000, s21;
	s21 =	simm.s32 $0x1  }
.LBB2_2:
0x4b: {  	p3 =	sgt.u32 s21, $0x3E  }
0x4c: {  	s24 =	sadd.s32 $0x100, s24;
	s7 =	smov.u32 s20;
	s20 =	sadd.s32 $0x2, s20  }
0x4d: {  	[tilespmem:s31], [sflag:$0x3] =	stream.linear.gather @!p1 [hbm4b:s0+s5], $0x1000, $0x38;
	[tilespmem:$0x1F880] =	vst v63  }
0x4e: {  	s0 =	sand.u32 $0x1E, s7;
	s5 =	sand.u32 $0x1F00, s24;
	_ =	swait.ge [sflag:s26], $0x3E80  }
0x4f: {  	s5 =	sor.u32 $0x2000, s5;
	p4 =	sne.s32 s0, $0x0;
	[sflag:s26] =	ssyncset.done $0x0  }
0x50: {  	s9 =	sshll.u32 s0, $0x7;
	s31 =	simm.s32 @!p4 $0x3;
	[sflag:s26] =	ssyncadd.s32 $0xFFFFC180  }
0x51: {  	[spmem:s1] =	stream.indirect.scatter.add.f32 [tilespmem:s23], [sflag:$0x4], $0x80, s5, s22, $0xb8;
	[tilespmem:$0x1F880] =	vst v63  }
0x52: {  	p2 =	sne.s32 s20, $0xA0;
	p1 =	sne.s32 @!p3 s0, $0x0;
	_ =	swait.ge @!p4 [sflag:s31], $0x1000  }
0x53: {  	[sflag:s31] =	ssyncset.done @!p4 $0x0  }
0x54: {  	[sflag:s31] =	ssyncadd.s32 @!p4 $0xFFFFF000  }
0x55: {  	_ =	swait.ge @!p4 [sflag:s31], $0x1000  }
0x56: {  	s0 =	sshrl.u32 s7, $0x5;
	p1 =	por p1, p3;
	[sflag:s31] =	ssyncset.done @!p4 $0x0  }
0x57: {  	s7 =	sshll.u32 s0, $0xC;
	s0 =	sshll.u32 @!p1 s0, $0xC;
	[sflag:s31] =	ssyncadd.s32 @!p4 $0xFFFFF000  }
0x58: {  	s7 =	sand.u32 $0x1000, s7;
	s0 =	sadd.s32 @!p1 $0x1000, s0;
	_ =	swait.ge [sflag:s28], $0x3E80  }
0x59: {  	s9 =	sor.u32 s9, s7;
	s31 =	sadd.s32 @!p1 s4, s0;
	[sflag:s28] =	ssyncset.done $0x0  }
0x5a: {  	s10 =	sand.u32 @!p1 $0x1000, s0;
	s0 =	sshrl.u32 @!p1 s31, $0x3;
	[sflag:s28] =	ssyncadd.s32 $0xFFFFC180  }
0x5b: {  	[tilespmem:s23], [sflag:$0x1] =	stream.indirect.gather [hbm4b:s12+s22], $0x80, s9, s22, $0xb8;
	[tilespmem:$0x1F880] =	vst v63  }
0x5c: {  	s31 =	sor.u32 @!p1 $0x2000, s10;
	s9 =	sadd.s32 @!p1 s3, s0;
	_ =	swait.ge [sflag:s29], $0x3E80  }
0x5d: {  	s5 =	sadd.s32 $0x80, s5;
	s0 =	sadd.s32 @!p1 $0xA000, s9;
	[sflag:s29] =	ssyncset.done $0x0  }
0x5e: {  	s11 =	sadd.s32 $0x180, s24;
	[sflag:s29] =	ssyncadd.s32 $0xFFFFC180  }
0x5f: {  	[spmem:s1] =	stream.indirect.scatter.add.f32 [tilespmem:s25], [sflag:$0x5], $0x80, s5, s22, $0xb8;
	[tilespmem:$0x1F880] =	vst v63  }
0x60: {  	s5 =	sand.u32 $0xF80, s11;
	_ =	swait.ge [sflag:s30], $0x3E80  }
.Ltmp0:
0x61: {  	s7 =	sor.u32 s5, s7;
	[sflag:s30] =	ssyncset.done $0x0;
	(pc) =	sbr.rel @p2 .LBB2_2-.Ltmp0, $4  }
0x62: {  	s5 =	simm.s32 @!p1 $0x0;
	[sflag:s30] =	ssyncadd.s32 $0xFFFFC180  }
0x63: {  	[tilespmem:s25], [sflag:$0x2] =	stream.indirect.gather [hbm4b:s12+s22], $0x80, s7, s22, $0xb8;
	[tilespmem:$0x1F880] =	vst v63  }
0x64: {  	s21 =	sadd.s32 $0x1, s21  }
0x65: {  	[tilespmem:s10], [sflag:$0x3] =	stream.linear.gather @!p1 [hbm4b:s9+s5], $0x1000, $0x38;
	[tilespmem:$0x1F880] =	vst v63  }
0x66: {  	[tilespmem:s31], [sflag:$0x3] =	stream.linear.gather @!p1 [hbm4b:s0+s5], $0x1000, $0x38;
	[tilespmem:$0x1F880] =	vst v63  }
0x67: {  	_ =	swait.ge [sflag:s26], $0x3E80  }
0x68: {  	[sflag:s26] =	ssyncset.done $0x0  }
0x69: {  	s24 =	simm.s32 $0x2F00;
	[sflag:s26] =	ssyncadd.s32 $0xFFFFC180  }
0x6a: {  	[spmem:s1] =	stream.indirect.scatter.add.f32 [tilespmem:s23], [sflag:$0x4], $0x80, s24, s22, $0xb8;
	[tilespmem:$0x1F880] =	vst v63  }
0x6b: {  	_ =	swait.ge [sflag:s29], $0x3E80  }
0x6c: {  	[sflag:s29] =	ssyncset.done $0x0  }
0x6d: {  	s31 =	simm.s32 $0x2F80;
	[sflag:s29] =	ssyncadd.s32 $0xFFFFC180  }
0x6e: {  	[spmem:s1] =	stream.indirect.scatter.add.f32 [tilespmem:s25], [sflag:$0x5], $0x80, s31, s22, $0xb8;
	[tilespmem:$0x1F880] =	vst v63  }
0x6f: {  	_ =	swait.ge [sflag:s28], $0x3E80  }
0x70: {  	[sflag:s28] =	ssyncset.done $0x0  }
0x71: {  	[sflag:s28] =	ssyncadd.s32 $0xFFFFC180  }
0x72: {  	_ =	swait.ge [sflag:s30], $0x3E80  }
0x73: {  	[sflag:s30] =	ssyncset.done $0x0  }
0x74: {  	[sflag:s30] =	ssyncadd.s32 $0xFFFFC180  }
0x75: {  	[bflag:$0x0] =	sbarrier.arrive $0xFFFF  }
0x76: {  	[hbm:s13], [sflag:s6] =	dma.local [spmem:s16], $0x2700  }
0x77: {  	s19 =	sadd.s32 $0x1, s19;
	_ =	swait.ge [sflag:s17], $0x2700  }
0x78: {  	p1 =	sne.s32 s19, s15;
	[sflag:s17] =	ssyncset.done $0x0  }
.Ltmp1:
0x79: {  	s0 =	simm.s32 @!p0 $0x6;
	[sflag:s17] =	ssyncadd.s32 $0xFFFFD900;
	(pc) =	sbr.rel @p1 .LBB2_1-.Ltmp1, $4  }
0x7a: {  	[hbm:s14], [sflag:s6] =	dma.local @!p0 [spmem:s18], $0x100  }
0x7b: {  	_ =	swait.ge @!p0 [sflag:s0], $0x100  }
0x7c: {  	[sflag:s0] =	ssyncset.done @!p0 $0x0  }
0x7d: {  	[sflag:s0] =	ssyncadd.s32 @!p0 $0xFFFFFF00  }
0x7e: {  	_ =	sfence.sel $0x180000  }
0x7f: {  	[bflag:$0x0] =	sbarrier.arrive $0xFFFF  }
0x80: {  	_ =	strace $0x90000047  }
0x81: {  	[bflag:$0x2] =	sbarrier.arrive $0xFFFF  }
0x82: {  	s0 =	rddreg [dreg:$0x4]  }
0x83: {  	s0 =	sadd.s32 @!p0 $0x100000, s0  }
0x84: {  	[sflag:s0] =	ssyncadd.tile.s32 @!p0 $0x1;
	_ =	shalt  }
.Lfunc_end2:
_tile_overlayer_lowered:
.L_overlay_start_2:
0x85: {  	(tag) =	ssettag $0x2  }
0x86: {  	s0 =	rddreg [dreg:$0x0];
	s2 =	stileid.u32  }
0x87: {  	s1 =	rddreg [dreg:$0x1];
	p0 =	sne.s32 s2, $0x0  }
0x88: {  	s3 =	rddreg [dreg:$0x2];
	[bflag:$0x3] =	sbarrier.arrive $0xFFFF;
	s2 =	simm.s32 @!p0 $0x1C06  }
0x89: {  	[timem:s3], [sflag:s2] =	dma.local @!p0 [hbm:s0], s1  }
0x8a: {  	s0 =	simm.s32 @!p0 $0x6  }
0x8b: {  	_ =	swait.ge @!p0 [sflag:s0], s1  }
0x8c: {  	s1 =	ssub.s32 @!p0 $0x0, s1;
	[sflag:s0] =	ssyncset.done @!p0 $0x0  }
0x8d: {  	[sflag:s0] =	ssyncadd.s32 @!p0 s1  }
0x8e: {  	[bflag:$0x3] =	sbarrier.arrive $0xFFFF  }
0x8f: {  	_ =	shalt  }

// kernel: kernel.13.cloned.1.call-start
scs
__scs_entry_jumppad:
0x0: {  	(pc) =	sbr.rel $0x88, $3  }
0x1: {  	(tag) =	ssettag $0x0;
	lr =	simm.s32 $0x1  }
0x2: {  	[smem:$0x3F79] =	sst lr;
	_ =	strace $0xD0000000  }
0x3: {  	_ = 	snop  }
0x4: {  	_ = 	snop  }
0x5: {  	_ = 	snop  }
0x6: {  	_ = 	snop  }
0x7: {  	_ = 	snop  }
__scs_overlays_trampoline_lowered:
0x8: {  	[smem:$0x3F88] =	sst s0  }
0x9: {  	[smem:$0x3F89] =	sst s1  }
0xa: {  	[smem:$0x3F8A] =	sst s2  }
0xb: {  	[smem:$0x3F8B] =	sst s3  }
0xc: {  	[smem:$0x3F8C] =	sst s4  }
0xd: {  	[smem:$0x3F8D] =	sst s5  }
0xe: {  	[smem:$0x3F8E] =	sst s6  }
0xf: {  	[smem:$0x3F8F] =	sst s7  }
0x10: {  	[smem:$0x3F90] =	sst s8  }
0x11: {  	[smem:$0x3F91] =	sst s9;
	s0 =	simm.s32 @!p0 $0x0  }
0x12: {  	s1 =	sld [smem:$0x3F77];
	s0 =	simm.s32 @p0 $0x1  }
0x13: {  	[smem:$0x3F92] =	sst s0;
	s0 =	simm.s32 @!p1 $0x0  }
0x14: {  	s2 =	sld [smem:$0x3F76];
	s0 =	simm.s32 @p1 $0x1  }
0x15: {  	[smem:$0x3F93] =	sst s0;
	s0 =	simm.s32 @!p2 $0x0  }
0x16: {  	s3 =	sld [smem:$0x3FDB];
	s0 =	simm.s32 @p2 $0x1  }
0x17: {  	s4 =	simm.s32 $0x1BF5;
	[smem:$0x3F95] =	sst s0  }
0x18: {  	s0 =	sld [smem:$0x3F78];
	_ =	swait.ge [sflag:s4], $0x0  }
0x19: {  	s7 =	sld [smem:$0x3F79]  }
0x1a: {  	s8 =	sadd.s32 $0xFFFFE003, lr  }
0x1b: {  	s9 =	sadd.s32 $0xFFFFFEF7, lr;
	s5 =	simm.s32 $0xFFFFFFFF;
	p2 =	slt.u32 s8, $0xFFFFF086  }
0x1c: {  	p1 =	slt.u32 s9, $0xF7A;
	s5 =	simm.s32 @!p2 $0x0  }
0x1d: {  	s5 =	simm.s32 @p1 $0x1;
	p0 =	seq.s32 s7, s2  }
0x1e: {  	s7 =	smul.u32 @!p0 $0xF7A, s2;
	p2 =	seq.s32 @!p0 s5, $0x0  }
0x1f: {  	s9 =	smul.u32 $0xF7A, s1;
	s8 =	simm.s32 @!p0 $0x1BF5;
	p2 =	por !p2, p0  }
0x20: {  	[sflag:s8] =	ssyncset.s32 @!p0 $0xFFFFF086;
	s6 =	sadd.s32 @!p0 s3, s7;
	s7 =	simm.s32 @!p0 $0x108  }
0x21: {  	s3 =	sadd.s32 s3, s9;
	s6 =	sadd.s32 @!p0 $0x88, s6;
	s7 =	simm.s32 @p2 $0x1082  }
0x22: {  	[simem:s7], [sflag:s8] =	dma.local @!p0 [hbm:s6], $0xF7A  }
0x23: {  	s9 =	sor.u32 $0xD0000000, s2;
	s6 =	simm.s32 $0x108;
	_ =	swait.ge @!p0 [sflag:s8], $0x0  }
0x24: {  	s3 =	sadd.s32 $0x88, s3;
	s6 =	simm.s32 @!p1 $0x1082;
	[sflag:s4] =	ssyncset.s32 $0xFFFFF086  }
0x25: {  	[simem:s6], [sflag:s4] =	dma.local [hbm:s3], $0xF7A  }
0x26: {  	[smem:$0x3F79] =	sst s1;
	(tag) =	ssettag s2;
	_ =	strace s9  }
0x27: {  	s1 =	sld [smem:$0x3F89]  }
0x28: {  	s2 =	sld [smem:$0x3F8A]  }
0x29: {  	s4 =	sld [smem:$0x3F8C]  }
0x2a: {  	p0 =	seq.s32 s5, $0x0;
	s5 =	sld [smem:$0x3F8D]  }
0x2b: {  	s6 =	sld [smem:$0x3F8E]  }
0x2c: {  	s7 =	sld [smem:$0x3F8F]  }
0x2d: {  	s3 =	simm.s32 $0x108;
	s8 =	sld [smem:$0x3F90]  }
0x2e: {  	s3 =	simm.s32 @!p0 $0x1082;
	s9 =	sld [smem:$0x3F91]  }
0x2f: {  	lr =	sadd.s32 s0, s3;
	s0 =	sld [smem:$0x3F88]  }
0x30: {  	s3 =	sld [smem:$0x3F8B]  }
0x31: {  	[smem:$0x3F94] =	sst s10  }
0x32: {  	s10 =	sld [smem:$0x3F92];
	_ =	sdelay $0x3  }
0x33: {  	p0 =	seq.s32 s10, $0x1;
	s10 =	sld [smem:$0x3F94];
	_ =	sdelay $0x3  }
0x34: {  	[smem:$0x3F94] =	sst s10  }
0x35: {  	s10 =	sld [smem:$0x3F93];
	_ =	sdelay $0x3  }
0x36: {  	p1 =	seq.s32 s10, $0x1;
	s10 =	sld [smem:$0x3F94];
	_ =	sdelay $0x3  }
0x37: {  	[smem:$0x3F94] =	sst s10  }
0x38: {  	s10 =	sld [smem:$0x3F95]  }
0x39: {  	_ = 	snop;
	(pc) =	sbr.ind lr, $3  }
0x3a: {  	_ = 	snop  }
0x3b: {  	_ = 	snop  }
0x3c: {  	p2 =	seq.s32 s10, $0x1;
	s10 =	sld [smem:$0x3F94]  }
0x3d: {  	_ =	shalt  }
0x3e: {  	_ =	shalt  }
0x3f: {  	_ =	shalt  }
0x40: {  	_ =	shalt  }
0x41: {  	_ =	shalt  }
0x42: {  	_ =	shalt  }
0x43: {  	_ =	shalt  }
0x44: {  	_ =	shalt  }
0x45: {  	_ =	shalt  }
0x46: {  	_ =	shalt  }
0x47: {  	_ =	shalt  }
0x48: {  	_ =	shalt  }
0x49: {  	_ =	shalt  }
0x4a: {  	_ =	shalt  }
0x4b: {  	_ =	shalt  }
0x4c: {  	_ =	shalt  }
0x4d: {  	_ =	shalt  }
0x4e: {  	_ =	shalt  }
0x4f: {  	_ =	shalt  }
0x50: {  	_ =	shalt  }
0x51: {  	_ =	shalt  }
0x52: {  	_ =	shalt  }
0x53: {  	_ =	shalt  }
0x54: {  	_ =	shalt  }
0x55: {  	_ =	shalt  }
0x56: {  	_ =	shalt  }
0x57: {  	_ =	shalt  }
0x58: {  	_ =	shalt  }
0x59: {  	_ =	shalt  }
0x5a: {  	_ =	shalt  }
0x5b: {  	_ =	shalt  }
0x5c: {  	_ =	shalt  }
0x5d: {  	_ =	shalt  }
0x5e: {  	_ =	shalt  }
0x5f: {  	_ =	shalt  }
0x60: {  	_ =	shalt  }
0x61: {  	_ =	shalt  }
0x62: {  	_ =	shalt  }
0x63: {  	_ =	shalt  }
0x64: {  	_ =	shalt  }
0x65: {  	_ =	shalt  }
0x66: {  	_ =	shalt  }
0x67: {  	_ =	shalt  }
0x68: {  	_ =	shalt  }
0x69: {  	_ =	shalt  }
0x6a: {  	_ =	shalt  }
0x6b: {  	_ =	shalt  }
0x6c: {  	_ =	shalt  }
0x6d: {  	_ =	shalt  }
0x6e: {  	_ =	shalt  }
0x6f: {  	_ =	shalt  }
0x70: {  	_ =	shalt  }
0x71: {  	_ =	shalt  }
0x72: {  	_ =	shalt  }
0x73: {  	_ =	shalt  }
0x74: {  	_ =	shalt  }
0x75: {  	_ =	shalt  }
0x76: {  	_ =	shalt  }
0x77: {  	_ =	shalt  }
0x78: {  	_ =	shalt  }
0x79: {  	_ =	shalt  }
0x7a: {  	_ =	shalt  }
0x7b: {  	_ =	shalt  }
0x7c: {  	_ =	shalt  }
0x7d: {  	_ =	shalt  }
0x7e: {  	_ =	shalt  }
0x7f: {  	_ =	shalt  }
0x80: {  	_ =	shalt  }
0x81: {  	_ =	shalt  }
0x82: {  	_ =	shalt  }
0x83: {  	_ =	shalt  }
0x84: {  	_ =	shalt  }
0x85: {  	_ =	shalt  }
0x86: {  	_ =	shalt  }
0x87: {  	_ =	shalt  }
.Lfunc_end0:
.L_simem_size_0:
called_computation.1_lowered:
.L_overlay_start_0:
0x88: {  	s2 =	sld [smem:$0x3FD9]  }
0x89: {  	s3 =	sld [smem:$0x3FFE];
	_ =	sdelay $0x1  }
0x8a: {  	s1 =	srdreg.scid  }
0x8b: {  	s0 =	sand.u32 $0x1, s1  }
0x8c: {  	s15 =	sshll.u32 s0, $0xA;
	s2 =	sadd.s32 s3, s2  }
0x8d: {  	s2 =	sadd.s32 s2, s15  }
0x8e: {  	[smem:$0x3FA0] =	sst s2  }
0x8f: {  	_ = 	snop  }
0x90: {  	s2 =	sld [smem:$0x3FD0];
	_ =	sdelay $0x2  }
0x91: {  	s16 =	simm.s32 $0xB;
	s4 =	simm.s32 $0x10  }
0x92: {  	[smem:s4], [sflag:s16] =	dma.local [hbm:s2], $0x1  }
0x93: {  	_ =	swait.eq [sflag:s16], $0x1  }
0x94: {  	[sflag:s16] =	ssyncset.done $0x0  }
0x95: {  	[sflag:s16] =	ssyncadd.s32 $0xFFFFFFFF  }
0x96: {  	s17 =	sld [smem:$0x13];
	(tm) =	ssettm $0x1  }
0x97: {  	s18 =	sld [smem:$0x3FFB];
	_ =	sdelay $0x3  }
0x98: {  	_ =	strace s18  }
0x99: {  	s2 =	sld [smem:$0x3FFC];
	_ =	sdelay $0x3  }
0x9a: {  	_ =	strace s2  }
0x9b: {  	s2 =	sld [smem:$0x3FFD];
	_ =	sdelay $0x3  }
0x9c: {  	_ =	strace s2  }
0x9d: {  	_ =	strace $0x8FFFFFFF  }
0x9e: {  	s19 =	sld [smem:$0x3FDB];
	_ =	sdelay $0x1  }
0x9f: {  	s20 =	simm.s32 $_scs_section_size  }
0xa0: {  	s5 =	simm.s32 $_size__tile_overlayer_lowered;
	s6 =	simm.s32 $_tile_overlayer_lowered  }
0xa1: {  	s7 =	simm.s32 $0x1BFF;
	s21 =	sshll.u32 s6, $0x1;
	s4 =	sadd.s32 s20, s19  }
0xa2: {  	s22 =	simm.s32 $0x0;
	s5 =	sshll.u32 s5, $0x1;
	s6 =	sadd.s32 s21, s4  }
0xa3: {  	[timem:s22], [sflag:s7] =	dma.local [hbm:s6], s5  }
0xa4: {  	_ =	swait.ge [sflag:s7], s5  }
0xa5: {  	s5 =	ssub.s32 $0x0, s5;
	[sflag:s7] =	ssyncset.done $0x0  }
0xa6: {  	[sflag:s7] =	ssyncadd.s32 s5;
	_ =	sdelay $0x1  }
0xa7: {  	s23 =	simm.s32 $0x1B8B  }
0xa8: {  	_ =	swait.ge [sflag:s23], $0x1  }
0xa9: {  	[sflag:s23] =	ssyncset.done $0x0  }
0xaa: {  	[sflag:s23] =	ssyncadd.s32 $0xFFFFFFFF  }
0xab: {  	s5 =	sld [smem:$0x0]  }
0xac: {  	s6 =	sand.u32 $0xFFFFFFFE, s1  }
0xad: {  	p0 =	sne.s32 s1, s6  }
0xae: {  	s6 =	sshll.u32 @p0 s6, $0xE  }
0xaf: {  	s6 =	sadd.s32 @p0 $0x11B8D, s6;
	s7 =	sshll.u32 @p0 s5, $0x11  }
0xb0: {  	s6 =	sor.u32 @p0 s7, s6  }
0xb1: {  	[sflag:s6] =	ssyncadd.remote.s32 @p0 $0x1;
	_ =	sdelay $0x1  }
0xb2: {  	s6 =	simm.s32 @p0 $0x1B8D  }
0xb3: {  	_ =	swait.eq @p0 [sflag:s6], $0x1  }
0xb4: {  	[sflag:s6] =	ssyncadd.s32 @p0 $0xFFFFFFFF  }
0xb5: {  	s7 =	sshll.u32 @!p0 s1, $0xE  }
0xb6: {  	s7 =	sor.u32 @!p0 $0x4000, s7;
	s6 =	simm.s32 @!p0 $0x1B8D  }
0xb7: {  	s5 =	sshll.u32 @!p0 s5, $0x11;
	s7 =	sadd.s32 @!p0 $0x11B8D, s7;
	_ =	swait.eq @!p0 [sflag:s6], $0x1  }
0xb8: {  	s5 =	sor.u32 @!p0 s5, s7;
	[sflag:s6] =	ssyncadd.s32 @!p0 $0xFFFFFFFF  }
0xb9: {  	s25 =	simm.s32 $0x1B8E;
	s24 =	sld [smem:$0x3FFE];
	[sflag:s5] =	ssyncadd.remote.s32 @!p0 $0x1  }
0xba: {  	s26 =	simm.s32 $execute0_lowered;
	[smem:$0x3FD2] =	sst s25  }
0xbb: {  	s6 =	sshll.u32 s26, $0x1;
	_ =	strace $0x8000004C;
	[dreg:$0x1] =	wrdreg $0xFFFFFFFF  }
0xbc: {  	s28 =	simm.s32 $_size_execute0_lowered;
	s4 =	sadd.s32 s4, s6;
	[dreg:$0x0] =	wrdreg $0x0  }
0xbd: {  	s6 =	sshll.u32 s28, $0x1;
	[dreg:$0x2] =	wrdreg s4  }
0xbe: {  	[dreg:$0x3] =	wrdreg s6  }
0xbf: {  	[dreg:$0x4] =	wrdreg $0xC0  }
0xc0: {  	_ =	task [dreg:s22], $0x5FFFF  }
0xc1: {  	[dreg:$0x1] =	wrdreg $0xFFFFFFFF  }
0xc2: {  	[dreg:$0x0] =	wrdreg $0x60  }
0xc3: {  	[dreg:$0x2] =	wrdreg s17  }
0xc4: {  	[dreg:$0x3] =	wrdreg s24  }
0xc5: {  	[dreg:$0x4] =	wrdreg $0xC0000  }
0xc6: {  	[dreg:$0x5] =	wrdreg $0x9  }
0xc7: {  	_ =	task.clear_ibuf [dreg:s22], $0x6FFFF;
	_ =	strace $0x9000004C  }
0xc8: {  	s29 =	simm.s32 $0x9;
	_ =	strace $0x8000004E  }
0xc9: {  	_ =	swait.ge [sflag:s29], $0x1  }
0xca: {  	[sflag:s29] =	ssyncadd.s32 $0xFFFFFFFF  }
0xcb: {  	_ =	strace $0x9000004E  }
0xcc: {  	_ =	sfence  }
0xcd: {  	s30 =	sld [smem:$0x0];
	_ =	sdelay $0x2  }
0xce: {  	s31 =	sshll.u32 s1, $0xD;
	s1 =	sshrl.u32 s1, $0x2  }
0xcf: {  	s4 =	sand.u32 $0x4000, s31;
	s1 =	sadd.s32 s1, s30  }
0xd0: {  	s0 =	sor.u32 s4, s0;
	s1 =	sshll.u32 s1, $0x11  }
0xd1: {  	s0 =	sor.u32 s1, s0  }
0xd2: {  	s0 =	sadd.s32 $0x8F2B, s0  }
0xd3: {  	[sflag:s0] =	ssyncadd.remote.s32 $0x1  }
0xd4: {  	_ =	sfence.sel $0xFFFF  }
0xd5: {  	[dreg:$0x0] =	wrdreg $0xFFFFFFFF;
	(pc) =	sbr.abs _section_cstart, $3  }
0xd6: {  	[dreg:$0x1] =	wrdreg $0xFFFFFFFF  }
0xd7: {  	_ =	task.clear_ibuf [dreg:s22], $0x2FFFF;
	_ =	strace $0x9FFFFFFF  }
0xd8: {  	(tm) =	ssettm $0x7FFFFFFF  }
0xd9: {  	_ =	shalt  }
tec
execute0_lowered:
.L_overlay_start_1:
0x0: {  	(tag) =	ssettag $0x1  }
0x1: {  	s0 =	rddreg [dreg:$0x0]  }
0x2: {  	s5 =	rddreg [dreg:$0x1]  }
0x3: {  	s1 =	rddreg [dreg:$0x2];
	s2 =	simm.s32 $0x0  }
0x4: {  	s16 =	stileid.u32;
	s4 =	srdreg.scid;
	s28 =	simm.s32 $0x4  }
0x5: {  	s29 =	simm.s32 $0x2;
	s30 =	simm.s32 $0x5;
	s12 =	smul.u32 $0x13800, s16  }
0x6: {  	[smem:$0x7FF] =	sst s2;
	s3 =	sadd.s32 $0x7400, s5;
	s7 =	smul.u32 $0x4E000, s16  }
0x7: {  	s11 =	sand.u32 $0x1, s4;
	s13 =	sadd.s32 $0x90800, s5;
	s4 =	smul.u32 $0x5000, s16  }
0x8: {  	s21 =	sshll.u32 s16, $0x6;
	p0 =	sne.s32 s16, $0x0;
	s23 =	smul.u32 $0x138800, s11  }
0x9: {  	_ =	strace $0x8000004D;
	s6 =	ssub.s32 $0x2, s11;
	s14 =	smul.u32 $0x27100, s11  }
0xa: {  	s17 =	sshrl.u32 s12, $0x3;
	s18 =	sshrl.u32 s6, $0x1;
	s19 =	sshrl.u32 s7, $0x2  }
0xb: {  	s22 =	sshrl.u32 s4, $0x3;
	s8 =	sadd.s32 s17, s5;
	s15 =	ssub.s32 s6, s18  }
0xc: {  	s17 =	sadd.s32 s19, s1;
	s6 =	sor.u32 $0x1C06, s21;
	s18 =	sadd.s32 $0x138000, s1  }
0xd: {  	s5 =	sadd.s32 $0x42400, s5;
	s19 =	sadd.s32 s12, s23;
	s12 =	sadd.s32 s0, s14  }
0xe: {  	s20 =	sadd.s32 $0x1B400, s8;
	[dreg:$0x5] =	wrdreg s5;
	s8 =	sadd.s32 s3, s22  }
0xf: {  	s5 =	sshrl.u32 s23, $0x3;
	s31 =	sshrl.u32 s19, $0x3;
	s15 =	smax.u32 s15, $0x1  }
0x10: {  	s16 =	sshrl.u32 s17, $0x3;
	s17 =	simm.s32 $0x6;
	s18 =	sshrl.u32 @!p0 s18, $0x3  }
0x11: {  	s22 =	simm.s32 $0x7D;
	[dreg:$0x4] =	wrdreg s20;
	s24 =	sadd.s32 $0xA000, s8  }
0x12: {  	s23 =	simm.s32 $0x4000;
	s25 =	sadd.s32 $0x200, s8;
	[dreg:$0x6] =	wrdreg s24  }
0x13: {  	s19 =	simm.s32 $0x0;
	s26 =	sadd.s32 $0xA200, s8;
	[dreg:$0x7] =	wrdreg s25  }
0x14: {  	s5 =	sadd.s32 s13, s5;
	s13 =	sadd.s32 s13, s31;
	[dreg:$0x8] =	wrdreg s26  }
0x15: {  	s14 =	sadd.s32 $0x27000, s5;
	s25 =	simm.s32 $0x8000;
	s26 =	simm.s32 $0x1  }
.LBB2_1:
0x16: {  	s0 =	rddreg [dreg:$0x4]  }
0x17: {  	[spmem:s16], [sflag:s6] =	dma.local [hbm:s0], $0x2700  }
0x18: {  	_ =	swait.ge [sflag:s17], $0x2700  }
0x19: {  	[sflag:s17] =	ssyncset.done $0x0  }
0x1a: {  	s0 =	rddreg [dreg:$0x5];
	[sflag:s17] =	ssyncadd.s32 $0xFFFFD900  }
0x1b: {  	[spmem:s18], [sflag:s6] =	dma.local @!p0 [hbm:s0], $0x100  }
0x1c: {  	s0 =	simm.s32 @!p0 $0x6  }
0x1d: {  	_ =	swait.ge @!p0 [sflag:s0], $0x100  }
0x1e: {  	[sflag:s0] =	ssyncset.done @!p0 $0x0  }
0x1f: {  	[sflag:s0] =	ssyncadd.s32 @!p0 $0xFFFFFF00  }
0x20: {  	[tilespmem:s2], [sflag:$0x6] =	stream.linear.gather [hbm4b:s8+s2], $0x1000, $0x38;
	[tilespmem:$0x1F880] =	vst v63  }
0x21: {  	_ =	swait.ge [sflag:s17], $0x1000  }
0x22: {  	[sflag:s17] =	ssyncset.done $0x0  }
0x23: {  	s5 =	simm.s32 $0x2000;
	s20 =	rddreg [dreg:$0x6];
	[sflag:s17] =	ssyncadd.s32 $0xFFFFF000  }
0x24: {  	[tilespmem:s5], [sflag:$0x6] =	stream.linear.gather [hbm4b:s20+s2], $0x1000, $0x38;
	[tilespmem:$0x1F880] =	vst v63  }
0x25: {  	_ =	swait.ge [sflag:s17], $0x1000  }
0x26: {  	[sflag:s17] =	ssyncset.done $0x0  }
0x27: {  	[sflag:s17] =	ssyncadd.s32 $0xFFFFF000  }
0x28: {  	[bflag:$0x0] =	sbarrier.arrive $0xFFFF  }
0x29: {  	s24 =	simm.s32 $0x1000;
	s21 =	rddreg [dreg:$0x7]  }
0x2a: {  	[tilespmem:s24], [sflag:$0x3] =	stream.linear.gather [hbm4b:s21+s2], $0x1000, $0x38;
	[tilespmem:$0x1F880] =	vst v63  }
0x2b: {  	s7 =	simm.s32 $0x3000;
	s5 =	rddreg [dreg:$0x8]  }
0x2c: {  	[tilespmem:s7], [sflag:$0x3] =	stream.linear.gather [hbm4b:s5+s2], $0x1000, $0x38;
	[tilespmem:$0x1F880] =	vst v63  }
0x2d: {  	_ = 	snop  }
0x2e: {  	[tilespmem:s23], [sflag:$0x1] =	stream.indirect.gather [hbm4b:s12+s22], $0x80, s2, s22, $0xb8;
	[tilespmem:$0x1F880] =	vst v63  }
0x2f: {  	s9 =	simm.s32 $0x80  }
0x30: {  	[tilespmem:s25], [sflag:$0x2] =	stream.indirect.gather [hbm4b:s12+s22], $0x80, s9, s22, $0xb8;
	[tilespmem:$0x1F880] =	vst v63  }
0x31: {  	s0 =	sand.u32 $0x1E, s29;
	_ =	swait.ge [sflag:s26], $0x3E80  }
0x32: {  	s10 =	sand.u32 $0x1F00, s2;
	p1 =	sne.s32 s0, $0x0;
	[sflag:s26] =	ssyncset.done $0x0  }
0x33: {  	s20 =	simm.s32 @!p1 $0x3;
	s5 =	sor.u32 $0x2000, s10;
	[sflag:s26] =	ssyncadd.s32 $0xFFFFC180  }
0x34: {  	[spmem:s1] =	stream.indirect.scatter.add.f32 [tilespmem:s23], [sflag:$0x4], $0x80, s5, s22, $0xb8;
	[tilespmem:$0x1F880] =	vst v63  }
0x35: {  	_ =	swait.ge @!p1 [sflag:s20], $0x1000  }
0x36: {  	[sflag:s20] =	ssyncset.done @!p1 $0x0  }
0x37: {  	[sflag:s20] =	ssyncadd.s32 @!p1 $0xFFFFF000  }
0x38: {  	_ =	swait.ge @!p1 [sflag:s20], $0x1000  }
0x39: {  	[sflag:s20] =	ssyncset.done @!p1 $0x0  }
0x3a: {  	[sflag:s20] =	ssyncadd.s32 @!p1 $0xFFFFF000  }
0x3b: {  	s11 =	simm.s32 $0x0;
	_ =	swait.ge [sflag:s28], $0x3E80  }
0x3c: {  	s21 =	sshll.u32 s0, $0x7;
	s20 =	sand.u32 $0x1000, s11;
	[sflag:s28] =	ssyncset.done $0x0  }
0x3d: {  	p1 =	por $0x0, $0x0;
	s21 =	sor.u32 s21, s20;
	[sflag:s28] =	ssyncadd.s32 $0xFFFFC180  }
0x3e: {  	[tilespmem:s23], [sflag:$0x1] =	stream.indirect.gather [hbm4b:s12+s22], $0x80, s21, s22, $0xb8;
	[tilespmem:$0x1F880] =	vst v63  }
0x3f: {  	p2 =	sne.s32 @!p1 s0, $0x0;
	_ =	swait.ge [sflag:s29], $0x3E80  }
0x40: {  	s24 =	simm.s32 $0x180;
	p1 =	por p2, p1;
	[sflag:s29] =	ssyncset.done $0x0  }
0x41: {  	s0 =	simm.s32 @!p1 $0x1000;
	s21 =	sadd.s32 $0x80, s5;
	[sflag:s29] =	ssyncadd.s32 $0xFFFFC180  }
0x42: {  	[spmem:s1] =	stream.indirect.scatter.add.f32 [tilespmem:s25], [sflag:$0x5], $0x80, s21, s22, $0xb8;
	[tilespmem:$0x1F880] =	vst v63  }
0x43: {  	s5 =	sand.u32 $0xF80, s24;
	s0 =	sand.u32 @!p1 $0x1000, s0;
	_ =	swait.ge [sflag:s30], $0x3E80  }
0x44: {  	s24 =	simm.s32 $0x0;
	s21 =	sadd.s32 @!p1 $0x1000, s4;
	[sflag:s30] =	ssyncset.done $0x0  }
0x45: {  	s5 =	sor.u32 s5, s20;
	s21 =	sshrl.u32 @!p1 s21, $0x3;
	[sflag:s30] =	ssyncadd.s32 $0xFFFFC180  }
0x46: {  	[tilespmem:s25], [sflag:$0x2] =	stream.indirect.gather [hbm4b:s12+s22], $0x80, s5, s22, $0xb8;
	[tilespmem:$0x1F880] =	vst v63  }
0x47: {  	s20 =	simm.s32 $0x4;
	s21 =	sadd.s32 @!p1 s3, s21;
	s5 =	simm.s32 @!p1 $0x0  }
0x48: {  	[tilespmem:s0], [sflag:$0x3] =	stream.linear.gather @!p1 [hbm4b:s21+s5], $0x1000, $0x38;
	[tilespmem:$0x1F880] =	vst v63  }
0x49: {  	s31 =	sor.u32 @!p1 $0x2000, s0;
	s0 =	sadd.s32 @!p1 $0xA000, s21;
	s21 =	simm.s32 $0x1  }
.LBB2_2:
0x4a: {  	p3 =	sgt.u32 s21, $0x3E  }
0x4b: {  	s24 =	sadd.s32 $0x100, s24;
	s7 =	smov.u32 s20;
	s20 =	sadd.s32 $0x2, s20  }
0x4c: {  	[tilespmem:s31], [sflag:$0x3] =	stream.linear.gather @!p1 [hbm4b:s0+s5], $0x1000, $0x38;
	[tilespmem:$0x1F880] =	vst v63  }
0x4d: {  	s0 =	sand.u32 $0x1E, s7;
	s5 =	sand.u32 $0x1F00, s24;
	_ =	swait.ge [sflag:s26], $0x3E80  }
0x4e: {  	s5 =	sor.u32 $0x2000, s5;
	p4 =	sne.s32 s0, $0x0;
	[sflag:s26] =	ssyncset.done $0x0  }
0x4f: {  	s9 =	sshll.u32 s0, $0x7;
	s31 =	simm.s32 @!p4 $0x3;
	[sflag:s26] =	ssyncadd.s32 $0xFFFFC180  }
0x50: {  	[spmem:s1] =	stream.indirect.scatter.add.f32 [tilespmem:s23], [sflag:$0x4], $0x80, s5, s22, $0xb8;
	[tilespmem:$0x1F880] =	vst v63  }
0x51: {  	p2 =	sne.s32 s20, $0xA0;
	p1 =	sne.s32 @!p3 s0, $0x0;
	_ =	swait.ge @!p4 [sflag:s31], $0x1000  }
0x52: {  	[sflag:s31] =	ssyncset.done @!p4 $0x0  }
0x53: {  	[sflag:s31] =	ssyncadd.s32 @!p4 $0xFFFFF000  }
0x54: {  	_ =	swait.ge @!p4 [sflag:s31], $0x1000  }
0x55: {  	s0 =	sshrl.u32 s7, $0x5;
	p1 =	por p1, p3;
	[sflag:s31] =	ssyncset.done @!p4 $0x0  }
0x56: {  	s7 =	sshll.u32 s0, $0xC;
	s0 =	sshll.u32 @!p1 s0, $0xC;
	[sflag:s31] =	ssyncadd.s32 @!p4 $0xFFFFF000  }
0x57: {  	s7 =	sand.u32 $0x1000, s7;
	s0 =	sadd.s32 @!p1 $0x1000, s0;
	_ =	swait.ge [sflag:s28], $0x3E80  }
0x58: {  	s9 =	sor.u32 s9, s7;
	s31 =	sadd.s32 @!p1 s4, s0;
	[sflag:s28] =	ssyncset.done $0x0  }
0x59: {  	s10 =	sand.u32 @!p1 $0x1000, s0;
	s0 =	sshrl.u32 @!p1 s31, $0x3;
	[sflag:s28] =	ssyncadd.s32 $0xFFFFC180  }
0x5a: {  	[tilespmem:s23], [sflag:$0x1] =	stream.indirect.gather [hbm4b:s12+s22], $0x80, s9, s22, $0xb8;
	[tilespmem:$0x1F880] =	vst v63  }
0x5b: {  	s31 =	sor.u32 @!p1 $0x2000, s10;
	s9 =	sadd.s32 @!p1 s3, s0;
	_ =	swait.ge [sflag:s29], $0x3E80  }
0x5c: {  	s5 =	sadd.s32 $0x80, s5;
	s0 =	sadd.s32 @!p1 $0xA000, s9;
	[sflag:s29] =	ssyncset.done $0x0  }
0x5d: {  	s11 =	sadd.s32 $0x180, s24;
	[sflag:s29] =	ssyncadd.s32 $0xFFFFC180  }
0x5e: {  	[spmem:s1] =	stream.indirect.scatter.add.f32 [tilespmem:s25], [sflag:$0x5], $0x80, s5, s22, $0xb8;
	[tilespmem:$0x1F880] =	vst v63  }
0x5f: {  	s5 =	sand.u32 $0xF80, s11;
	_ =	swait.ge [sflag:s30], $0x3E80  }
.Ltmp0:
0x60: {  	s7 =	sor.u32 s5, s7;
	[sflag:s30] =	ssyncset.done $0x0;
	(pc) =	sbr.rel @p2 .LBB2_2-.Ltmp0, $4  }
0x61: {  	s5 =	simm.s32 @!p1 $0x0;
	[sflag:s30] =	ssyncadd.s32 $0xFFFFC180  }
0x62: {  	[tilespmem:s25], [sflag:$0x2] =	stream.indirect.gather [hbm4b:s12+s22], $0x80, s7, s22, $0xb8;
	[tilespmem:$0x1F880] =	vst v63  }
0x63: {  	s21 =	sadd.s32 $0x1, s21  }
0x64: {  	[tilespmem:s10], [sflag:$0x3] =	stream.linear.gather @!p1 [hbm4b:s9+s5], $0x1000, $0x38;
	[tilespmem:$0x1F880] =	vst v63  }
0x65: {  	[tilespmem:s31], [sflag:$0x3] =	stream.linear.gather @!p1 [hbm4b:s0+s5], $0x1000, $0x38;
	[tilespmem:$0x1F880] =	vst v63  }
0x66: {  	_ =	swait.ge [sflag:s26], $0x3E80  }
0x67: {  	[sflag:s26] =	ssyncset.done $0x0  }
0x68: {  	s24 =	simm.s32 $0x2F00;
	[sflag:s26] =	ssyncadd.s32 $0xFFFFC180  }
0x69: {  	[spmem:s1] =	stream.indirect.scatter.add.f32 [tilespmem:s23], [sflag:$0x4], $0x80, s24, s22, $0xb8;
	[tilespmem:$0x1F880] =	vst v63  }
0x6a: {  	_ =	swait.ge [sflag:s29], $0x3E80  }
0x6b: {  	[sflag:s29] =	ssyncset.done $0x0  }
0x6c: {  	s31 =	simm.s32 $0x2F80;
	[sflag:s29] =	ssyncadd.s32 $0xFFFFC180  }
0x6d: {  	[spmem:s1] =	stream.indirect.scatter.add.f32 [tilespmem:s25], [sflag:$0x5], $0x80, s31, s22, $0xb8;
	[tilespmem:$0x1F880] =	vst v63  }
0x6e: {  	_ =	swait.ge [sflag:s28], $0x3E80  }
0x6f: {  	[sflag:s28] =	ssyncset.done $0x0  }
0x70: {  	[sflag:s28] =	ssyncadd.s32 $0xFFFFC180  }
0x71: {  	_ =	swait.ge [sflag:s30], $0x3E80  }
0x72: {  	[sflag:s30] =	ssyncset.done $0x0  }
0x73: {  	[sflag:s30] =	ssyncadd.s32 $0xFFFFC180  }
0x74: {  	[bflag:$0x0] =	sbarrier.arrive $0xFFFF  }
0x75: {  	[hbm:s13], [sflag:s6] =	dma.local [spmem:s16], $0x2700  }
0x76: {  	s19 =	sadd.s32 $0x1, s19;
	_ =	swait.ge [sflag:s17], $0x2700  }
0x77: {  	p1 =	sne.s32 s19, s15;
	[sflag:s17] =	ssyncset.done $0x0  }
.Ltmp1:
0x78: {  	s0 =	simm.s32 @!p0 $0x6;
	[sflag:s17] =	ssyncadd.s32 $0xFFFFD900;
	(pc) =	sbr.rel @p1 .LBB2_1-.Ltmp1, $4  }
0x79: {  	[hbm:s14], [sflag:s6] =	dma.local @!p0 [spmem:s18], $0x100  }
0x7a: {  	_ =	swait.ge @!p0 [sflag:s0], $0x100  }
0x7b: {  	[sflag:s0] =	ssyncset.done @!p0 $0x0  }
0x7c: {  	[sflag:s0] =	ssyncadd.s32 @!p0 $0xFFFFFF00  }
0x7d: {  	_ =	sfence.sel $0x180000  }
0x7e: {  	[bflag:$0x0] =	sbarrier.arrive $0xFFFF  }
0x7f: {  	_ =	strace $0x9000004D  }
0x80: {  	[bflag:$0x2] =	sbarrier.arrive $0xFFFF  }
0x81: {  	s0 =	rddreg [dreg:$0x3]  }
0x82: {  	s0 =	sadd.s32 @!p0 $0x100000, s0  }
0x83: {  	[sflag:s0] =	ssyncadd.tile.s32 @!p0 $0x1;
	_ =	shalt  }
.Lfunc_end2:
_tile_overlayer_lowered:
.L_overlay_start_2:
0x84: {  	(tag) =	ssettag $0x2  }
0x85: {  	s0 =	rddreg [dreg:$0x0];
	s2 =	stileid.u32  }
0x86: {  	s1 =	rddreg [dreg:$0x1];
	p0 =	sne.s32 s2, $0x0  }
0x87: {  	s3 =	rddreg [dreg:$0x2];
	[bflag:$0x3] =	sbarrier.arrive $0xFFFF;
	s2 =	simm.s32 @!p0 $0x1C06  }
0x88: {  	[timem:s3], [sflag:s2] =	dma.local @!p0 [hbm:s0], s1  }
0x89: {  	s0 =	simm.s32 @!p0 $0x6  }
0x8a: {  	_ =	swait.ge @!p0 [sflag:s0], s1  }
0x8b: {  	s1 =	ssub.s32 @!p0 $0x0, s1;
	[sflag:s0] =	ssyncset.done @!p0 $0x0  }
0x8c: {  	[sflag:s0] =	ssyncadd.s32 @!p0 s1  }
0x8d: {  	[bflag:$0x3] =	sbarrier.arrive $0xFFFF  }
0x8e: {  	_ =	shalt  }

// kernel: kernel.16.cloned.1.call-start
scs
__scs_entry_jumppad:
0x0: {  	(pc) =	sbr.rel $0x88, $3  }
0x1: {  	(tag) =	ssettag $0x0;
	lr =	simm.s32 $0x1  }
0x2: {  	[smem:$0x3F79] =	sst lr;
	_ =	strace $0xD0000000  }
0x3: {  	_ = 	snop  }
0x4: {  	_ = 	snop  }
0x5: {  	_ = 	snop  }
0x6: {  	_ = 	snop  }
0x7: {  	_ = 	snop  }
__scs_overlays_trampoline_lowered:
0x8: {  	[smem:$0x3F88] =	sst s0  }
0x9: {  	[smem:$0x3F89] =	sst s1  }
0xa: {  	[smem:$0x3F8A] =	sst s2  }
0xb: {  	[smem:$0x3F8B] =	sst s3  }
0xc: {  	[smem:$0x3F8C] =	sst s4  }
0xd: {  	[smem:$0x3F8D] =	sst s5  }
0xe: {  	[smem:$0x3F8E] =	sst s6  }
0xf: {  	[smem:$0x3F8F] =	sst s7  }
0x10: {  	[smem:$0x3F90] =	sst s8  }
0x11: {  	[smem:$0x3F91] =	sst s9;
	s0 =	simm.s32 @!p0 $0x0  }
0x12: {  	s1 =	sld [smem:$0x3F77];
	s0 =	simm.s32 @p0 $0x1  }
0x13: {  	[smem:$0x3F92] =	sst s0;
	s0 =	simm.s32 @!p1 $0x0  }
0x14: {  	s2 =	sld [smem:$0x3F76];
	s0 =	simm.s32 @p1 $0x1  }
0x15: {  	[smem:$0x3F93] =	sst s0;
	s0 =	simm.s32 @!p2 $0x0  }
0x16: {  	s3 =	sld [smem:$0x3FDB];
	s0 =	simm.s32 @p2 $0x1  }
0x17: {  	s4 =	simm.s32 $0x1BF5;
	[smem:$0x3F95] =	sst s0  }
0x18: {  	s0 =	sld [smem:$0x3F78];
	_ =	swait.ge [sflag:s4], $0x0  }
0x19: {  	s7 =	sld [smem:$0x3F79]  }
0x1a: {  	s8 =	sadd.s32 $0xFFFFE003, lr  }
0x1b: {  	s9 =	sadd.s32 $0xFFFFFEF7, lr;
	s5 =	simm.s32 $0xFFFFFFFF;
	p2 =	slt.u32 s8, $0xFFFFF086  }
0x1c: {  	p1 =	slt.u32 s9, $0xF7A;
	s5 =	simm.s32 @!p2 $0x0  }
0x1d: {  	s5 =	simm.s32 @p1 $0x1;
	p0 =	seq.s32 s7, s2  }
0x1e: {  	s7 =	smul.u32 @!p0 $0xF7A, s2;
	p2 =	seq.s32 @!p0 s5, $0x0  }
0x1f: {  	s9 =	smul.u32 $0xF7A, s1;
	s8 =	simm.s32 @!p0 $0x1BF5;
	p2 =	por !p2, p0  }
0x20: {  	[sflag:s8] =	ssyncset.s32 @!p0 $0xFFFFF086;
	s6 =	sadd.s32 @!p0 s3, s7;
	s7 =	simm.s32 @!p0 $0x108  }
0x21: {  	s3 =	sadd.s32 s3, s9;
	s6 =	sadd.s32 @!p0 $0x88, s6;
	s7 =	simm.s32 @p2 $0x1082  }
0x22: {  	[simem:s7], [sflag:s8] =	dma.local @!p0 [hbm:s6], $0xF7A  }
0x23: {  	s9 =	sor.u32 $0xD0000000, s2;
	s6 =	simm.s32 $0x108;
	_ =	swait.ge @!p0 [sflag:s8], $0x0  }
0x24: {  	s3 =	sadd.s32 $0x88, s3;
	s6 =	simm.s32 @!p1 $0x1082;
	[sflag:s4] =	ssyncset.s32 $0xFFFFF086  }
0x25: {  	[simem:s6], [sflag:s4] =	dma.local [hbm:s3], $0xF7A  }
0x26: {  	[smem:$0x3F79] =	sst s1;
	(tag) =	ssettag s2;
	_ =	strace s9  }
0x27: {  	s1 =	sld [smem:$0x3F89]  }
0x28: {  	s2 =	sld [smem:$0x3F8A]  }
0x29: {  	s4 =	sld [smem:$0x3F8C]  }
0x2a: {  	p0 =	seq.s32 s5, $0x0;
	s5 =	sld [smem:$0x3F8D]  }
0x2b: {  	s6 =	sld [smem:$0x3F8E]  }
0x2c: {  	s7 =	sld [smem:$0x3F8F]  }
0x2d: {  	s3 =	simm.s32 $0x108;
	s8 =	sld [smem:$0x3F90]  }
0x2e: {  	s3 =	simm.s32 @!p0 $0x1082;
	s9 =	sld [smem:$0x3F91]  }
0x2f: {  	lr =	sadd.s32 s0, s3;
	s0 =	sld [smem:$0x3F88]  }
0x30: {  	s3 =	sld [smem:$0x3F8B]  }
0x31: {  	[smem:$0x3F94] =	sst s10  }
0x32: {  	s10 =	sld [smem:$0x3F92];
	_ =	sdelay $0x3  }
0x33: {  	p0 =	seq.s32 s10, $0x1;
	s10 =	sld [smem:$0x3F94];
	_ =	sdelay $0x3  }
0x34: {  	[smem:$0x3F94] =	sst s10  }
0x35: {  	s10 =	sld [smem:$0x3F93];
	_ =	sdelay $0x3  }
0x36: {  	p1 =	seq.s32 s10, $0x1;
	s10 =	sld [smem:$0x3F94];
	_ =	sdelay $0x3  }
0x37: {  	[smem:$0x3F94] =	sst s10  }
0x38: {  	s10 =	sld [smem:$0x3F95]  }
0x39: {  	_ = 	snop;
	(pc) =	sbr.ind lr, $3  }
0x3a: {  	_ = 	snop  }
0x3b: {  	_ = 	snop  }
0x3c: {  	p2 =	seq.s32 s10, $0x1;
	s10 =	sld [smem:$0x3F94]  }
0x3d: {  	_ =	shalt  }
0x3e: {  	_ =	shalt  }
0x3f: {  	_ =	shalt  }
0x40: {  	_ =	shalt  }
0x41: {  	_ =	shalt  }
0x42: {  	_ =	shalt  }
0x43: {  	_ =	shalt  }
0x44: {  	_ =	shalt  }
0x45: {  	_ =	shalt  }
0x46: {  	_ =	shalt  }
0x47: {  	_ =	shalt  }
0x48: {  	_ =	shalt  }
0x49: {  	_ =	shalt  }
0x4a: {  	_ =	shalt  }
0x4b: {  	_ =	shalt  }
0x4c: {  	_ =	shalt  }
0x4d: {  	_ =	shalt  }
0x4e: {  	_ =	shalt  }
0x4f: {  	_ =	shalt  }
0x50: {  	_ =	shalt  }
0x51: {  	_ =	shalt  }
0x52: {  	_ =	shalt  }
0x53: {  	_ =	shalt  }
0x54: {  	_ =	shalt  }
0x55: {  	_ =	shalt  }
0x56: {  	_ =	shalt  }
0x57: {  	_ =	shalt  }
0x58: {  	_ =	shalt  }
0x59: {  	_ =	shalt  }
0x5a: {  	_ =	shalt  }
0x5b: {  	_ =	shalt  }
0x5c: {  	_ =	shalt  }
0x5d: {  	_ =	shalt  }
0x5e: {  	_ =	shalt  }
0x5f: {  	_ =	shalt  }
0x60: {  	_ =	shalt  }
0x61: {  	_ =	shalt  }
0x62: {  	_ =	shalt  }
0x63: {  	_ =	shalt  }
0x64: {  	_ =	shalt  }
0x65: {  	_ =	shalt  }
0x66: {  	_ =	shalt  }
0x67: {  	_ =	shalt  }
0x68: {  	_ =	shalt  }
0x69: {  	_ =	shalt  }
0x6a: {  	_ =	shalt  }
0x6b: {  	_ =	shalt  }
0x6c: {  	_ =	shalt  }
0x6d: {  	_ =	shalt  }
0x6e: {  	_ =	shalt  }
0x6f: {  	_ =	shalt  }
0x70: {  	_ =	shalt  }
0x71: {  	_ =	shalt  }
0x72: {  	_ =	shalt  }
0x73: {  	_ =	shalt  }
0x74: {  	_ =	shalt  }
0x75: {  	_ =	shalt  }
0x76: {  	_ =	shalt  }
0x77: {  	_ =	shalt  }
0x78: {  	_ =	shalt  }
0x79: {  	_ =	shalt  }
0x7a: {  	_ =	shalt  }
0x7b: {  	_ =	shalt  }
0x7c: {  	_ =	shalt  }
0x7d: {  	_ =	shalt  }
0x7e: {  	_ =	shalt  }
0x7f: {  	_ =	shalt  }
0x80: {  	_ =	shalt  }
0x81: {  	_ =	shalt  }
0x82: {  	_ =	shalt  }
0x83: {  	_ =	shalt  }
0x84: {  	_ =	shalt  }
0x85: {  	_ =	shalt  }
0x86: {  	_ =	shalt  }
0x87: {  	_ =	shalt  }
.Lfunc_end0:
.L_simem_size_0:
called_computation.2_lowered:
.L_overlay_start_0:
0x88: {  	s2 =	sld [smem:$0x3FD9]  }
0x89: {  	s3 =	sld [smem:$0x3FFE];
	_ =	sdelay $0x1  }
0x8a: {  	s1 =	srdreg.scid  }
0x8b: {  	s0 =	sand.u32 $0x1, s1  }
0x8c: {  	s14 =	sshll.u32 s0, $0xA;
	s2 =	sadd.s32 s3, s2  }
0x8d: {  	s2 =	sadd.s32 s2, s14  }
0x8e: {  	[smem:$0x3FA0] =	sst s2  }
0x8f: {  	_ = 	snop  }
0x90: {  	s2 =	sld [smem:$0x3FD0];
	_ =	sdelay $0x2  }
0x91: {  	s15 =	simm.s32 $0xB;
	s4 =	simm.s32 $0x10  }
0x92: {  	[smem:s4], [sflag:s15] =	dma.local [hbm:s2], $0x1  }
0x93: {  	_ =	swait.eq [sflag:s15], $0x1  }
0x94: {  	[sflag:s15] =	ssyncset.done $0x0  }
0x95: {  	[sflag:s15] =	ssyncadd.s32 $0xFFFFFFFF  }
0x96: {  	s16 =	sld [smem:$0x14];
	(tm) =	ssettm $0x1  }
0x97: {  	s17 =	sld [smem:$0x3FFB];
	_ =	sdelay $0x3  }
0x98: {  	_ =	strace s17  }
0x99: {  	s3 =	sld [smem:$0x3FFC];
	_ =	sdelay $0x3  }
0x9a: {  	_ =	strace s3  }
0x9b: {  	s3 =	sld [smem:$0x3FFD];
	_ =	sdelay $0x3  }
0x9c: {  	_ =	strace s3  }
0x9d: {  	_ =	strace $0x8FFFFFFF  }
0x9e: {  	s18 =	sld [smem:$0x3FDB];
	_ =	sdelay $0x1  }
0x9f: {  	s19 =	simm.s32 $_scs_section_size  }
0xa0: {  	s5 =	simm.s32 $_size__tile_overlayer_lowered;
	s6 =	simm.s32 $_tile_overlayer_lowered  }
0xa1: {  	s22 =	simm.s32 $0x1BFF;
	s21 =	sshll.u32 s6, $0x1;
	s3 =	sadd.s32 s19, s18  }
0xa2: {  	s7 =	simm.s32 $0x0;
	s20 =	sshll.u32 s5, $0x1;
	s5 =	sadd.s32 s21, s3  }
0xa3: {  	[timem:s7], [sflag:s22] =	dma.local [hbm:s5], s20  }
0xa4: {  	_ =	swait.ge [sflag:s22], s20  }
0xa5: {  	s4 =	ssub.s32 $0x0, s20;
	[sflag:s22] =	ssyncset.done $0x0  }
0xa6: {  	[sflag:s22] =	ssyncadd.s32 s4;
	_ =	sdelay $0x1  }
0xa7: {  	s23 =	simm.s32 $0x1B8B  }
0xa8: {  	_ =	swait.ge [sflag:s23], $0x1  }
0xa9: {  	[sflag:s23] =	ssyncset.done $0x0  }
0xaa: {  	s25 =	simm.s32 $0x1B8E;
	s24 =	sld [smem:$0x3FFE];
	[sflag:s23] =	ssyncadd.s32 $0xFFFFFFFF  }
0xab: {  	s26 =	simm.s32 $execute0_lowered;
	[smem:$0x3FD2] =	sst s25  }
0xac: {  	s5 =	sshll.u32 s26, $0x1;
	_ =	strace $0x80000049;
	[dreg:$0x1] =	wrdreg $0xFFFFFFFF  }
0xad: {  	s28 =	simm.s32 $_size_execute0_lowered;
	s3 =	sadd.s32 s3, s5;
	[dreg:$0x0] =	wrdreg $0x0  }
0xae: {  	s5 =	sshll.u32 s28, $0x1;
	[dreg:$0x2] =	wrdreg s3  }
0xaf: {  	[dreg:$0x3] =	wrdreg s5  }
0xb0: {  	[dreg:$0x4] =	wrdreg $0xC0  }
0xb1: {  	_ =	task [dreg:s7], $0x5FFFF  }
0xb2: {  	[dreg:$0x1] =	wrdreg $0xFFFFFFFF  }
0xb3: {  	[dreg:$0x0] =	wrdreg $0x60  }
0xb4: {  	[dreg:$0x2] =	wrdreg s16  }
0xb5: {  	[dreg:$0x3] =	wrdreg s24  }
0xb6: {  	[dreg:$0x4] =	wrdreg $0xC0000  }
0xb7: {  	[dreg:$0x5] =	wrdreg $0xA  }
0xb8: {  	_ =	task.clear_ibuf [dreg:s7], $0x6FFFF;
	_ =	strace $0x90000049  }
0xb9: {  	s29 =	simm.s32 $0xA;
	_ =	strace $0x8000004B  }
0xba: {  	_ =	swait.ge [sflag:s29], $0x1  }
0xbb: {  	[sflag:s29] =	ssyncadd.s32 $0xFFFFFFFF  }
0xbc: {  	_ =	strace $0x9000004B  }
0xbd: {  	_ =	sfence  }
0xbe: {  	s30 =	sld [smem:$0x0];
	_ =	sdelay $0x2  }
0xbf: {  	s31 =	sshll.u32 s1, $0xD;
	s1 =	sshrl.u32 s1, $0x2  }
0xc0: {  	s3 =	sand.u32 $0x4000, s31;
	s1 =	sadd.s32 s1, s30  }
0xc1: {  	s0 =	sor.u32 s3, s0;
	s1 =	sshll.u32 s1, $0x11  }
0xc2: {  	s0 =	sor.u32 s1, s0  }
0xc3: {  	s0 =	sadd.s32 $0x8F2B, s0  }
0xc4: {  	[sflag:s0] =	ssyncadd.remote.s32 $0x1  }
0xc5: {  	_ =	sfence.sel $0xFFFF  }
0xc6: {  	[dreg:$0x0] =	wrdreg $0xFFFFFFFF;
	(pc) =	sbr.abs _section_cstart, $3  }
0xc7: {  	[dreg:$0x1] =	wrdreg $0xFFFFFFFF  }
0xc8: {  	_ =	task.clear_ibuf [dreg:s7], $0x2FFFF;
	_ =	strace $0x9FFFFFFF  }
0xc9: {  	(tm) =	ssettm $0x7FFFFFFF  }
tec
execute0_lowered:
.L_overlay_start_1:
0x0: {  	(tag) =	ssettag $0x1  }
0x1: {  	s0 =	rddreg [dreg:$0x0]  }
0x2: {  	s5 =	rddreg [dreg:$0x1]  }
0x3: {  	s1 =	rddreg [dreg:$0x2];
	s2 =	simm.s32 $0x0  }
0x4: {  	s16 =	stileid.u32;
	s4 =	srdreg.scid;
	s28 =	simm.s32 $0x4  }
0x5: {  	s29 =	simm.s32 $0x2;
	s30 =	simm.s32 $0x5;
	s12 =	smul.u32 $0x13800, s16  }
0x6: {  	[smem:$0x7FF] =	sst s2;
	s3 =	sadd.s32 $0x7400, s5;
	s7 =	smul.u32 $0x4E000, s16  }
0x7: {  	s11 =	sand.u32 $0x1, s4;
	s13 =	sadd.s32 $0x42600, s5;
	s4 =	smul.u32 $0x5000, s16  }
0x8: {  	s21 =	sshll.u32 s16, $0x6;
	p0 =	sne.s32 s16, $0x0;
	s23 =	smul.u32 $0x138800, s11  }
0x9: {  	_ =	strace $0x8000004A;
	s6 =	ssub.s32 $0x2, s11;
	s14 =	smul.u32 $0x27100, s11  }
0xa: {  	s17 =	sshrl.u32 s12, $0x3;
	s18 =	sshrl.u32 s6, $0x1;
	s19 =	sshrl.u32 s7, $0x2  }
0xb: {  	s22 =	sshrl.u32 s4, $0x3;
	s8 =	sadd.s32 s17, s5;
	s15 =	ssub.s32 s6, s18  }
0xc: {  	s17 =	sadd.s32 s19, s1;
	s6 =	sor.u32 $0x1C06, s21;
	s18 =	sadd.s32 $0x138000, s1  }
0xd: {  	s5 =	sadd.s32 $0x42400, s5;
	s19 =	sadd.s32 s12, s23;
	s12 =	sadd.s32 s0, s14  }
0xe: {  	s20 =	sadd.s32 $0x1B400, s8;
	[dreg:$0x5] =	wrdreg s5;
	s8 =	sadd.s32 s3, s22  }
0xf: {  	s5 =	sshrl.u32 s23, $0x3;
	s31 =	sshrl.u32 s19, $0x3;
	s15 =	smax.u32 s15, $0x1  }
0x10: {  	s16 =	sshrl.u32 s17, $0x3;
	s17 =	simm.s32 $0x6;
	s18 =	sshrl.u32 @!p0 s18, $0x3  }
0x11: {  	s22 =	simm.s32 $0x7D;
	[dreg:$0x4] =	wrdreg s20;
	s24 =	sadd.s32 $0xA000, s8  }
0x12: {  	s23 =	simm.s32 $0x4000;
	s25 =	sadd.s32 $0x200, s8;
	[dreg:$0x6] =	wrdreg s24  }
0x13: {  	s19 =	simm.s32 $0x0;
	s26 =	sadd.s32 $0xA200, s8;
	[dreg:$0x7] =	wrdreg s25  }
0x14: {  	s5 =	sadd.s32 s13, s5;
	s13 =	sadd.s32 s13, s31;
	[dreg:$0x8] =	wrdreg s26  }
0x15: {  	s14 =	sadd.s32 $0x27000, s5;
	s25 =	simm.s32 $0x8000;
	s26 =	simm.s32 $0x1  }
.LBB2_1:
0x16: {  	s0 =	rddreg [dreg:$0x4]  }
0x17: {  	[spmem:s16], [sflag:s6] =	dma.local [hbm:s0], $0x2700  }
0x18: {  	_ =	swait.ge [sflag:s17], $0x2700  }
0x19: {  	[sflag:s17] =	ssyncset.done $0x0  }
0x1a: {  	s0 =	rddreg [dreg:$0x5];
	[sflag:s17] =	ssyncadd.s32 $0xFFFFD900  }
0x1b: {  	[spmem:s18], [sflag:s6] =	dma.local @!p0 [hbm:s0], $0x100  }
0x1c: {  	s0 =	simm.s32 @!p0 $0x6  }
0x1d: {  	_ =	swait.ge @!p0 [sflag:s0], $0x100  }
0x1e: {  	[sflag:s0] =	ssyncset.done @!p0 $0x0  }
0x1f: {  	[sflag:s0] =	ssyncadd.s32 @!p0 $0xFFFFFF00  }
0x20: {  	[tilespmem:s2], [sflag:$0x6] =	stream.linear.gather [hbm4b:s8+s2], $0x1000, $0x38;
	[tilespmem:$0x1F880] =	vst v63  }
0x21: {  	_ =	swait.ge [sflag:s17], $0x1000  }
0x22: {  	[sflag:s17] =	ssyncset.done $0x0  }
0x23: {  	s5 =	simm.s32 $0x2000;
	s20 =	rddreg [dreg:$0x6];
	[sflag:s17] =	ssyncadd.s32 $0xFFFFF000  }
0x24: {  	[tilespmem:s5], [sflag:$0x6] =	stream.linear.gather [hbm4b:s20+s2], $0x1000, $0x38;
	[tilespmem:$0x1F880] =	vst v63  }
0x25: {  	_ =	swait.ge [sflag:s17], $0x1000  }
0x26: {  	[sflag:s17] =	ssyncset.done $0x0  }
0x27: {  	[sflag:s17] =	ssyncadd.s32 $0xFFFFF000  }
0x28: {  	[bflag:$0x0] =	sbarrier.arrive $0xFFFF  }
0x29: {  	s24 =	simm.s32 $0x1000;
	s21 =	rddreg [dreg:$0x7]  }
0x2a: {  	[tilespmem:s24], [sflag:$0x3] =	stream.linear.gather [hbm4b:s21+s2], $0x1000, $0x38;
	[tilespmem:$0x1F880] =	vst v63  }
0x2b: {  	s7 =	simm.s32 $0x3000;
	s5 =	rddreg [dreg:$0x8]  }
0x2c: {  	[tilespmem:s7], [sflag:$0x3] =	stream.linear.gather [hbm4b:s5+s2], $0x1000, $0x38;
	[tilespmem:$0x1F880] =	vst v63  }
0x2d: {  	_ = 	snop  }
0x2e: {  	[tilespmem:s23], [sflag:$0x1] =	stream.indirect.gather [hbm4b:s12+s22], $0x80, s2, s22, $0xb8;
	[tilespmem:$0x1F880] =	vst v63  }
0x2f: {  	s9 =	simm.s32 $0x80  }
0x30: {  	[tilespmem:s25], [sflag:$0x2] =	stream.indirect.gather [hbm4b:s12+s22], $0x80, s9, s22, $0xb8;
	[tilespmem:$0x1F880] =	vst v63  }
0x31: {  	s0 =	sand.u32 $0x1E, s29;
	_ =	swait.ge [sflag:s26], $0x3E80  }
0x32: {  	s10 =	sand.u32 $0x1F00, s2;
	p1 =	sne.s32 s0, $0x0;
	[sflag:s26] =	ssyncset.done $0x0  }
0x33: {  	s20 =	simm.s32 @!p1 $0x3;
	s5 =	sor.u32 $0x2000, s10;
	[sflag:s26] =	ssyncadd.s32 $0xFFFFC180  }
0x34: {  	[spmem:s1] =	stream.indirect.scatter.add.f32 [tilespmem:s23], [sflag:$0x4], $0x80, s5, s22, $0xb8;
	[tilespmem:$0x1F880] =	vst v63  }
0x35: {  	_ =	swait.ge @!p1 [sflag:s20], $0x1000  }
0x36: {  	[sflag:s20] =	ssyncset.done @!p1 $0x0  }
0x37: {  	[sflag:s20] =	ssyncadd.s32 @!p1 $0xFFFFF000  }
0x38: {  	_ =	swait.ge @!p1 [sflag:s20], $0x1000  }
0x39: {  	[sflag:s20] =	ssyncset.done @!p1 $0x0  }
0x3a: {  	[sflag:s20] =	ssyncadd.s32 @!p1 $0xFFFFF000  }
0x3b: {  	s11 =	simm.s32 $0x0;
	_ =	swait.ge [sflag:s28], $0x3E80  }
0x3c: {  	s21 =	sshll.u32 s0, $0x7;
	s20 =	sand.u32 $0x1000, s11;
	[sflag:s28] =	ssyncset.done $0x0  }
0x3d: {  	p1 =	por $0x0, $0x0;
	s21 =	sor.u32 s21, s20;
	[sflag:s28] =	ssyncadd.s32 $0xFFFFC180  }
0x3e: {  	[tilespmem:s23], [sflag:$0x1] =	stream.indirect.gather [hbm4b:s12+s22], $0x80, s21, s22, $0xb8;
	[tilespmem:$0x1F880] =	vst v63  }
0x3f: {  	p2 =	sne.s32 @!p1 s0, $0x0;
	_ =	swait.ge [sflag:s29], $0x3E80  }
0x40: {  	s24 =	simm.s32 $0x180;
	p1 =	por p2, p1;
	[sflag:s29] =	ssyncset.done $0x0  }
0x41: {  	s0 =	simm.s32 @!p1 $0x1000;
	s21 =	sadd.s32 $0x80, s5;
	[sflag:s29] =	ssyncadd.s32 $0xFFFFC180  }
0x42: {  	[spmem:s1] =	stream.indirect.scatter.add.f32 [tilespmem:s25], [sflag:$0x5], $0x80, s21, s22, $0xb8;
	[tilespmem:$0x1F880] =	vst v63  }
0x43: {  	s5 =	sand.u32 $0xF80, s24;
	s0 =	sand.u32 @!p1 $0x1000, s0;
	_ =	swait.ge [sflag:s30], $0x3E80  }
0x44: {  	s24 =	simm.s32 $0x0;
	s21 =	sadd.s32 @!p1 $0x1000, s4;
	[sflag:s30] =	ssyncset.done $0x0  }
0x45: {  	s5 =	sor.u32 s5, s20;
	s21 =	sshrl.u32 @!p1 s21, $0x3;
	[sflag:s30] =	ssyncadd.s32 $0xFFFFC180  }
0x46: {  	[tilespmem:s25], [sflag:$0x2] =	stream.indirect.gather [hbm4b:s12+s22], $0x80, s5, s22, $0xb8;
	[tilespmem:$0x1F880] =	vst v63  }
0x47: {  	s20 =	simm.s32 $0x4;
	s21 =	sadd.s32 @!p1 s3, s21;
	s5 =	simm.s32 @!p1 $0x0  }
0x48: {  	[tilespmem:s0], [sflag:$0x3] =	stream.linear.gather @!p1 [hbm4b:s21+s5], $0x1000, $0x38;
	[tilespmem:$0x1F880] =	vst v63  }
0x49: {  	s31 =	sor.u32 @!p1 $0x2000, s0;
	s0 =	sadd.s32 @!p1 $0xA000, s21;
	s21 =	simm.s32 $0x1  }
.LBB2_2:
0x4a: {  	p3 =	sgt.u32 s21, $0x3E  }
0x4b: {  	s24 =	sadd.s32 $0x100, s24;
	s7 =	smov.u32 s20;
	s20 =	sadd.s32 $0x2, s20  }
0x4c: {  	[tilespmem:s31], [sflag:$0x3] =	stream.linear.gather @!p1 [hbm4b:s0+s5], $0x1000, $0x38;
	[tilespmem:$0x1F880] =	vst v63  }
0x4d: {  	s0 =	sand.u32 $0x1E, s7;
	s5 =	sand.u32 $0x1F00, s24;
	_ =	swait.ge [sflag:s26], $0x3E80  }
0x4e: {  	s5 =	sor.u32 $0x2000, s5;
	p4 =	sne.s32 s0, $0x0;
	[sflag:s26] =	ssyncset.done $0x0  }
0x4f: {  	s9 =	sshll.u32 s0, $0x7;
	s31 =	simm.s32 @!p4 $0x3;
	[sflag:s26] =	ssyncadd.s32 $0xFFFFC180  }
0x50: {  	[spmem:s1] =	stream.indirect.scatter.add.f32 [tilespmem:s23], [sflag:$0x4], $0x80, s5, s22, $0xb8;
	[tilespmem:$0x1F880] =	vst v63  }
0x51: {  	p2 =	sne.s32 s20, $0xA0;
	p1 =	sne.s32 @!p3 s0, $0x0;
	_ =	swait.ge @!p4 [sflag:s31], $0x1000  }
0x52: {  	[sflag:s31] =	ssyncset.done @!p4 $0x0  }
0x53: {  	[sflag:s31] =	ssyncadd.s32 @!p4 $0xFFFFF000  }
0x54: {  	_ =	swait.ge @!p4 [sflag:s31], $0x1000  }
0x55: {  	s0 =	sshrl.u32 s7, $0x5;
	p1 =	por p1, p3;
	[sflag:s31] =	ssyncset.done @!p4 $0x0  }
0x56: {  	s7 =	sshll.u32 s0, $0xC;
	s0 =	sshll.u32 @!p1 s0, $0xC;
	[sflag:s31] =	ssyncadd.s32 @!p4 $0xFFFFF000  }
0x57: {  	s7 =	sand.u32 $0x1000, s7;
	s0 =	sadd.s32 @!p1 $0x1000, s0;
	_ =	swait.ge [sflag:s28], $0x3E80  }
0x58: {  	s9 =	sor.u32 s9, s7;
	s31 =	sadd.s32 @!p1 s4, s0;
	[sflag:s28] =	ssyncset.done $0x0  }
0x59: {  	s10 =	sand.u32 @!p1 $0x1000, s0;
	s0 =	sshrl.u32 @!p1 s31, $0x3;
	[sflag:s28] =	ssyncadd.s32 $0xFFFFC180  }
0x5a: {  	[tilespmem:s23], [sflag:$0x1] =	stream.indirect.gather [hbm4b:s12+s22], $0x80, s9, s22, $0xb8;
	[tilespmem:$0x1F880] =	vst v63  }
0x5b: {  	s31 =	sor.u32 @!p1 $0x2000, s10;
	s9 =	sadd.s32 @!p1 s3, s0;
	_ =	swait.ge [sflag:s29], $0x3E80  }
0x5c: {  	s5 =	sadd.s32 $0x80, s5;
	s0 =	sadd.s32 @!p1 $0xA000, s9;
	[sflag:s29] =	ssyncset.done $0x0  }
0x5d: {  	s11 =	sadd.s32 $0x180, s24;
	[sflag:s29] =	ssyncadd.s32 $0xFFFFC180  }
0x5e: {  	[spmem:s1] =	stream.indirect.scatter.add.f32 [tilespmem:s25], [sflag:$0x5], $0x80, s5, s22, $0xb8;
	[tilespmem:$0x1F880] =	vst v63  }
0x5f: {  	s5 =	sand.u32 $0xF80, s11;
	_ =	swait.ge [sflag:s30], $0x3E80  }
.Ltmp0:
0x60: {  	s7 =	sor.u32 s5, s7;
	[sflag:s30] =	ssyncset.done $0x0;
	(pc) =	sbr.rel @p2 .LBB2_2-.Ltmp0, $4  }
0x61: {  	s5 =	simm.s32 @!p1 $0x0;
	[sflag:s30] =	ssyncadd.s32 $0xFFFFC180  }
0x62: {  	[tilespmem:s25], [sflag:$0x2] =	stream.indirect.gather [hbm4b:s12+s22], $0x80, s7, s22, $0xb8;
	[tilespmem:$0x1F880] =	vst v63  }
0x63: {  	s21 =	sadd.s32 $0x1, s21  }
0x64: {  	[tilespmem:s10], [sflag:$0x3] =	stream.linear.gather @!p1 [hbm4b:s9+s5], $0x1000, $0x38;
	[tilespmem:$0x1F880] =	vst v63  }
0x65: {  	[tilespmem:s31], [sflag:$0x3] =	stream.linear.gather @!p1 [hbm4b:s0+s5], $0x1000, $0x38;
	[tilespmem:$0x1F880] =	vst v63  }
0x66: {  	_ =	swait.ge [sflag:s26], $0x3E80  }
0x67: {  	[sflag:s26] =	ssyncset.done $0x0  }
0x68: {  	s24 =	simm.s32 $0x2F00;
	[sflag:s26] =	ssyncadd.s32 $0xFFFFC180  }
0x69: {  	[spmem:s1] =	stream.indirect.scatter.add.f32 [tilespmem:s23], [sflag:$0x4], $0x80, s24, s22, $0xb8;
	[tilespmem:$0x1F880] =	vst v63  }
0x6a: {  	_ =	swait.ge [sflag:s29], $0x3E80  }
0x6b: {  	[sflag:s29] =	ssyncset.done $0x0  }
0x6c: {  	s31 =	simm.s32 $0x2F80;
	[sflag:s29] =	ssyncadd.s32 $0xFFFFC180  }
0x6d: {  	[spmem:s1] =	stream.indirect.scatter.add.f32 [tilespmem:s25], [sflag:$0x5], $0x80, s31, s22, $0xb8;
	[tilespmem:$0x1F880] =	vst v63  }
0x6e: {  	_ =	swait.ge [sflag:s28], $0x3E80  }
0x6f: {  	[sflag:s28] =	ssyncset.done $0x0  }
0x70: {  	[sflag:s28] =	ssyncadd.s32 $0xFFFFC180  }
0x71: {  	_ =	swait.ge [sflag:s30], $0x3E80  }
0x72: {  	[sflag:s30] =	ssyncset.done $0x0  }
0x73: {  	[sflag:s30] =	ssyncadd.s32 $0xFFFFC180  }
0x74: {  	[bflag:$0x0] =	sbarrier.arrive $0xFFFF  }
0x75: {  	[hbm:s13], [sflag:s6] =	dma.local [spmem:s16], $0x2700  }
0x76: {  	s19 =	sadd.s32 $0x1, s19;
	_ =	swait.ge [sflag:s17], $0x2700  }
0x77: {  	p1 =	sne.s32 s19, s15;
	[sflag:s17] =	ssyncset.done $0x0  }
.Ltmp1:
0x78: {  	s0 =	simm.s32 @!p0 $0x6;
	[sflag:s17] =	ssyncadd.s32 $0xFFFFD900;
	(pc) =	sbr.rel @p1 .LBB2_1-.Ltmp1, $4  }
0x79: {  	[hbm:s14], [sflag:s6] =	dma.local @!p0 [spmem:s18], $0x100  }
0x7a: {  	_ =	swait.ge @!p0 [sflag:s0], $0x100  }
0x7b: {  	[sflag:s0] =	ssyncset.done @!p0 $0x0  }
0x7c: {  	[sflag:s0] =	ssyncadd.s32 @!p0 $0xFFFFFF00  }
0x7d: {  	_ =	sfence.sel $0x180000  }
0x7e: {  	[bflag:$0x0] =	sbarrier.arrive $0xFFFF  }
0x7f: {  	_ =	strace $0x9000004A  }
0x80: {  	[bflag:$0x2] =	sbarrier.arrive $0xFFFF  }
0x81: {  	s0 =	rddreg [dreg:$0x3]  }
0x82: {  	s0 =	sadd.s32 @!p0 $0x100000, s0  }
0x83: {  	[sflag:s0] =	ssyncadd.tile.s32 @!p0 $0x1;
	_ =	shalt  }
.Lfunc_end2:
_tile_overlayer_lowered:
.L_overlay_start_2:
0x84: {  	(tag) =	ssettag $0x2  }
0x85: {  	s0 =	rddreg [dreg:$0x0];
	s2 =	stileid.u32  }
0x86: {  	s1 =	rddreg [dreg:$0x1];
	p0 =	sne.s32 s2, $0x0  }
0x87: {  	s3 =	rddreg [dreg:$0x2];
	[bflag:$0x3] =	sbarrier.arrive $0xFFFF;
	s2 =	simm.s32 @!p0 $0x1C06  }
0x88: {  	[timem:s3], [sflag:s2] =	dma.local @!p0 [hbm:s0], s1  }
0x89: {  	s0 =	simm.s32 @!p0 $0x6  }
0x8a: {  	_ =	swait.ge @!p0 [sflag:s0], s1  }
0x8b: {  	s1 =	ssub.s32 @!p0 $0x0, s1;
	[sflag:s0] =	ssyncset.done @!p0 $0x0  }
0x8c: {  	[sflag:s0] =	ssyncadd.s32 @!p0 s1  }
0x8d: {  	[bflag:$0x3] =	sbarrier.arrive $0xFFFF  }
0x8e: {  	_ =	shalt  }

</sc_bundles>
